<compile_context>
chip_gen: v7x
topology: tpu7x:2x2x1
jax: 0.10.2.dev20260603
libtpu: 0.0.44.dev20260713+nightly
codegen_flags: <defaults>
</compile_context>

<pallas_src>
import functools

import jax
import jax.numpy as jnp
import numpy as np
from jax.experimental import pallas as pl
from jax.experimental.pallas import tpu as pltpu

_B = 128
_D = 100000
_SUB = 8
_W = _D // _SUB
_CH = 1664
_NCH = 8
_WP = _NCH * _CH
_PAD = _WP - _W
_LAST = (_NCH - 1) * _CH
_NEG = -1.0e30
_NEWTON_ITERS = 10
_RPS = 2


@functools.cache
def _gumbels():
    with jax.default_device(jax.devices("cpu")[0]), \
         jax.ensure_compile_time_eval():
        e = jax.random.exponential(
            jax.random.key(42), (_B, _D), dtype=jnp.float32
        )
        g = (-jnp.log(e) * 0.01).reshape(_B, _SUB, _W)
        return np.asarray(g)


def _tree(acc, final):
    w = acc.shape[-1]
    while w > 128:
        h = ((w // 128 + 1) // 2) * 128
        lo = acc[:, :h]
        hi = acc[:, h:]
        if w - h < h:
            fill = _NEG if final is jnp.max else 0.0
            hi = jnp.concatenate(
                [hi, jnp.full((_SUB, 2 * h - w), fill, jnp.float32)], axis=-1
            )
        acc = jnp.maximum(lo, hi) if final is jnp.max else lo + hi
        w = h
    return final(acc)


def _padded_chunk(x, k):
    if k < _NCH - 1:
        return x[:, k * _CH:(k + 1) * _CH]
    c = x[:, _LAST:_W]
    return jnp.concatenate(
        [c, jnp.full((_SUB, _PAD), _NEG, x.dtype)], axis=-1
    )


def _one_row(s, n, r, sample_ref, ent_ref, gp_ref):
    ms_acc = None
    mg_acc = None
    for k in range(_NCH):
        sc = _padded_chunk(s, k)
        gc = sc + _padded_chunk(n, k)
        gp_ref[r, :, k * _CH:(k + 1) * _CH] = gc
        ms_acc = sc if ms_acc is None else jnp.maximum(ms_acc, sc)
        mg_acc = gc if mg_acc is None else jnp.maximum(mg_acc, gc)
    ms = _tree(ms_acc, jnp.max)
    big_m = _tree(mg_acc, jnp.max)

    e_acc = jnp.zeros((_SUB, _CH), jnp.float32)
    e1_acc = jnp.zeros((_SUB, _CH), jnp.float32)
    for k in range(_NCH):
        cm = _padded_chunk(s, k) - ms
        e = jnp.exp(cm)
        e_acc = e_acc + e
        e1_acc = e1_acc + cm * e
    s0 = _tree(e_acc, jnp.sum)
    s1 = _tree(e1_acc, jnp.sum)
    ent = jnp.log(s0) - s1 / s0
    ent_ref[r] = jnp.full((1, 128), ent, dtype=jnp.float32)

    t = big_m - 1.0
    for _ in range(_NEWTON_ITERS):
        a_acc = jnp.zeros((_SUB, _CH), jnp.float32)
        n_acc = jnp.zeros((_SUB, _CH), jnp.float32)
        for k in range(_NCH):
            c = gp_ref[r, :, k * _CH:(k + 1) * _CH]
            a_acc = a_acc + jnp.maximum(c - t, 0.0)
            n_acc = n_acc + jnp.where(c > t, 1.0, 0.0)
        a_sum = _tree(a_acc, jnp.sum)
        n_sum = _tree(n_acc, jnp.sum)
        t = jnp.where(n_sum > 0.0, t + (a_sum - 1.0) / n_sum, t)

    for k in range(_NCH - 1):
        sample_ref[r, :, k * _CH:(k + 1) * _CH] = jnp.maximum(
            gp_ref[r, :, k * _CH:(k + 1) * _CH] - t, 0.0
        )
    sample_ref[r, :, _LAST:_W] = jnp.maximum(
        gp_ref[r, :, _LAST:_W] - t, 0.0
    )


def _row_body(s_ref, n_ref, sample_ref, ent_ref, gp_ref):
    for r in range(_RPS):
        _one_row(s_ref[r], n_ref[r], r, sample_ref, ent_ref, gp_ref)


def kernel(scores):
    s3 = scores.reshape(_B, _SUB, _W)
    sample3, ent3 = pl.pallas_call(
        _row_body,
        grid=(_B // _RPS,),
        in_specs=[
            pl.BlockSpec((_RPS, _SUB, _W), lambda i: (i, 0, 0)),
            pl.BlockSpec((_RPS, _SUB, _W), lambda i: (i, 0, 0)),
        ],
        out_specs=[
            pl.BlockSpec((_RPS, _SUB, _W), lambda i: (i, 0, 0)),
            pl.BlockSpec((_RPS, 1, 128), lambda i: (i, 0, 0)),
        ],
        out_shape=[
            jax.ShapeDtypeStruct((_B, _SUB, _W), jnp.float32),
            jax.ShapeDtypeStruct((_B, 1, 128), jnp.float32),
        ],
        scratch_shapes=[pltpu.VMEM((_RPS, _SUB, _WP), jnp.float32)],
    )(s3, _gumbels())
    sample = sample3.reshape(_B, _D)
    entropy = ent3[:, 0, 0]
    return (sample, scores, entropy)

# --- scband reference (transcript-rebuilt; emitter-appended) ---
"""Pipeline reference for scband-gumbel-sparsemax-wrapper-24043226923457 (READ-ONLY COPY).

The authoritative reference and input builder live on the scoring server;
editing this copy changes nothing except your own understanding.
"""

import jax, jax.numpy as jnp
import numpy as np


def sparsemax(z):
    # sparsemax along last dim (Martins & Astudillo, 2016)
    d = z.shape[-1]
    z_sorted = jnp.sort(z, axis=-1)[..., ::-1]  # descending
    k = jnp.arange(1, d + 1, dtype=z.dtype)
    cumsum = jnp.cumsum(z_sorted, axis=-1)
    support = (1.0 + k * z_sorted) > cumsum
    k_max = jnp.sum(support, axis=-1, keepdims=True)  # int, size of support
    cumsum_at_k = jnp.take_along_axis(cumsum, k_max - 1, axis=-1)
    tau = (cumsum_at_k - 1.0) / k_max.astype(z.dtype)
    return jnp.maximum(z - tau, 0.0)


def setup_inputs(seed: int = 0) -> dict:
    key = jax.random.key(seed)
    scores = jax.random.normal(key, (128, 100000), dtype=jnp.float32)
    return {"scores": scores}


def reference(scores):
    # agent is identity: scores are the network outputs
    temperature = 1.0
    const = 0.01
    # gumbel noise: -log(Exponential(1)) is Gumbel(0,1); scaled by const as in torch code
    gkey = jax.random.key(42)
    exp_sample = jax.random.exponential(gkey, scores.shape, dtype=scores.dtype)
    gumbels = -jnp.log(exp_sample) * const
    g = (scores + gumbels) / temperature
    sample = sparsemax(g)
    # Categorical(logits=scores).entropy()
    logz = jax.scipy.special.logsumexp(scores, axis=-1, keepdims=True)
    logp = scores - logz
    p = jnp.exp(logp)
    entropy = -jnp.sum(p * logp, axis=-1)
    return (sample, scores, entropy)

if __name__ == "__main__":
    import jax
    _d = setup_inputs()
    print(jax.jit(kernel)(*tuple(_d.values())))

</pallas_src>

<mosaic_0001>
module attributes {stable_mosaic.version = 14 : i64} {
  func.func @_row_body(%arg0: i32, %arg1: memref<2x8x12500xf32, #tpu.memory_space<vmem>>, %arg2: memref<2x8x12500xf32, #tpu.memory_space<vmem>>, %arg3: memref<2x8x12500xf32, #tpu.memory_space<vmem>>, %arg4: memref<2x1x128xf32, #tpu.memory_space<vmem>>, %arg5: memref<2x8x13312xf32, #tpu.memory_space<vmem>>) attributes {dimension_semantics = [#tpu.dimension_semantics<arbitrary>], iteration_bounds = array<i64: 64>, scalar_prefetch = 0 : i64, scratch_operands = 1 : i64, tpu.core_type = #tpu.core_type<tc>, window_params = [{transform_indices = @transform_0, window_bounds = array<i64: 2, 8, 12500>}, {transform_indices = @transform_1, window_bounds = array<i64: 2, 8, 12500>}, {transform_indices = @transform_2, window_bounds = array<i64: 2, 8, 12500>}, {transform_indices = @transform_3, window_bounds = array<i64: 2, 1, 128>}]} {
    %get3A = arith.constant 0 : index
    %get3A_0 = arith.constant 0 : index
    %get3A_1 = arith.constant 0 : index
    %get3A_2 = vector.load %arg1[%get3A, %get3A_0, %get3A_1] : memref<2x8x12500xf32, #tpu.memory_space<vmem>>, vector<1x8x12500xf32>
    %get3A_3 = vector.shape_cast %get3A_2 : vector<1x8x12500xf32> to vector<8x12500xf32>
    %get3A_4 = arith.constant 0 : index
    %get3A_5 = arith.constant 0 : index
    %get3A_6 = arith.constant 0 : index
    %get3A_7 = vector.load %arg2[%get3A_4, %get3A_5, %get3A_6] : memref<2x8x12500xf32, #tpu.memory_space<vmem>>, vector<1x8x12500xf32>
    %get3A_8 = vector.shape_cast %get3A_7 : vector<1x8x12500xf32> to vector<8x12500xf32>
    %slice3A = vector.extract_strided_slice %get3A_3 {offsets = [0, 0], sizes = [8, 1664], strides = [1, 1]} : vector<8x12500xf32> to vector<8x1664xf32>
    %slice3A_9 = vector.extract_strided_slice %get3A_8 {offsets = [0, 0], sizes = [8, 1664], strides = [1, 1]} : vector<8x12500xf32> to vector<8x1664xf32>
    %add3A = arith.addf %slice3A, %slice3A_9 : vector<8x1664xf32>
    %swap3A = arith.constant 0 : index
    %swap3A_10 = arith.constant 0 : index
    %swap3A_11 = arith.constant 0 : index
    %swap3A_12 = vector.load %arg5[%swap3A, %swap3A_10, %swap3A_11] : memref<2x8x13312xf32, #tpu.memory_space<vmem>>, vector<1x8x1664xf32>
    %swap3A_13 = vector.shape_cast %swap3A_12 : vector<1x8x1664xf32> to vector<8x1664xf32>
    %swap3A_14 = vector.shape_cast %add3A : vector<8x1664xf32> to vector<1x8x1664xf32>
    tpu.vector_store %arg5[%swap3A, %swap3A_10, %swap3A_11], %swap3A_14 {strides = array<i32>} : memref<2x8x13312xf32, #tpu.memory_space<vmem>>, vector<1x8x1664xf32>,
    %slice3A_15 = vector.extract_strided_slice %get3A_3 {offsets = [0, 1664], sizes = [8, 1664], strides = [1, 1]} : vector<8x12500xf32> to vector<8x1664xf32>
    %slice3A_16 = vector.extract_strided_slice %get3A_8 {offsets = [0, 1664], sizes = [8, 1664], strides = [1, 1]} : vector<8x12500xf32> to vector<8x1664xf32>
    %add3A_17 = arith.addf %slice3A_15, %slice3A_16 : vector<8x1664xf32>
    %swap3A_18 = arith.constant 0 : index
    %swap3A_19 = arith.constant 0 : index
    %swap3A_20 = arith.constant 1664 : index
    %swap3A_21 = vector.load %arg5[%swap3A_18, %swap3A_19, %swap3A_20] : memref<2x8x13312xf32, #tpu.memory_space<vmem>>, vector<1x8x1664xf32>
    %swap3A_22 = vector.shape_cast %swap3A_21 : vector<1x8x1664xf32> to vector<8x1664xf32>
    %swap3A_23 = vector.shape_cast %add3A_17 : vector<8x1664xf32> to vector<1x8x1664xf32>
    tpu.vector_store %arg5[%swap3A_18, %swap3A_19, %swap3A_20], %swap3A_23 {strides = array<i32>} : memref<2x8x13312xf32, #tpu.memory_space<vmem>>, vector<1x8x1664xf32>,
    %max3A = arith.maximumf %slice3A, %slice3A_15 : vector<8x1664xf32>
    %max3A_24 = arith.maximumf %add3A, %add3A_17 : vector<8x1664xf32>
    %slice3A_25 = vector.extract_strided_slice %get3A_3 {offsets = [0, 3328], sizes = [8, 1664], strides = [1, 1]} : vector<8x12500xf32> to vector<8x1664xf32>
    %slice3A_26 = vector.extract_strided_slice %get3A_8 {offsets = [0, 3328], sizes = [8, 1664], strides = [1, 1]} : vector<8x12500xf32> to vector<8x1664xf32>
    %add3A_27 = arith.addf %slice3A_25, %slice3A_26 : vector<8x1664xf32>
    %swap3A_28 = arith.constant 0 : index
    %swap3A_29 = arith.constant 0 : index
    %swap3A_30 = arith.constant 3328 : index
    %swap3A_31 = vector.load %arg5[%swap3A_28, %swap3A_29, %swap3A_30] : memref<2x8x13312xf32, #tpu.memory_space<vmem>>, vector<1x8x1664xf32>
    %swap3A_32 = vector.shape_cast %swap3A_31 : vector<1x8x1664xf32> to vector<8x1664xf32>
    %swap3A_33 = vector.shape_cast %add3A_27 : vector<8x1664xf32> to vector<1x8x1664xf32>
    tpu.vector_store %arg5[%swap3A_28, %swap3A_29, %swap3A_30], %swap3A_33 {strides = array<i32>} : memref<2x8x13312xf32, #tpu.memory_space<vmem>>, vector<1x8x1664xf32>,
    %max3A_34 = arith.maximumf %max3A, %slice3A_25 : vector<8x1664xf32>
    %max3A_35 = arith.maximumf %max3A_24, %add3A_27 : vector<8x1664xf32>
    %slice3A_36 = vector.extract_strided_slice %get3A_3 {offsets = [0, 4992], sizes = [8, 1664], strides = [1, 1]} : vector<8x12500xf32> to vector<8x1664xf32>
    %slice3A_37 = vector.extract_strided_slice %get3A_8 {offsets = [0, 4992], sizes = [8, 1664], strides = [1, 1]} : vector<8x12500xf32> to vector<8x1664xf32>
    %add3A_38 = arith.addf %slice3A_36, %slice3A_37 : vector<8x1664xf32>
    %swap3A_39 = arith.constant 0 : index
    %swap3A_40 = arith.constant 0 : index
    %swap3A_41 = arith.constant 4992 : index
    %swap3A_42 = vector.load %arg5[%swap3A_39, %swap3A_40, %swap3A_41] : memref<2x8x13312xf32, #tpu.memory_space<vmem>>, vector<1x8x1664xf32>
    %swap3A_43 = vector.shape_cast %swap3A_42 : vector<1x8x1664xf32> to vector<8x1664xf32>
    %swap3A_44 = vector.shape_cast %add3A_38 : vector<8x1664xf32> to vector<1x8x1664xf32>
    tpu.vector_store %arg5[%swap3A_39, %swap3A_40, %swap3A_41], %swap3A_44 {strides = array<i32>} : memref<2x8x13312xf32, #tpu.memory_space<vmem>>, vector<1x8x1664xf32>,
    %max3A_45 = arith.maximumf %max3A_34, %slice3A_36 : vector<8x1664xf32>
    %max3A_46 = arith.maximumf %max3A_35, %add3A_38 : vector<8x1664xf32>
    %slice3A_47 = vector.extract_strided_slice %get3A_3 {offsets = [0, 6656], sizes = [8, 1664], strides = [1, 1]} : vector<8x12500xf32> to vector<8x1664xf32>
    %slice3A_48 = vector.extract_strided_slice %get3A_8 {offsets = [0, 6656], sizes = [8, 1664], strides = [1, 1]} : vector<8x12500xf32> to vector<8x1664xf32>
    %add3A_49 = arith.addf %slice3A_47, %slice3A_48 : vector<8x1664xf32>
    %swap3A_50 = arith.constant 0 : index
    %swap3A_51 = arith.constant 0 : index
    %swap3A_52 = arith.constant 6656 : index
    %swap3A_53 = vector.load %arg5[%swap3A_50, %swap3A_51, %swap3A_52] : memref<2x8x13312xf32, #tpu.memory_space<vmem>>, vector<1x8x1664xf32>
    %swap3A_54 = vector.shape_cast %swap3A_53 : vector<1x8x1664xf32> to vector<8x1664xf32>
    %swap3A_55 = vector.shape_cast %add3A_49 : vector<8x1664xf32> to vector<1x8x1664xf32>
    tpu.vector_store %arg5[%swap3A_50, %swap3A_51, %swap3A_52], %swap3A_55 {strides = array<i32>} : memref<2x8x13312xf32, #tpu.memory_space<vmem>>, vector<1x8x1664xf32>,
    %max3A_56 = arith.maximumf %max3A_45, %slice3A_47 : vector<8x1664xf32>
    %max3A_57 = arith.maximumf %max3A_46, %add3A_49 : vector<8x1664xf32>
    %slice3A_58 = vector.extract_strided_slice %get3A_3 {offsets = [0, 8320], sizes = [8, 1664], strides = [1, 1]} : vector<8x12500xf32> to vector<8x1664xf32>
    %slice3A_59 = vector.extract_strided_slice %get3A_8 {offsets = [0, 8320], sizes = [8, 1664], strides = [1, 1]} : vector<8x12500xf32> to vector<8x1664xf32>
    %add3A_60 = arith.addf %slice3A_58, %slice3A_59 : vector<8x1664xf32>
    %swap3A_61 = arith.constant 0 : index
    %swap3A_62 = arith.constant 0 : index
    %swap3A_63 = arith.constant 8320 : index
    %swap3A_64 = vector.load %arg5[%swap3A_61, %swap3A_62, %swap3A_63] : memref<2x8x13312xf32, #tpu.memory_space<vmem>>, vector<1x8x1664xf32>
    %swap3A_65 = vector.shape_cast %swap3A_64 : vector<1x8x1664xf32> to vector<8x1664xf32>
    %swap3A_66 = vector.shape_cast %add3A_60 : vector<8x1664xf32> to vector<1x8x1664xf32>
    tpu.vector_store %arg5[%swap3A_61, %swap3A_62, %swap3A_63], %swap3A_66 {strides = array<i32>} : memref<2x8x13312xf32, #tpu.memory_space<vmem>>, vector<1x8x1664xf32>,
    %max3A_67 = arith.maximumf %max3A_56, %slice3A_58 : vector<8x1664xf32>
    %max3A_68 = arith.maximumf %max3A_57, %add3A_60 : vector<8x1664xf32>
    %slice3A_69 = vector.extract_strided_slice %get3A_3 {offsets = [0, 9984], sizes = [8, 1664], strides = [1, 1]} : vector<8x12500xf32> to vector<8x1664xf32>
    %slice3A_70 = vector.extract_strided_slice %get3A_8 {offsets = [0, 9984], sizes = [8, 1664], strides = [1, 1]} : vector<8x12500xf32> to vector<8x1664xf32>
    %add3A_71 = arith.addf %slice3A_69, %slice3A_70 : vector<8x1664xf32>
    %swap3A_72 = arith.constant 0 : index
    %swap3A_73 = arith.constant 0 : index
    %swap3A_74 = arith.constant 9984 : index
    %swap3A_75 = vector.load %arg5[%swap3A_72, %swap3A_73, %swap3A_74] : memref<2x8x13312xf32, #tpu.memory_space<vmem>>, vector<1x8x1664xf32>
    %swap3A_76 = vector.shape_cast %swap3A_75 : vector<1x8x1664xf32> to vector<8x1664xf32>
    %swap3A_77 = vector.shape_cast %add3A_71 : vector<8x1664xf32> to vector<1x8x1664xf32>
    tpu.vector_store %arg5[%swap3A_72, %swap3A_73, %swap3A_74], %swap3A_77 {strides = array<i32>} : memref<2x8x13312xf32, #tpu.memory_space<vmem>>, vector<1x8x1664xf32>,
    %max3A_78 = arith.maximumf %max3A_67, %slice3A_69 : vector<8x1664xf32>
    %max3A_79 = arith.maximumf %max3A_68, %add3A_71 : vector<8x1664xf32>
    %slice3A_80 = vector.extract_strided_slice %get3A_3 {offsets = [0, 11648], sizes = [8, 852], strides = [1, 1]} : vector<8x12500xf32> to vector<8x852xf32>
    %broadcast_in_dim3A = arith.constant -1.000000e+30 : f32
    %broadcast_in_dim3A_81 = vector.broadcast %broadcast_in_dim3A : f32 to vector<8x812xf32>
    %concatenate3A = tpu.concatenate %slice3A_80, %broadcast_in_dim3A_81 in 1 : vector<8x852xf32>, vector<8x812xf32> -> vector<8x1664xf32>
    %slice3A_82 = vector.extract_strided_slice %get3A_8 {offsets = [0, 11648], sizes = [8, 852], strides = [1, 1]} : vector<8x12500xf32> to vector<8x852xf32>
    %broadcast_in_dim3A_83 = arith.constant -1.000000e+30 : f32
    %broadcast_in_dim3A_84 = vector.broadcast %broadcast_in_dim3A_83 : f32 to vector<8x812xf32>
    %concatenate3A_85 = tpu.concatenate %slice3A_82, %broadcast_in_dim3A_84 in 1 : vector<8x852xf32>, vector<8x812xf32> -> vector<8x1664xf32>
    %add3A_86 = arith.addf %concatenate3A, %concatenate3A_85 : vector<8x1664xf32>
    %swap3A_87 = arith.constant 0 : index
    %swap3A_88 = arith.constant 0 : index
    %swap3A_89 = arith.constant 11648 : index
    %swap3A_90 = vector.load %arg5[%swap3A_87, %swap3A_88, %swap3A_89] : memref<2x8x13312xf32, #tpu.memory_space<vmem>>, vector<1x8x1664xf32>
    %swap3A_91 = vector.shape_cast %swap3A_90 : vector<1x8x1664xf32> to vector<8x1664xf32>
    %swap3A_92 = vector.shape_cast %add3A_86 : vector<8x1664xf32> to vector<1x8x1664xf32>
    tpu.vector_store %arg5[%swap3A_87, %swap3A_88, %swap3A_89], %swap3A_92 {strides = array<i32>} : memref<2x8x13312xf32, #tpu.memory_space<vmem>>, vector<1x8x1664xf32>,
    %max3A_93 = arith.maximumf %max3A_78, %concatenate3A : vector<8x1664xf32>
    %max3A_94 = arith.maximumf %max3A_79, %add3A_86 : vector<8x1664xf32>
    %slice3A_95 = vector.extract_strided_slice %max3A_93 {offsets = [0, 0], sizes = [8, 896], strides = [1, 1]} : vector<8x1664xf32> to vector<8x896xf32>
    %slice3A_96 = vector.extract_strided_slice %max3A_93 {offsets = [0, 896], sizes = [8, 768], strides = [1, 1]} : vector<8x1664xf32> to vector<8x768xf32>
    %broadcast_in_dim3A_97 = arith.constant -1.000000e+30 : f32
    %broadcast_in_dim3A_98 = vector.broadcast %broadcast_in_dim3A_97 : f32 to vector<8x128xf32>
    %concatenate3A_99 = tpu.concatenate %slice3A_96, %broadcast_in_dim3A_98 in 1 : vector<8x768xf32>, vector<8x128xf32> -> vector<8x896xf32>
    %max3A_100 = arith.maximumf %slice3A_95, %concatenate3A_99 : vector<8x896xf32>
    %slice3A_101 = vector.extract_strided_slice %max3A_100 {offsets = [0, 0], sizes = [8, 512], strides = [1, 1]} : vector<8x896xf32> to vector<8x512xf32>
    %slice3A_102 = vector.extract_strided_slice %max3A_100 {offsets = [0, 512], sizes = [8, 384], strides = [1, 1]} : vector<8x896xf32> to vector<8x384xf32>
    %broadcast_in_dim3A_103 = arith.constant -1.000000e+30 : f32
    %broadcast_in_dim3A_104 = vector.broadcast %broadcast_in_dim3A_103 : f32 to vector<8x128xf32>
    %concatenate3A_105 = tpu.concatenate %slice3A_102, %broadcast_in_dim3A_104 in 1 : vector<8x384xf32>, vector<8x128xf32> -> vector<8x512xf32>
    %max3A_106 = arith.maximumf %slice3A_101, %concatenate3A_105 : vector<8x512xf32>
    %slice3A_107 = vector.extract_strided_slice %max3A_106 {offsets = [0, 0], sizes = [8, 256], strides = [1, 1]} : vector<8x512xf32> to vector<8x256xf32>
    %slice3A_108 = vector.extract_strided_slice %max3A_106 {offsets = [0, 256], sizes = [8, 256], strides = [1, 1]} : vector<8x512xf32> to vector<8x256xf32>
    %max3A_109 = arith.maximumf %slice3A_107, %slice3A_108 : vector<8x256xf32>
    %slice3A_110 = vector.extract_strided_slice %max3A_109 {offsets = [0, 0], sizes = [8, 128], strides = [1, 1]} : vector<8x256xf32> to vector<8x128xf32>
    %slice3A_111 = vector.extract_strided_slice %max3A_109 {offsets = [0, 128], sizes = [8, 128], strides = [1, 1]} : vector<8x256xf32> to vector<8x128xf32>
    %max3A_112 = arith.maximumf %slice3A_110, %slice3A_111 : vector<8x128xf32>
    %reduce_max3A = vector.shape_cast %max3A_112 : vector<8x128xf32> to vector<1x8x128xf32>
    %reduce_max3A_113 = arith.constant dense<0xFF800000> : vector<1xf32>
    %reduce_max3A_114 = vector.multi_reduction <maximumf>, %reduce_max3A, %reduce_max3A_113 [1, 2] : vector<1x8x128xf32> to vector<1xf32>
    %reduce_max3A_115 = vector.shape_cast %reduce_max3A_114 : vector<1xf32> to vector<1x1x1xf32>
    %reduce_max3A_116 = vector.extract %reduce_max3A_115[0, 0, 0] : f32 from vector<1x1x1xf32>
    %slice3A_117 = vector.extract_strided_slice %max3A_94 {offsets = [0, 0], sizes = [8, 896], strides = [1, 1]} : vector<8x1664xf32> to vector<8x896xf32>
    %slice3A_118 = vector.extract_strided_slice %max3A_94 {offsets = [0, 896], sizes = [8, 768], strides = [1, 1]} : vector<8x1664xf32> to vector<8x768xf32>
    %broadcast_in_dim3A_119 = arith.constant -1.000000e+30 : f32
    %broadcast_in_dim3A_120 = vector.broadcast %broadcast_in_dim3A_119 : f32 to vector<8x128xf32>
    %concatenate3A_121 = tpu.concatenate %slice3A_118, %broadcast_in_dim3A_120 in 1 : vector<8x768xf32>, vector<8x128xf32> -> vector<8x896xf32>
    %max3A_122 = arith.maximumf %slice3A_117, %concatenate3A_121 : vector<8x896xf32>
    %slice3A_123 = vector.extract_strided_slice %max3A_122 {offsets = [0, 0], sizes = [8, 512], strides = [1, 1]} : vector<8x896xf32> to vector<8x512xf32>
    %slice3A_124 = vector.extract_strided_slice %max3A_122 {offsets = [0, 512], sizes = [8, 384], strides = [1, 1]} : vector<8x896xf32> to vector<8x384xf32>
    %broadcast_in_dim3A_125 = arith.constant -1.000000e+30 : f32
    %broadcast_in_dim3A_126 = vector.broadcast %broadcast_in_dim3A_125 : f32 to vector<8x128xf32>
    %concatenate3A_127 = tpu.concatenate %slice3A_124, %broadcast_in_dim3A_126 in 1 : vector<8x384xf32>, vector<8x128xf32> -> vector<8x512xf32>
    %max3A_128 = arith.maximumf %slice3A_123, %concatenate3A_127 : vector<8x512xf32>
    %slice3A_129 = vector.extract_strided_slice %max3A_128 {offsets = [0, 0], sizes = [8, 256], strides = [1, 1]} : vector<8x512xf32> to vector<8x256xf32>
    %slice3A_130 = vector.extract_strided_slice %max3A_128 {offsets = [0, 256], sizes = [8, 256], strides = [1, 1]} : vector<8x512xf32> to vector<8x256xf32>
    %max3A_131 = arith.maximumf %slice3A_129, %slice3A_130 : vector<8x256xf32>
    %slice3A_132 = vector.extract_strided_slice %max3A_131 {offsets = [0, 0], sizes = [8, 128], strides = [1, 1]} : vector<8x256xf32> to vector<8x128xf32>
    %slice3A_133 = vector.extract_strided_slice %max3A_131 {offsets = [0, 128], sizes = [8, 128], strides = [1, 1]} : vector<8x256xf32> to vector<8x128xf32>
    %max3A_134 = arith.maximumf %slice3A_132, %slice3A_133 : vector<8x128xf32>
    %reduce_max3A_135 = vector.shape_cast %max3A_134 : vector<8x128xf32> to vector<1x8x128xf32>
    %reduce_max3A_136 = arith.constant dense<0xFF800000> : vector<1xf32>
    %reduce_max3A_137 = vector.multi_reduction <maximumf>, %reduce_max3A_135, %reduce_max3A_136 [1, 2] : vector<1x8x128xf32> to vector<1xf32>
    %reduce_max3A_138 = vector.shape_cast %reduce_max3A_137 : vector<1xf32> to vector<1x1x1xf32>
    %reduce_max3A_139 = vector.extract %reduce_max3A_138[0, 0, 0] : f32 from vector<1x1x1xf32>
    %broadcast_in_dim3A_140 = arith.constant 0.000000e+00 : f32
    %broadcast_in_dim3A_141 = vector.broadcast %broadcast_in_dim3A_140 : f32 to vector<8x1664xf32>
    %broadcast_in_dim3A_142 = arith.constant 0.000000e+00 : f32
    %broadcast_in_dim3A_143 = vector.broadcast %broadcast_in_dim3A_142 : f32 to vector<8x1664xf32>
    %slice3A_144 = vector.extract_strided_slice %get3A_3 {offsets = [0, 0], sizes = [8, 1664], strides = [1, 1]} : vector<8x12500xf32> to vector<8x1664xf32>
    %sub3A = vector.broadcast %reduce_max3A_116 : f32 to vector<8x1664xf32>
    %sub3A_145 = arith.subf %slice3A_144, %sub3A : vector<8x1664xf32>
    %exp3A = math.exp %sub3A_145 : vector<8x1664xf32>
    %add3A_146 = arith.addf %broadcast_in_dim3A_141, %exp3A : vector<8x1664xf32>
    %mul3A = arith.mulf %sub3A_145, %exp3A : vector<8x1664xf32>
    %add3A_147 = arith.addf %broadcast_in_dim3A_143, %mul3A : vector<8x1664xf32>
    %slice3A_148 = vector.extract_strided_slice %get3A_3 {offsets = [0, 1664], sizes = [8, 1664], strides = [1, 1]} : vector<8x12500xf32> to vector<8x1664xf32>
    %sub3A_149 = vector.broadcast %reduce_max3A_116 : f32 to vector<8x1664xf32>
    %sub3A_150 = arith.subf %slice3A_148, %sub3A_149 : vector<8x1664xf32>
    %exp3A_151 = math.exp %sub3A_150 : vector<8x1664xf32>
    %add3A_152 = arith.addf %add3A_146, %exp3A_151 : vector<8x1664xf32>
    %mul3A_153 = arith.mulf %sub3A_150, %exp3A_151 : vector<8x1664xf32>
    %add3A_154 = arith.addf %add3A_147, %mul3A_153 : vector<8x1664xf32>
    %slice3A_155 = vector.extract_strided_slice %get3A_3 {offsets = [0, 3328], sizes = [8, 1664], strides = [1, 1]} : vector<8x12500xf32> to vector<8x1664xf32>
    %sub3A_156 = vector.broadcast %reduce_max3A_116 : f32 to vector<8x1664xf32>
    %sub3A_157 = arith.subf %slice3A_155, %sub3A_156 : vector<8x1664xf32>
    %exp3A_158 = math.exp %sub3A_157 : vector<8x1664xf32>
    %add3A_159 = arith.addf %add3A_152, %exp3A_158 : vector<8x1664xf32>
    %mul3A_160 = arith.mulf %sub3A_157, %exp3A_158 : vector<8x1664xf32>
    %add3A_161 = arith.addf %add3A_154, %mul3A_160 : vector<8x1664xf32>
    %slice3A_162 = vector.extract_strided_slice %get3A_3 {offsets = [0, 4992], sizes = [8, 1664], strides = [1, 1]} : vector<8x12500xf32> to vector<8x1664xf32>
    %sub3A_163 = vector.broadcast %reduce_max3A_116 : f32 to vector<8x1664xf32>
    %sub3A_164 = arith.subf %slice3A_162, %sub3A_163 : vector<8x1664xf32>
    %exp3A_165 = math.exp %sub3A_164 : vector<8x1664xf32>
    %add3A_166 = arith.addf %add3A_159, %exp3A_165 : vector<8x1664xf32>
    %mul3A_167 = arith.mulf %sub3A_164, %exp3A_165 : vector<8x1664xf32>
    %add3A_168 = arith.addf %add3A_161, %mul3A_167 : vector<8x1664xf32>
    %slice3A_169 = vector.extract_strided_slice %get3A_3 {offsets = [0, 6656], sizes = [8, 1664], strides = [1, 1]} : vector<8x12500xf32> to vector<8x1664xf32>
    %sub3A_170 = vector.broadcast %reduce_max3A_116 : f32 to vector<8x1664xf32>
    %sub3A_171 = arith.subf %slice3A_169, %sub3A_170 : vector<8x1664xf32>
    %exp3A_172 = math.exp %sub3A_171 : vector<8x1664xf32>
    %add3A_173 = arith.addf %add3A_166, %exp3A_172 : vector<8x1664xf32>
    %mul3A_174 = arith.mulf %sub3A_171, %exp3A_172 : vector<8x1664xf32>
    %add3A_175 = arith.addf %add3A_168, %mul3A_174 : vector<8x1664xf32>
    %slice3A_176 = vector.extract_strided_slice %get3A_3 {offsets = [0, 8320], sizes = [8, 1664], strides = [1, 1]} : vector<8x12500xf32> to vector<8x1664xf32>
    %sub3A_177 = vector.broadcast %reduce_max3A_116 : f32 to vector<8x1664xf32>
    %sub3A_178 = arith.subf %slice3A_176, %sub3A_177 : vector<8x1664xf32>
    %exp3A_179 = math.exp %sub3A_178 : vector<8x1664xf32>
    %add3A_180 = arith.addf %add3A_173, %exp3A_179 : vector<8x1664xf32>
    %mul3A_181 = arith.mulf %sub3A_178, %exp3A_179 : vector<8x1664xf32>
    %add3A_182 = arith.addf %add3A_175, %mul3A_181 : vector<8x1664xf32>
    %slice3A_183 = vector.extract_strided_slice %get3A_3 {offsets = [0, 9984], sizes = [8, 1664], strides = [1, 1]} : vector<8x12500xf32> to vector<8x1664xf32>
    %sub3A_184 = vector.broadcast %reduce_max3A_116 : f32 to vector<8x1664xf32>
    %sub3A_185 = arith.subf %slice3A_183, %sub3A_184 : vector<8x1664xf32>
    %exp3A_186 = math.exp %sub3A_185 : vector<8x1664xf32>
    %add3A_187 = arith.addf %add3A_180, %exp3A_186 : vector<8x1664xf32>
    %mul3A_188 = arith.mulf %sub3A_185, %exp3A_186 : vector<8x1664xf32>
    %add3A_189 = arith.addf %add3A_182, %mul3A_188 : vector<8x1664xf32>
    %slice3A_190 = vector.extract_strided_slice %get3A_3 {offsets = [0, 11648], sizes = [8, 852], strides = [1, 1]} : vector<8x12500xf32> to vector<8x852xf32>
    %broadcast_in_dim3A_191 = arith.constant -1.000000e+30 : f32
    %broadcast_in_dim3A_192 = vector.broadcast %broadcast_in_dim3A_191 : f32 to vector<8x812xf32>
    %concatenate3A_193 = tpu.concatenate %slice3A_190, %broadcast_in_dim3A_192 in 1 : vector<8x852xf32>, vector<8x812xf32> -> vector<8x1664xf32>
    %sub3A_194 = vector.broadcast %reduce_max3A_116 : f32 to vector<8x1664xf32>
    %sub3A_195 = arith.subf %concatenate3A_193, %sub3A_194 : vector<8x1664xf32>
    %exp3A_196 = math.exp %sub3A_195 : vector<8x1664xf32>
    %add3A_197 = arith.addf %add3A_187, %exp3A_196 : vector<8x1664xf32>
    %mul3A_198 = arith.mulf %sub3A_195, %exp3A_196 : vector<8x1664xf32>
    %add3A_199 = arith.addf %add3A_189, %mul3A_198 : vector<8x1664xf32>
    %slice3A_200 = vector.extract_strided_slice %add3A_197 {offsets = [0, 0], sizes = [8, 896], strides = [1, 1]} : vector<8x1664xf32> to vector<8x896xf32>
    %slice3A_201 = vector.extract_strided_slice %add3A_197 {offsets = [0, 896], sizes = [8, 768], strides = [1, 1]} : vector<8x1664xf32> to vector<8x768xf32>
    %broadcast_in_dim3A_202 = arith.constant 0.000000e+00 : f32
    %broadcast_in_dim3A_203 = vector.broadcast %broadcast_in_dim3A_202 : f32 to vector<8x128xf32>
    %concatenate3A_204 = tpu.concatenate %slice3A_201, %broadcast_in_dim3A_203 in 1 : vector<8x768xf32>, vector<8x128xf32> -> vector<8x896xf32>
    %add3A_205 = arith.addf %slice3A_200, %concatenate3A_204 : vector<8x896xf32>
    %slice3A_206 = vector.extract_strided_slice %add3A_205 {offsets = [0, 0], sizes = [8, 512], strides = [1, 1]} : vector<8x896xf32> to vector<8x512xf32>
    %slice3A_207 = vector.extract_strided_slice %add3A_205 {offsets = [0, 512], sizes = [8, 384], strides = [1, 1]} : vector<8x896xf32> to vector<8x384xf32>
    %broadcast_in_dim3A_208 = arith.constant 0.000000e+00 : f32
    %broadcast_in_dim3A_209 = vector.broadcast %broadcast_in_dim3A_208 : f32 to vector<8x128xf32>
    %concatenate3A_210 = tpu.concatenate %slice3A_207, %broadcast_in_dim3A_209 in 1 : vector<8x384xf32>, vector<8x128xf32> -> vector<8x512xf32>
    %add3A_211 = arith.addf %slice3A_206, %concatenate3A_210 : vector<8x512xf32>
    %slice3A_212 = vector.extract_strided_slice %add3A_211 {offsets = [0, 0], sizes = [8, 256], strides = [1, 1]} : vector<8x512xf32> to vector<8x256xf32>
    %slice3A_213 = vector.extract_strided_slice %add3A_211 {offsets = [0, 256], sizes = [8, 256], strides = [1, 1]} : vector<8x512xf32> to vector<8x256xf32>
    %add3A_214 = arith.addf %slice3A_212, %slice3A_213 : vector<8x256xf32>
    %slice3A_215 = vector.extract_strided_slice %add3A_214 {offsets = [0, 0], sizes = [8, 128], strides = [1, 1]} : vector<8x256xf32> to vector<8x128xf32>
    %slice3A_216 = vector.extract_strided_slice %add3A_214 {offsets = [0, 128], sizes = [8, 128], strides = [1, 1]} : vector<8x256xf32> to vector<8x128xf32>
    %add3A_217 = arith.addf %slice3A_215, %slice3A_216 : vector<8x128xf32>
    %reduce_sum3A = vector.shape_cast %add3A_217 : vector<8x128xf32> to vector<1x8x128xf32>
    %reduce_sum3A_218 = arith.constant dense<0.000000e+00> : vector<1xf32>
    %reduce_sum3A_219 = vector.multi_reduction <add>, %reduce_sum3A, %reduce_sum3A_218 [1, 2] : vector<1x8x128xf32> to vector<1xf32>
    %reduce_sum3A_220 = vector.shape_cast %reduce_sum3A_219 : vector<1xf32> to vector<1x1x1xf32>
    %reduce_sum3A_221 = vector.extract %reduce_sum3A_220[0, 0, 0] : f32 from vector<1x1x1xf32>
    %slice3A_222 = vector.extract_strided_slice %add3A_199 {offsets = [0, 0], sizes = [8, 896], strides = [1, 1]} : vector<8x1664xf32> to vector<8x896xf32>
    %slice3A_223 = vector.extract_strided_slice %add3A_199 {offsets = [0, 896], sizes = [8, 768], strides = [1, 1]} : vector<8x1664xf32> to vector<8x768xf32>
    %broadcast_in_dim3A_224 = arith.constant 0.000000e+00 : f32
    %broadcast_in_dim3A_225 = vector.broadcast %broadcast_in_dim3A_224 : f32 to vector<8x128xf32>
    %concatenate3A_226 = tpu.concatenate %slice3A_223, %broadcast_in_dim3A_225 in 1 : vector<8x768xf32>, vector<8x128xf32> -> vector<8x896xf32>
    %add3A_227 = arith.addf %slice3A_222, %concatenate3A_226 : vector<8x896xf32>
    %slice3A_228 = vector.extract_strided_slice %add3A_227 {offsets = [0, 0], sizes = [8, 512], strides = [1, 1]} : vector<8x896xf32> to vector<8x512xf32>
    %slice3A_229 = vector.extract_strided_slice %add3A_227 {offsets = [0, 512], sizes = [8, 384], strides = [1, 1]} : vector<8x896xf32> to vector<8x384xf32>
    %broadcast_in_dim3A_230 = arith.constant 0.000000e+00 : f32
    %broadcast_in_dim3A_231 = vector.broadcast %broadcast_in_dim3A_230 : f32 to vector<8x128xf32>
    %concatenate3A_232 = tpu.concatenate %slice3A_229, %broadcast_in_dim3A_231 in 1 : vector<8x384xf32>, vector<8x128xf32> -> vector<8x512xf32>
    %add3A_233 = arith.addf %slice3A_228, %concatenate3A_232 : vector<8x512xf32>
    %slice3A_234 = vector.extract_strided_slice %add3A_233 {offsets = [0, 0], sizes = [8, 256], strides = [1, 1]} : vector<8x512xf32> to vector<8x256xf32>
    %slice3A_235 = vector.extract_strided_slice %add3A_233 {offsets = [0, 256], sizes = [8, 256], strides = [1, 1]} : vector<8x512xf32> to vector<8x256xf32>
    %add3A_236 = arith.addf %slice3A_234, %slice3A_235 : vector<8x256xf32>
    %slice3A_237 = vector.extract_strided_slice %add3A_236 {offsets = [0, 0], sizes = [8, 128], strides = [1, 1]} : vector<8x256xf32> to vector<8x128xf32>
    %slice3A_238 = vector.extract_strided_slice %add3A_236 {offsets = [0, 128], sizes = [8, 128], strides = [1, 1]} : vector<8x256xf32> to vector<8x128xf32>
    %add3A_239 = arith.addf %slice3A_237, %slice3A_238 : vector<8x128xf32>
    %reduce_sum3A_240 = vector.shape_cast %add3A_239 : vector<8x128xf32> to vector<1x8x128xf32>
    %reduce_sum3A_241 = arith.constant dense<0.000000e+00> : vector<1xf32>
    %reduce_sum3A_242 = vector.multi_reduction <add>, %reduce_sum3A_240, %reduce_sum3A_241 [1, 2] : vector<1x8x128xf32> to vector<1xf32>
    %reduce_sum3A_243 = vector.shape_cast %reduce_sum3A_242 : vector<1xf32> to vector<1x1x1xf32>
    %reduce_sum3A_244 = vector.extract %reduce_sum3A_243[0, 0, 0] : f32 from vector<1x1x1xf32>
    %log3A = math.log %reduce_sum3A_221 : f32
    %div3A = arith.divf %reduce_sum3A_244, %reduce_sum3A_221 : f32
    %sub3A_245 = arith.subf %log3A, %div3A : f32
    %broadcast_in_dim3A_246 = vector.broadcast %sub3A_245 : f32 to vector<1x128xf32>
    %swap3A_247 = arith.constant 0 : index
    %swap3A_248 = arith.constant 0 : index
    %swap3A_249 = arith.constant 0 : index
    %swap3A_250 = vector.load %arg4[%swap3A_247, %swap3A_248, %swap3A_249] : memref<2x1x128xf32, #tpu.memory_space<vmem>>, vector<1x1x128xf32>
    %swap3A_251 = vector.shape_cast %swap3A_250 : vector<1x1x128xf32> to vector<1x128xf32>
    %swap3A_252 = vector.shape_cast %broadcast_in_dim3A_246 : vector<1x128xf32> to vector<1x1x128xf32>
    tpu.vector_store %arg4[%swap3A_247, %swap3A_248, %swap3A_249], %swap3A_252 {strides = array<i32>} : memref<2x1x128xf32, #tpu.memory_space<vmem>>, vector<1x1x128xf32>,
    %sub3A_253 = arith.constant 1.000000e+00 : f32
    %sub3A_254 = arith.subf %reduce_max3A_139, %sub3A_253 : f32
    %broadcast_in_dim3A_255 = arith.constant 0.000000e+00 : f32
    %broadcast_in_dim3A_256 = vector.broadcast %broadcast_in_dim3A_255 : f32 to vector<8x1664xf32>
    %broadcast_in_dim3A_257 = arith.constant 0.000000e+00 : f32
    %broadcast_in_dim3A_258 = vector.broadcast %broadcast_in_dim3A_257 : f32 to vector<8x1664xf32>
    %get3A_259 = arith.constant 0 : index
    %get3A_260 = arith.constant 0 : index
    %get3A_261 = arith.constant 0 : index
    %get3A_262 = vector.load %arg5[%get3A_259, %get3A_260, %get3A_261] : memref<2x8x13312xf32, #tpu.memory_space<vmem>>, vector<1x8x1664xf32>
    %get3A_263 = vector.shape_cast %get3A_262 : vector<1x8x1664xf32> to vector<8x1664xf32>
    %sub3A_264 = vector.broadcast %sub3A_254 : f32 to vector<8x1664xf32>
    %sub3A_265 = arith.subf %get3A_263, %sub3A_264 : vector<8x1664xf32>
    %max3A_266 = arith.constant 0.000000e+00 : f32
    %max3A_267 = vector.broadcast %max3A_266 : f32 to vector<8x1664xf32>
    %max3A_268 = arith.maximumf %sub3A_265, %max3A_267 : vector<8x1664xf32>
    %add3A_269 = arith.addf %broadcast_in_dim3A_256, %max3A_268 : vector<8x1664xf32>
    %gt3A = vector.broadcast %sub3A_254 : f32 to vector<8x1664xf32>
    %gt3A_270 = arith.cmpf ogt, %get3A_263, %gt3A : vector<8x1664xf32>
    %jit3A = arith.constant 1.000000e+00 : f32
    %jit3A_271 = arith.constant 0.000000e+00 : f32
    %broadcast_in_dim3A_272 = vector.broadcast %jit3A : f32 to vector<8x1664xf32>
    %broadcast_in_dim3A_273 = vector.broadcast %jit3A_271 : f32 to vector<8x1664xf32>
    %select_n3A = arith.select %gt3A_270, %broadcast_in_dim3A_272, %broadcast_in_dim3A_273 : vector<8x1664xi1>, vector<8x1664xf32>
    %add3A_274 = arith.addf %broadcast_in_dim3A_258, %select_n3A : vector<8x1664xf32>
    %get3A_275 = arith.constant 0 : index
    %get3A_276 = arith.constant 0 : index
    %get3A_277 = arith.constant 1664 : index
    %get3A_278 = vector.load %arg5[%get3A_275, %get3A_276, %get3A_277] : memref<2x8x13312xf32, #tpu.memory_space<vmem>>, vector<1x8x1664xf32>
    %get3A_279 = vector.shape_cast %get3A_278 : vector<1x8x1664xf32> to vector<8x1664xf32>
    %sub3A_280 = vector.broadcast %sub3A_254 : f32 to vector<8x1664xf32>
    %sub3A_281 = arith.subf %get3A_279, %sub3A_280 : vector<8x1664xf32>
    %max3A_282 = arith.constant 0.000000e+00 : f32
    %max3A_283 = vector.broadcast %max3A_282 : f32 to vector<8x1664xf32>
    %max3A_284 = arith.maximumf %sub3A_281, %max3A_283 : vector<8x1664xf32>
    %add3A_285 = arith.addf %add3A_269, %max3A_284 : vector<8x1664xf32>
    %gt3A_286 = vector.broadcast %sub3A_254 : f32 to vector<8x1664xf32>
    %gt3A_287 = arith.cmpf ogt, %get3A_279, %gt3A_286 : vector<8x1664xf32>
    %jit3A_288 = arith.constant 1.000000e+00 : f32
    %jit3A_289 = arith.constant 0.000000e+00 : f32
    %broadcast_in_dim3A_290 = vector.broadcast %jit3A_288 : f32 to vector<8x1664xf32>
    %broadcast_in_dim3A_291 = vector.broadcast %jit3A_289 : f32 to vector<8x1664xf32>
    %select_n3A_292 = arith.select %gt3A_287, %broadcast_in_dim3A_290, %broadcast_in_dim3A_291 : vector<8x1664xi1>, vector<8x1664xf32>
    %add3A_293 = arith.addf %add3A_274, %select_n3A_292 : vector<8x1664xf32>
    %get3A_294 = arith.constant 0 : index
    %get3A_295 = arith.constant 0 : index
    %get3A_296 = arith.constant 3328 : index
    %get3A_297 = vector.load %arg5[%get3A_294, %get3A_295, %get3A_296] : memref<2x8x13312xf32, #tpu.memory_space<vmem>>, vector<1x8x1664xf32>
    %get3A_298 = vector.shape_cast %get3A_297 : vector<1x8x1664xf32> to vector<8x1664xf32>
    %sub3A_299 = vector.broadcast %sub3A_254 : f32 to vector<8x1664xf32>
    %sub3A_300 = arith.subf %get3A_298, %sub3A_299 : vector<8x1664xf32>
    %max3A_301 = arith.constant 0.000000e+00 : f32
    %max3A_302 = vector.broadcast %max3A_301 : f32 to vector<8x1664xf32>
    %max3A_303 = arith.maximumf %sub3A_300, %max3A_302 : vector<8x1664xf32>
    %add3A_304 = arith.addf %add3A_285, %max3A_303 : vector<8x1664xf32>
    %gt3A_305 = vector.broadcast %sub3A_254 : f32 to vector<8x1664xf32>
    %gt3A_306 = arith.cmpf ogt, %get3A_298, %gt3A_305 : vector<8x1664xf32>
    %jit3A_307 = arith.constant 1.000000e+00 : f32
    %jit3A_308 = arith.constant 0.000000e+00 : f32
    %broadcast_in_dim3A_309 = vector.broadcast %jit3A_307 : f32 to vector<8x1664xf32>
    %broadcast_in_dim3A_310 = vector.broadcast %jit3A_308 : f32 to vector<8x1664xf32>
    %select_n3A_311 = arith.select %gt3A_306, %broadcast_in_dim3A_309, %broadcast_in_dim3A_310 : vector<8x1664xi1>, vector<8x1664xf32>
    %add3A_312 = arith.addf %add3A_293, %select_n3A_311 : vector<8x1664xf32>
    %get3A_313 = arith.constant 0 : index
    %get3A_314 = arith.constant 0 : index
    %get3A_315 = arith.constant 4992 : index
    %get3A_316 = vector.load %arg5[%get3A_313, %get3A_314, %get3A_315] : memref<2x8x13312xf32, #tpu.memory_space<vmem>>, vector<1x8x1664xf32>
    %get3A_317 = vector.shape_cast %get3A_316 : vector<1x8x1664xf32> to vector<8x1664xf32>
    %sub3A_318 = vector.broadcast %sub3A_254 : f32 to vector<8x1664xf32>
    %sub3A_319 = arith.subf %get3A_317, %sub3A_318 : vector<8x1664xf32>
    %max3A_320 = arith.constant 0.000000e+00 : f32
    %max3A_321 = vector.broadcast %max3A_320 : f32 to vector<8x1664xf32>
    %max3A_322 = arith.maximumf %sub3A_319, %max3A_321 : vector<8x1664xf32>
    %add3A_323 = arith.addf %add3A_304, %max3A_322 : vector<8x1664xf32>
    %gt3A_324 = vector.broadcast %sub3A_254 : f32 to vector<8x1664xf32>
    %gt3A_325 = arith.cmpf ogt, %get3A_317, %gt3A_324 : vector<8x1664xf32>
    %jit3A_326 = arith.constant 1.000000e+00 : f32
    %jit3A_327 = arith.constant 0.000000e+00 : f32
    %broadcast_in_dim3A_328 = vector.broadcast %jit3A_326 : f32 to vector<8x1664xf32>
    %broadcast_in_dim3A_329 = vector.broadcast %jit3A_327 : f32 to vector<8x1664xf32>
    %select_n3A_330 = arith.select %gt3A_325, %broadcast_in_dim3A_328, %broadcast_in_dim3A_329 : vector<8x1664xi1>, vector<8x1664xf32>
    %add3A_331 = arith.addf %add3A_312, %select_n3A_330 : vector<8x1664xf32>
    %get3A_332 = arith.constant 0 : index
    %get3A_333 = arith.constant 0 : index
    %get3A_334 = arith.constant 6656 : index
    %get3A_335 = vector.load %arg5[%get3A_332, %get3A_333, %get3A_334] : memref<2x8x13312xf32, #tpu.memory_space<vmem>>, vector<1x8x1664xf32>
    %get3A_336 = vector.shape_cast %get3A_335 : vector<1x8x1664xf32> to vector<8x1664xf32>
    %sub3A_337 = vector.broadcast %sub3A_254 : f32 to vector<8x1664xf32>
    %sub3A_338 = arith.subf %get3A_336, %sub3A_337 : vector<8x1664xf32>
    %max3A_339 = arith.constant 0.000000e+00 : f32
    %max3A_340 = vector.broadcast %max3A_339 : f32 to vector<8x1664xf32>
    %max3A_341 = arith.maximumf %sub3A_338, %max3A_340 : vector<8x1664xf32>
    %add3A_342 = arith.addf %add3A_323, %max3A_341 : vector<8x1664xf32>
    %gt3A_343 = vector.broadcast %sub3A_254 : f32 to vector<8x1664xf32>
    %gt3A_344 = arith.cmpf ogt, %get3A_336, %gt3A_343 : vector<8x1664xf32>
    %jit3A_345 = arith.constant 1.000000e+00 : f32
    %jit3A_346 = arith.constant 0.000000e+00 : f32
    %broadcast_in_dim3A_347 = vector.broadcast %jit3A_345 : f32 to vector<8x1664xf32>
    %broadcast_in_dim3A_348 = vector.broadcast %jit3A_346 : f32 to vector<8x1664xf32>
    %select_n3A_349 = arith.select %gt3A_344, %broadcast_in_dim3A_347, %broadcast_in_dim3A_348 : vector<8x1664xi1>, vector<8x1664xf32>
    %add3A_350 = arith.addf %add3A_331, %select_n3A_349 : vector<8x1664xf32>
    %get3A_351 = arith.constant 0 : index
    %get3A_352 = arith.constant 0 : index
    %get3A_353 = arith.constant 8320 : index
    %get3A_354 = vector.load %arg5[%get3A_351, %get3A_352, %get3A_353] : memref<2x8x13312xf32, #tpu.memory_space<vmem>>, vector<1x8x1664xf32>
    %get3A_355 = vector.shape_cast %get3A_354 : vector<1x8x1664xf32> to vector<8x1664xf32>
    %sub3A_356 = vector.broadcast %sub3A_254 : f32 to vector<8x1664xf32>
    %sub3A_357 = arith.subf %get3A_355, %sub3A_356 : vector<8x1664xf32>
    %max3A_358 = arith.constant 0.000000e+00 : f32
    %max3A_359 = vector.broadcast %max3A_358 : f32 to vector<8x1664xf32>
    %max3A_360 = arith.maximumf %sub3A_357, %max3A_359 : vector<8x1664xf32>
    %add3A_361 = arith.addf %add3A_342, %max3A_360 : vector<8x1664xf32>
    %gt3A_362 = vector.broadcast %sub3A_254 : f32 to vector<8x1664xf32>
    %gt3A_363 = arith.cmpf ogt, %get3A_355, %gt3A_362 : vector<8x1664xf32>
    %jit3A_364 = arith.constant 1.000000e+00 : f32
    %jit3A_365 = arith.constant 0.000000e+00 : f32
    %broadcast_in_dim3A_366 = vector.broadcast %jit3A_364 : f32 to vector<8x1664xf32>
    %broadcast_in_dim3A_367 = vector.broadcast %jit3A_365 : f32 to vector<8x1664xf32>
    %select_n3A_368 = arith.select %gt3A_363, %broadcast_in_dim3A_366, %broadcast_in_dim3A_367 : vector<8x1664xi1>, vector<8x1664xf32>
    %add3A_369 = arith.addf %add3A_350, %select_n3A_368 : vector<8x1664xf32>
    %get3A_370 = arith.constant 0 : index
    %get3A_371 = arith.constant 0 : index
    %get3A_372 = arith.constant 9984 : index
    %get3A_373 = vector.load %arg5[%get3A_370, %get3A_371, %get3A_372] : memref<2x8x13312xf32, #tpu.memory_space<vmem>>, vector<1x8x1664xf32>
    %get3A_374 = vector.shape_cast %get3A_373 : vector<1x8x1664xf32> to vector<8x1664xf32>
    %sub3A_375 = vector.broadcast %sub3A_254 : f32 to vector<8x1664xf32>
    %sub3A_376 = arith.subf %get3A_374, %sub3A_375 : vector<8x1664xf32>
    %max3A_377 = arith.constant 0.000000e+00 : f32
    %max3A_378 = vector.broadcast %max3A_377 : f32 to vector<8x1664xf32>
    %max3A_379 = arith.maximumf %sub3A_376, %max3A_378 : vector<8x1664xf32>
    %add3A_380 = arith.addf %add3A_361, %max3A_379 : vector<8x1664xf32>
    %gt3A_381 = vector.broadcast %sub3A_254 : f32 to vector<8x1664xf32>
    %gt3A_382 = arith.cmpf ogt, %get3A_374, %gt3A_381 : vector<8x1664xf32>
    %jit3A_383 = arith.constant 1.000000e+00 : f32
    %jit3A_384 = arith.constant 0.000000e+00 : f32
    %broadcast_in_dim3A_385 = vector.broadcast %jit3A_383 : f32 to vector<8x1664xf32>
    %broadcast_in_dim3A_386 = vector.broadcast %jit3A_384 : f32 to vector<8x1664xf32>
    %select_n3A_387 = arith.select %gt3A_382, %broadcast_in_dim3A_385, %broadcast_in_dim3A_386 : vector<8x1664xi1>, vector<8x1664xf32>
    %add3A_388 = arith.addf %add3A_369, %select_n3A_387 : vector<8x1664xf32>
    %get3A_389 = arith.constant 0 : index
    %get3A_390 = arith.constant 0 : index
    %get3A_391 = arith.constant 11648 : index
    %get3A_392 = vector.load %arg5[%get3A_389, %get3A_390, %get3A_391] : memref<2x8x13312xf32, #tpu.memory_space<vmem>>, vector<1x8x1664xf32>
    %get3A_393 = vector.shape_cast %get3A_392 : vector<1x8x1664xf32> to vector<8x1664xf32>
    %sub3A_394 = vector.broadcast %sub3A_254 : f32 to vector<8x1664xf32>
    %sub3A_395 = arith.subf %get3A_393, %sub3A_394 : vector<8x1664xf32>
    %max3A_396 = arith.constant 0.000000e+00 : f32
    %max3A_397 = vector.broadcast %max3A_396 : f32 to vector<8x1664xf32>
    %max3A_398 = arith.maximumf %sub3A_395, %max3A_397 : vector<8x1664xf32>
    %add3A_399 = arith.addf %add3A_380, %max3A_398 : vector<8x1664xf32>
    %gt3A_400 = vector.broadcast %sub3A_254 : f32 to vector<8x1664xf32>
    %gt3A_401 = arith.cmpf ogt, %get3A_393, %gt3A_400 : vector<8x1664xf32>
    %jit3A_402 = arith.constant 1.000000e+00 : f32
    %jit3A_403 = arith.constant 0.000000e+00 : f32
    %broadcast_in_dim3A_404 = vector.broadcast %jit3A_402 : f32 to vector<8x1664xf32>
    %broadcast_in_dim3A_405 = vector.broadcast %jit3A_403 : f32 to vector<8x1664xf32>
    %select_n3A_406 = arith.select %gt3A_401, %broadcast_in_dim3A_404, %broadcast_in_dim3A_405 : vector<8x1664xi1>, vector<8x1664xf32>
    %add3A_407 = arith.addf %add3A_388, %select_n3A_406 : vector<8x1664xf32>
    %slice3A_408 = vector.extract_strided_slice %add3A_399 {offsets = [0, 0], sizes = [8, 896], strides = [1, 1]} : vector<8x1664xf32> to vector<8x896xf32>
    %slice3A_409 = vector.extract_strided_slice %add3A_399 {offsets = [0, 896], sizes = [8, 768], strides = [1, 1]} : vector<8x1664xf32> to vector<8x768xf32>
    %broadcast_in_dim3A_410 = arith.constant 0.000000e+00 : f32
    %broadcast_in_dim3A_411 = vector.broadcast %broadcast_in_dim3A_410 : f32 to vector<8x128xf32>
    %concatenate3A_412 = tpu.concatenate %slice3A_409, %broadcast_in_dim3A_411 in 1 : vector<8x768xf32>, vector<8x128xf32> -> vector<8x896xf32>
    %add3A_413 = arith.addf %slice3A_408, %concatenate3A_412 : vector<8x896xf32>
    %slice3A_414 = vector.extract_strided_slice %add3A_413 {offsets = [0, 0], sizes = [8, 512], strides = [1, 1]} : vector<8x896xf32> to vector<8x512xf32>
    %slice3A_415 = vector.extract_strided_slice %add3A_413 {offsets = [0, 512], sizes = [8, 384], strides = [1, 1]} : vector<8x896xf32> to vector<8x384xf32>
    %broadcast_in_dim3A_416 = arith.constant 0.000000e+00 : f32
    %broadcast_in_dim3A_417 = vector.broadcast %broadcast_in_dim3A_416 : f32 to vector<8x128xf32>
    %concatenate3A_418 = tpu.concatenate %slice3A_415, %broadcast_in_dim3A_417 in 1 : vector<8x384xf32>, vector<8x128xf32> -> vector<8x512xf32>
    %add3A_419 = arith.addf %slice3A_414, %concatenate3A_418 : vector<8x512xf32>
    %slice3A_420 = vector.extract_strided_slice %add3A_419 {offsets = [0, 0], sizes = [8, 256], strides = [1, 1]} : vector<8x512xf32> to vector<8x256xf32>
    %slice3A_421 = vector.extract_strided_slice %add3A_419 {offsets = [0, 256], sizes = [8, 256], strides = [1, 1]} : vector<8x512xf32> to vector<8x256xf32>
    %add3A_422 = arith.addf %slice3A_420, %slice3A_421 : vector<8x256xf32>
    %slice3A_423 = vector.extract_strided_slice %add3A_422 {offsets = [0, 0], sizes = [8, 128], strides = [1, 1]} : vector<8x256xf32> to vector<8x128xf32>
    %slice3A_424 = vector.extract_strided_slice %add3A_422 {offsets = [0, 128], sizes = [8, 128], strides = [1, 1]} : vector<8x256xf32> to vector<8x128xf32>
    %add3A_425 = arith.addf %slice3A_423, %slice3A_424 : vector<8x128xf32>
    %reduce_sum3A_426 = vector.shape_cast %add3A_425 : vector<8x128xf32> to vector<1x8x128xf32>
    %reduce_sum3A_427 = arith.constant dense<0.000000e+00> : vector<1xf32>
    %reduce_sum3A_428 = vector.multi_reduction <add>, %reduce_sum3A_426, %reduce_sum3A_427 [1, 2] : vector<1x8x128xf32> to vector<1xf32>
    %reduce_sum3A_429 = vector.shape_cast %reduce_sum3A_428 : vector<1xf32> to vector<1x1x1xf32>
    %reduce_sum3A_430 = vector.extract %reduce_sum3A_429[0, 0, 0] : f32 from vector<1x1x1xf32>
    %slice3A_431 = vector.extract_strided_slice %add3A_407 {offsets = [0, 0], sizes = [8, 896], strides = [1, 1]} : vector<8x1664xf32> to vector<8x896xf32>
    %slice3A_432 = vector.extract_strided_slice %add3A_407 {offsets = [0, 896], sizes = [8, 768], strides = [1, 1]} : vector<8x1664xf32> to vector<8x768xf32>
    %broadcast_in_dim3A_433 = arith.constant 0.000000e+00 : f32
    %broadcast_in_dim3A_434 = vector.broadcast %broadcast_in_dim3A_433 : f32 to vector<8x128xf32>
    %concatenate3A_435 = tpu.concatenate %slice3A_432, %broadcast_in_dim3A_434 in 1 : vector<8x768xf32>, vector<8x128xf32> -> vector<8x896xf32>
    %add3A_436 = arith.addf %slice3A_431, %concatenate3A_435 : vector<8x896xf32>
    %slice3A_437 = vector.extract_strided_slice %add3A_436 {offsets = [0, 0], sizes = [8, 512], strides = [1, 1]} : vector<8x896xf32> to vector<8x512xf32>
    %slice3A_438 = vector.extract_strided_slice %add3A_436 {offsets = [0, 512], sizes = [8, 384], strides = [1, 1]} : vector<8x896xf32> to vector<8x384xf32>
    %broadcast_in_dim3A_439 = arith.constant 0.000000e+00 : f32
    %broadcast_in_dim3A_440 = vector.broadcast %broadcast_in_dim3A_439 : f32 to vector<8x128xf32>
    %concatenate3A_441 = tpu.concatenate %slice3A_438, %broadcast_in_dim3A_440 in 1 : vector<8x384xf32>, vector<8x128xf32> -> vector<8x512xf32>
    %add3A_442 = arith.addf %slice3A_437, %concatenate3A_441 : vector<8x512xf32>
    %slice3A_443 = vector.extract_strided_slice %add3A_442 {offsets = [0, 0], sizes = [8, 256], strides = [1, 1]} : vector<8x512xf32> to vector<8x256xf32>
    %slice3A_444 = vector.extract_strided_slice %add3A_442 {offsets = [0, 256], sizes = [8, 256], strides = [1, 1]} : vector<8x512xf32> to vector<8x256xf32>
    %add3A_445 = arith.addf %slice3A_443, %slice3A_444 : vector<8x256xf32>
    %slice3A_446 = vector.extract_strided_slice %add3A_445 {offsets = [0, 0], sizes = [8, 128], strides = [1, 1]} : vector<8x256xf32> to vector<8x128xf32>
    %slice3A_447 = vector.extract_strided_slice %add3A_445 {offsets = [0, 128], sizes = [8, 128], strides = [1, 1]} : vector<8x256xf32> to vector<8x128xf32>
    %add3A_448 = arith.addf %slice3A_446, %slice3A_447 : vector<8x128xf32>
    %reduce_sum3A_449 = vector.shape_cast %add3A_448 : vector<8x128xf32> to vector<1x8x128xf32>
    %reduce_sum3A_450 = arith.constant dense<0.000000e+00> : vector<1xf32>
    %reduce_sum3A_451 = vector.multi_reduction <add>, %reduce_sum3A_449, %reduce_sum3A_450 [1, 2] : vector<1x8x128xf32> to vector<1xf32>
    %reduce_sum3A_452 = vector.shape_cast %reduce_sum3A_451 : vector<1xf32> to vector<1x1x1xf32>
    %reduce_sum3A_453 = vector.extract %reduce_sum3A_452[0, 0, 0] : f32 from vector<1x1x1xf32>
    %gt3A_454 = arith.constant 0.000000e+00 : f32
    %gt3A_455 = arith.cmpf ogt, %reduce_sum3A_453, %gt3A_454 : f32
    %sub3A_456 = arith.constant 1.000000e+00 : f32
    %sub3A_457 = arith.subf %reduce_sum3A_430, %sub3A_456 : f32
    %div3A_458 = arith.divf %sub3A_457, %reduce_sum3A_453 : f32
    %add3A_459 = arith.addf %sub3A_254, %div3A_458 : f32
    %select_n3A_460 = arith.select %gt3A_455, %add3A_459, %sub3A_254 : f32
    %broadcast_in_dim3A_461 = arith.constant 0.000000e+00 : f32
    %broadcast_in_dim3A_462 = vector.broadcast %broadcast_in_dim3A_461 : f32 to vector<8x1664xf32>
    %broadcast_in_dim3A_463 = arith.constant 0.000000e+00 : f32
    %broadcast_in_dim3A_464 = vector.broadcast %broadcast_in_dim3A_463 : f32 to vector<8x1664xf32>
    %get3A_465 = arith.constant 0 : index
    %get3A_466 = arith.constant 0 : index
    %get3A_467 = arith.constant 0 : index
    %get3A_468 = vector.load %arg5[%get3A_465, %get3A_466, %get3A_467] : memref<2x8x13312xf32, #tpu.memory_space<vmem>>, vector<1x8x1664xf32>
    %get3A_469 = vector.shape_cast %get3A_468 : vector<1x8x1664xf32> to vector<8x1664xf32>
    %sub3A_470 = vector.broadcast %select_n3A_460 : f32 to vector<8x1664xf32>
    %sub3A_471 = arith.subf %get3A_469, %sub3A_470 : vector<8x1664xf32>
    %max3A_472 = arith.constant 0.000000e+00 : f32
    %max3A_473 = vector.broadcast %max3A_472 : f32 to vector<8x1664xf32>
    %max3A_474 = arith.maximumf %sub3A_471, %max3A_473 : vector<8x1664xf32>
    %add3A_475 = arith.addf %broadcast_in_dim3A_462, %max3A_474 : vector<8x1664xf32>
    %gt3A_476 = vector.broadcast %select_n3A_460 : f32 to vector<8x1664xf32>
    %gt3A_477 = arith.cmpf ogt, %get3A_469, %gt3A_476 : vector<8x1664xf32>
    %jit3A_478 = arith.constant 1.000000e+00 : f32
    %jit3A_479 = arith.constant 0.000000e+00 : f32
    %broadcast_in_dim3A_480 = vector.broadcast %jit3A_478 : f32 to vector<8x1664xf32>
    %broadcast_in_dim3A_481 = vector.broadcast %jit3A_479 : f32 to vector<8x1664xf32>
    %select_n3A_482 = arith.select %gt3A_477, %broadcast_in_dim3A_480, %broadcast_in_dim3A_481 : vector<8x1664xi1>, vector<8x1664xf32>
    %add3A_483 = arith.addf %broadcast_in_dim3A_464, %select_n3A_482 : vector<8x1664xf32>
    %get3A_484 = arith.constant 0 : index
    %get3A_485 = arith.constant 0 : index
    %get3A_486 = arith.constant 1664 : index
    %get3A_487 = vector.load %arg5[%get3A_484, %get3A_485, %get3A_486] : memref<2x8x13312xf32, #tpu.memory_space<vmem>>, vector<1x8x1664xf32>
    %get3A_488 = vector.shape_cast %get3A_487 : vector<1x8x1664xf32> to vector<8x1664xf32>
    %sub3A_489 = vector.broadcast %select_n3A_460 : f32 to vector<8x1664xf32>
    %sub3A_490 = arith.subf %get3A_488, %sub3A_489 : vector<8x1664xf32>
    %max3A_491 = arith.constant 0.000000e+00 : f32
    %max3A_492 = vector.broadcast %max3A_491 : f32 to vector<8x1664xf32>
    %max3A_493 = arith.maximumf %sub3A_490, %max3A_492 : vector<8x1664xf32>
    %add3A_494 = arith.addf %add3A_475, %max3A_493 : vector<8x1664xf32>
    %gt3A_495 = vector.broadcast %select_n3A_460 : f32 to vector<8x1664xf32>
    %gt3A_496 = arith.cmpf ogt, %get3A_488, %gt3A_495 : vector<8x1664xf32>
    %jit3A_497 = arith.constant 1.000000e+00 : f32
    %jit3A_498 = arith.constant 0.000000e+00 : f32
    %broadcast_in_dim3A_499 = vector.broadcast %jit3A_497 : f32 to vector<8x1664xf32>
    %broadcast_in_dim3A_500 = vector.broadcast %jit3A_498 : f32 to vector<8x1664xf32>
    %select_n3A_501 = arith.select %gt3A_496, %broadcast_in_dim3A_499, %broadcast_in_dim3A_500 : vector<8x1664xi1>, vector<8x1664xf32>
    %add3A_502 = arith.addf %add3A_483, %select_n3A_501 : vector<8x1664xf32>
    %get3A_503 = arith.constant 0 : index
    %get3A_504 = arith.constant 0 : index
    %get3A_505 = arith.constant 3328 : index
    %get3A_506 = vector.load %arg5[%get3A_503, %get3A_504, %get3A_505] : memref<2x8x13312xf32, #tpu.memory_space<vmem>>, vector<1x8x1664xf32>
    %get3A_507 = vector.shape_cast %get3A_506 : vector<1x8x1664xf32> to vector<8x1664xf32>
    %sub3A_508 = vector.broadcast %select_n3A_460 : f32 to vector<8x1664xf32>
    %sub3A_509 = arith.subf %get3A_507, %sub3A_508 : vector<8x1664xf32>
    %max3A_510 = arith.constant 0.000000e+00 : f32
    %max3A_511 = vector.broadcast %max3A_510 : f32 to vector<8x1664xf32>
    %max3A_512 = arith.maximumf %sub3A_509, %max3A_511 : vector<8x1664xf32>
    %add3A_513 = arith.addf %add3A_494, %max3A_512 : vector<8x1664xf32>
    %gt3A_514 = vector.broadcast %select_n3A_460 : f32 to vector<8x1664xf32>
    %gt3A_515 = arith.cmpf ogt, %get3A_507, %gt3A_514 : vector<8x1664xf32>
    %jit3A_516 = arith.constant 1.000000e+00 : f32
    %jit3A_517 = arith.constant 0.000000e+00 : f32
    %broadcast_in_dim3A_518 = vector.broadcast %jit3A_516 : f32 to vector<8x1664xf32>
    %broadcast_in_dim3A_519 = vector.broadcast %jit3A_517 : f32 to vector<8x1664xf32>
    %select_n3A_520 = arith.select %gt3A_515, %broadcast_in_dim3A_518, %broadcast_in_dim3A_519 : vector<8x1664xi1>, vector<8x1664xf32>
    %add3A_521 = arith.addf %add3A_502, %select_n3A_520 : vector<8x1664xf32>
    %get3A_522 = arith.constant 0 : index
    %get3A_523 = arith.constant 0 : index
    %get3A_524 = arith.constant 4992 : index
    %get3A_525 = vector.load %arg5[%get3A_522, %get3A_523, %get3A_524] : memref<2x8x13312xf32, #tpu.memory_space<vmem>>, vector<1x8x1664xf32>
    %get3A_526 = vector.shape_cast %get3A_525 : vector<1x8x1664xf32> to vector<8x1664xf32>
    %sub3A_527 = vector.broadcast %select_n3A_460 : f32 to vector<8x1664xf32>
    %sub3A_528 = arith.subf %get3A_526, %sub3A_527 : vector<8x1664xf32>
    %max3A_529 = arith.constant 0.000000e+00 : f32
    %max3A_530 = vector.broadcast %max3A_529 : f32 to vector<8x1664xf32>
    %max3A_531 = arith.maximumf %sub3A_528, %max3A_530 : vector<8x1664xf32>
    %add3A_532 = arith.addf %add3A_513, %max3A_531 : vector<8x1664xf32>
    %gt3A_533 = vector.broadcast %select_n3A_460 : f32 to vector<8x1664xf32>
    %gt3A_534 = arith.cmpf ogt, %get3A_526, %gt3A_533 : vector<8x1664xf32>
    %jit3A_535 = arith.constant 1.000000e+00 : f32
    %jit3A_536 = arith.constant 0.000000e+00 : f32
    %broadcast_in_dim3A_537 = vector.broadcast %jit3A_535 : f32 to vector<8x1664xf32>
    %broadcast_in_dim3A_538 = vector.broadcast %jit3A_536 : f32 to vector<8x1664xf32>
    %select_n3A_539 = arith.select %gt3A_534, %broadcast_in_dim3A_537, %broadcast_in_dim3A_538 : vector<8x1664xi1>, vector<8x1664xf32>
    %add3A_540 = arith.addf %add3A_521, %select_n3A_539 : vector<8x1664xf32>
    %get3A_541 = arith.constant 0 : index
    %get3A_542 = arith.constant 0 : index
    %get3A_543 = arith.constant 6656 : index
    %get3A_544 = vector.load %arg5[%get3A_541, %get3A_542, %get3A_543] : memref<2x8x13312xf32, #tpu.memory_space<vmem>>, vector<1x8x1664xf32>
    %get3A_545 = vector.shape_cast %get3A_544 : vector<1x8x1664xf32> to vector<8x1664xf32>
    %sub3A_546 = vector.broadcast %select_n3A_460 : f32 to vector<8x1664xf32>
    %sub3A_547 = arith.subf %get3A_545, %sub3A_546 : vector<8x1664xf32>
    %max3A_548 = arith.constant 0.000000e+00 : f32
    %max3A_549 = vector.broadcast %max3A_548 : f32 to vector<8x1664xf32>
    %max3A_550 = arith.maximumf %sub3A_547, %max3A_549 : vector<8x1664xf32>
    %add3A_551 = arith.addf %add3A_532, %max3A_550 : vector<8x1664xf32>
    %gt3A_552 = vector.broadcast %select_n3A_460 : f32 to vector<8x1664xf32>
    %gt3A_553 = arith.cmpf ogt, %get3A_545, %gt3A_552 : vector<8x1664xf32>
    %jit3A_554 = arith.constant 1.000000e+00 : f32
    %jit3A_555 = arith.constant 0.000000e+00 : f32
    %broadcast_in_dim3A_556 = vector.broadcast %jit3A_554 : f32 to vector<8x1664xf32>
    %broadcast_in_dim3A_557 = vector.broadcast %jit3A_555 : f32 to vector<8x1664xf32>
    %select_n3A_558 = arith.select %gt3A_553, %broadcast_in_dim3A_556, %broadcast_in_dim3A_557 : vector<8x1664xi1>, vector<8x1664xf32>
    %add3A_559 = arith.addf %add3A_540, %select_n3A_558 : vector<8x1664xf32>
    %get3A_560 = arith.constant 0 : index
    %get3A_561 = arith.constant 0 : index
    %get3A_562 = arith.constant 8320 : index
    %get3A_563 = vector.load %arg5[%get3A_560, %get3A_561, %get3A_562] : memref<2x8x13312xf32, #tpu.memory_space<vmem>>, vector<1x8x1664xf32>
    %get3A_564 = vector.shape_cast %get3A_563 : vector<1x8x1664xf32> to vector<8x1664xf32>
    %sub3A_565 = vector.broadcast %select_n3A_460 : f32 to vector<8x1664xf32>
    %sub3A_566 = arith.subf %get3A_564, %sub3A_565 : vector<8x1664xf32>
    %max3A_567 = arith.constant 0.000000e+00 : f32
    %max3A_568 = vector.broadcast %max3A_567 : f32 to vector<8x1664xf32>
    %max3A_569 = arith.maximumf %sub3A_566, %max3A_568 : vector<8x1664xf32>
    %add3A_570 = arith.addf %add3A_551, %max3A_569 : vector<8x1664xf32>
    %gt3A_571 = vector.broadcast %select_n3A_460 : f32 to vector<8x1664xf32>
    %gt3A_572 = arith.cmpf ogt, %get3A_564, %gt3A_571 : vector<8x1664xf32>
    %jit3A_573 = arith.constant 1.000000e+00 : f32
    %jit3A_574 = arith.constant 0.000000e+00 : f32
    %broadcast_in_dim3A_575 = vector.broadcast %jit3A_573 : f32 to vector<8x1664xf32>
    %broadcast_in_dim3A_576 = vector.broadcast %jit3A_574 : f32 to vector<8x1664xf32>
    %select_n3A_577 = arith.select %gt3A_572, %broadcast_in_dim3A_575, %broadcast_in_dim3A_576 : vector<8x1664xi1>, vector<8x1664xf32>
    %add3A_578 = arith.addf %add3A_559, %select_n3A_577 : vector<8x1664xf32>
    %get3A_579 = arith.constant 0 : index
    %get3A_580 = arith.constant 0 : index
    %get3A_581 = arith.constant 9984 : index
    %get3A_582 = vector.load %arg5[%get3A_579, %get3A_580, %get3A_581] : memref<2x8x13312xf32, #tpu.memory_space<vmem>>, vector<1x8x1664xf32>
    %get3A_583 = vector.shape_cast %get3A_582 : vector<1x8x1664xf32> to vector<8x1664xf32>
    %sub3A_584 = vector.broadcast %select_n3A_460 : f32 to vector<8x1664xf32>
    %sub3A_585 = arith.subf %get3A_583, %sub3A_584 : vector<8x1664xf32>
    %max3A_586 = arith.constant 0.000000e+00 : f32
    %max3A_587 = vector.broadcast %max3A_586 : f32 to vector<8x1664xf32>
    %max3A_588 = arith.maximumf %sub3A_585, %max3A_587 : vector<8x1664xf32>
    %add3A_589 = arith.addf %add3A_570, %max3A_588 : vector<8x1664xf32>
    %gt3A_590 = vector.broadcast %select_n3A_460 : f32 to vector<8x1664xf32>
    %gt3A_591 = arith.cmpf ogt, %get3A_583, %gt3A_590 : vector<8x1664xf32>
    %jit3A_592 = arith.constant 1.000000e+00 : f32
    %jit3A_593 = arith.constant 0.000000e+00 : f32
    %broadcast_in_dim3A_594 = vector.broadcast %jit3A_592 : f32 to vector<8x1664xf32>
    %broadcast_in_dim3A_595 = vector.broadcast %jit3A_593 : f32 to vector<8x1664xf32>
    %select_n3A_596 = arith.select %gt3A_591, %broadcast_in_dim3A_594, %broadcast_in_dim3A_595 : vector<8x1664xi1>, vector<8x1664xf32>
    %add3A_597 = arith.addf %add3A_578, %select_n3A_596 : vector<8x1664xf32>
    %get3A_598 = arith.constant 0 : index
    %get3A_599 = arith.constant 0 : index
    %get3A_600 = arith.constant 11648 : index
    %get3A_601 = vector.load %arg5[%get3A_598, %get3A_599, %get3A_600] : memref<2x8x13312xf32, #tpu.memory_space<vmem>>, vector<1x8x1664xf32>
    %get3A_602 = vector.shape_cast %get3A_601 : vector<1x8x1664xf32> to vector<8x1664xf32>
    %sub3A_603 = vector.broadcast %select_n3A_460 : f32 to vector<8x1664xf32>
    %sub3A_604 = arith.subf %get3A_602, %sub3A_603 : vector<8x1664xf32>
    %max3A_605 = arith.constant 0.000000e+00 : f32
    %max3A_606 = vector.broadcast %max3A_605 : f32 to vector<8x1664xf32>
    %max3A_607 = arith.maximumf %sub3A_604, %max3A_606 : vector<8x1664xf32>
    %add3A_608 = arith.addf %add3A_589, %max3A_607 : vector<8x1664xf32>
    %gt3A_609 = vector.broadcast %select_n3A_460 : f32 to vector<8x1664xf32>
    %gt3A_610 = arith.cmpf ogt, %get3A_602, %gt3A_609 : vector<8x1664xf32>
    %jit3A_611 = arith.constant 1.000000e+00 : f32
    %jit3A_612 = arith.constant 0.000000e+00 : f32
    %broadcast_in_dim3A_613 = vector.broadcast %jit3A_611 : f32 to vector<8x1664xf32>
    %broadcast_in_dim3A_614 = vector.broadcast %jit3A_612 : f32 to vector<8x1664xf32>
    %select_n3A_615 = arith.select %gt3A_610, %broadcast_in_dim3A_613, %broadcast_in_dim3A_614 : vector<8x1664xi1>, vector<8x1664xf32>
    %add3A_616 = arith.addf %add3A_597, %select_n3A_615 : vector<8x1664xf32>
    %slice3A_617 = vector.extract_strided_slice %add3A_608 {offsets = [0, 0], sizes = [8, 896], strides = [1, 1]} : vector<8x1664xf32> to vector<8x896xf32>
    %slice3A_618 = vector.extract_strided_slice %add3A_608 {offsets = [0, 896], sizes = [8, 768], strides = [1, 1]} : vector<8x1664xf32> to vector<8x768xf32>
    %broadcast_in_dim3A_619 = arith.constant 0.000000e+00 : f32
    %broadcast_in_dim3A_620 = vector.broadcast %broadcast_in_dim3A_619 : f32 to vector<8x128xf32>
    %concatenate3A_621 = tpu.concatenate %slice3A_618, %broadcast_in_dim3A_620 in 1 : vector<8x768xf32>, vector<8x128xf32> -> vector<8x896xf32>
    %add3A_622 = arith.addf %slice3A_617, %concatenate3A_621 : vector<8x896xf32>
    %slice3A_623 = vector.extract_strided_slice %add3A_622 {offsets = [0, 0], sizes = [8, 512], strides = [1, 1]} : vector<8x896xf32> to vector<8x512xf32>
    %slice3A_624 = vector.extract_strided_slice %add3A_622 {offsets = [0, 512], sizes = [8, 384], strides = [1, 1]} : vector<8x896xf32> to vector<8x384xf32>
    %broadcast_in_dim3A_625 = arith.constant 0.000000e+00 : f32
    %broadcast_in_dim3A_626 = vector.broadcast %broadcast_in_dim3A_625 : f32 to vector<8x128xf32>
    %concatenate3A_627 = tpu.concatenate %slice3A_624, %broadcast_in_dim3A_626 in 1 : vector<8x384xf32>, vector<8x128xf32> -> vector<8x512xf32>
    %add3A_628 = arith.addf %slice3A_623, %concatenate3A_627 : vector<8x512xf32>
    %slice3A_629 = vector.extract_strided_slice %add3A_628 {offsets = [0, 0], sizes = [8, 256], strides = [1, 1]} : vector<8x512xf32> to vector<8x256xf32>
    %slice3A_630 = vector.extract_strided_slice %add3A_628 {offsets = [0, 256], sizes = [8, 256], strides = [1, 1]} : vector<8x512xf32> to vector<8x256xf32>
    %add3A_631 = arith.addf %slice3A_629, %slice3A_630 : vector<8x256xf32>
    %slice3A_632 = vector.extract_strided_slice %add3A_631 {offsets = [0, 0], sizes = [8, 128], strides = [1, 1]} : vector<8x256xf32> to vector<8x128xf32>
    %slice3A_633 = vector.extract_strided_slice %add3A_631 {offsets = [0, 128], sizes = [8, 128], strides = [1, 1]} : vector<8x256xf32> to vector<8x128xf32>
    %add3A_634 = arith.addf %slice3A_632, %slice3A_633 : vector<8x128xf32>
    %reduce_sum3A_635 = vector.shape_cast %add3A_634 : vector<8x128xf32> to vector<1x8x128xf32>
    %reduce_sum3A_636 = arith.constant dense<0.000000e+00> : vector<1xf32>
    %reduce_sum3A_637 = vector.multi_reduction <add>, %reduce_sum3A_635, %reduce_sum3A_636 [1, 2] : vector<1x8x128xf32> to vector<1xf32>
    %reduce_sum3A_638 = vector.shape_cast %reduce_sum3A_637 : vector<1xf32> to vector<1x1x1xf32>
    %reduce_sum3A_639 = vector.extract %reduce_sum3A_638[0, 0, 0] : f32 from vector<1x1x1xf32>
    %slice3A_640 = vector.extract_strided_slice %add3A_616 {offsets = [0, 0], sizes = [8, 896], strides = [1, 1]} : vector<8x1664xf32> to vector<8x896xf32>
    %slice3A_641 = vector.extract_strided_slice %add3A_616 {offsets = [0, 896], sizes = [8, 768], strides = [1, 1]} : vector<8x1664xf32> to vector<8x768xf32>
    %broadcast_in_dim3A_642 = arith.constant 0.000000e+00 : f32
    %broadcast_in_dim3A_643 = vector.broadcast %broadcast_in_dim3A_642 : f32 to vector<8x128xf32>
    %concatenate3A_644 = tpu.concatenate %slice3A_641, %broadcast_in_dim3A_643 in 1 : vector<8x768xf32>, vector<8x128xf32> -> vector<8x896xf32>
    %add3A_645 = arith.addf %slice3A_640, %concatenate3A_644 : vector<8x896xf32>
    %slice3A_646 = vector.extract_strided_slice %add3A_645 {offsets = [0, 0], sizes = [8, 512], strides = [1, 1]} : vector<8x896xf32> to vector<8x512xf32>
    %slice3A_647 = vector.extract_strided_slice %add3A_645 {offsets = [0, 512], sizes = [8, 384], strides = [1, 1]} : vector<8x896xf32> to vector<8x384xf32>
    %broadcast_in_dim3A_648 = arith.constant 0.000000e+00 : f32
    %broadcast_in_dim3A_649 = vector.broadcast %broadcast_in_dim3A_648 : f32 to vector<8x128xf32>
    %concatenate3A_650 = tpu.concatenate %slice3A_647, %broadcast_in_dim3A_649 in 1 : vector<8x384xf32>, vector<8x128xf32> -> vector<8x512xf32>
    %add3A_651 = arith.addf %slice3A_646, %concatenate3A_650 : vector<8x512xf32>
    %slice3A_652 = vector.extract_strided_slice %add3A_651 {offsets = [0, 0], sizes = [8, 256], strides = [1, 1]} : vector<8x512xf32> to vector<8x256xf32>
    %slice3A_653 = vector.extract_strided_slice %add3A_651 {offsets = [0, 256], sizes = [8, 256], strides = [1, 1]} : vector<8x512xf32> to vector<8x256xf32>
    %add3A_654 = arith.addf %slice3A_652, %slice3A_653 : vector<8x256xf32>
    %slice3A_655 = vector.extract_strided_slice %add3A_654 {offsets = [0, 0], sizes = [8, 128], strides = [1, 1]} : vector<8x256xf32> to vector<8x128xf32>
    %slice3A_656 = vector.extract_strided_slice %add3A_654 {offsets = [0, 128], sizes = [8, 128], strides = [1, 1]} : vector<8x256xf32> to vector<8x128xf32>
    %add3A_657 = arith.addf %slice3A_655, %slice3A_656 : vector<8x128xf32>
    %reduce_sum3A_658 = vector.shape_cast %add3A_657 : vector<8x128xf32> to vector<1x8x128xf32>
    %reduce_sum3A_659 = arith.constant dense<0.000000e+00> : vector<1xf32>
    %reduce_sum3A_660 = vector.multi_reduction <add>, %reduce_sum3A_658, %reduce_sum3A_659 [1, 2] : vector<1x8x128xf32> to vector<1xf32>
    %reduce_sum3A_661 = vector.shape_cast %reduce_sum3A_660 : vector<1xf32> to vector<1x1x1xf32>
    %reduce_sum3A_662 = vector.extract %reduce_sum3A_661[0, 0, 0] : f32 from vector<1x1x1xf32>
    %gt3A_663 = arith.constant 0.000000e+00 : f32
    %gt3A_664 = arith.cmpf ogt, %reduce_sum3A_662, %gt3A_663 : f32
    %sub3A_665 = arith.constant 1.000000e+00 : f32
    %sub3A_666 = arith.subf %reduce_sum3A_639, %sub3A_665 : f32
    %div3A_667 = arith.divf %sub3A_666, %reduce_sum3A_662 : f32
    %add3A_668 = arith.addf %select_n3A_460, %div3A_667 : f32
    %select_n3A_669 = arith.select %gt3A_664, %add3A_668, %select_n3A_460 : f32
    %broadcast_in_dim3A_670 = arith.constant 0.000000e+00 : f32
    %broadcast_in_dim3A_671 = vector.broadcast %broadcast_in_dim3A_670 : f32 to vector<8x1664xf32>
    %broadcast_in_dim3A_672 = arith.constant 0.000000e+00 : f32
    %broadcast_in_dim3A_673 = vector.broadcast %broadcast_in_dim3A_672 : f32 to vector<8x1664xf32>
    %get3A_674 = arith.constant 0 : index
    %get3A_675 = arith.constant 0 : index
    %get3A_676 = arith.constant 0 : index
    %get3A_677 = vector.load %arg5[%get3A_674, %get3A_675, %get3A_676] : memref<2x8x13312xf32, #tpu.memory_space<vmem>>, vector<1x8x1664xf32>
    %get3A_678 = vector.shape_cast %get3A_677 : vector<1x8x1664xf32> to vector<8x1664xf32>
    %sub3A_679 = vector.broadcast %select_n3A_669 : f32 to vector<8x1664xf32>
    %sub3A_680 = arith.subf %get3A_678, %sub3A_679 : vector<8x1664xf32>
    %max3A_681 = arith.constant 0.000000e+00 : f32
    %max3A_682 = vector.broadcast %max3A_681 : f32 to vector<8x1664xf32>
    %max3A_683 = arith.maximumf %sub3A_680, %max3A_682 : vector<8x1664xf32>
    %add3A_684 = arith.addf %broadcast_in_dim3A_671, %max3A_683 : vector<8x1664xf32>
    %gt3A_685 = vector.broadcast %select_n3A_669 : f32 to vector<8x1664xf32>
    %gt3A_686 = arith.cmpf ogt, %get3A_678, %gt3A_685 : vector<8x1664xf32>
    %jit3A_687 = arith.constant 1.000000e+00 : f32
    %jit3A_688 = arith.constant 0.000000e+00 : f32
    %broadcast_in_dim3A_689 = vector.broadcast %jit3A_687 : f32 to vector<8x1664xf32>
    %broadcast_in_dim3A_690 = vector.broadcast %jit3A_688 : f32 to vector<8x1664xf32>
    %select_n3A_691 = arith.select %gt3A_686, %broadcast_in_dim3A_689, %broadcast_in_dim3A_690 : vector<8x1664xi1>, vector<8x1664xf32>
    %add3A_692 = arith.addf %broadcast_in_dim3A_673, %select_n3A_691 : vector<8x1664xf32>
    %get3A_693 = arith.constant 0 : index
    %get3A_694 = arith.constant 0 : index
    %get3A_695 = arith.constant 1664 : index
    %get3A_696 = vector.load %arg5[%get3A_693, %get3A_694, %get3A_695] : memref<2x8x13312xf32, #tpu.memory_space<vmem>>, vector<1x8x1664xf32>
    %get3A_697 = vector.shape_cast %get3A_696 : vector<1x8x1664xf32> to vector<8x1664xf32>
    %sub3A_698 = vector.broadcast %select_n3A_669 : f32 to vector<8x1664xf32>
    %sub3A_699 = arith.subf %get3A_697, %sub3A_698 : vector<8x1664xf32>
    %max3A_700 = arith.constant 0.000000e+00 : f32
    %max3A_701 = vector.broadcast %max3A_700 : f32 to vector<8x1664xf32>
    %max3A_702 = arith.maximumf %sub3A_699, %max3A_701 : vector<8x1664xf32>
    %add3A_703 = arith.addf %add3A_684, %max3A_702 : vector<8x1664xf32>
    %gt3A_704 = vector.broadcast %select_n3A_669 : f32 to vector<8x1664xf32>
    %gt3A_705 = arith.cmpf ogt, %get3A_697, %gt3A_704 : vector<8x1664xf32>
    %jit3A_706 = arith.constant 1.000000e+00 : f32
    %jit3A_707 = arith.constant 0.000000e+00 : f32
    %broadcast_in_dim3A_708 = vector.broadcast %jit3A_706 : f32 to vector<8x1664xf32>
    %broadcast_in_dim3A_709 = vector.broadcast %jit3A_707 : f32 to vector<8x1664xf32>
    %select_n3A_710 = arith.select %gt3A_705, %broadcast_in_dim3A_708, %broadcast_in_dim3A_709 : vector<8x1664xi1>, vector<8x1664xf32>
    %add3A_711 = arith.addf %add3A_692, %select_n3A_710 : vector<8x1664xf32>
    %get3A_712 = arith.constant 0 : index
    %get3A_713 = arith.constant 0 : index
    %get3A_714 = arith.constant 3328 : index
    %get3A_715 = vector.load %arg5[%get3A_712, %get3A_713, %get3A_714] : memref<2x8x13312xf32, #tpu.memory_space<vmem>>, vector<1x8x1664xf32>
    %get3A_716 = vector.shape_cast %get3A_715 : vector<1x8x1664xf32> to vector<8x1664xf32>
    %sub3A_717 = vector.broadcast %select_n3A_669 : f32 to vector<8x1664xf32>
    %sub3A_718 = arith.subf %get3A_716, %sub3A_717 : vector<8x1664xf32>
    %max3A_719 = arith.constant 0.000000e+00 : f32
    %max3A_720 = vector.broadcast %max3A_719 : f32 to vector<8x1664xf32>
    %max3A_721 = arith.maximumf %sub3A_718, %max3A_720 : vector<8x1664xf32>
    %add3A_722 = arith.addf %add3A_703, %max3A_721 : vector<8x1664xf32>
    %gt3A_723 = vector.broadcast %select_n3A_669 : f32 to vector<8x1664xf32>
    %gt3A_724 = arith.cmpf ogt, %get3A_716, %gt3A_723 : vector<8x1664xf32>
    %jit3A_725 = arith.constant 1.000000e+00 : f32
    %jit3A_726 = arith.constant 0.000000e+00 : f32
    %broadcast_in_dim3A_727 = vector.broadcast %jit3A_725 : f32 to vector<8x1664xf32>
    %broadcast_in_dim3A_728 = vector.broadcast %jit3A_726 : f32 to vector<8x1664xf32>
    %select_n3A_729 = arith.select %gt3A_724, %broadcast_in_dim3A_727, %broadcast_in_dim3A_728 : vector<8x1664xi1>, vector<8x1664xf32>
    %add3A_730 = arith.addf %add3A_711, %select_n3A_729 : vector<8x1664xf32>
    %get3A_731 = arith.constant 0 : index
    %get3A_732 = arith.constant 0 : index
    %get3A_733 = arith.constant 4992 : index
    %get3A_734 = vector.load %arg5[%get3A_731, %get3A_732, %get3A_733] : memref<2x8x13312xf32, #tpu.memory_space<vmem>>, vector<1x8x1664xf32>
    %get3A_735 = vector.shape_cast %get3A_734 : vector<1x8x1664xf32> to vector<8x1664xf32>
    %sub3A_736 = vector.broadcast %select_n3A_669 : f32 to vector<8x1664xf32>
    %sub3A_737 = arith.subf %get3A_735, %sub3A_736 : vector<8x1664xf32>
    %max3A_738 = arith.constant 0.000000e+00 : f32
    %max3A_739 = vector.broadcast %max3A_738 : f32 to vector<8x1664xf32>
    %max3A_740 = arith.maximumf %sub3A_737, %max3A_739 : vector<8x1664xf32>
    %add3A_741 = arith.addf %add3A_722, %max3A_740 : vector<8x1664xf32>
    %gt3A_742 = vector.broadcast %select_n3A_669 : f32 to vector<8x1664xf32>
    %gt3A_743 = arith.cmpf ogt, %get3A_735, %gt3A_742 : vector<8x1664xf32>
    %jit3A_744 = arith.constant 1.000000e+00 : f32
    %jit3A_745 = arith.constant 0.000000e+00 : f32
    %broadcast_in_dim3A_746 = vector.broadcast %jit3A_744 : f32 to vector<8x1664xf32>
    %broadcast_in_dim3A_747 = vector.broadcast %jit3A_745 : f32 to vector<8x1664xf32>
    %select_n3A_748 = arith.select %gt3A_743, %broadcast_in_dim3A_746, %broadcast_in_dim3A_747 : vector<8x1664xi1>, vector<8x1664xf32>
    %add3A_749 = arith.addf %add3A_730, %select_n3A_748 : vector<8x1664xf32>
    %get3A_750 = arith.constant 0 : index
    %get3A_751 = arith.constant 0 : index
    %get3A_752 = arith.constant 6656 : index
    %get3A_753 = vector.load %arg5[%get3A_750, %get3A_751, %get3A_752] : memref<2x8x13312xf32, #tpu.memory_space<vmem>>, vector<1x8x1664xf32>
    %get3A_754 = vector.shape_cast %get3A_753 : vector<1x8x1664xf32> to vector<8x1664xf32>
    %sub3A_755 = vector.broadcast %select_n3A_669 : f32 to vector<8x1664xf32>
    %sub3A_756 = arith.subf %get3A_754, %sub3A_755 : vector<8x1664xf32>
    %max3A_757 = arith.constant 0.000000e+00 : f32
    %max3A_758 = vector.broadcast %max3A_757 : f32 to vector<8x1664xf32>
    %max3A_759 = arith.maximumf %sub3A_756, %max3A_758 : vector<8x1664xf32>
    %add3A_760 = arith.addf %add3A_741, %max3A_759 : vector<8x1664xf32>
    %gt3A_761 = vector.broadcast %select_n3A_669 : f32 to vector<8x1664xf32>
    %gt3A_762 = arith.cmpf ogt, %get3A_754, %gt3A_761 : vector<8x1664xf32>
    %jit3A_763 = arith.constant 1.000000e+00 : f32
    %jit3A_764 = arith.constant 0.000000e+00 : f32
    %broadcast_in_dim3A_765 = vector.broadcast %jit3A_763 : f32 to vector<8x1664xf32>
    %broadcast_in_dim3A_766 = vector.broadcast %jit3A_764 : f32 to vector<8x1664xf32>
    %select_n3A_767 = arith.select %gt3A_762, %broadcast_in_dim3A_765, %broadcast_in_dim3A_766 : vector<8x1664xi1>, vector<8x1664xf32>
    %add3A_768 = arith.addf %add3A_749, %select_n3A_767 : vector<8x1664xf32>
    %get3A_769 = arith.constant 0 : index
    %get3A_770 = arith.constant 0 : index
    %get3A_771 = arith.constant 8320 : index
    %get3A_772 = vector.load %arg5[%get3A_769, %get3A_770, %get3A_771] : memref<2x8x13312xf32, #tpu.memory_space<vmem>>, vector<1x8x1664xf32>
    %get3A_773 = vector.shape_cast %get3A_772 : vector<1x8x1664xf32> to vector<8x1664xf32>
    %sub3A_774 = vector.broadcast %select_n3A_669 : f32 to vector<8x1664xf32>
    %sub3A_775 = arith.subf %get3A_773, %sub3A_774 : vector<8x1664xf32>
    %max3A_776 = arith.constant 0.000000e+00 : f32
    %max3A_777 = vector.broadcast %max3A_776 : f32 to vector<8x1664xf32>
    %max3A_778 = arith.maximumf %sub3A_775, %max3A_777 : vector<8x1664xf32>
    %add3A_779 = arith.addf %add3A_760, %max3A_778 : vector<8x1664xf32>
    %gt3A_780 = vector.broadcast %select_n3A_669 : f32 to vector<8x1664xf32>
    %gt3A_781 = arith.cmpf ogt, %get3A_773, %gt3A_780 : vector<8x1664xf32>
    %jit3A_782 = arith.constant 1.000000e+00 : f32
    %jit3A_783 = arith.constant 0.000000e+00 : f32
    %broadcast_in_dim3A_784 = vector.broadcast %jit3A_782 : f32 to vector<8x1664xf32>
    %broadcast_in_dim3A_785 = vector.broadcast %jit3A_783 : f32 to vector<8x1664xf32>
    %select_n3A_786 = arith.select %gt3A_781, %broadcast_in_dim3A_784, %broadcast_in_dim3A_785 : vector<8x1664xi1>, vector<8x1664xf32>
    %add3A_787 = arith.addf %add3A_768, %select_n3A_786 : vector<8x1664xf32>
    %get3A_788 = arith.constant 0 : index
    %get3A_789 = arith.constant 0 : index
    %get3A_790 = arith.constant 9984 : index
    %get3A_791 = vector.load %arg5[%get3A_788, %get3A_789, %get3A_790] : memref<2x8x13312xf32, #tpu.memory_space<vmem>>, vector<1x8x1664xf32>
    %get3A_792 = vector.shape_cast %get3A_791 : vector<1x8x1664xf32> to vector<8x1664xf32>
    %sub3A_793 = vector.broadcast %select_n3A_669 : f32 to vector<8x1664xf32>
    %sub3A_794 = arith.subf %get3A_792, %sub3A_793 : vector<8x1664xf32>
    %max3A_795 = arith.constant 0.000000e+00 : f32
    %max3A_796 = vector.broadcast %max3A_795 : f32 to vector<8x1664xf32>
    %max3A_797 = arith.maximumf %sub3A_794, %max3A_796 : vector<8x1664xf32>
    %add3A_798 = arith.addf %add3A_779, %max3A_797 : vector<8x1664xf32>
    %gt3A_799 = vector.broadcast %select_n3A_669 : f32 to vector<8x1664xf32>
    %gt3A_800 = arith.cmpf ogt, %get3A_792, %gt3A_799 : vector<8x1664xf32>
    %jit3A_801 = arith.constant 1.000000e+00 : f32
    %jit3A_802 = arith.constant 0.000000e+00 : f32
    %broadcast_in_dim3A_803 = vector.broadcast %jit3A_801 : f32 to vector<8x1664xf32>
    %broadcast_in_dim3A_804 = vector.broadcast %jit3A_802 : f32 to vector<8x1664xf32>
    %select_n3A_805 = arith.select %gt3A_800, %broadcast_in_dim3A_803, %broadcast_in_dim3A_804 : vector<8x1664xi1>, vector<8x1664xf32>
    %add3A_806 = arith.addf %add3A_787, %select_n3A_805 : vector<8x1664xf32>
    %get3A_807 = arith.constant 0 : index
    %get3A_808 = arith.constant 0 : index
    %get3A_809 = arith.constant 11648 : index
    %get3A_810 = vector.load %arg5[%get3A_807, %get3A_808, %get3A_809] : memref<2x8x13312xf32, #tpu.memory_space<vmem>>, vector<1x8x1664xf32>
    %get3A_811 = vector.shape_cast %get3A_810 : vector<1x8x1664xf32> to vector<8x1664xf32>
    %sub3A_812 = vector.broadcast %select_n3A_669 : f32 to vector<8x1664xf32>
    %sub3A_813 = arith.subf %get3A_811, %sub3A_812 : vector<8x1664xf32>
    %max3A_814 = arith.constant 0.000000e+00 : f32
    %max3A_815 = vector.broadcast %max3A_814 : f32 to vector<8x1664xf32>
    %max3A_816 = arith.maximumf %sub3A_813, %max3A_815 : vector<8x1664xf32>
    %add3A_817 = arith.addf %add3A_798, %max3A_816 : vector<8x1664xf32>
    %gt3A_818 = vector.broadcast %select_n3A_669 : f32 to vector<8x1664xf32>
    %gt3A_819 = arith.cmpf ogt, %get3A_811, %gt3A_818 : vector<8x1664xf32>
    %jit3A_820 = arith.constant 1.000000e+00 : f32
    %jit3A_821 = arith.constant 0.000000e+00 : f32
    %broadcast_in_dim3A_822 = vector.broadcast %jit3A_820 : f32 to vector<8x1664xf32>
    %broadcast_in_dim3A_823 = vector.broadcast %jit3A_821 : f32 to vector<8x1664xf32>
    %select_n3A_824 = arith.select %gt3A_819, %broadcast_in_dim3A_822, %broadcast_in_dim3A_823 : vector<8x1664xi1>, vector<8x1664xf32>
    %add3A_825 = arith.addf %add3A_806, %select_n3A_824 : vector<8x1664xf32>
    %slice3A_826 = vector.extract_strided_slice %add3A_817 {offsets = [0, 0], sizes = [8, 896], strides = [1, 1]} : vector<8x1664xf32> to vector<8x896xf32>
    %slice3A_827 = vector.extract_strided_slice %add3A_817 {offsets = [0, 896], sizes = [8, 768], strides = [1, 1]} : vector<8x1664xf32> to vector<8x768xf32>
    %broadcast_in_dim3A_828 = arith.constant 0.000000e+00 : f32
    %broadcast_in_dim3A_829 = vector.broadcast %broadcast_in_dim3A_828 : f32 to vector<8x128xf32>
    %concatenate3A_830 = tpu.concatenate %slice3A_827, %broadcast_in_dim3A_829 in 1 : vector<8x768xf32>, vector<8x128xf32> -> vector<8x896xf32>
    %add3A_831 = arith.addf %slice3A_826, %concatenate3A_830 : vector<8x896xf32>
    %slice3A_832 = vector.extract_strided_slice %add3A_831 {offsets = [0, 0], sizes = [8, 512], strides = [1, 1]} : vector<8x896xf32> to vector<8x512xf32>
    %slice3A_833 = vector.extract_strided_slice %add3A_831 {offsets = [0, 512], sizes = [8, 384], strides = [1, 1]} : vector<8x896xf32> to vector<8x384xf32>
    %broadcast_in_dim3A_834 = arith.constant 0.000000e+00 : f32
    %broadcast_in_dim3A_835 = vector.broadcast %broadcast_in_dim3A_834 : f32 to vector<8x128xf32>
    %concatenate3A_836 = tpu.concatenate %slice3A_833, %broadcast_in_dim3A_835 in 1 : vector<8x384xf32>, vector<8x128xf32> -> vector<8x512xf32>
    %add3A_837 = arith.addf %slice3A_832, %concatenate3A_836 : vector<8x512xf32>
    %slice3A_838 = vector.extract_strided_slice %add3A_837 {offsets = [0, 0], sizes = [8, 256], strides = [1, 1]} : vector<8x512xf32> to vector<8x256xf32>
    %slice3A_839 = vector.extract_strided_slice %add3A_837 {offsets = [0, 256], sizes = [8, 256], strides = [1, 1]} : vector<8x512xf32> to vector<8x256xf32>
    %add3A_840 = arith.addf %slice3A_838, %slice3A_839 : vector<8x256xf32>
    %slice3A_841 = vector.extract_strided_slice %add3A_840 {offsets = [0, 0], sizes = [8, 128], strides = [1, 1]} : vector<8x256xf32> to vector<8x128xf32>
    %slice3A_842 = vector.extract_strided_slice %add3A_840 {offsets = [0, 128], sizes = [8, 128], strides = [1, 1]} : vector<8x256xf32> to vector<8x128xf32>
    %add3A_843 = arith.addf %slice3A_841, %slice3A_842 : vector<8x128xf32>
    %reduce_sum3A_844 = vector.shape_cast %add3A_843 : vector<8x128xf32> to vector<1x8x128xf32>
    %reduce_sum3A_845 = arith.constant dense<0.000000e+00> : vector<1xf32>
    %reduce_sum3A_846 = vector.multi_reduction <add>, %reduce_sum3A_844, %reduce_sum3A_845 [1, 2] : vector<1x8x128xf32> to vector<1xf32>
    %reduce_sum3A_847 = vector.shape_cast %reduce_sum3A_846 : vector<1xf32> to vector<1x1x1xf32>
    %reduce_sum3A_848 = vector.extract %reduce_sum3A_847[0, 0, 0] : f32 from vector<1x1x1xf32>
    %slice3A_849 = vector.extract_strided_slice %add3A_825 {offsets = [0, 0], sizes = [8, 896], strides = [1, 1]} : vector<8x1664xf32> to vector<8x896xf32>
    %slice3A_850 = vector.extract_strided_slice %add3A_825 {offsets = [0, 896], sizes = [8, 768], strides = [1, 1]} : vector<8x1664xf32> to vector<8x768xf32>
    %broadcast_in_dim3A_851 = arith.constant 0.000000e+00 : f32
    %broadcast_in_dim3A_852 = vector.broadcast %broadcast_in_dim3A_851 : f32 to vector<8x128xf32>
    %concatenate3A_853 = tpu.concatenate %slice3A_850, %broadcast_in_dim3A_852 in 1 : vector<8x768xf32>, vector<8x128xf32> -> vector<8x896xf32>
    %add3A_854 = arith.addf %slice3A_849, %concatenate3A_853 : vector<8x896xf32>
    %slice3A_855 = vector.extract_strided_slice %add3A_854 {offsets = [0, 0], sizes = [8, 512], strides = [1, 1]} : vector<8x896xf32> to vector<8x512xf32>
    %slice3A_856 = vector.extract_strided_slice %add3A_854 {offsets = [0, 512], sizes = [8, 384], strides = [1, 1]} : vector<8x896xf32> to vector<8x384xf32>
    %broadcast_in_dim3A_857 = arith.constant 0.000000e+00 : f32
    %broadcast_in_dim3A_858 = vector.broadcast %broadcast_in_dim3A_857 : f32 to vector<8x128xf32>
    %concatenate3A_859 = tpu.concatenate %slice3A_856, %broadcast_in_dim3A_858 in 1 : vector<8x384xf32>, vector<8x128xf32> -> vector<8x512xf32>
    %add3A_860 = arith.addf %slice3A_855, %concatenate3A_859 : vector<8x512xf32>
    %slice3A_861 = vector.extract_strided_slice %add3A_860 {offsets = [0, 0], sizes = [8, 256], strides = [1, 1]} : vector<8x512xf32> to vector<8x256xf32>
    %slice3A_862 = vector.extract_strided_slice %add3A_860 {offsets = [0, 256], sizes = [8, 256], strides = [1, 1]} : vector<8x512xf32> to vector<8x256xf32>
    %add3A_863 = arith.addf %slice3A_861, %slice3A_862 : vector<8x256xf32>
    %slice3A_864 = vector.extract_strided_slice %add3A_863 {offsets = [0, 0], sizes = [8, 128], strides = [1, 1]} : vector<8x256xf32> to vector<8x128xf32>
    %slice3A_865 = vector.extract_strided_slice %add3A_863 {offsets = [0, 128], sizes = [8, 128], strides = [1, 1]} : vector<8x256xf32> to vector<8x128xf32>
    %add3A_866 = arith.addf %slice3A_864, %slice3A_865 : vector<8x128xf32>
    %reduce_sum3A_867 = vector.shape_cast %add3A_866 : vector<8x128xf32> to vector<1x8x128xf32>
    %reduce_sum3A_868 = arith.constant dense<0.000000e+00> : vector<1xf32>
    %reduce_sum3A_869 = vector.multi_reduction <add>, %reduce_sum3A_867, %reduce_sum3A_868 [1, 2] : vector<1x8x128xf32> to vector<1xf32>
    %reduce_sum3A_870 = vector.shape_cast %reduce_sum3A_869 : vector<1xf32> to vector<1x1x1xf32>
    %reduce_sum3A_871 = vector.extract %reduce_sum3A_870[0, 0, 0] : f32 from vector<1x1x1xf32>
    %gt3A_872 = arith.constant 0.000000e+00 : f32
    %gt3A_873 = arith.cmpf ogt, %reduce_sum3A_871, %gt3A_872 : f32
    %sub3A_874 = arith.constant 1.000000e+00 : f32
    %sub3A_875 = arith.subf %reduce_sum3A_848, %sub3A_874 : f32
    %div3A_876 = arith.divf %sub3A_875, %reduce_sum3A_871 : f32
    %add3A_877 = arith.addf %select_n3A_669, %div3A_876 : f32
    %select_n3A_878 = arith.select %gt3A_873, %add3A_877, %select_n3A_669 : f32
    %broadcast_in_dim3A_879 = arith.constant 0.000000e+00 : f32
    %broadcast_in_dim3A_880 = vector.broadcast %broadcast_in_dim3A_879 : f32 to vector<8x1664xf32>
    %broadcast_in_dim3A_881 = arith.constant 0.000000e+00 : f32
    %broadcast_in_dim3A_882 = vector.broadcast %broadcast_in_dim3A_881 : f32 to vector<8x1664xf32>
    %get3A_883 = arith.constant 0 : index
    %get3A_884 = arith.constant 0 : index
    %get3A_885 = arith.constant 0 : index
    %get3A_886 = vector.load %arg5[%get3A_883, %get3A_884, %get3A_885] : memref<2x8x13312xf32, #tpu.memory_space<vmem>>, vector<1x8x1664xf32>
    %get3A_887 = vector.shape_cast %get3A_886 : vector<1x8x1664xf32> to vector<8x1664xf32>
    %sub3A_888 = vector.broadcast %select_n3A_878 : f32 to vector<8x1664xf32>
    %sub3A_889 = arith.subf %get3A_887, %sub3A_888 : vector<8x1664xf32>
    %max3A_890 = arith.constant 0.000000e+00 : f32
    %max3A_891 = vector.broadcast %max3A_890 : f32 to vector<8x1664xf32>
    %max3A_892 = arith.maximumf %sub3A_889, %max3A_891 : vector<8x1664xf32>
    %add3A_893 = arith.addf %broadcast_in_dim3A_880, %max3A_892 : vector<8x1664xf32>
    %gt3A_894 = vector.broadcast %select_n3A_878 : f32 to vector<8x1664xf32>
    %gt3A_895 = arith.cmpf ogt, %get3A_887, %gt3A_894 : vector<8x1664xf32>
    %jit3A_896 = arith.constant 1.000000e+00 : f32
    %jit3A_897 = arith.constant 0.000000e+00 : f32
    %broadcast_in_dim3A_898 = vector.broadcast %jit3A_896 : f32 to vector<8x1664xf32>
    %broadcast_in_dim3A_899 = vector.broadcast %jit3A_897 : f32 to vector<8x1664xf32>
    %select_n3A_900 = arith.select %gt3A_895, %broadcast_in_dim3A_898, %broadcast_in_dim3A_899 : vector<8x1664xi1>, vector<8x1664xf32>
    %add3A_901 = arith.addf %broadcast_in_dim3A_882, %select_n3A_900 : vector<8x1664xf32>
    %get3A_902 = arith.constant 0 : index
    %get3A_903 = arith.constant 0 : index
    %get3A_904 = arith.constant 1664 : index
    %get3A_905 = vector.load %arg5[%get3A_902, %get3A_903, %get3A_904] : memref<2x8x13312xf32, #tpu.memory_space<vmem>>, vector<1x8x1664xf32>
    %get3A_906 = vector.shape_cast %get3A_905 : vector<1x8x1664xf32> to vector<8x1664xf32>
    %sub3A_907 = vector.broadcast %select_n3A_878 : f32 to vector<8x1664xf32>
    %sub3A_908 = arith.subf %get3A_906, %sub3A_907 : vector<8x1664xf32>
    %max3A_909 = arith.constant 0.000000e+00 : f32
    %max3A_910 = vector.broadcast %max3A_909 : f32 to vector<8x1664xf32>
    %max3A_911 = arith.maximumf %sub3A_908, %max3A_910 : vector<8x1664xf32>
    %add3A_912 = arith.addf %add3A_893, %max3A_911 : vector<8x1664xf32>
    %gt3A_913 = vector.broadcast %select_n3A_878 : f32 to vector<8x1664xf32>
    %gt3A_914 = arith.cmpf ogt, %get3A_906, %gt3A_913 : vector<8x1664xf32>
    %jit3A_915 = arith.constant 1.000000e+00 : f32
    %jit3A_916 = arith.constant 0.000000e+00 : f32
    %broadcast_in_dim3A_917 = vector.broadcast %jit3A_915 : f32 to vector<8x1664xf32>
    %broadcast_in_dim3A_918 = vector.broadcast %jit3A_916 : f32 to vector<8x1664xf32>
    %select_n3A_919 = arith.select %gt3A_914, %broadcast_in_dim3A_917, %broadcast_in_dim3A_918 : vector<8x1664xi1>, vector<8x1664xf32>
    %add3A_920 = arith.addf %add3A_901, %select_n3A_919 : vector<8x1664xf32>
    %get3A_921 = arith.constant 0 : index
    %get3A_922 = arith.constant 0 : index
    %get3A_923 = arith.constant 3328 : index
    %get3A_924 = vector.load %arg5[%get3A_921, %get3A_922, %get3A_923] : memref<2x8x13312xf32, #tpu.memory_space<vmem>>, vector<1x8x1664xf32>
    %get3A_925 = vector.shape_cast %get3A_924 : vector<1x8x1664xf32> to vector<8x1664xf32>
    %sub3A_926 = vector.broadcast %select_n3A_878 : f32 to vector<8x1664xf32>
    %sub3A_927 = arith.subf %get3A_925, %sub3A_926 : vector<8x1664xf32>
    %max3A_928 = arith.constant 0.000000e+00 : f32
    %max3A_929 = vector.broadcast %max3A_928 : f32 to vector<8x1664xf32>
    %max3A_930 = arith.maximumf %sub3A_927, %max3A_929 : vector<8x1664xf32>
    %add3A_931 = arith.addf %add3A_912, %max3A_930 : vector<8x1664xf32>
    %gt3A_932 = vector.broadcast %select_n3A_878 : f32 to vector<8x1664xf32>
    %gt3A_933 = arith.cmpf ogt, %get3A_925, %gt3A_932 : vector<8x1664xf32>
    %jit3A_934 = arith.constant 1.000000e+00 : f32
    %jit3A_935 = arith.constant 0.000000e+00 : f32
    %broadcast_in_dim3A_936 = vector.broadcast %jit3A_934 : f32 to vector<8x1664xf32>
    %broadcast_in_dim3A_937 = vector.broadcast %jit3A_935 : f32 to vector<8x1664xf32>
    %select_n3A_938 = arith.select %gt3A_933, %broadcast_in_dim3A_936, %broadcast_in_dim3A_937 : vector<8x1664xi1>, vector<8x1664xf32>
    %add3A_939 = arith.addf %add3A_920, %select_n3A_938 : vector<8x1664xf32>
    %get3A_940 = arith.constant 0 : index
    %get3A_941 = arith.constant 0 : index
    %get3A_942 = arith.constant 4992 : index
    %get3A_943 = vector.load %arg5[%get3A_940, %get3A_941, %get3A_942] : memref<2x8x13312xf32, #tpu.memory_space<vmem>>, vector<1x8x1664xf32>
    %get3A_944 = vector.shape_cast %get3A_943 : vector<1x8x1664xf32> to vector<8x1664xf32>
    %sub3A_945 = vector.broadcast %select_n3A_878 : f32 to vector<8x1664xf32>
    %sub3A_946 = arith.subf %get3A_944, %sub3A_945 : vector<8x1664xf32>
    %max3A_947 = arith.constant 0.000000e+00 : f32
    %max3A_948 = vector.broadcast %max3A_947 : f32 to vector<8x1664xf32>
    %max3A_949 = arith.maximumf %sub3A_946, %max3A_948 : vector<8x1664xf32>
    %add3A_950 = arith.addf %add3A_931, %max3A_949 : vector<8x1664xf32>
    %gt3A_951 = vector.broadcast %select_n3A_878 : f32 to vector<8x1664xf32>
    %gt3A_952 = arith.cmpf ogt, %get3A_944, %gt3A_951 : vector<8x1664xf32>
    %jit3A_953 = arith.constant 1.000000e+00 : f32
    %jit3A_954 = arith.constant 0.000000e+00 : f32
    %broadcast_in_dim3A_955 = vector.broadcast %jit3A_953 : f32 to vector<8x1664xf32>
    %broadcast_in_dim3A_956 = vector.broadcast %jit3A_954 : f32 to vector<8x1664xf32>
    %select_n3A_957 = arith.select %gt3A_952, %broadcast_in_dim3A_955, %broadcast_in_dim3A_956 : vector<8x1664xi1>, vector<8x1664xf32>
    %add3A_958 = arith.addf %add3A_939, %select_n3A_957 : vector<8x1664xf32>
    %get3A_959 = arith.constant 0 : index
    %get3A_960 = arith.constant 0 : index
    %get3A_961 = arith.constant 6656 : index
    %get3A_962 = vector.load %arg5[%get3A_959, %get3A_960, %get3A_961] : memref<2x8x13312xf32, #tpu.memory_space<vmem>>, vector<1x8x1664xf32>
    %get3A_963 = vector.shape_cast %get3A_962 : vector<1x8x1664xf32> to vector<8x1664xf32>
    %sub3A_964 = vector.broadcast %select_n3A_878 : f32 to vector<8x1664xf32>
    %sub3A_965 = arith.subf %get3A_963, %sub3A_964 : vector<8x1664xf32>
    %max3A_966 = arith.constant 0.000000e+00 : f32
    %max3A_967 = vector.broadcast %max3A_966 : f32 to vector<8x1664xf32>
    %max3A_968 = arith.maximumf %sub3A_965, %max3A_967 : vector<8x1664xf32>
    %add3A_969 = arith.addf %add3A_950, %max3A_968 : vector<8x1664xf32>
    %gt3A_970 = vector.broadcast %select_n3A_878 : f32 to vector<8x1664xf32>
    %gt3A_971 = arith.cmpf ogt, %get3A_963, %gt3A_970 : vector<8x1664xf32>
    %jit3A_972 = arith.constant 1.000000e+00 : f32
    %jit3A_973 = arith.constant 0.000000e+00 : f32
    %broadcast_in_dim3A_974 = vector.broadcast %jit3A_972 : f32 to vector<8x1664xf32>
    %broadcast_in_dim3A_975 = vector.broadcast %jit3A_973 : f32 to vector<8x1664xf32>
    %select_n3A_976 = arith.select %gt3A_971, %broadcast_in_dim3A_974, %broadcast_in_dim3A_975 : vector<8x1664xi1>, vector<8x1664xf32>
    %add3A_977 = arith.addf %add3A_958, %select_n3A_976 : vector<8x1664xf32>
    %get3A_978 = arith.constant 0 : index
    %get3A_979 = arith.constant 0 : index
    %get3A_980 = arith.constant 8320 : index
    %get3A_981 = vector.load %arg5[%get3A_978, %get3A_979, %get3A_980] : memref<2x8x13312xf32, #tpu.memory_space<vmem>>, vector<1x8x1664xf32>
    %get3A_982 = vector.shape_cast %get3A_981 : vector<1x8x1664xf32> to vector<8x1664xf32>
    %sub3A_983 = vector.broadcast %select_n3A_878 : f32 to vector<8x1664xf32>
    %sub3A_984 = arith.subf %get3A_982, %sub3A_983 : vector<8x1664xf32>
    %max3A_985 = arith.constant 0.000000e+00 : f32
    %max3A_986 = vector.broadcast %max3A_985 : f32 to vector<8x1664xf32>
    %max3A_987 = arith.maximumf %sub3A_984, %max3A_986 : vector<8x1664xf32>
    %add3A_988 = arith.addf %add3A_969, %max3A_987 : vector<8x1664xf32>
    %gt3A_989 = vector.broadcast %select_n3A_878 : f32 to vector<8x1664xf32>
    %gt3A_990 = arith.cmpf ogt, %get3A_982, %gt3A_989 : vector<8x1664xf32>
    %jit3A_991 = arith.constant 1.000000e+00 : f32
    %jit3A_992 = arith.constant 0.000000e+00 : f32
    %broadcast_in_dim3A_993 = vector.broadcast %jit3A_991 : f32 to vector<8x1664xf32>
    %broadcast_in_dim3A_994 = vector.broadcast %jit3A_992 : f32 to vector<8x1664xf32>
    %select_n3A_995 = arith.select %gt3A_990, %broadcast_in_dim3A_993, %broadcast_in_dim3A_994 : vector<8x1664xi1>, vector<8x1664xf32>
    %add3A_996 = arith.addf %add3A_977, %select_n3A_995 : vector<8x1664xf32>
    %get3A_997 = arith.constant 0 : index
    %get3A_998 = arith.constant 0 : index
    %get3A_999 = arith.constant 9984 : index
    %get3A_1000 = vector.load %arg5[%get3A_997, %get3A_998, %get3A_999] : memref<2x8x13312xf32, #tpu.memory_space<vmem>>, vector<1x8x1664xf32>
    %get3A_1001 = vector.shape_cast %get3A_1000 : vector<1x8x1664xf32> to vector<8x1664xf32>
    %sub3A_1002 = vector.broadcast %select_n3A_878 : f32 to vector<8x1664xf32>
    %sub3A_1003 = arith.subf %get3A_1001, %sub3A_1002 : vector<8x1664xf32>
    %max3A_1004 = arith.constant 0.000000e+00 : f32
    %max3A_1005 = vector.broadcast %max3A_1004 : f32 to vector<8x1664xf32>
    %max3A_1006 = arith.maximumf %sub3A_1003, %max3A_1005 : vector<8x1664xf32>
    %add3A_1007 = arith.addf %add3A_988, %max3A_1006 : vector<8x1664xf32>
    %gt3A_1008 = vector.broadcast %select_n3A_878 : f32 to vector<8x1664xf32>
    %gt3A_1009 = arith.cmpf ogt, %get3A_1001, %gt3A_1008 : vector<8x1664xf32>
    %jit3A_1010 = arith.constant 1.000000e+00 : f32
    %jit3A_1011 = arith.constant 0.000000e+00 : f32
    %broadcast_in_dim3A_1012 = vector.broadcast %jit3A_1010 : f32 to vector<8x1664xf32>
    %broadcast_in_dim3A_1013 = vector.broadcast %jit3A_1011 : f32 to vector<8x1664xf32>
    %select_n3A_1014 = arith.select %gt3A_1009, %broadcast_in_dim3A_1012, %broadcast_in_dim3A_1013 : vector<8x1664xi1>, vector<8x1664xf32>
    %add3A_1015 = arith.addf %add3A_996, %select_n3A_1014 : vector<8x1664xf32>
    %get3A_1016 = arith.constant 0 : index
    %get3A_1017 = arith.constant 0 : index
    %get3A_1018 = arith.constant 11648 : index
    %get3A_1019 = vector.load %arg5[%get3A_1016, %get3A_1017, %get3A_1018] : memref<2x8x13312xf32, #tpu.memory_space<vmem>>, vector<1x8x1664xf32>
    %get3A_1020 = vector.shape_cast %get3A_1019 : vector<1x8x1664xf32> to vector<8x1664xf32>
    %sub3A_1021 = vector.broadcast %select_n3A_878 : f32 to vector<8x1664xf32>
    %sub3A_1022 = arith.subf %get3A_1020, %sub3A_1021 : vector<8x1664xf32>
    %max3A_1023 = arith.constant 0.000000e+00 : f32
    %max3A_1024 = vector.broadcast %max3A_1023 : f32 to vector<8x1664xf32>
    %max3A_1025 = arith.maximumf %sub3A_1022, %max3A_1024 : vector<8x1664xf32>
    %add3A_1026 = arith.addf %add3A_1007, %max3A_1025 : vector<8x1664xf32>
    %gt3A_1027 = vector.broadcast %select_n3A_878 : f32 to vector<8x1664xf32>
    %gt3A_1028 = arith.cmpf ogt, %get3A_1020, %gt3A_1027 : vector<8x1664xf32>
    %jit3A_1029 = arith.constant 1.000000e+00 : f32
    %jit3A_1030 = arith.constant 0.000000e+00 : f32
    %broadcast_in_dim3A_1031 = vector.broadcast %jit3A_1029 : f32 to vector<8x1664xf32>
    %broadcast_in_dim3A_1032 = vector.broadcast %jit3A_1030 : f32 to vector<8x1664xf32>
    %select_n3A_1033 = arith.select %gt3A_1028, %broadcast_in_dim3A_1031, %broadcast_in_dim3A_1032 : vector<8x1664xi1>, vector<8x1664xf32>
    %add3A_1034 = arith.addf %add3A_1015, %select_n3A_1033 : vector<8x1664xf32>
    %slice3A_1035 = vector.extract_strided_slice %add3A_1026 {offsets = [0, 0], sizes = [8, 896], strides = [1, 1]} : vector<8x1664xf32> to vector<8x896xf32>
    %slice3A_1036 = vector.extract_strided_slice %add3A_1026 {offsets = [0, 896], sizes = [8, 768], strides = [1, 1]} : vector<8x1664xf32> to vector<8x768xf32>
    %broadcast_in_dim3A_1037 = arith.constant 0.000000e+00 : f32
    %broadcast_in_dim3A_1038 = vector.broadcast %broadcast_in_dim3A_1037 : f32 to vector<8x128xf32>
    %concatenate3A_1039 = tpu.concatenate %slice3A_1036, %broadcast_in_dim3A_1038 in 1 : vector<8x768xf32>, vector<8x128xf32> -> vector<8x896xf32>
    %add3A_1040 = arith.addf %slice3A_1035, %concatenate3A_1039 : vector<8x896xf32>
    %slice3A_1041 = vector.extract_strided_slice %add3A_1040 {offsets = [0, 0], sizes = [8, 512], strides = [1, 1]} : vector<8x896xf32> to vector<8x512xf32>
    %slice3A_1042 = vector.extract_strided_slice %add3A_1040 {offsets = [0, 512], sizes = [8, 384], strides = [1, 1]} : vector<8x896xf32> to vector<8x384xf32>
    %broadcast_in_dim3A_1043 = arith.constant 0.000000e+00 : f32
    %broadcast_in_dim3A_1044 = vector.broadcast %broadcast_in_dim3A_1043 : f32 to vector<8x128xf32>
    %concatenate3A_1045 = tpu.concatenate %slice3A_1042, %broadcast_in_dim3A_1044 in 1 : vector<8x384xf32>, vector<8x128xf32> -> vector<8x512xf32>
    %add3A_1046 = arith.addf %slice3A_1041, %concatenate3A_1045 : vector<8x512xf32>
    %slice3A_1047 = vector.extract_strided_slice %add3A_1046 {offsets = [0, 0], sizes = [8, 256], strides = [1, 1]} : vector<8x512xf32> to vector<8x256xf32>
    %slice3A_1048 = vector.extract_strided_slice %add3A_1046 {offsets = [0, 256], sizes = [8, 256], strides = [1, 1]} : vector<8x512xf32> to vector<8x256xf32>
    %add3A_1049 = arith.addf %slice3A_1047, %slice3A_1048 : vector<8x256xf32>
    %slice3A_1050 = vector.extract_strided_slice %add3A_1049 {offsets = [0, 0], sizes = [8, 128], strides = [1, 1]} : vector<8x256xf32> to vector<8x128xf32>
    %slice3A_1051 = vector.extract_strided_slice %add3A_1049 {offsets = [0, 128], sizes = [8, 128], strides = [1, 1]} : vector<8x256xf32> to vector<8x128xf32>
    %add3A_1052 = arith.addf %slice3A_1050, %slice3A_1051 : vector<8x128xf32>
    %reduce_sum3A_1053 = vector.shape_cast %add3A_1052 : vector<8x128xf32> to vector<1x8x128xf32>
    %reduce_sum3A_1054 = arith.constant dense<0.000000e+00> : vector<1xf32>
    %reduce_sum3A_1055 = vector.multi_reduction <add>, %reduce_sum3A_1053, %reduce_sum3A_1054 [1, 2] : vector<1x8x128xf32> to vector<1xf32>
    %reduce_sum3A_1056 = vector.shape_cast %reduce_sum3A_1055 : vector<1xf32> to vector<1x1x1xf32>
    %reduce_sum3A_1057 = vector.extract %reduce_sum3A_1056[0, 0, 0] : f32 from vector<1x1x1xf32>
    %slice3A_1058 = vector.extract_strided_slice %add3A_1034 {offsets = [0, 0], sizes = [8, 896], strides = [1, 1]} : vector<8x1664xf32> to vector<8x896xf32>
    %slice3A_1059 = vector.extract_strided_slice %add3A_1034 {offsets = [0, 896], sizes = [8, 768], strides = [1, 1]} : vector<8x1664xf32> to vector<8x768xf32>
    %broadcast_in_dim3A_1060 = arith.constant 0.000000e+00 : f32
    %broadcast_in_dim3A_1061 = vector.broadcast %broadcast_in_dim3A_1060 : f32 to vector<8x128xf32>
    %concatenate3A_1062 = tpu.concatenate %slice3A_1059, %broadcast_in_dim3A_1061 in 1 : vector<8x768xf32>, vector<8x128xf32> -> vector<8x896xf32>
    %add3A_1063 = arith.addf %slice3A_1058, %concatenate3A_1062 : vector<8x896xf32>
    %slice3A_1064 = vector.extract_strided_slice %add3A_1063 {offsets = [0, 0], sizes = [8, 512], strides = [1, 1]} : vector<8x896xf32> to vector<8x512xf32>
    %slice3A_1065 = vector.extract_strided_slice %add3A_1063 {offsets = [0, 512], sizes = [8, 384], strides = [1, 1]} : vector<8x896xf32> to vector<8x384xf32>
    %broadcast_in_dim3A_1066 = arith.constant 0.000000e+00 : f32
    %broadcast_in_dim3A_1067 = vector.broadcast %broadcast_in_dim3A_1066 : f32 to vector<8x128xf32>
    %concatenate3A_1068 = tpu.concatenate %slice3A_1065, %broadcast_in_dim3A_1067 in 1 : vector<8x384xf32>, vector<8x128xf32> -> vector<8x512xf32>
    %add3A_1069 = arith.addf %slice3A_1064, %concatenate3A_1068 : vector<8x512xf32>
    %slice3A_1070 = vector.extract_strided_slice %add3A_1069 {offsets = [0, 0], sizes = [8, 256], strides = [1, 1]} : vector<8x512xf32> to vector<8x256xf32>
    %slice3A_1071 = vector.extract_strided_slice %add3A_1069 {offsets = [0, 256], sizes = [8, 256], strides = [1, 1]} : vector<8x512xf32> to vector<8x256xf32>
    %add3A_1072 = arith.addf %slice3A_1070, %slice3A_1071 : vector<8x256xf32>
    %slice3A_1073 = vector.extract_strided_slice %add3A_1072 {offsets = [0, 0], sizes = [8, 128], strides = [1, 1]} : vector<8x256xf32> to vector<8x128xf32>
    %slice3A_1074 = vector.extract_strided_slice %add3A_1072 {offsets = [0, 128], sizes = [8, 128], strides = [1, 1]} : vector<8x256xf32> to vector<8x128xf32>
    %add3A_1075 = arith.addf %slice3A_1073, %slice3A_1074 : vector<8x128xf32>
    %reduce_sum3A_1076 = vector.shape_cast %add3A_1075 : vector<8x128xf32> to vector<1x8x128xf32>
    %reduce_sum3A_1077 = arith.constant dense<0.000000e+00> : vector<1xf32>
    %reduce_sum3A_1078 = vector.multi_reduction <add>, %reduce_sum3A_1076, %reduce_sum3A_1077 [1, 2] : vector<1x8x128xf32> to vector<1xf32>
    %reduce_sum3A_1079 = vector.shape_cast %reduce_sum3A_1078 : vector<1xf32> to vector<1x1x1xf32>
    %reduce_sum3A_1080 = vector.extract %reduce_sum3A_1079[0, 0, 0] : f32 from vector<1x1x1xf32>
    %gt3A_1081 = arith.constant 0.000000e+00 : f32
    %gt3A_1082 = arith.cmpf ogt, %reduce_sum3A_1080, %gt3A_1081 : f32
    %sub3A_1083 = arith.constant 1.000000e+00 : f32
    %sub3A_1084 = arith.subf %reduce_sum3A_1057, %sub3A_1083 : f32
    %div3A_1085 = arith.divf %sub3A_1084, %reduce_sum3A_1080 : f32
    %add3A_1086 = arith.addf %select_n3A_878, %div3A_1085 : f32
    %select_n3A_1087 = arith.select %gt3A_1082, %add3A_1086, %select_n3A_878 : f32
    %broadcast_in_dim3A_1088 = arith.constant 0.000000e+00 : f32
    %broadcast_in_dim3A_1089 = vector.broadcast %broadcast_in_dim3A_1088 : f32 to vector<8x1664xf32>
    %broadcast_in_dim3A_1090 = arith.constant 0.000000e+00 : f32
    %broadcast_in_dim3A_1091 = vector.broadcast %broadcast_in_dim3A_1090 : f32 to vector<8x1664xf32>
    %get3A_1092 = arith.constant 0 : index
    %get3A_1093 = arith.constant 0 : index
    %get3A_1094 = arith.constant 0 : index
    %get3A_1095 = vector.load %arg5[%get3A_1092, %get3A_1093, %get3A_1094] : memref<2x8x13312xf32, #tpu.memory_space<vmem>>, vector<1x8x1664xf32>
    %get3A_1096 = vector.shape_cast %get3A_1095 : vector<1x8x1664xf32> to vector<8x1664xf32>
    %sub3A_1097 = vector.broadcast %select_n3A_1087 : f32 to vector<8x1664xf32>
    %sub3A_1098 = arith.subf %get3A_1096, %sub3A_1097 : vector<8x1664xf32>
    %max3A_1099 = arith.constant 0.000000e+00 : f32
    %max3A_1100 = vector.broadcast %max3A_1099 : f32 to vector<8x1664xf32>
    %max3A_1101 = arith.maximumf %sub3A_1098, %max3A_1100 : vector<8x1664xf32>
    %add3A_1102 = arith.addf %broadcast_in_dim3A_1089, %max3A_1101 : vector<8x1664xf32>
    %gt3A_1103 = vector.broadcast %select_n3A_1087 : f32 to vector<8x1664xf32>
    %gt3A_1104 = arith.cmpf ogt, %get3A_1096, %gt3A_1103 : vector<8x1664xf32>
    %jit3A_1105 = arith.constant 1.000000e+00 : f32
    %jit3A_1106 = arith.constant 0.000000e+00 : f32
    %broadcast_in_dim3A_1107 = vector.broadcast %jit3A_1105 : f32 to vector<8x1664xf32>
    %broadcast_in_dim3A_1108 = vector.broadcast %jit3A_1106 : f32 to vector<8x1664xf32>
    %select_n3A_1109 = arith.select %gt3A_1104, %broadcast_in_dim3A_1107, %broadcast_in_dim3A_1108 : vector<8x1664xi1>, vector<8x1664xf32>
    %add3A_1110 = arith.addf %broadcast_in_dim3A_1091, %select_n3A_1109 : vector<8x1664xf32>
    %get3A_1111 = arith.constant 0 : index
    %get3A_1112 = arith.constant 0 : index
    %get3A_1113 = arith.constant 1664 : index
    %get3A_1114 = vector.load %arg5[%get3A_1111, %get3A_1112, %get3A_1113] : memref<2x8x13312xf32, #tpu.memory_space<vmem>>, vector<1x8x1664xf32>
    %get3A_1115 = vector.shape_cast %get3A_1114 : vector<1x8x1664xf32> to vector<8x1664xf32>
    %sub3A_1116 = vector.broadcast %select_n3A_1087 : f32 to vector<8x1664xf32>
    %sub3A_1117 = arith.subf %get3A_1115, %sub3A_1116 : vector<8x1664xf32>
    %max3A_1118 = arith.constant 0.000000e+00 : f32
    %max3A_1119 = vector.broadcast %max3A_1118 : f32 to vector<8x1664xf32>
    %max3A_1120 = arith.maximumf %sub3A_1117, %max3A_1119 : vector<8x1664xf32>
    %add3A_1121 = arith.addf %add3A_1102, %max3A_1120 : vector<8x1664xf32>
    %gt3A_1122 = vector.broadcast %select_n3A_1087 : f32 to vector<8x1664xf32>
    %gt3A_1123 = arith.cmpf ogt, %get3A_1115, %gt3A_1122 : vector<8x1664xf32>
    %jit3A_1124 = arith.constant 1.000000e+00 : f32
    %jit3A_1125 = arith.constant 0.000000e+00 : f32
    %broadcast_in_dim3A_1126 = vector.broadcast %jit3A_1124 : f32 to vector<8x1664xf32>
    %broadcast_in_dim3A_1127 = vector.broadcast %jit3A_1125 : f32 to vector<8x1664xf32>
    %select_n3A_1128 = arith.select %gt3A_1123, %broadcast_in_dim3A_1126, %broadcast_in_dim3A_1127 : vector<8x1664xi1>, vector<8x1664xf32>
    %add3A_1129 = arith.addf %add3A_1110, %select_n3A_1128 : vector<8x1664xf32>
    %get3A_1130 = arith.constant 0 : index
    %get3A_1131 = arith.constant 0 : index
    %get3A_1132 = arith.constant 3328 : index
    %get3A_1133 = vector.load %arg5[%get3A_1130, %get3A_1131, %get3A_1132] : memref<2x8x13312xf32, #tpu.memory_space<vmem>>, vector<1x8x1664xf32>
    %get3A_1134 = vector.shape_cast %get3A_1133 : vector<1x8x1664xf32> to vector<8x1664xf32>
    %sub3A_1135 = vector.broadcast %select_n3A_1087 : f32 to vector<8x1664xf32>
    %sub3A_1136 = arith.subf %get3A_1134, %sub3A_1135 : vector<8x1664xf32>
    %max3A_1137 = arith.constant 0.000000e+00 : f32
    %max3A_1138 = vector.broadcast %max3A_1137 : f32 to vector<8x1664xf32>
    %max3A_1139 = arith.maximumf %sub3A_1136, %max3A_1138 : vector<8x1664xf32>
    %add3A_1140 = arith.addf %add3A_1121, %max3A_1139 : vector<8x1664xf32>
    %gt3A_1141 = vector.broadcast %select_n3A_1087 : f32 to vector<8x1664xf32>
    %gt3A_1142 = arith.cmpf ogt, %get3A_1134, %gt3A_1141 : vector<8x1664xf32>
    %jit3A_1143 = arith.constant 1.000000e+00 : f32
    %jit3A_1144 = arith.constant 0.000000e+00 : f32
    %broadcast_in_dim3A_1145 = vector.broadcast %jit3A_1143 : f32 to vector<8x1664xf32>
    %broadcast_in_dim3A_1146 = vector.broadcast %jit3A_1144 : f32 to vector<8x1664xf32>
    %select_n3A_1147 = arith.select %gt3A_1142, %broadcast_in_dim3A_1145, %broadcast_in_dim3A_1146 : vector<8x1664xi1>, vector<8x1664xf32>
    %add3A_1148 = arith.addf %add3A_1129, %select_n3A_1147 : vector<8x1664xf32>
    %get3A_1149 = arith.constant 0 : index
    %get3A_1150 = arith.constant 0 : index
    %get3A_1151 = arith.constant 4992 : index
    %get3A_1152 = vector.load %arg5[%get3A_1149, %get3A_1150, %get3A_1151] : memref<2x8x13312xf32, #tpu.memory_space<vmem>>, vector<1x8x1664xf32>
    %get3A_1153 = vector.shape_cast %get3A_1152 : vector<1x8x1664xf32> to vector<8x1664xf32>
    %sub3A_1154 = vector.broadcast %select_n3A_1087 : f32 to vector<8x1664xf32>
    %sub3A_1155 = arith.subf %get3A_1153, %sub3A_1154 : vector<8x1664xf32>
    %max3A_1156 = arith.constant 0.000000e+00 : f32
    %max3A_1157 = vector.broadcast %max3A_1156 : f32 to vector<8x1664xf32>
    %max3A_1158 = arith.maximumf %sub3A_1155, %max3A_1157 : vector<8x1664xf32>
    %add3A_1159 = arith.addf %add3A_1140, %max3A_1158 : vector<8x1664xf32>
    %gt3A_1160 = vector.broadcast %select_n3A_1087 : f32 to vector<8x1664xf32>
    %gt3A_1161 = arith.cmpf ogt, %get3A_1153, %gt3A_1160 : vector<8x1664xf32>
    %jit3A_1162 = arith.constant 1.000000e+00 : f32
    %jit3A_1163 = arith.constant 0.000000e+00 : f32
    %broadcast_in_dim3A_1164 = vector.broadcast %jit3A_1162 : f32 to vector<8x1664xf32>
    %broadcast_in_dim3A_1165 = vector.broadcast %jit3A_1163 : f32 to vector<8x1664xf32>
    %select_n3A_1166 = arith.select %gt3A_1161, %broadcast_in_dim3A_1164, %broadcast_in_dim3A_1165 : vector<8x1664xi1>, vector<8x1664xf32>
    %add3A_1167 = arith.addf %add3A_1148, %select_n3A_1166 : vector<8x1664xf32>
    %get3A_1168 = arith.constant 0 : index
    %get3A_1169 = arith.constant 0 : index
    %get3A_1170 = arith.constant 6656 : index
    %get3A_1171 = vector.load %arg5[%get3A_1168, %get3A_1169, %get3A_1170] : memref<2x8x13312xf32, #tpu.memory_space<vmem>>, vector<1x8x1664xf32>
    %get3A_1172 = vector.shape_cast %get3A_1171 : vector<1x8x1664xf32> to vector<8x1664xf32>
    %sub3A_1173 = vector.broadcast %select_n3A_1087 : f32 to vector<8x1664xf32>
    %sub3A_1174 = arith.subf %get3A_1172, %sub3A_1173 : vector<8x1664xf32>
    %max3A_1175 = arith.constant 0.000000e+00 : f32
    %max3A_1176 = vector.broadcast %max3A_1175 : f32 to vector<8x1664xf32>
    %max3A_1177 = arith.maximumf %sub3A_1174, %max3A_1176 : vector<8x1664xf32>
    %add3A_1178 = arith.addf %add3A_1159, %max3A_1177 : vector<8x1664xf32>
    %gt3A_1179 = vector.broadcast %select_n3A_1087 : f32 to vector<8x1664xf32>
    %gt3A_1180 = arith.cmpf ogt, %get3A_1172, %gt3A_1179 : vector<8x1664xf32>
    %jit3A_1181 = arith.constant 1.000000e+00 : f32
    %jit3A_1182 = arith.constant 0.000000e+00 : f32
    %broadcast_in_dim3A_1183 = vector.broadcast %jit3A_1181 : f32 to vector<8x1664xf32>
    %broadcast_in_dim3A_1184 = vector.broadcast %jit3A_1182 : f32 to vector<8x1664xf32>
    %select_n3A_1185 = arith.select %gt3A_1180, %broadcast_in_dim3A_1183, %broadcast_in_dim3A_1184 : vector<8x1664xi1>, vector<8x1664xf32>
    %add3A_1186 = arith.addf %add3A_1167, %select_n3A_1185 : vector<8x1664xf32>
    %get3A_1187 = arith.constant 0 : index
    %get3A_1188 = arith.constant 0 : index
    %get3A_1189 = arith.constant 8320 : index
    %get3A_1190 = vector.load %arg5[%get3A_1187, %get3A_1188, %get3A_1189] : memref<2x8x13312xf32, #tpu.memory_space<vmem>>, vector<1x8x1664xf32>
    %get3A_1191 = vector.shape_cast %get3A_1190 : vector<1x8x1664xf32> to vector<8x1664xf32>
    %sub3A_1192 = vector.broadcast %select_n3A_1087 : f32 to vector<8x1664xf32>
    %sub3A_1193 = arith.subf %get3A_1191, %sub3A_1192 : vector<8x1664xf32>
    %max3A_1194 = arith.constant 0.000000e+00 : f32
    %max3A_1195 = vector.broadcast %max3A_1194 : f32 to vector<8x1664xf32>
    %max3A_1196 = arith.maximumf %sub3A_1193, %max3A_1195 : vector<8x1664xf32>
    %add3A_1197 = arith.addf %add3A_1178, %max3A_1196 : vector<8x1664xf32>
    %gt3A_1198 = vector.broadcast %select_n3A_1087 : f32 to vector<8x1664xf32>
    %gt3A_1199 = arith.cmpf ogt, %get3A_1191, %gt3A_1198 : vector<8x1664xf32>
    %jit3A_1200 = arith.constant 1.000000e+00 : f32
    %jit3A_1201 = arith.constant 0.000000e+00 : f32
    %broadcast_in_dim3A_1202 = vector.broadcast %jit3A_1200 : f32 to vector<8x1664xf32>
    %broadcast_in_dim3A_1203 = vector.broadcast %jit3A_1201 : f32 to vector<8x1664xf32>
    %select_n3A_1204 = arith.select %gt3A_1199, %broadcast_in_dim3A_1202, %broadcast_in_dim3A_1203 : vector<8x1664xi1>, vector<8x1664xf32>
    %add3A_1205 = arith.addf %add3A_1186, %select_n3A_1204 : vector<8x1664xf32>
    %get3A_1206 = arith.constant 0 : index
    %get3A_1207 = arith.constant 0 : index
    %get3A_1208 = arith.constant 9984 : index
    %get3A_1209 = vector.load %arg5[%get3A_1206, %get3A_1207, %get3A_1208] : memref<2x8x13312xf32, #tpu.memory_space<vmem>>, vector<1x8x1664xf32>
    %get3A_1210 = vector.shape_cast %get3A_1209 : vector<1x8x1664xf32> to vector<8x1664xf32>
    %sub3A_1211 = vector.broadcast %select_n3A_1087 : f32 to vector<8x1664xf32>
    %sub3A_1212 = arith.subf %get3A_1210, %sub3A_1211 : vector<8x1664xf32>
    %max3A_1213 = arith.constant 0.000000e+00 : f32
    %max3A_1214 = vector.broadcast %max3A_1213 : f32 to vector<8x1664xf32>
    %max3A_1215 = arith.maximumf %sub3A_1212, %max3A_1214 : vector<8x1664xf32>
    %add3A_1216 = arith.addf %add3A_1197, %max3A_1215 : vector<8x1664xf32>
    %gt3A_1217 = vector.broadcast %select_n3A_1087 : f32 to vector<8x1664xf32>
    %gt3A_1218 = arith.cmpf ogt, %get3A_1210, %gt3A_1217 : vector<8x1664xf32>
    %jit3A_1219 = arith.constant 1.000000e+00 : f32
    %jit3A_1220 = arith.constant 0.000000e+00 : f32
    %broadcast_in_dim3A_1221 = vector.broadcast %jit3A_1219 : f32 to vector<8x1664xf32>
    %broadcast_in_dim3A_1222 = vector.broadcast %jit3A_1220 : f32 to vector<8x1664xf32>
    %select_n3A_1223 = arith.select %gt3A_1218, %broadcast_in_dim3A_1221, %broadcast_in_dim3A_1222 : vector<8x1664xi1>, vector<8x1664xf32>
    %add3A_1224 = arith.addf %add3A_1205, %select_n3A_1223 : vector<8x1664xf32>
    %get3A_1225 = arith.constant 0 : index
    %get3A_1226 = arith.constant 0 : index
    %get3A_1227 = arith.constant 11648 : index
    %get3A_1228 = vector.load %arg5[%get3A_1225, %get3A_1226, %get3A_1227] : memref<2x8x13312xf32, #tpu.memory_space<vmem>>, vector<1x8x1664xf32>
    %get3A_1229 = vector.shape_cast %get3A_1228 : vector<1x8x1664xf32> to vector<8x1664xf32>
    %sub3A_1230 = vector.broadcast %select_n3A_1087 : f32 to vector<8x1664xf32>
    %sub3A_1231 = arith.subf %get3A_1229, %sub3A_1230 : vector<8x1664xf32>
    %max3A_1232 = arith.constant 0.000000e+00 : f32
    %max3A_1233 = vector.broadcast %max3A_1232 : f32 to vector<8x1664xf32>
    %max3A_1234 = arith.maximumf %sub3A_1231, %max3A_1233 : vector<8x1664xf32>
    %add3A_1235 = arith.addf %add3A_1216, %max3A_1234 : vector<8x1664xf32>
    %gt3A_1236 = vector.broadcast %select_n3A_1087 : f32 to vector<8x1664xf32>
    %gt3A_1237 = arith.cmpf ogt, %get3A_1229, %gt3A_1236 : vector<8x1664xf32>
    %jit3A_1238 = arith.constant 1.000000e+00 : f32
    %jit3A_1239 = arith.constant 0.000000e+00 : f32
    %broadcast_in_dim3A_1240 = vector.broadcast %jit3A_1238 : f32 to vector<8x1664xf32>
    %broadcast_in_dim3A_1241 = vector.broadcast %jit3A_1239 : f32 to vector<8x1664xf32>
    %select_n3A_1242 = arith.select %gt3A_1237, %broadcast_in_dim3A_1240, %broadcast_in_dim3A_1241 : vector<8x1664xi1>, vector<8x1664xf32>
    %add3A_1243 = arith.addf %add3A_1224, %select_n3A_1242 : vector<8x1664xf32>
    %slice3A_1244 = vector.extract_strided_slice %add3A_1235 {offsets = [0, 0], sizes = [8, 896], strides = [1, 1]} : vector<8x1664xf32> to vector<8x896xf32>
    %slice3A_1245 = vector.extract_strided_slice %add3A_1235 {offsets = [0, 896], sizes = [8, 768], strides = [1, 1]} : vector<8x1664xf32> to vector<8x768xf32>
    %broadcast_in_dim3A_1246 = arith.constant 0.000000e+00 : f32
    %broadcast_in_dim3A_1247 = vector.broadcast %broadcast_in_dim3A_1246 : f32 to vector<8x128xf32>
    %concatenate3A_1248 = tpu.concatenate %slice3A_1245, %broadcast_in_dim3A_1247 in 1 : vector<8x768xf32>, vector<8x128xf32> -> vector<8x896xf32>
    %add3A_1249 = arith.addf %slice3A_1244, %concatenate3A_1248 : vector<8x896xf32>
    %slice3A_1250 = vector.extract_strided_slice %add3A_1249 {offsets = [0, 0], sizes = [8, 512], strides = [1, 1]} : vector<8x896xf32> to vector<8x512xf32>
    %slice3A_1251 = vector.extract_strided_slice %add3A_1249 {offsets = [0, 512], sizes = [8, 384], strides = [1, 1]} : vector<8x896xf32> to vector<8x384xf32>
    %broadcast_in_dim3A_1252 = arith.constant 0.000000e+00 : f32
    %broadcast_in_dim3A_1253 = vector.broadcast %broadcast_in_dim3A_1252 : f32 to vector<8x128xf32>
    %concatenate3A_1254 = tpu.concatenate %slice3A_1251, %broadcast_in_dim3A_1253 in 1 : vector<8x384xf32>, vector<8x128xf32> -> vector<8x512xf32>
    %add3A_1255 = arith.addf %slice3A_1250, %concatenate3A_1254 : vector<8x512xf32>
    %slice3A_1256 = vector.extract_strided_slice %add3A_1255 {offsets = [0, 0], sizes = [8, 256], strides = [1, 1]} : vector<8x512xf32> to vector<8x256xf32>
    %slice3A_1257 = vector.extract_strided_slice %add3A_1255 {offsets = [0, 256], sizes = [8, 256], strides = [1, 1]} : vector<8x512xf32> to vector<8x256xf32>
    %add3A_1258 = arith.addf %slice3A_1256, %slice3A_1257 : vector<8x256xf32>
    %slice3A_1259 = vector.extract_strided_slice %add3A_1258 {offsets = [0, 0], sizes = [8, 128], strides = [1, 1]} : vector<8x256xf32> to vector<8x128xf32>
    %slice3A_1260 = vector.extract_strided_slice %add3A_1258 {offsets = [0, 128], sizes = [8, 128], strides = [1, 1]} : vector<8x256xf32> to vector<8x128xf32>
    %add3A_1261 = arith.addf %slice3A_1259, %slice3A_1260 : vector<8x128xf32>
    %reduce_sum3A_1262 = vector.shape_cast %add3A_1261 : vector<8x128xf32> to vector<1x8x128xf32>
    %reduce_sum3A_1263 = arith.constant dense<0.000000e+00> : vector<1xf32>
    %reduce_sum3A_1264 = vector.multi_reduction <add>, %reduce_sum3A_1262, %reduce_sum3A_1263 [1, 2] : vector<1x8x128xf32> to vector<1xf32>
    %reduce_sum3A_1265 = vector.shape_cast %reduce_sum3A_1264 : vector<1xf32> to vector<1x1x1xf32>
    %reduce_sum3A_1266 = vector.extract %reduce_sum3A_1265[0, 0, 0] : f32 from vector<1x1x1xf32>
    %slice3A_1267 = vector.extract_strided_slice %add3A_1243 {offsets = [0, 0], sizes = [8, 896], strides = [1, 1]} : vector<8x1664xf32> to vector<8x896xf32>
    %slice3A_1268 = vector.extract_strided_slice %add3A_1243 {offsets = [0, 896], sizes = [8, 768], strides = [1, 1]} : vector<8x1664xf32> to vector<8x768xf32>
    %broadcast_in_dim3A_1269 = arith.constant 0.000000e+00 : f32
    %broadcast_in_dim3A_1270 = vector.broadcast %broadcast_in_dim3A_1269 : f32 to vector<8x128xf32>
    %concatenate3A_1271 = tpu.concatenate %slice3A_1268, %broadcast_in_dim3A_1270 in 1 : vector<8x768xf32>, vector<8x128xf32> -> vector<8x896xf32>
    %add3A_1272 = arith.addf %slice3A_1267, %concatenate3A_1271 : vector<8x896xf32>
    %slice3A_1273 = vector.extract_strided_slice %add3A_1272 {offsets = [0, 0], sizes = [8, 512], strides = [1, 1]} : vector<8x896xf32> to vector<8x512xf32>
    %slice3A_1274 = vector.extract_strided_slice %add3A_1272 {offsets = [0, 512], sizes = [8, 384], strides = [1, 1]} : vector<8x896xf32> to vector<8x384xf32>
    %broadcast_in_dim3A_1275 = arith.constant 0.000000e+00 : f32
    %broadcast_in_dim3A_1276 = vector.broadcast %broadcast_in_dim3A_1275 : f32 to vector<8x128xf32>
    %concatenate3A_1277 = tpu.concatenate %slice3A_1274, %broadcast_in_dim3A_1276 in 1 : vector<8x384xf32>, vector<8x128xf32> -> vector<8x512xf32>
    %add3A_1278 = arith.addf %slice3A_1273, %concatenate3A_1277 : vector<8x512xf32>
    %slice3A_1279 = vector.extract_strided_slice %add3A_1278 {offsets = [0, 0], sizes = [8, 256], strides = [1, 1]} : vector<8x512xf32> to vector<8x256xf32>
    %slice3A_1280 = vector.extract_strided_slice %add3A_1278 {offsets = [0, 256], sizes = [8, 256], strides = [1, 1]} : vector<8x512xf32> to vector<8x256xf32>
    %add3A_1281 = arith.addf %slice3A_1279, %slice3A_1280 : vector<8x256xf32>
    %slice3A_1282 = vector.extract_strided_slice %add3A_1281 {offsets = [0, 0], sizes = [8, 128], strides = [1, 1]} : vector<8x256xf32> to vector<8x128xf32>
    %slice3A_1283 = vector.extract_strided_slice %add3A_1281 {offsets = [0, 128], sizes = [8, 128], strides = [1, 1]} : vector<8x256xf32> to vector<8x128xf32>
    %add3A_1284 = arith.addf %slice3A_1282, %slice3A_1283 : vector<8x128xf32>
    %reduce_sum3A_1285 = vector.shape_cast %add3A_1284 : vector<8x128xf32> to vector<1x8x128xf32>
    %reduce_sum3A_1286 = arith.constant dense<0.000000e+00> : vector<1xf32>
    %reduce_sum3A_1287 = vector.multi_reduction <add>, %reduce_sum3A_1285, %reduce_sum3A_1286 [1, 2] : vector<1x8x128xf32> to vector<1xf32>
    %reduce_sum3A_1288 = vector.shape_cast %reduce_sum3A_1287 : vector<1xf32> to vector<1x1x1xf32>
    %reduce_sum3A_1289 = vector.extract %reduce_sum3A_1288[0, 0, 0] : f32 from vector<1x1x1xf32>
    %gt3A_1290 = arith.constant 0.000000e+00 : f32
    %gt3A_1291 = arith.cmpf ogt, %reduce_sum3A_1289, %gt3A_1290 : f32
    %sub3A_1292 = arith.constant 1.000000e+00 : f32
    %sub3A_1293 = arith.subf %reduce_sum3A_1266, %sub3A_1292 : f32
    %div3A_1294 = arith.divf %sub3A_1293, %reduce_sum3A_1289 : f32
    %add3A_1295 = arith.addf %select_n3A_1087, %div3A_1294 : f32
    %select_n3A_1296 = arith.select %gt3A_1291, %add3A_1295, %select_n3A_1087 : f32
    %broadcast_in_dim3A_1297 = arith.constant 0.000000e+00 : f32
    %broadcast_in_dim3A_1298 = vector.broadcast %broadcast_in_dim3A_1297 : f32 to vector<8x1664xf32>
    %broadcast_in_dim3A_1299 = arith.constant 0.000000e+00 : f32
    %broadcast_in_dim3A_1300 = vector.broadcast %broadcast_in_dim3A_1299 : f32 to vector<8x1664xf32>
    %get3A_1301 = arith.constant 0 : index
    %get3A_1302 = arith.constant 0 : index
    %get3A_1303 = arith.constant 0 : index
    %get3A_1304 = vector.load %arg5[%get3A_1301, %get3A_1302, %get3A_1303] : memref<2x8x13312xf32, #tpu.memory_space<vmem>>, vector<1x8x1664xf32>
    %get3A_1305 = vector.shape_cast %get3A_1304 : vector<1x8x1664xf32> to vector<8x1664xf32>
    %sub3A_1306 = vector.broadcast %select_n3A_1296 : f32 to vector<8x1664xf32>
    %sub3A_1307 = arith.subf %get3A_1305, %sub3A_1306 : vector<8x1664xf32>
    %max3A_1308 = arith.constant 0.000000e+00 : f32
    %max3A_1309 = vector.broadcast %max3A_1308 : f32 to vector<8x1664xf32>
    %max3A_1310 = arith.maximumf %sub3A_1307, %max3A_1309 : vector<8x1664xf32>
    %add3A_1311 = arith.addf %broadcast_in_dim3A_1298, %max3A_1310 : vector<8x1664xf32>
    %gt3A_1312 = vector.broadcast %select_n3A_1296 : f32 to vector<8x1664xf32>
    %gt3A_1313 = arith.cmpf ogt, %get3A_1305, %gt3A_1312 : vector<8x1664xf32>
    %jit3A_1314 = arith.constant 1.000000e+00 : f32
    %jit3A_1315 = arith.constant 0.000000e+00 : f32
    %broadcast_in_dim3A_1316 = vector.broadcast %jit3A_1314 : f32 to vector<8x1664xf32>
    %broadcast_in_dim3A_1317 = vector.broadcast %jit3A_1315 : f32 to vector<8x1664xf32>
    %select_n3A_1318 = arith.select %gt3A_1313, %broadcast_in_dim3A_1316, %broadcast_in_dim3A_1317 : vector<8x1664xi1>, vector<8x1664xf32>
    %add3A_1319 = arith.addf %broadcast_in_dim3A_1300, %select_n3A_1318 : vector<8x1664xf32>
    %get3A_1320 = arith.constant 0 : index
    %get3A_1321 = arith.constant 0 : index
    %get3A_1322 = arith.constant 1664 : index
    %get3A_1323 = vector.load %arg5[%get3A_1320, %get3A_1321, %get3A_1322] : memref<2x8x13312xf32, #tpu.memory_space<vmem>>, vector<1x8x1664xf32>
    %get3A_1324 = vector.shape_cast %get3A_1323 : vector<1x8x1664xf32> to vector<8x1664xf32>
    %sub3A_1325 = vector.broadcast %select_n3A_1296 : f32 to vector<8x1664xf32>
    %sub3A_1326 = arith.subf %get3A_1324, %sub3A_1325 : vector<8x1664xf32>
    %max3A_1327 = arith.constant 0.000000e+00 : f32
    %max3A_1328 = vector.broadcast %max3A_1327 : f32 to vector<8x1664xf32>
    %max3A_1329 = arith.maximumf %sub3A_1326, %max3A_1328 : vector<8x1664xf32>
    %add3A_1330 = arith.addf %add3A_1311, %max3A_1329 : vector<8x1664xf32>
    %gt3A_1331 = vector.broadcast %select_n3A_1296 : f32 to vector<8x1664xf32>
    %gt3A_1332 = arith.cmpf ogt, %get3A_1324, %gt3A_1331 : vector<8x1664xf32>
    %jit3A_1333 = arith.constant 1.000000e+00 : f32
    %jit3A_1334 = arith.constant 0.000000e+00 : f32
    %broadcast_in_dim3A_1335 = vector.broadcast %jit3A_1333 : f32 to vector<8x1664xf32>
    %broadcast_in_dim3A_1336 = vector.broadcast %jit3A_1334 : f32 to vector<8x1664xf32>
    %select_n3A_1337 = arith.select %gt3A_1332, %broadcast_in_dim3A_1335, %broadcast_in_dim3A_1336 : vector<8x1664xi1>, vector<8x1664xf32>
    %add3A_1338 = arith.addf %add3A_1319, %select_n3A_1337 : vector<8x1664xf32>
    %get3A_1339 = arith.constant 0 : index
    %get3A_1340 = arith.constant 0 : index
    %get3A_1341 = arith.constant 3328 : index
    %get3A_1342 = vector.load %arg5[%get3A_1339, %get3A_1340, %get3A_1341] : memref<2x8x13312xf32, #tpu.memory_space<vmem>>, vector<1x8x1664xf32>
    %get3A_1343 = vector.shape_cast %get3A_1342 : vector<1x8x1664xf32> to vector<8x1664xf32>
    %sub3A_1344 = vector.broadcast %select_n3A_1296 : f32 to vector<8x1664xf32>
    %sub3A_1345 = arith.subf %get3A_1343, %sub3A_1344 : vector<8x1664xf32>
    %max3A_1346 = arith.constant 0.000000e+00 : f32
    %max3A_1347 = vector.broadcast %max3A_1346 : f32 to vector<8x1664xf32>
    %max3A_1348 = arith.maximumf %sub3A_1345, %max3A_1347 : vector<8x1664xf32>
    %add3A_1349 = arith.addf %add3A_1330, %max3A_1348 : vector<8x1664xf32>
    %gt3A_1350 = vector.broadcast %select_n3A_1296 : f32 to vector<8x1664xf32>
    %gt3A_1351 = arith.cmpf ogt, %get3A_1343, %gt3A_1350 : vector<8x1664xf32>
    %jit3A_1352 = arith.constant 1.000000e+00 : f32
    %jit3A_1353 = arith.constant 0.000000e+00 : f32
    %broadcast_in_dim3A_1354 = vector.broadcast %jit3A_1352 : f32 to vector<8x1664xf32>
    %broadcast_in_dim3A_1355 = vector.broadcast %jit3A_1353 : f32 to vector<8x1664xf32>
    %select_n3A_1356 = arith.select %gt3A_1351, %broadcast_in_dim3A_1354, %broadcast_in_dim3A_1355 : vector<8x1664xi1>, vector<8x1664xf32>
    %add3A_1357 = arith.addf %add3A_1338, %select_n3A_1356 : vector<8x1664xf32>
    %get3A_1358 = arith.constant 0 : index
    %get3A_1359 = arith.constant 0 : index
    %get3A_1360 = arith.constant 4992 : index
    %get3A_1361 = vector.load %arg5[%get3A_1358, %get3A_1359, %get3A_1360] : memref<2x8x13312xf32, #tpu.memory_space<vmem>>, vector<1x8x1664xf32>
    %get3A_1362 = vector.shape_cast %get3A_1361 : vector<1x8x1664xf32> to vector<8x1664xf32>
    %sub3A_1363 = vector.broadcast %select_n3A_1296 : f32 to vector<8x1664xf32>
    %sub3A_1364 = arith.subf %get3A_1362, %sub3A_1363 : vector<8x1664xf32>
    %max3A_1365 = arith.constant 0.000000e+00 : f32
    %max3A_1366 = vector.broadcast %max3A_1365 : f32 to vector<8x1664xf32>
    %max3A_1367 = arith.maximumf %sub3A_1364, %max3A_1366 : vector<8x1664xf32>
    %add3A_1368 = arith.addf %add3A_1349, %max3A_1367 : vector<8x1664xf32>
    %gt3A_1369 = vector.broadcast %select_n3A_1296 : f32 to vector<8x1664xf32>
    %gt3A_1370 = arith.cmpf ogt, %get3A_1362, %gt3A_1369 : vector<8x1664xf32>
    %jit3A_1371 = arith.constant 1.000000e+00 : f32
    %jit3A_1372 = arith.constant 0.000000e+00 : f32
    %broadcast_in_dim3A_1373 = vector.broadcast %jit3A_1371 : f32 to vector<8x1664xf32>
    %broadcast_in_dim3A_1374 = vector.broadcast %jit3A_1372 : f32 to vector<8x1664xf32>
    %select_n3A_1375 = arith.select %gt3A_1370, %broadcast_in_dim3A_1373, %broadcast_in_dim3A_1374 : vector<8x1664xi1>, vector<8x1664xf32>
    %add3A_1376 = arith.addf %add3A_1357, %select_n3A_1375 : vector<8x1664xf32>
    %get3A_1377 = arith.constant 0 : index
    %get3A_1378 = arith.constant 0 : index
    %get3A_1379 = arith.constant 6656 : index
    %get3A_1380 = vector.load %arg5[%get3A_1377, %get3A_1378, %get3A_1379] : memref<2x8x13312xf32, #tpu.memory_space<vmem>>, vector<1x8x1664xf32>
    %get3A_1381 = vector.shape_cast %get3A_1380 : vector<1x8x1664xf32> to vector<8x1664xf32>
    %sub3A_1382 = vector.broadcast %select_n3A_1296 : f32 to vector<8x1664xf32>
    %sub3A_1383 = arith.subf %get3A_1381, %sub3A_1382 : vector<8x1664xf32>
    %max3A_1384 = arith.constant 0.000000e+00 : f32
    %max3A_1385 = vector.broadcast %max3A_1384 : f32 to vector<8x1664xf32>
    %max3A_1386 = arith.maximumf %sub3A_1383, %max3A_1385 : vector<8x1664xf32>
    %add3A_1387 = arith.addf %add3A_1368, %max3A_1386 : vector<8x1664xf32>
    %gt3A_1388 = vector.broadcast %select_n3A_1296 : f32 to vector<8x1664xf32>
    %gt3A_1389 = arith.cmpf ogt, %get3A_1381, %gt3A_1388 : vector<8x1664xf32>
    %jit3A_1390 = arith.constant 1.000000e+00 : f32
    %jit3A_1391 = arith.constant 0.000000e+00 : f32
    %broadcast_in_dim3A_1392 = vector.broadcast %jit3A_1390 : f32 to vector<8x1664xf32>
    %broadcast_in_dim3A_1393 = vector.broadcast %jit3A_1391 : f32 to vector<8x1664xf32>
    %select_n3A_1394 = arith.select %gt3A_1389, %broadcast_in_dim3A_1392, %broadcast_in_dim3A_1393 : vector<8x1664xi1>, vector<8x1664xf32>
    %add3A_1395 = arith.addf %add3A_1376, %select_n3A_1394 : vector<8x1664xf32>
    %get3A_1396 = arith.constant 0 : index
    %get3A_1397 = arith.constant 0 : index
    %get3A_1398 = arith.constant 8320 : index
    %get3A_1399 = vector.load %arg5[%get3A_1396, %get3A_1397, %get3A_1398] : memref<2x8x13312xf32, #tpu.memory_space<vmem>>, vector<1x8x1664xf32>
    %get3A_1400 = vector.shape_cast %get3A_1399 : vector<1x8x1664xf32> to vector<8x1664xf32>
    %sub3A_1401 = vector.broadcast %select_n3A_1296 : f32 to vector<8x1664xf32>
    %sub3A_1402 = arith.subf %get3A_1400, %sub3A_1401 : vector<8x1664xf32>
    %max3A_1403 = arith.constant 0.000000e+00 : f32
    %max3A_1404 = vector.broadcast %max3A_1403 : f32 to vector<8x1664xf32>
    %max3A_1405 = arith.maximumf %sub3A_1402, %max3A_1404 : vector<8x1664xf32>
    %add3A_1406 = arith.addf %add3A_1387, %max3A_1405 : vector<8x1664xf32>
    %gt3A_1407 = vector.broadcast %select_n3A_1296 : f32 to vector<8x1664xf32>
    %gt3A_1408 = arith.cmpf ogt, %get3A_1400, %gt3A_1407 : vector<8x1664xf32>
    %jit3A_1409 = arith.constant 1.000000e+00 : f32
    %jit3A_1410 = arith.constant 0.000000e+00 : f32
    %broadcast_in_dim3A_1411 = vector.broadcast %jit3A_1409 : f32 to vector<8x1664xf32>
    %broadcast_in_dim3A_1412 = vector.broadcast %jit3A_1410 : f32 to vector<8x1664xf32>
    %select_n3A_1413 = arith.select %gt3A_1408, %broadcast_in_dim3A_1411, %broadcast_in_dim3A_1412 : vector<8x1664xi1>, vector<8x1664xf32>
    %add3A_1414 = arith.addf %add3A_1395, %select_n3A_1413 : vector<8x1664xf32>
    %get3A_1415 = arith.constant 0 : index
    %get3A_1416 = arith.constant 0 : index
    %get3A_1417 = arith.constant 9984 : index
    %get3A_1418 = vector.load %arg5[%get3A_1415, %get3A_1416, %get3A_1417] : memref<2x8x13312xf32, #tpu.memory_space<vmem>>, vector<1x8x1664xf32>
    %get3A_1419 = vector.shape_cast %get3A_1418 : vector<1x8x1664xf32> to vector<8x1664xf32>
    %sub3A_1420 = vector.broadcast %select_n3A_1296 : f32 to vector<8x1664xf32>
    %sub3A_1421 = arith.subf %get3A_1419, %sub3A_1420 : vector<8x1664xf32>
    %max3A_1422 = arith.constant 0.000000e+00 : f32
    %max3A_1423 = vector.broadcast %max3A_1422 : f32 to vector<8x1664xf32>
    %max3A_1424 = arith.maximumf %sub3A_1421, %max3A_1423 : vector<8x1664xf32>
    %add3A_1425 = arith.addf %add3A_1406, %max3A_1424 : vector<8x1664xf32>
    %gt3A_1426 = vector.broadcast %select_n3A_1296 : f32 to vector<8x1664xf32>
    %gt3A_1427 = arith.cmpf ogt, %get3A_1419, %gt3A_1426 : vector<8x1664xf32>
    %jit3A_1428 = arith.constant 1.000000e+00 : f32
    %jit3A_1429 = arith.constant 0.000000e+00 : f32
    %broadcast_in_dim3A_1430 = vector.broadcast %jit3A_1428 : f32 to vector<8x1664xf32>
    %broadcast_in_dim3A_1431 = vector.broadcast %jit3A_1429 : f32 to vector<8x1664xf32>
    %select_n3A_1432 = arith.select %gt3A_1427, %broadcast_in_dim3A_1430, %broadcast_in_dim3A_1431 : vector<8x1664xi1>, vector<8x1664xf32>
    %add3A_1433 = arith.addf %add3A_1414, %select_n3A_1432 : vector<8x1664xf32>
    %get3A_1434 = arith.constant 0 : index
    %get3A_1435 = arith.constant 0 : index
    %get3A_1436 = arith.constant 11648 : index
    %get3A_1437 = vector.load %arg5[%get3A_1434, %get3A_1435, %get3A_1436] : memref<2x8x13312xf32, #tpu.memory_space<vmem>>, vector<1x8x1664xf32>
    %get3A_1438 = vector.shape_cast %get3A_1437 : vector<1x8x1664xf32> to vector<8x1664xf32>
    %sub3A_1439 = vector.broadcast %select_n3A_1296 : f32 to vector<8x1664xf32>
    %sub3A_1440 = arith.subf %get3A_1438, %sub3A_1439 : vector<8x1664xf32>
    %max3A_1441 = arith.constant 0.000000e+00 : f32
    %max3A_1442 = vector.broadcast %max3A_1441 : f32 to vector<8x1664xf32>
    %max3A_1443 = arith.maximumf %sub3A_1440, %max3A_1442 : vector<8x1664xf32>
    %add3A_1444 = arith.addf %add3A_1425, %max3A_1443 : vector<8x1664xf32>
    %gt3A_1445 = vector.broadcast %select_n3A_1296 : f32 to vector<8x1664xf32>
    %gt3A_1446 = arith.cmpf ogt, %get3A_1438, %gt3A_1445 : vector<8x1664xf32>
    %jit3A_1447 = arith.constant 1.000000e+00 : f32
    %jit3A_1448 = arith.constant 0.000000e+00 : f32
    %broadcast_in_dim3A_1449 = vector.broadcast %jit3A_1447 : f32 to vector<8x1664xf32>
    %broadcast_in_dim3A_1450 = vector.broadcast %jit3A_1448 : f32 to vector<8x1664xf32>
    %select_n3A_1451 = arith.select %gt3A_1446, %broadcast_in_dim3A_1449, %broadcast_in_dim3A_1450 : vector<8x1664xi1>, vector<8x1664xf32>
    %add3A_1452 = arith.addf %add3A_1433, %select_n3A_1451 : vector<8x1664xf32>
    %slice3A_1453 = vector.extract_strided_slice %add3A_1444 {offsets = [0, 0], sizes = [8, 896], strides = [1, 1]} : vector<8x1664xf32> to vector<8x896xf32>
    %slice3A_1454 = vector.extract_strided_slice %add3A_1444 {offsets = [0, 896], sizes = [8, 768], strides = [1, 1]} : vector<8x1664xf32> to vector<8x768xf32>
    %broadcast_in_dim3A_1455 = arith.constant 0.000000e+00 : f32
    %broadcast_in_dim3A_1456 = vector.broadcast %broadcast_in_dim3A_1455 : f32 to vector<8x128xf32>
    %concatenate3A_1457 = tpu.concatenate %slice3A_1454, %broadcast_in_dim3A_1456 in 1 : vector<8x768xf32>, vector<8x128xf32> -> vector<8x896xf32>
    %add3A_1458 = arith.addf %slice3A_1453, %concatenate3A_1457 : vector<8x896xf32>
    %slice3A_1459 = vector.extract_strided_slice %add3A_1458 {offsets = [0, 0], sizes = [8, 512], strides = [1, 1]} : vector<8x896xf32> to vector<8x512xf32>
    %slice3A_1460 = vector.extract_strided_slice %add3A_1458 {offsets = [0, 512], sizes = [8, 384], strides = [1, 1]} : vector<8x896xf32> to vector<8x384xf32>
    %broadcast_in_dim3A_1461 = arith.constant 0.000000e+00 : f32
    %broadcast_in_dim3A_1462 = vector.broadcast %broadcast_in_dim3A_1461 : f32 to vector<8x128xf32>
    %concatenate3A_1463 = tpu.concatenate %slice3A_1460, %broadcast_in_dim3A_1462 in 1 : vector<8x384xf32>, vector<8x128xf32> -> vector<8x512xf32>
    %add3A_1464 = arith.addf %slice3A_1459, %concatenate3A_1463 : vector<8x512xf32>
    %slice3A_1465 = vector.extract_strided_slice %add3A_1464 {offsets = [0, 0], sizes = [8, 256], strides = [1, 1]} : vector<8x512xf32> to vector<8x256xf32>
    %slice3A_1466 = vector.extract_strided_slice %add3A_1464 {offsets = [0, 256], sizes = [8, 256], strides = [1, 1]} : vector<8x512xf32> to vector<8x256xf32>
    %add3A_1467 = arith.addf %slice3A_1465, %slice3A_1466 : vector<8x256xf32>
    %slice3A_1468 = vector.extract_strided_slice %add3A_1467 {offsets = [0, 0], sizes = [8, 128], strides = [1, 1]} : vector<8x256xf32> to vector<8x128xf32>
    %slice3A_1469 = vector.extract_strided_slice %add3A_1467 {offsets = [0, 128], sizes = [8, 128], strides = [1, 1]} : vector<8x256xf32> to vector<8x128xf32>
    %add3A_1470 = arith.addf %slice3A_1468, %slice3A_1469 : vector<8x128xf32>
    %reduce_sum3A_1471 = vector.shape_cast %add3A_1470 : vector<8x128xf32> to vector<1x8x128xf32>
    %reduce_sum3A_1472 = arith.constant dense<0.000000e+00> : vector<1xf32>
    %reduce_sum3A_1473 = vector.multi_reduction <add>, %reduce_sum3A_1471, %reduce_sum3A_1472 [1, 2] : vector<1x8x128xf32> to vector<1xf32>
    %reduce_sum3A_1474 = vector.shape_cast %reduce_sum3A_1473 : vector<1xf32> to vector<1x1x1xf32>
    %reduce_sum3A_1475 = vector.extract %reduce_sum3A_1474[0, 0, 0] : f32 from vector<1x1x1xf32>
    %slice3A_1476 = vector.extract_strided_slice %add3A_1452 {offsets = [0, 0], sizes = [8, 896], strides = [1, 1]} : vector<8x1664xf32> to vector<8x896xf32>
    %slice3A_1477 = vector.extract_strided_slice %add3A_1452 {offsets = [0, 896], sizes = [8, 768], strides = [1, 1]} : vector<8x1664xf32> to vector<8x768xf32>
    %broadcast_in_dim3A_1478 = arith.constant 0.000000e+00 : f32
    %broadcast_in_dim3A_1479 = vector.broadcast %broadcast_in_dim3A_1478 : f32 to vector<8x128xf32>
    %concatenate3A_1480 = tpu.concatenate %slice3A_1477, %broadcast_in_dim3A_1479 in 1 : vector<8x768xf32>, vector<8x128xf32> -> vector<8x896xf32>
    %add3A_1481 = arith.addf %slice3A_1476, %concatenate3A_1480 : vector<8x896xf32>
    %slice3A_1482 = vector.extract_strided_slice %add3A_1481 {offsets = [0, 0], sizes = [8, 512], strides = [1, 1]} : vector<8x896xf32> to vector<8x512xf32>
    %slice3A_1483 = vector.extract_strided_slice %add3A_1481 {offsets = [0, 512], sizes = [8, 384], strides = [1, 1]} : vector<8x896xf32> to vector<8x384xf32>
    %broadcast_in_dim3A_1484 = arith.constant 0.000000e+00 : f32
    %broadcast_in_dim3A_1485 = vector.broadcast %broadcast_in_dim3A_1484 : f32 to vector<8x128xf32>
    %concatenate3A_1486 = tpu.concatenate %slice3A_1483, %broadcast_in_dim3A_1485 in 1 : vector<8x384xf32>, vector<8x128xf32> -> vector<8x512xf32>
    %add3A_1487 = arith.addf %slice3A_1482, %concatenate3A_1486 : vector<8x512xf32>
    %slice3A_1488 = vector.extract_strided_slice %add3A_1487 {offsets = [0, 0], sizes = [8, 256], strides = [1, 1]} : vector<8x512xf32> to vector<8x256xf32>
    %slice3A_1489 = vector.extract_strided_slice %add3A_1487 {offsets = [0, 256], sizes = [8, 256], strides = [1, 1]} : vector<8x512xf32> to vector<8x256xf32>
    %add3A_1490 = arith.addf %slice3A_1488, %slice3A_1489 : vector<8x256xf32>
    %slice3A_1491 = vector.extract_strided_slice %add3A_1490 {offsets = [0, 0], sizes = [8, 128], strides = [1, 1]} : vector<8x256xf32> to vector<8x128xf32>
    %slice3A_1492 = vector.extract_strided_slice %add3A_1490 {offsets = [0, 128], sizes = [8, 128], strides = [1, 1]} : vector<8x256xf32> to vector<8x128xf32>
    %add3A_1493 = arith.addf %slice3A_1491, %slice3A_1492 : vector<8x128xf32>
    %reduce_sum3A_1494 = vector.shape_cast %add3A_1493 : vector<8x128xf32> to vector<1x8x128xf32>
    %reduce_sum3A_1495 = arith.constant dense<0.000000e+00> : vector<1xf32>
    %reduce_sum3A_1496 = vector.multi_reduction <add>, %reduce_sum3A_1494, %reduce_sum3A_1495 [1, 2] : vector<1x8x128xf32> to vector<1xf32>
    %reduce_sum3A_1497 = vector.shape_cast %reduce_sum3A_1496 : vector<1xf32> to vector<1x1x1xf32>
    %reduce_sum3A_1498 = vector.extract %reduce_sum3A_1497[0, 0, 0] : f32 from vector<1x1x1xf32>
    %gt3A_1499 = arith.constant 0.000000e+00 : f32
    %gt3A_1500 = arith.cmpf ogt, %reduce_sum3A_1498, %gt3A_1499 : f32
    %sub3A_1501 = arith.constant 1.000000e+00 : f32
    %sub3A_1502 = arith.subf %reduce_sum3A_1475, %sub3A_1501 : f32
    %div3A_1503 = arith.divf %sub3A_1502, %reduce_sum3A_1498 : f32
    %add3A_1504 = arith.addf %select_n3A_1296, %div3A_1503 : f32
    %select_n3A_1505 = arith.select %gt3A_1500, %add3A_1504, %select_n3A_1296 : f32
    %broadcast_in_dim3A_1506 = arith.constant 0.000000e+00 : f32
    %broadcast_in_dim3A_1507 = vector.broadcast %broadcast_in_dim3A_1506 : f32 to vector<8x1664xf32>
    %broadcast_in_dim3A_1508 = arith.constant 0.000000e+00 : f32
    %broadcast_in_dim3A_1509 = vector.broadcast %broadcast_in_dim3A_1508 : f32 to vector<8x1664xf32>
    %get3A_1510 = arith.constant 0 : index
    %get3A_1511 = arith.constant 0 : index
    %get3A_1512 = arith.constant 0 : index
    %get3A_1513 = vector.load %arg5[%get3A_1510, %get3A_1511, %get3A_1512] : memref<2x8x13312xf32, #tpu.memory_space<vmem>>, vector<1x8x1664xf32>
    %get3A_1514 = vector.shape_cast %get3A_1513 : vector<1x8x1664xf32> to vector<8x1664xf32>
    %sub3A_1515 = vector.broadcast %select_n3A_1505 : f32 to vector<8x1664xf32>
    %sub3A_1516 = arith.subf %get3A_1514, %sub3A_1515 : vector<8x1664xf32>
    %max3A_1517 = arith.constant 0.000000e+00 : f32
    %max3A_1518 = vector.broadcast %max3A_1517 : f32 to vector<8x1664xf32>
    %max3A_1519 = arith.maximumf %sub3A_1516, %max3A_1518 : vector<8x1664xf32>
    %add3A_1520 = arith.addf %broadcast_in_dim3A_1507, %max3A_1519 : vector<8x1664xf32>
    %gt3A_1521 = vector.broadcast %select_n3A_1505 : f32 to vector<8x1664xf32>
    %gt3A_1522 = arith.cmpf ogt, %get3A_1514, %gt3A_1521 : vector<8x1664xf32>
    %jit3A_1523 = arith.constant 1.000000e+00 : f32
    %jit3A_1524 = arith.constant 0.000000e+00 : f32
    %broadcast_in_dim3A_1525 = vector.broadcast %jit3A_1523 : f32 to vector<8x1664xf32>
    %broadcast_in_dim3A_1526 = vector.broadcast %jit3A_1524 : f32 to vector<8x1664xf32>
    %select_n3A_1527 = arith.select %gt3A_1522, %broadcast_in_dim3A_1525, %broadcast_in_dim3A_1526 : vector<8x1664xi1>, vector<8x1664xf32>
    %add3A_1528 = arith.addf %broadcast_in_dim3A_1509, %select_n3A_1527 : vector<8x1664xf32>
    %get3A_1529 = arith.constant 0 : index
    %get3A_1530 = arith.constant 0 : index
    %get3A_1531 = arith.constant 1664 : index
    %get3A_1532 = vector.load %arg5[%get3A_1529, %get3A_1530, %get3A_1531] : memref<2x8x13312xf32, #tpu.memory_space<vmem>>, vector<1x8x1664xf32>
    %get3A_1533 = vector.shape_cast %get3A_1532 : vector<1x8x1664xf32> to vector<8x1664xf32>
    %sub3A_1534 = vector.broadcast %select_n3A_1505 : f32 to vector<8x1664xf32>
    %sub3A_1535 = arith.subf %get3A_1533, %sub3A_1534 : vector<8x1664xf32>
    %max3A_1536 = arith.constant 0.000000e+00 : f32
    %max3A_1537 = vector.broadcast %max3A_1536 : f32 to vector<8x1664xf32>
    %max3A_1538 = arith.maximumf %sub3A_1535, %max3A_1537 : vector<8x1664xf32>
    %add3A_1539 = arith.addf %add3A_1520, %max3A_1538 : vector<8x1664xf32>
    %gt3A_1540 = vector.broadcast %select_n3A_1505 : f32 to vector<8x1664xf32>
    %gt3A_1541 = arith.cmpf ogt, %get3A_1533, %gt3A_1540 : vector<8x1664xf32>
    %jit3A_1542 = arith.constant 1.000000e+00 : f32
    %jit3A_1543 = arith.constant 0.000000e+00 : f32
    %broadcast_in_dim3A_1544 = vector.broadcast %jit3A_1542 : f32 to vector<8x1664xf32>
    %broadcast_in_dim3A_1545 = vector.broadcast %jit3A_1543 : f32 to vector<8x1664xf32>
    %select_n3A_1546 = arith.select %gt3A_1541, %broadcast_in_dim3A_1544, %broadcast_in_dim3A_1545 : vector<8x1664xi1>, vector<8x1664xf32>
    %add3A_1547 = arith.addf %add3A_1528, %select_n3A_1546 : vector<8x1664xf32>
    %get3A_1548 = arith.constant 0 : index
    %get3A_1549 = arith.constant 0 : index
    %get3A_1550 = arith.constant 3328 : index
    %get3A_1551 = vector.load %arg5[%get3A_1548, %get3A_1549, %get3A_1550] : memref<2x8x13312xf32, #tpu.memory_space<vmem>>, vector<1x8x1664xf32>
    %get3A_1552 = vector.shape_cast %get3A_1551 : vector<1x8x1664xf32> to vector<8x1664xf32>
    %sub3A_1553 = vector.broadcast %select_n3A_1505 : f32 to vector<8x1664xf32>
    %sub3A_1554 = arith.subf %get3A_1552, %sub3A_1553 : vector<8x1664xf32>
    %max3A_1555 = arith.constant 0.000000e+00 : f32
    %max3A_1556 = vector.broadcast %max3A_1555 : f32 to vector<8x1664xf32>
    %max3A_1557 = arith.maximumf %sub3A_1554, %max3A_1556 : vector<8x1664xf32>
    %add3A_1558 = arith.addf %add3A_1539, %max3A_1557 : vector<8x1664xf32>
    %gt3A_1559 = vector.broadcast %select_n3A_1505 : f32 to vector<8x1664xf32>
    %gt3A_1560 = arith.cmpf ogt, %get3A_1552, %gt3A_1559 : vector<8x1664xf32>
    %jit3A_1561 = arith.constant 1.000000e+00 : f32
    %jit3A_1562 = arith.constant 0.000000e+00 : f32
    %broadcast_in_dim3A_1563 = vector.broadcast %jit3A_1561 : f32 to vector<8x1664xf32>
    %broadcast_in_dim3A_1564 = vector.broadcast %jit3A_1562 : f32 to vector<8x1664xf32>
    %select_n3A_1565 = arith.select %gt3A_1560, %broadcast_in_dim3A_1563, %broadcast_in_dim3A_1564 : vector<8x1664xi1>, vector<8x1664xf32>
    %add3A_1566 = arith.addf %add3A_1547, %select_n3A_1565 : vector<8x1664xf32>
    %get3A_1567 = arith.constant 0 : index
    %get3A_1568 = arith.constant 0 : index
    %get3A_1569 = arith.constant 4992 : index
    %get3A_1570 = vector.load %arg5[%get3A_1567, %get3A_1568, %get3A_1569] : memref<2x8x13312xf32, #tpu.memory_space<vmem>>, vector<1x8x1664xf32>
    %get3A_1571 = vector.shape_cast %get3A_1570 : vector<1x8x1664xf32> to vector<8x1664xf32>
    %sub3A_1572 = vector.broadcast %select_n3A_1505 : f32 to vector<8x1664xf32>
    %sub3A_1573 = arith.subf %get3A_1571, %sub3A_1572 : vector<8x1664xf32>
    %max3A_1574 = arith.constant 0.000000e+00 : f32
    %max3A_1575 = vector.broadcast %max3A_1574 : f32 to vector<8x1664xf32>
    %max3A_1576 = arith.maximumf %sub3A_1573, %max3A_1575 : vector<8x1664xf32>
    %add3A_1577 = arith.addf %add3A_1558, %max3A_1576 : vector<8x1664xf32>
    %gt3A_1578 = vector.broadcast %select_n3A_1505 : f32 to vector<8x1664xf32>
    %gt3A_1579 = arith.cmpf ogt, %get3A_1571, %gt3A_1578 : vector<8x1664xf32>
    %jit3A_1580 = arith.constant 1.000000e+00 : f32
    %jit3A_1581 = arith.constant 0.000000e+00 : f32
    %broadcast_in_dim3A_1582 = vector.broadcast %jit3A_1580 : f32 to vector<8x1664xf32>
    %broadcast_in_dim3A_1583 = vector.broadcast %jit3A_1581 : f32 to vector<8x1664xf32>
    %select_n3A_1584 = arith.select %gt3A_1579, %broadcast_in_dim3A_1582, %broadcast_in_dim3A_1583 : vector<8x1664xi1>, vector<8x1664xf32>
    %add3A_1585 = arith.addf %add3A_1566, %select_n3A_1584 : vector<8x1664xf32>
    %get3A_1586 = arith.constant 0 : index
    %get3A_1587 = arith.constant 0 : index
    %get3A_1588 = arith.constant 6656 : index
    %get3A_1589 = vector.load %arg5[%get3A_1586, %get3A_1587, %get3A_1588] : memref<2x8x13312xf32, #tpu.memory_space<vmem>>, vector<1x8x1664xf32>
    %get3A_1590 = vector.shape_cast %get3A_1589 : vector<1x8x1664xf32> to vector<8x1664xf32>
    %sub3A_1591 = vector.broadcast %select_n3A_1505 : f32 to vector<8x1664xf32>
    %sub3A_1592 = arith.subf %get3A_1590, %sub3A_1591 : vector<8x1664xf32>
    %max3A_1593 = arith.constant 0.000000e+00 : f32
    %max3A_1594 = vector.broadcast %max3A_1593 : f32 to vector<8x1664xf32>
    %max3A_1595 = arith.maximumf %sub3A_1592, %max3A_1594 : vector<8x1664xf32>
    %add3A_1596 = arith.addf %add3A_1577, %max3A_1595 : vector<8x1664xf32>
    %gt3A_1597 = vector.broadcast %select_n3A_1505 : f32 to vector<8x1664xf32>
    %gt3A_1598 = arith.cmpf ogt, %get3A_1590, %gt3A_1597 : vector<8x1664xf32>
    %jit3A_1599 = arith.constant 1.000000e+00 : f32
    %jit3A_1600 = arith.constant 0.000000e+00 : f32
    %broadcast_in_dim3A_1601 = vector.broadcast %jit3A_1599 : f32 to vector<8x1664xf32>
    %broadcast_in_dim3A_1602 = vector.broadcast %jit3A_1600 : f32 to vector<8x1664xf32>
    %select_n3A_1603 = arith.select %gt3A_1598, %broadcast_in_dim3A_1601, %broadcast_in_dim3A_1602 : vector<8x1664xi1>, vector<8x1664xf32>
    %add3A_1604 = arith.addf %add3A_1585, %select_n3A_1603 : vector<8x1664xf32>
    %get3A_1605 = arith.constant 0 : index
    %get3A_1606 = arith.constant 0 : index
    %get3A_1607 = arith.constant 8320 : index
    %get3A_1608 = vector.load %arg5[%get3A_1605, %get3A_1606, %get3A_1607] : memref<2x8x13312xf32, #tpu.memory_space<vmem>>, vector<1x8x1664xf32>
    %get3A_1609 = vector.shape_cast %get3A_1608 : vector<1x8x1664xf32> to vector<8x1664xf32>
    %sub3A_1610 = vector.broadcast %select_n3A_1505 : f32 to vector<8x1664xf32>
    %sub3A_1611 = arith.subf %get3A_1609, %sub3A_1610 : vector<8x1664xf32>
    %max3A_1612 = arith.constant 0.000000e+00 : f32
    %max3A_1613 = vector.broadcast %max3A_1612 : f32 to vector<8x1664xf32>
    %max3A_1614 = arith.maximumf %sub3A_1611, %max3A_1613 : vector<8x1664xf32>
    %add3A_1615 = arith.addf %add3A_1596, %max3A_1614 : vector<8x1664xf32>
    %gt3A_1616 = vector.broadcast %select_n3A_1505 : f32 to vector<8x1664xf32>
    %gt3A_1617 = arith.cmpf ogt, %get3A_1609, %gt3A_1616 : vector<8x1664xf32>
    %jit3A_1618 = arith.constant 1.000000e+00 : f32
    %jit3A_1619 = arith.constant 0.000000e+00 : f32
    %broadcast_in_dim3A_1620 = vector.broadcast %jit3A_1618 : f32 to vector<8x1664xf32>
    %broadcast_in_dim3A_1621 = vector.broadcast %jit3A_1619 : f32 to vector<8x1664xf32>
    %select_n3A_1622 = arith.select %gt3A_1617, %broadcast_in_dim3A_1620, %broadcast_in_dim3A_1621 : vector<8x1664xi1>, vector<8x1664xf32>
    %add3A_1623 = arith.addf %add3A_1604, %select_n3A_1622 : vector<8x1664xf32>
    %get3A_1624 = arith.constant 0 : index
    %get3A_1625 = arith.constant 0 : index
    %get3A_1626 = arith.constant 9984 : index
    %get3A_1627 = vector.load %arg5[%get3A_1624, %get3A_1625, %get3A_1626] : memref<2x8x13312xf32, #tpu.memory_space<vmem>>, vector<1x8x1664xf32>
    %get3A_1628 = vector.shape_cast %get3A_1627 : vector<1x8x1664xf32> to vector<8x1664xf32>
    %sub3A_1629 = vector.broadcast %select_n3A_1505 : f32 to vector<8x1664xf32>
    %sub3A_1630 = arith.subf %get3A_1628, %sub3A_1629 : vector<8x1664xf32>
    %max3A_1631 = arith.constant 0.000000e+00 : f32
    %max3A_1632 = vector.broadcast %max3A_1631 : f32 to vector<8x1664xf32>
    %max3A_1633 = arith.maximumf %sub3A_1630, %max3A_1632 : vector<8x1664xf32>
    %add3A_1634 = arith.addf %add3A_1615, %max3A_1633 : vector<8x1664xf32>
    %gt3A_1635 = vector.broadcast %select_n3A_1505 : f32 to vector<8x1664xf32>
    %gt3A_1636 = arith.cmpf ogt, %get3A_1628, %gt3A_1635 : vector<8x1664xf32>
    %jit3A_1637 = arith.constant 1.000000e+00 : f32
    %jit3A_1638 = arith.constant 0.000000e+00 : f32
    %broadcast_in_dim3A_1639 = vector.broadcast %jit3A_1637 : f32 to vector<8x1664xf32>
    %broadcast_in_dim3A_1640 = vector.broadcast %jit3A_1638 : f32 to vector<8x1664xf32>
    %select_n3A_1641 = arith.select %gt3A_1636, %broadcast_in_dim3A_1639, %broadcast_in_dim3A_1640 : vector<8x1664xi1>, vector<8x1664xf32>
    %add3A_1642 = arith.addf %add3A_1623, %select_n3A_1641 : vector<8x1664xf32>
    %get3A_1643 = arith.constant 0 : index
    %get3A_1644 = arith.constant 0 : index
    %get3A_1645 = arith.constant 11648 : index
    %get3A_1646 = vector.load %arg5[%get3A_1643, %get3A_1644, %get3A_1645] : memref<2x8x13312xf32, #tpu.memory_space<vmem>>, vector<1x8x1664xf32>
    %get3A_1647 = vector.shape_cast %get3A_1646 : vector<1x8x1664xf32> to vector<8x1664xf32>
    %sub3A_1648 = vector.broadcast %select_n3A_1505 : f32 to vector<8x1664xf32>
    %sub3A_1649 = arith.subf %get3A_1647, %sub3A_1648 : vector<8x1664xf32>
    %max3A_1650 = arith.constant 0.000000e+00 : f32
    %max3A_1651 = vector.broadcast %max3A_1650 : f32 to vector<8x1664xf32>
    %max3A_1652 = arith.maximumf %sub3A_1649, %max3A_1651 : vector<8x1664xf32>
    %add3A_1653 = arith.addf %add3A_1634, %max3A_1652 : vector<8x1664xf32>
    %gt3A_1654 = vector.broadcast %select_n3A_1505 : f32 to vector<8x1664xf32>
    %gt3A_1655 = arith.cmpf ogt, %get3A_1647, %gt3A_1654 : vector<8x1664xf32>
    %jit3A_1656 = arith.constant 1.000000e+00 : f32
    %jit3A_1657 = arith.constant 0.000000e+00 : f32
    %broadcast_in_dim3A_1658 = vector.broadcast %jit3A_1656 : f32 to vector<8x1664xf32>
    %broadcast_in_dim3A_1659 = vector.broadcast %jit3A_1657 : f32 to vector<8x1664xf32>
    %select_n3A_1660 = arith.select %gt3A_1655, %broadcast_in_dim3A_1658, %broadcast_in_dim3A_1659 : vector<8x1664xi1>, vector<8x1664xf32>
    %add3A_1661 = arith.addf %add3A_1642, %select_n3A_1660 : vector<8x1664xf32>
    %slice3A_1662 = vector.extract_strided_slice %add3A_1653 {offsets = [0, 0], sizes = [8, 896], strides = [1, 1]} : vector<8x1664xf32> to vector<8x896xf32>
    %slice3A_1663 = vector.extract_strided_slice %add3A_1653 {offsets = [0, 896], sizes = [8, 768], strides = [1, 1]} : vector<8x1664xf32> to vector<8x768xf32>
    %broadcast_in_dim3A_1664 = arith.constant 0.000000e+00 : f32
    %broadcast_in_dim3A_1665 = vector.broadcast %broadcast_in_dim3A_1664 : f32 to vector<8x128xf32>
    %concatenate3A_1666 = tpu.concatenate %slice3A_1663, %broadcast_in_dim3A_1665 in 1 : vector<8x768xf32>, vector<8x128xf32> -> vector<8x896xf32>
    %add3A_1667 = arith.addf %slice3A_1662, %concatenate3A_1666 : vector<8x896xf32>
    %slice3A_1668 = vector.extract_strided_slice %add3A_1667 {offsets = [0, 0], sizes = [8, 512], strides = [1, 1]} : vector<8x896xf32> to vector<8x512xf32>
    %slice3A_1669 = vector.extract_strided_slice %add3A_1667 {offsets = [0, 512], sizes = [8, 384], strides = [1, 1]} : vector<8x896xf32> to vector<8x384xf32>
    %broadcast_in_dim3A_1670 = arith.constant 0.000000e+00 : f32
    %broadcast_in_dim3A_1671 = vector.broadcast %broadcast_in_dim3A_1670 : f32 to vector<8x128xf32>
    %concatenate3A_1672 = tpu.concatenate %slice3A_1669, %broadcast_in_dim3A_1671 in 1 : vector<8x384xf32>, vector<8x128xf32> -> vector<8x512xf32>
    %add3A_1673 = arith.addf %slice3A_1668, %concatenate3A_1672 : vector<8x512xf32>
    %slice3A_1674 = vector.extract_strided_slice %add3A_1673 {offsets = [0, 0], sizes = [8, 256], strides = [1, 1]} : vector<8x512xf32> to vector<8x256xf32>
    %slice3A_1675 = vector.extract_strided_slice %add3A_1673 {offsets = [0, 256], sizes = [8, 256], strides = [1, 1]} : vector<8x512xf32> to vector<8x256xf32>
    %add3A_1676 = arith.addf %slice3A_1674, %slice3A_1675 : vector<8x256xf32>
    %slice3A_1677 = vector.extract_strided_slice %add3A_1676 {offsets = [0, 0], sizes = [8, 128], strides = [1, 1]} : vector<8x256xf32> to vector<8x128xf32>
    %slice3A_1678 = vector.extract_strided_slice %add3A_1676 {offsets = [0, 128], sizes = [8, 128], strides = [1, 1]} : vector<8x256xf32> to vector<8x128xf32>
    %add3A_1679 = arith.addf %slice3A_1677, %slice3A_1678 : vector<8x128xf32>
    %reduce_sum3A_1680 = vector.shape_cast %add3A_1679 : vector<8x128xf32> to vector<1x8x128xf32>
    %reduce_sum3A_1681 = arith.constant dense<0.000000e+00> : vector<1xf32>
    %reduce_sum3A_1682 = vector.multi_reduction <add>, %reduce_sum3A_1680, %reduce_sum3A_1681 [1, 2] : vector<1x8x128xf32> to vector<1xf32>
    %reduce_sum3A_1683 = vector.shape_cast %reduce_sum3A_1682 : vector<1xf32> to vector<1x1x1xf32>
    %reduce_sum3A_1684 = vector.extract %reduce_sum3A_1683[0, 0, 0] : f32 from vector<1x1x1xf32>
    %slice3A_1685 = vector.extract_strided_slice %add3A_1661 {offsets = [0, 0], sizes = [8, 896], strides = [1, 1]} : vector<8x1664xf32> to vector<8x896xf32>
    %slice3A_1686 = vector.extract_strided_slice %add3A_1661 {offsets = [0, 896], sizes = [8, 768], strides = [1, 1]} : vector<8x1664xf32> to vector<8x768xf32>
    %broadcast_in_dim3A_1687 = arith.constant 0.000000e+00 : f32
    %broadcast_in_dim3A_1688 = vector.broadcast %broadcast_in_dim3A_1687 : f32 to vector<8x128xf32>
    %concatenate3A_1689 = tpu.concatenate %slice3A_1686, %broadcast_in_dim3A_1688 in 1 : vector<8x768xf32>, vector<8x128xf32> -> vector<8x896xf32>
    %add3A_1690 = arith.addf %slice3A_1685, %concatenate3A_1689 : vector<8x896xf32>
    %slice3A_1691 = vector.extract_strided_slice %add3A_1690 {offsets = [0, 0], sizes = [8, 512], strides = [1, 1]} : vector<8x896xf32> to vector<8x512xf32>
    %slice3A_1692 = vector.extract_strided_slice %add3A_1690 {offsets = [0, 512], sizes = [8, 384], strides = [1, 1]} : vector<8x896xf32> to vector<8x384xf32>
    %broadcast_in_dim3A_1693 = arith.constant 0.000000e+00 : f32
    %broadcast_in_dim3A_1694 = vector.broadcast %broadcast_in_dim3A_1693 : f32 to vector<8x128xf32>
    %concatenate3A_1695 = tpu.concatenate %slice3A_1692, %broadcast_in_dim3A_1694 in 1 : vector<8x384xf32>, vector<8x128xf32> -> vector<8x512xf32>
    %add3A_1696 = arith.addf %slice3A_1691, %concatenate3A_1695 : vector<8x512xf32>
    %slice3A_1697 = vector.extract_strided_slice %add3A_1696 {offsets = [0, 0], sizes = [8, 256], strides = [1, 1]} : vector<8x512xf32> to vector<8x256xf32>
    %slice3A_1698 = vector.extract_strided_slice %add3A_1696 {offsets = [0, 256], sizes = [8, 256], strides = [1, 1]} : vector<8x512xf32> to vector<8x256xf32>
    %add3A_1699 = arith.addf %slice3A_1697, %slice3A_1698 : vector<8x256xf32>
    %slice3A_1700 = vector.extract_strided_slice %add3A_1699 {offsets = [0, 0], sizes = [8, 128], strides = [1, 1]} : vector<8x256xf32> to vector<8x128xf32>
    %slice3A_1701 = vector.extract_strided_slice %add3A_1699 {offsets = [0, 128], sizes = [8, 128], strides = [1, 1]} : vector<8x256xf32> to vector<8x128xf32>
    %add3A_1702 = arith.addf %slice3A_1700, %slice3A_1701 : vector<8x128xf32>
    %reduce_sum3A_1703 = vector.shape_cast %add3A_1702 : vector<8x128xf32> to vector<1x8x128xf32>
    %reduce_sum3A_1704 = arith.constant dense<0.000000e+00> : vector<1xf32>
    %reduce_sum3A_1705 = vector.multi_reduction <add>, %reduce_sum3A_1703, %reduce_sum3A_1704 [1, 2] : vector<1x8x128xf32> to vector<1xf32>
    %reduce_sum3A_1706 = vector.shape_cast %reduce_sum3A_1705 : vector<1xf32> to vector<1x1x1xf32>
    %reduce_sum3A_1707 = vector.extract %reduce_sum3A_1706[0, 0, 0] : f32 from vector<1x1x1xf32>
    %gt3A_1708 = arith.constant 0.000000e+00 : f32
    %gt3A_1709 = arith.cmpf ogt, %reduce_sum3A_1707, %gt3A_1708 : f32
    %sub3A_1710 = arith.constant 1.000000e+00 : f32
    %sub3A_1711 = arith.subf %reduce_sum3A_1684, %sub3A_1710 : f32
    %div3A_1712 = arith.divf %sub3A_1711, %reduce_sum3A_1707 : f32
    %add3A_1713 = arith.addf %select_n3A_1505, %div3A_1712 : f32
    %select_n3A_1714 = arith.select %gt3A_1709, %add3A_1713, %select_n3A_1505 : f32
    %broadcast_in_dim3A_1715 = arith.constant 0.000000e+00 : f32
    %broadcast_in_dim3A_1716 = vector.broadcast %broadcast_in_dim3A_1715 : f32 to vector<8x1664xf32>
    %broadcast_in_dim3A_1717 = arith.constant 0.000000e+00 : f32
    %broadcast_in_dim3A_1718 = vector.broadcast %broadcast_in_dim3A_1717 : f32 to vector<8x1664xf32>
    %get3A_1719 = arith.constant 0 : index
    %get3A_1720 = arith.constant 0 : index
    %get3A_1721 = arith.constant 0 : index
    %get3A_1722 = vector.load %arg5[%get3A_1719, %get3A_1720, %get3A_1721] : memref<2x8x13312xf32, #tpu.memory_space<vmem>>, vector<1x8x1664xf32>
    %get3A_1723 = vector.shape_cast %get3A_1722 : vector<1x8x1664xf32> to vector<8x1664xf32>
    %sub3A_1724 = vector.broadcast %select_n3A_1714 : f32 to vector<8x1664xf32>
    %sub3A_1725 = arith.subf %get3A_1723, %sub3A_1724 : vector<8x1664xf32>
    %max3A_1726 = arith.constant 0.000000e+00 : f32
    %max3A_1727 = vector.broadcast %max3A_1726 : f32 to vector<8x1664xf32>
    %max3A_1728 = arith.maximumf %sub3A_1725, %max3A_1727 : vector<8x1664xf32>
    %add3A_1729 = arith.addf %broadcast_in_dim3A_1716, %max3A_1728 : vector<8x1664xf32>
    %gt3A_1730 = vector.broadcast %select_n3A_1714 : f32 to vector<8x1664xf32>
    %gt3A_1731 = arith.cmpf ogt, %get3A_1723, %gt3A_1730 : vector<8x1664xf32>
    %jit3A_1732 = arith.constant 1.000000e+00 : f32
    %jit3A_1733 = arith.constant 0.000000e+00 : f32
    %broadcast_in_dim3A_1734 = vector.broadcast %jit3A_1732 : f32 to vector<8x1664xf32>
    %broadcast_in_dim3A_1735 = vector.broadcast %jit3A_1733 : f32 to vector<8x1664xf32>
    %select_n3A_1736 = arith.select %gt3A_1731, %broadcast_in_dim3A_1734, %broadcast_in_dim3A_1735 : vector<8x1664xi1>, vector<8x1664xf32>
    %add3A_1737 = arith.addf %broadcast_in_dim3A_1718, %select_n3A_1736 : vector<8x1664xf32>
    %get3A_1738 = arith.constant 0 : index
    %get3A_1739 = arith.constant 0 : index
    %get3A_1740 = arith.constant 1664 : index
    %get3A_1741 = vector.load %arg5[%get3A_1738, %get3A_1739, %get3A_1740] : memref<2x8x13312xf32, #tpu.memory_space<vmem>>, vector<1x8x1664xf32>
    %get3A_1742 = vector.shape_cast %get3A_1741 : vector<1x8x1664xf32> to vector<8x1664xf32>
    %sub3A_1743 = vector.broadcast %select_n3A_1714 : f32 to vector<8x1664xf32>
    %sub3A_1744 = arith.subf %get3A_1742, %sub3A_1743 : vector<8x1664xf32>
    %max3A_1745 = arith.constant 0.000000e+00 : f32
    %max3A_1746 = vector.broadcast %max3A_1745 : f32 to vector<8x1664xf32>
    %max3A_1747 = arith.maximumf %sub3A_1744, %max3A_1746 : vector<8x1664xf32>
    %add3A_1748 = arith.addf %add3A_1729, %max3A_1747 : vector<8x1664xf32>
    %gt3A_1749 = vector.broadcast %select_n3A_1714 : f32 to vector<8x1664xf32>
    %gt3A_1750 = arith.cmpf ogt, %get3A_1742, %gt3A_1749 : vector<8x1664xf32>
    %jit3A_1751 = arith.constant 1.000000e+00 : f32
    %jit3A_1752 = arith.constant 0.000000e+00 : f32
    %broadcast_in_dim3A_1753 = vector.broadcast %jit3A_1751 : f32 to vector<8x1664xf32>
    %broadcast_in_dim3A_1754 = vector.broadcast %jit3A_1752 : f32 to vector<8x1664xf32>
    %select_n3A_1755 = arith.select %gt3A_1750, %broadcast_in_dim3A_1753, %broadcast_in_dim3A_1754 : vector<8x1664xi1>, vector<8x1664xf32>
    %add3A_1756 = arith.addf %add3A_1737, %select_n3A_1755 : vector<8x1664xf32>
    %get3A_1757 = arith.constant 0 : index
    %get3A_1758 = arith.constant 0 : index
    %get3A_1759 = arith.constant 3328 : index
    %get3A_1760 = vector.load %arg5[%get3A_1757, %get3A_1758, %get3A_1759] : memref<2x8x13312xf32, #tpu.memory_space<vmem>>, vector<1x8x1664xf32>
    %get3A_1761 = vector.shape_cast %get3A_1760 : vector<1x8x1664xf32> to vector<8x1664xf32>
    %sub3A_1762 = vector.broadcast %select_n3A_1714 : f32 to vector<8x1664xf32>
    %sub3A_1763 = arith.subf %get3A_1761, %sub3A_1762 : vector<8x1664xf32>
    %max3A_1764 = arith.constant 0.000000e+00 : f32
    %max3A_1765 = vector.broadcast %max3A_1764 : f32 to vector<8x1664xf32>
    %max3A_1766 = arith.maximumf %sub3A_1763, %max3A_1765 : vector<8x1664xf32>
    %add3A_1767 = arith.addf %add3A_1748, %max3A_1766 : vector<8x1664xf32>
    %gt3A_1768 = vector.broadcast %select_n3A_1714 : f32 to vector<8x1664xf32>
    %gt3A_1769 = arith.cmpf ogt, %get3A_1761, %gt3A_1768 : vector<8x1664xf32>
    %jit3A_1770 = arith.constant 1.000000e+00 : f32
    %jit3A_1771 = arith.constant 0.000000e+00 : f32
    %broadcast_in_dim3A_1772 = vector.broadcast %jit3A_1770 : f32 to vector<8x1664xf32>
    %broadcast_in_dim3A_1773 = vector.broadcast %jit3A_1771 : f32 to vector<8x1664xf32>
    %select_n3A_1774 = arith.select %gt3A_1769, %broadcast_in_dim3A_1772, %broadcast_in_dim3A_1773 : vector<8x1664xi1>, vector<8x1664xf32>
    %add3A_1775 = arith.addf %add3A_1756, %select_n3A_1774 : vector<8x1664xf32>
    %get3A_1776 = arith.constant 0 : index
    %get3A_1777 = arith.constant 0 : index
    %get3A_1778 = arith.constant 4992 : index
    %get3A_1779 = vector.load %arg5[%get3A_1776, %get3A_1777, %get3A_1778] : memref<2x8x13312xf32, #tpu.memory_space<vmem>>, vector<1x8x1664xf32>
    %get3A_1780 = vector.shape_cast %get3A_1779 : vector<1x8x1664xf32> to vector<8x1664xf32>
    %sub3A_1781 = vector.broadcast %select_n3A_1714 : f32 to vector<8x1664xf32>
    %sub3A_1782 = arith.subf %get3A_1780, %sub3A_1781 : vector<8x1664xf32>
    %max3A_1783 = arith.constant 0.000000e+00 : f32
    %max3A_1784 = vector.broadcast %max3A_1783 : f32 to vector<8x1664xf32>
    %max3A_1785 = arith.maximumf %sub3A_1782, %max3A_1784 : vector<8x1664xf32>
    %add3A_1786 = arith.addf %add3A_1767, %max3A_1785 : vector<8x1664xf32>
    %gt3A_1787 = vector.broadcast %select_n3A_1714 : f32 to vector<8x1664xf32>
    %gt3A_1788 = arith.cmpf ogt, %get3A_1780, %gt3A_1787 : vector<8x1664xf32>
    %jit3A_1789 = arith.constant 1.000000e+00 : f32
    %jit3A_1790 = arith.constant 0.000000e+00 : f32
    %broadcast_in_dim3A_1791 = vector.broadcast %jit3A_1789 : f32 to vector<8x1664xf32>
    %broadcast_in_dim3A_1792 = vector.broadcast %jit3A_1790 : f32 to vector<8x1664xf32>
    %select_n3A_1793 = arith.select %gt3A_1788, %broadcast_in_dim3A_1791, %broadcast_in_dim3A_1792 : vector<8x1664xi1>, vector<8x1664xf32>
    %add3A_1794 = arith.addf %add3A_1775, %select_n3A_1793 : vector<8x1664xf32>
    %get3A_1795 = arith.constant 0 : index
    %get3A_1796 = arith.constant 0 : index
    %get3A_1797 = arith.constant 6656 : index
    %get3A_1798 = vector.load %arg5[%get3A_1795, %get3A_1796, %get3A_1797] : memref<2x8x13312xf32, #tpu.memory_space<vmem>>, vector<1x8x1664xf32>
    %get3A_1799 = vector.shape_cast %get3A_1798 : vector<1x8x1664xf32> to vector<8x1664xf32>
    %sub3A_1800 = vector.broadcast %select_n3A_1714 : f32 to vector<8x1664xf32>
    %sub3A_1801 = arith.subf %get3A_1799, %sub3A_1800 : vector<8x1664xf32>
    %max3A_1802 = arith.constant 0.000000e+00 : f32
    %max3A_1803 = vector.broadcast %max3A_1802 : f32 to vector<8x1664xf32>
    %max3A_1804 = arith.maximumf %sub3A_1801, %max3A_1803 : vector<8x1664xf32>
    %add3A_1805 = arith.addf %add3A_1786, %max3A_1804 : vector<8x1664xf32>
    %gt3A_1806 = vector.broadcast %select_n3A_1714 : f32 to vector<8x1664xf32>
    %gt3A_1807 = arith.cmpf ogt, %get3A_1799, %gt3A_1806 : vector<8x1664xf32>
    %jit3A_1808 = arith.constant 1.000000e+00 : f32
    %jit3A_1809 = arith.constant 0.000000e+00 : f32
    %broadcast_in_dim3A_1810 = vector.broadcast %jit3A_1808 : f32 to vector<8x1664xf32>
    %broadcast_in_dim3A_1811 = vector.broadcast %jit3A_1809 : f32 to vector<8x1664xf32>
    %select_n3A_1812 = arith.select %gt3A_1807, %broadcast_in_dim3A_1810, %broadcast_in_dim3A_1811 : vector<8x1664xi1>, vector<8x1664xf32>
    %add3A_1813 = arith.addf %add3A_1794, %select_n3A_1812 : vector<8x1664xf32>
    %get3A_1814 = arith.constant 0 : index
    %get3A_1815 = arith.constant 0 : index
    %get3A_1816 = arith.constant 8320 : index
    %get3A_1817 = vector.load %arg5[%get3A_1814, %get3A_1815, %get3A_1816] : memref<2x8x13312xf32, #tpu.memory_space<vmem>>, vector<1x8x1664xf32>
    %get3A_1818 = vector.shape_cast %get3A_1817 : vector<1x8x1664xf32> to vector<8x1664xf32>
    %sub3A_1819 = vector.broadcast %select_n3A_1714 : f32 to vector<8x1664xf32>
    %sub3A_1820 = arith.subf %get3A_1818, %sub3A_1819 : vector<8x1664xf32>
    %max3A_1821 = arith.constant 0.000000e+00 : f32
    %max3A_1822 = vector.broadcast %max3A_1821 : f32 to vector<8x1664xf32>
    %max3A_1823 = arith.maximumf %sub3A_1820, %max3A_1822 : vector<8x1664xf32>
    %add3A_1824 = arith.addf %add3A_1805, %max3A_1823 : vector<8x1664xf32>
    %gt3A_1825 = vector.broadcast %select_n3A_1714 : f32 to vector<8x1664xf32>
    %gt3A_1826 = arith.cmpf ogt, %get3A_1818, %gt3A_1825 : vector<8x1664xf32>
    %jit3A_1827 = arith.constant 1.000000e+00 : f32
    %jit3A_1828 = arith.constant 0.000000e+00 : f32
    %broadcast_in_dim3A_1829 = vector.broadcast %jit3A_1827 : f32 to vector<8x1664xf32>
    %broadcast_in_dim3A_1830 = vector.broadcast %jit3A_1828 : f32 to vector<8x1664xf32>
    %select_n3A_1831 = arith.select %gt3A_1826, %broadcast_in_dim3A_1829, %broadcast_in_dim3A_1830 : vector<8x1664xi1>, vector<8x1664xf32>
    %add3A_1832 = arith.addf %add3A_1813, %select_n3A_1831 : vector<8x1664xf32>
    %get3A_1833 = arith.constant 0 : index
    %get3A_1834 = arith.constant 0 : index
    %get3A_1835 = arith.constant 9984 : index
    %get3A_1836 = vector.load %arg5[%get3A_1833, %get3A_1834, %get3A_1835] : memref<2x8x13312xf32, #tpu.memory_space<vmem>>, vector<1x8x1664xf32>
    %get3A_1837 = vector.shape_cast %get3A_1836 : vector<1x8x1664xf32> to vector<8x1664xf32>
    %sub3A_1838 = vector.broadcast %select_n3A_1714 : f32 to vector<8x1664xf32>
    %sub3A_1839 = arith.subf %get3A_1837, %sub3A_1838 : vector<8x1664xf32>
    %max3A_1840 = arith.constant 0.000000e+00 : f32
    %max3A_1841 = vector.broadcast %max3A_1840 : f32 to vector<8x1664xf32>
    %max3A_1842 = arith.maximumf %sub3A_1839, %max3A_1841 : vector<8x1664xf32>
    %add3A_1843 = arith.addf %add3A_1824, %max3A_1842 : vector<8x1664xf32>
    %gt3A_1844 = vector.broadcast %select_n3A_1714 : f32 to vector<8x1664xf32>
    %gt3A_1845 = arith.cmpf ogt, %get3A_1837, %gt3A_1844 : vector<8x1664xf32>
    %jit3A_1846 = arith.constant 1.000000e+00 : f32
    %jit3A_1847 = arith.constant 0.000000e+00 : f32
    %broadcast_in_dim3A_1848 = vector.broadcast %jit3A_1846 : f32 to vector<8x1664xf32>
    %broadcast_in_dim3A_1849 = vector.broadcast %jit3A_1847 : f32 to vector<8x1664xf32>
    %select_n3A_1850 = arith.select %gt3A_1845, %broadcast_in_dim3A_1848, %broadcast_in_dim3A_1849 : vector<8x1664xi1>, vector<8x1664xf32>
    %add3A_1851 = arith.addf %add3A_1832, %select_n3A_1850 : vector<8x1664xf32>
    %get3A_1852 = arith.constant 0 : index
    %get3A_1853 = arith.constant 0 : index
    %get3A_1854 = arith.constant 11648 : index
    %get3A_1855 = vector.load %arg5[%get3A_1852, %get3A_1853, %get3A_1854] : memref<2x8x13312xf32, #tpu.memory_space<vmem>>, vector<1x8x1664xf32>
    %get3A_1856 = vector.shape_cast %get3A_1855 : vector<1x8x1664xf32> to vector<8x1664xf32>
    %sub3A_1857 = vector.broadcast %select_n3A_1714 : f32 to vector<8x1664xf32>
    %sub3A_1858 = arith.subf %get3A_1856, %sub3A_1857 : vector<8x1664xf32>
    %max3A_1859 = arith.constant 0.000000e+00 : f32
    %max3A_1860 = vector.broadcast %max3A_1859 : f32 to vector<8x1664xf32>
    %max3A_1861 = arith.maximumf %sub3A_1858, %max3A_1860 : vector<8x1664xf32>
    %add3A_1862 = arith.addf %add3A_1843, %max3A_1861 : vector<8x1664xf32>
    %gt3A_1863 = vector.broadcast %select_n3A_1714 : f32 to vector<8x1664xf32>
    %gt3A_1864 = arith.cmpf ogt, %get3A_1856, %gt3A_1863 : vector<8x1664xf32>
    %jit3A_1865 = arith.constant 1.000000e+00 : f32
    %jit3A_1866 = arith.constant 0.000000e+00 : f32
    %broadcast_in_dim3A_1867 = vector.broadcast %jit3A_1865 : f32 to vector<8x1664xf32>
    %broadcast_in_dim3A_1868 = vector.broadcast %jit3A_1866 : f32 to vector<8x1664xf32>
    %select_n3A_1869 = arith.select %gt3A_1864, %broadcast_in_dim3A_1867, %broadcast_in_dim3A_1868 : vector<8x1664xi1>, vector<8x1664xf32>
    %add3A_1870 = arith.addf %add3A_1851, %select_n3A_1869 : vector<8x1664xf32>
    %slice3A_1871 = vector.extract_strided_slice %add3A_1862 {offsets = [0, 0], sizes = [8, 896], strides = [1, 1]} : vector<8x1664xf32> to vector<8x896xf32>
    %slice3A_1872 = vector.extract_strided_slice %add3A_1862 {offsets = [0, 896], sizes = [8, 768], strides = [1, 1]} : vector<8x1664xf32> to vector<8x768xf32>
    %broadcast_in_dim3A_1873 = arith.constant 0.000000e+00 : f32
    %broadcast_in_dim3A_1874 = vector.broadcast %broadcast_in_dim3A_1873 : f32 to vector<8x128xf32>
    %concatenate3A_1875 = tpu.concatenate %slice3A_1872, %broadcast_in_dim3A_1874 in 1 : vector<8x768xf32>, vector<8x128xf32> -> vector<8x896xf32>
    %add3A_1876 = arith.addf %slice3A_1871, %concatenate3A_1875 : vector<8x896xf32>
    %slice3A_1877 = vector.extract_strided_slice %add3A_1876 {offsets = [0, 0], sizes = [8, 512], strides = [1, 1]} : vector<8x896xf32> to vector<8x512xf32>
    %slice3A_1878 = vector.extract_strided_slice %add3A_1876 {offsets = [0, 512], sizes = [8, 384], strides = [1, 1]} : vector<8x896xf32> to vector<8x384xf32>
    %broadcast_in_dim3A_1879 = arith.constant 0.000000e+00 : f32
    %broadcast_in_dim3A_1880 = vector.broadcast %broadcast_in_dim3A_1879 : f32 to vector<8x128xf32>
    %concatenate3A_1881 = tpu.concatenate %slice3A_1878, %broadcast_in_dim3A_1880 in 1 : vector<8x384xf32>, vector<8x128xf32> -> vector<8x512xf32>
    %add3A_1882 = arith.addf %slice3A_1877, %concatenate3A_1881 : vector<8x512xf32>
    %slice3A_1883 = vector.extract_strided_slice %add3A_1882 {offsets = [0, 0], sizes = [8, 256], strides = [1, 1]} : vector<8x512xf32> to vector<8x256xf32>
    %slice3A_1884 = vector.extract_strided_slice %add3A_1882 {offsets = [0, 256], sizes = [8, 256], strides = [1, 1]} : vector<8x512xf32> to vector<8x256xf32>
    %add3A_1885 = arith.addf %slice3A_1883, %slice3A_1884 : vector<8x256xf32>
    %slice3A_1886 = vector.extract_strided_slice %add3A_1885 {offsets = [0, 0], sizes = [8, 128], strides = [1, 1]} : vector<8x256xf32> to vector<8x128xf32>
    %slice3A_1887 = vector.extract_strided_slice %add3A_1885 {offsets = [0, 128], sizes = [8, 128], strides = [1, 1]} : vector<8x256xf32> to vector<8x128xf32>
    %add3A_1888 = arith.addf %slice3A_1886, %slice3A_1887 : vector<8x128xf32>
    %reduce_sum3A_1889 = vector.shape_cast %add3A_1888 : vector<8x128xf32> to vector<1x8x128xf32>
    %reduce_sum3A_1890 = arith.constant dense<0.000000e+00> : vector<1xf32>
    %reduce_sum3A_1891 = vector.multi_reduction <add>, %reduce_sum3A_1889, %reduce_sum3A_1890 [1, 2] : vector<1x8x128xf32> to vector<1xf32>
    %reduce_sum3A_1892 = vector.shape_cast %reduce_sum3A_1891 : vector<1xf32> to vector<1x1x1xf32>
    %reduce_sum3A_1893 = vector.extract %reduce_sum3A_1892[0, 0, 0] : f32 from vector<1x1x1xf32>
    %slice3A_1894 = vector.extract_strided_slice %add3A_1870 {offsets = [0, 0], sizes = [8, 896], strides = [1, 1]} : vector<8x1664xf32> to vector<8x896xf32>
    %slice3A_1895 = vector.extract_strided_slice %add3A_1870 {offsets = [0, 896], sizes = [8, 768], strides = [1, 1]} : vector<8x1664xf32> to vector<8x768xf32>
    %broadcast_in_dim3A_1896 = arith.constant 0.000000e+00 : f32
    %broadcast_in_dim3A_1897 = vector.broadcast %broadcast_in_dim3A_1896 : f32 to vector<8x128xf32>
    %concatenate3A_1898 = tpu.concatenate %slice3A_1895, %broadcast_in_dim3A_1897 in 1 : vector<8x768xf32>, vector<8x128xf32> -> vector<8x896xf32>
    %add3A_1899 = arith.addf %slice3A_1894, %concatenate3A_1898 : vector<8x896xf32>
    %slice3A_1900 = vector.extract_strided_slice %add3A_1899 {offsets = [0, 0], sizes = [8, 512], strides = [1, 1]} : vector<8x896xf32> to vector<8x512xf32>
    %slice3A_1901 = vector.extract_strided_slice %add3A_1899 {offsets = [0, 512], sizes = [8, 384], strides = [1, 1]} : vector<8x896xf32> to vector<8x384xf32>
    %broadcast_in_dim3A_1902 = arith.constant 0.000000e+00 : f32
    %broadcast_in_dim3A_1903 = vector.broadcast %broadcast_in_dim3A_1902 : f32 to vector<8x128xf32>
    %concatenate3A_1904 = tpu.concatenate %slice3A_1901, %broadcast_in_dim3A_1903 in 1 : vector<8x384xf32>, vector<8x128xf32> -> vector<8x512xf32>
    %add3A_1905 = arith.addf %slice3A_1900, %concatenate3A_1904 : vector<8x512xf32>
    %slice3A_1906 = vector.extract_strided_slice %add3A_1905 {offsets = [0, 0], sizes = [8, 256], strides = [1, 1]} : vector<8x512xf32> to vector<8x256xf32>
    %slice3A_1907 = vector.extract_strided_slice %add3A_1905 {offsets = [0, 256], sizes = [8, 256], strides = [1, 1]} : vector<8x512xf32> to vector<8x256xf32>
    %add3A_1908 = arith.addf %slice3A_1906, %slice3A_1907 : vector<8x256xf32>
    %slice3A_1909 = vector.extract_strided_slice %add3A_1908 {offsets = [0, 0], sizes = [8, 128], strides = [1, 1]} : vector<8x256xf32> to vector<8x128xf32>
    %slice3A_1910 = vector.extract_strided_slice %add3A_1908 {offsets = [0, 128], sizes = [8, 128], strides = [1, 1]} : vector<8x256xf32> to vector<8x128xf32>
    %add3A_1911 = arith.addf %slice3A_1909, %slice3A_1910 : vector<8x128xf32>
    %reduce_sum3A_1912 = vector.shape_cast %add3A_1911 : vector<8x128xf32> to vector<1x8x128xf32>
    %reduce_sum3A_1913 = arith.constant dense<0.000000e+00> : vector<1xf32>
    %reduce_sum3A_1914 = vector.multi_reduction <add>, %reduce_sum3A_1912, %reduce_sum3A_1913 [1, 2] : vector<1x8x128xf32> to vector<1xf32>
    %reduce_sum3A_1915 = vector.shape_cast %reduce_sum3A_1914 : vector<1xf32> to vector<1x1x1xf32>
    %reduce_sum3A_1916 = vector.extract %reduce_sum3A_1915[0, 0, 0] : f32 from vector<1x1x1xf32>
    %gt3A_1917 = arith.constant 0.000000e+00 : f32
    %gt3A_1918 = arith.cmpf ogt, %reduce_sum3A_1916, %gt3A_1917 : f32
    %sub3A_1919 = arith.constant 1.000000e+00 : f32
    %sub3A_1920 = arith.subf %reduce_sum3A_1893, %sub3A_1919 : f32
    %div3A_1921 = arith.divf %sub3A_1920, %reduce_sum3A_1916 : f32
    %add3A_1922 = arith.addf %select_n3A_1714, %div3A_1921 : f32
    %select_n3A_1923 = arith.select %gt3A_1918, %add3A_1922, %select_n3A_1714 : f32
    %broadcast_in_dim3A_1924 = arith.constant 0.000000e+00 : f32
    %broadcast_in_dim3A_1925 = vector.broadcast %broadcast_in_dim3A_1924 : f32 to vector<8x1664xf32>
    %broadcast_in_dim3A_1926 = arith.constant 0.000000e+00 : f32
    %broadcast_in_dim3A_1927 = vector.broadcast %broadcast_in_dim3A_1926 : f32 to vector<8x1664xf32>
    %get3A_1928 = arith.constant 0 : index
    %get3A_1929 = arith.constant 0 : index
    %get3A_1930 = arith.constant 0 : index
    %get3A_1931 = vector.load %arg5[%get3A_1928, %get3A_1929, %get3A_1930] : memref<2x8x13312xf32, #tpu.memory_space<vmem>>, vector<1x8x1664xf32>
    %get3A_1932 = vector.shape_cast %get3A_1931 : vector<1x8x1664xf32> to vector<8x1664xf32>
    %sub3A_1933 = vector.broadcast %select_n3A_1923 : f32 to vector<8x1664xf32>
    %sub3A_1934 = arith.subf %get3A_1932, %sub3A_1933 : vector<8x1664xf32>
    %max3A_1935 = arith.constant 0.000000e+00 : f32
    %max3A_1936 = vector.broadcast %max3A_1935 : f32 to vector<8x1664xf32>
    %max3A_1937 = arith.maximumf %sub3A_1934, %max3A_1936 : vector<8x1664xf32>
    %add3A_1938 = arith.addf %broadcast_in_dim3A_1925, %max3A_1937 : vector<8x1664xf32>
    %gt3A_1939 = vector.broadcast %select_n3A_1923 : f32 to vector<8x1664xf32>
    %gt3A_1940 = arith.cmpf ogt, %get3A_1932, %gt3A_1939 : vector<8x1664xf32>
    %jit3A_1941 = arith.constant 1.000000e+00 : f32
    %jit3A_1942 = arith.constant 0.000000e+00 : f32
    %broadcast_in_dim3A_1943 = vector.broadcast %jit3A_1941 : f32 to vector<8x1664xf32>
    %broadcast_in_dim3A_1944 = vector.broadcast %jit3A_1942 : f32 to vector<8x1664xf32>
    %select_n3A_1945 = arith.select %gt3A_1940, %broadcast_in_dim3A_1943, %broadcast_in_dim3A_1944 : vector<8x1664xi1>, vector<8x1664xf32>
    %add3A_1946 = arith.addf %broadcast_in_dim3A_1927, %select_n3A_1945 : vector<8x1664xf32>
    %get3A_1947 = arith.constant 0 : index
    %get3A_1948 = arith.constant 0 : index
    %get3A_1949 = arith.constant 1664 : index
    %get3A_1950 = vector.load %arg5[%get3A_1947, %get3A_1948, %get3A_1949] : memref<2x8x13312xf32, #tpu.memory_space<vmem>>, vector<1x8x1664xf32>
    %get3A_1951 = vector.shape_cast %get3A_1950 : vector<1x8x1664xf32> to vector<8x1664xf32>
    %sub3A_1952 = vector.broadcast %select_n3A_1923 : f32 to vector<8x1664xf32>
    %sub3A_1953 = arith.subf %get3A_1951, %sub3A_1952 : vector<8x1664xf32>
    %max3A_1954 = arith.constant 0.000000e+00 : f32
    %max3A_1955 = vector.broadcast %max3A_1954 : f32 to vector<8x1664xf32>
    %max3A_1956 = arith.maximumf %sub3A_1953, %max3A_1955 : vector<8x1664xf32>
    %add3A_1957 = arith.addf %add3A_1938, %max3A_1956 : vector<8x1664xf32>
    %gt3A_1958 = vector.broadcast %select_n3A_1923 : f32 to vector<8x1664xf32>
    %gt3A_1959 = arith.cmpf ogt, %get3A_1951, %gt3A_1958 : vector<8x1664xf32>
    %jit3A_1960 = arith.constant 1.000000e+00 : f32
    %jit3A_1961 = arith.constant 0.000000e+00 : f32
    %broadcast_in_dim3A_1962 = vector.broadcast %jit3A_1960 : f32 to vector<8x1664xf32>
    %broadcast_in_dim3A_1963 = vector.broadcast %jit3A_1961 : f32 to vector<8x1664xf32>
    %select_n3A_1964 = arith.select %gt3A_1959, %broadcast_in_dim3A_1962, %broadcast_in_dim3A_1963 : vector<8x1664xi1>, vector<8x1664xf32>
    %add3A_1965 = arith.addf %add3A_1946, %select_n3A_1964 : vector<8x1664xf32>
    %get3A_1966 = arith.constant 0 : index
    %get3A_1967 = arith.constant 0 : index
    %get3A_1968 = arith.constant 3328 : index
    %get3A_1969 = vector.load %arg5[%get3A_1966, %get3A_1967, %get3A_1968] : memref<2x8x13312xf32, #tpu.memory_space<vmem>>, vector<1x8x1664xf32>
    %get3A_1970 = vector.shape_cast %get3A_1969 : vector<1x8x1664xf32> to vector<8x1664xf32>
    %sub3A_1971 = vector.broadcast %select_n3A_1923 : f32 to vector<8x1664xf32>
    %sub3A_1972 = arith.subf %get3A_1970, %sub3A_1971 : vector<8x1664xf32>
    %max3A_1973 = arith.constant 0.000000e+00 : f32
    %max3A_1974 = vector.broadcast %max3A_1973 : f32 to vector<8x1664xf32>
    %max3A_1975 = arith.maximumf %sub3A_1972, %max3A_1974 : vector<8x1664xf32>
    %add3A_1976 = arith.addf %add3A_1957, %max3A_1975 : vector<8x1664xf32>
    %gt3A_1977 = vector.broadcast %select_n3A_1923 : f32 to vector<8x1664xf32>
    %gt3A_1978 = arith.cmpf ogt, %get3A_1970, %gt3A_1977 : vector<8x1664xf32>
    %jit3A_1979 = arith.constant 1.000000e+00 : f32
    %jit3A_1980 = arith.constant 0.000000e+00 : f32
    %broadcast_in_dim3A_1981 = vector.broadcast %jit3A_1979 : f32 to vector<8x1664xf32>
    %broadcast_in_dim3A_1982 = vector.broadcast %jit3A_1980 : f32 to vector<8x1664xf32>
    %select_n3A_1983 = arith.select %gt3A_1978, %broadcast_in_dim3A_1981, %broadcast_in_dim3A_1982 : vector<8x1664xi1>, vector<8x1664xf32>
    %add3A_1984 = arith.addf %add3A_1965, %select_n3A_1983 : vector<8x1664xf32>
    %get3A_1985 = arith.constant 0 : index
    %get3A_1986 = arith.constant 0 : index
    %get3A_1987 = arith.constant 4992 : index
    %get3A_1988 = vector.load %arg5[%get3A_1985, %get3A_1986, %get3A_1987] : memref<2x8x13312xf32, #tpu.memory_space<vmem>>, vector<1x8x1664xf32>
    %get3A_1989 = vector.shape_cast %get3A_1988 : vector<1x8x1664xf32> to vector<8x1664xf32>
    %sub3A_1990 = vector.broadcast %select_n3A_1923 : f32 to vector<8x1664xf32>
    %sub3A_1991 = arith.subf %get3A_1989, %sub3A_1990 : vector<8x1664xf32>
    %max3A_1992 = arith.constant 0.000000e+00 : f32
    %max3A_1993 = vector.broadcast %max3A_1992 : f32 to vector<8x1664xf32>
    %max3A_1994 = arith.maximumf %sub3A_1991, %max3A_1993 : vector<8x1664xf32>
    %add3A_1995 = arith.addf %add3A_1976, %max3A_1994 : vector<8x1664xf32>
    %gt3A_1996 = vector.broadcast %select_n3A_1923 : f32 to vector<8x1664xf32>
    %gt3A_1997 = arith.cmpf ogt, %get3A_1989, %gt3A_1996 : vector<8x1664xf32>
    %jit3A_1998 = arith.constant 1.000000e+00 : f32
    %jit3A_1999 = arith.constant 0.000000e+00 : f32
    %broadcast_in_dim3A_2000 = vector.broadcast %jit3A_1998 : f32 to vector<8x1664xf32>
    %broadcast_in_dim3A_2001 = vector.broadcast %jit3A_1999 : f32 to vector<8x1664xf32>
    %select_n3A_2002 = arith.select %gt3A_1997, %broadcast_in_dim3A_2000, %broadcast_in_dim3A_2001 : vector<8x1664xi1>, vector<8x1664xf32>
    %add3A_2003 = arith.addf %add3A_1984, %select_n3A_2002 : vector<8x1664xf32>
    %get3A_2004 = arith.constant 0 : index
    %get3A_2005 = arith.constant 0 : index
    %get3A_2006 = arith.constant 6656 : index
    %get3A_2007 = vector.load %arg5[%get3A_2004, %get3A_2005, %get3A_2006] : memref<2x8x13312xf32, #tpu.memory_space<vmem>>, vector<1x8x1664xf32>
    %get3A_2008 = vector.shape_cast %get3A_2007 : vector<1x8x1664xf32> to vector<8x1664xf32>
    %sub3A_2009 = vector.broadcast %select_n3A_1923 : f32 to vector<8x1664xf32>
    %sub3A_2010 = arith.subf %get3A_2008, %sub3A_2009 : vector<8x1664xf32>
    %max3A_2011 = arith.constant 0.000000e+00 : f32
    %max3A_2012 = vector.broadcast %max3A_2011 : f32 to vector<8x1664xf32>
    %max3A_2013 = arith.maximumf %sub3A_2010, %max3A_2012 : vector<8x1664xf32>
    %add3A_2014 = arith.addf %add3A_1995, %max3A_2013 : vector<8x1664xf32>
    %gt3A_2015 = vector.broadcast %select_n3A_1923 : f32 to vector<8x1664xf32>
    %gt3A_2016 = arith.cmpf ogt, %get3A_2008, %gt3A_2015 : vector<8x1664xf32>
    %jit3A_2017 = arith.constant 1.000000e+00 : f32
    %jit3A_2018 = arith.constant 0.000000e+00 : f32
    %broadcast_in_dim3A_2019 = vector.broadcast %jit3A_2017 : f32 to vector<8x1664xf32>
    %broadcast_in_dim3A_2020 = vector.broadcast %jit3A_2018 : f32 to vector<8x1664xf32>
    %select_n3A_2021 = arith.select %gt3A_2016, %broadcast_in_dim3A_2019, %broadcast_in_dim3A_2020 : vector<8x1664xi1>, vector<8x1664xf32>
    %add3A_2022 = arith.addf %add3A_2003, %select_n3A_2021 : vector<8x1664xf32>
    %get3A_2023 = arith.constant 0 : index
    %get3A_2024 = arith.constant 0 : index
    %get3A_2025 = arith.constant 8320 : index
    %get3A_2026 = vector.load %arg5[%get3A_2023, %get3A_2024, %get3A_2025] : memref<2x8x13312xf32, #tpu.memory_space<vmem>>, vector<1x8x1664xf32>
    %get3A_2027 = vector.shape_cast %get3A_2026 : vector<1x8x1664xf32> to vector<8x1664xf32>
    %sub3A_2028 = vector.broadcast %select_n3A_1923 : f32 to vector<8x1664xf32>
    %sub3A_2029 = arith.subf %get3A_2027, %sub3A_2028 : vector<8x1664xf32>
    %max3A_2030 = arith.constant 0.000000e+00 : f32
    %max3A_2031 = vector.broadcast %max3A_2030 : f32 to vector<8x1664xf32>
    %max3A_2032 = arith.maximumf %sub3A_2029, %max3A_2031 : vector<8x1664xf32>
    %add3A_2033 = arith.addf %add3A_2014, %max3A_2032 : vector<8x1664xf32>
    %gt3A_2034 = vector.broadcast %select_n3A_1923 : f32 to vector<8x1664xf32>
    %gt3A_2035 = arith.cmpf ogt, %get3A_2027, %gt3A_2034 : vector<8x1664xf32>
    %jit3A_2036 = arith.constant 1.000000e+00 : f32
    %jit3A_2037 = arith.constant 0.000000e+00 : f32
    %broadcast_in_dim3A_2038 = vector.broadcast %jit3A_2036 : f32 to vector<8x1664xf32>
    %broadcast_in_dim3A_2039 = vector.broadcast %jit3A_2037 : f32 to vector<8x1664xf32>
    %select_n3A_2040 = arith.select %gt3A_2035, %broadcast_in_dim3A_2038, %broadcast_in_dim3A_2039 : vector<8x1664xi1>, vector<8x1664xf32>
    %add3A_2041 = arith.addf %add3A_2022, %select_n3A_2040 : vector<8x1664xf32>
    %get3A_2042 = arith.constant 0 : index
    %get3A_2043 = arith.constant 0 : index
    %get3A_2044 = arith.constant 9984 : index
    %get3A_2045 = vector.load %arg5[%get3A_2042, %get3A_2043, %get3A_2044] : memref<2x8x13312xf32, #tpu.memory_space<vmem>>, vector<1x8x1664xf32>
    %get3A_2046 = vector.shape_cast %get3A_2045 : vector<1x8x1664xf32> to vector<8x1664xf32>
    %sub3A_2047 = vector.broadcast %select_n3A_1923 : f32 to vector<8x1664xf32>
    %sub3A_2048 = arith.subf %get3A_2046, %sub3A_2047 : vector<8x1664xf32>
    %max3A_2049 = arith.constant 0.000000e+00 : f32
    %max3A_2050 = vector.broadcast %max3A_2049 : f32 to vector<8x1664xf32>
    %max3A_2051 = arith.maximumf %sub3A_2048, %max3A_2050 : vector<8x1664xf32>
    %add3A_2052 = arith.addf %add3A_2033, %max3A_2051 : vector<8x1664xf32>
    %gt3A_2053 = vector.broadcast %select_n3A_1923 : f32 to vector<8x1664xf32>
    %gt3A_2054 = arith.cmpf ogt, %get3A_2046, %gt3A_2053 : vector<8x1664xf32>
    %jit3A_2055 = arith.constant 1.000000e+00 : f32
    %jit3A_2056 = arith.constant 0.000000e+00 : f32
    %broadcast_in_dim3A_2057 = vector.broadcast %jit3A_2055 : f32 to vector<8x1664xf32>
    %broadcast_in_dim3A_2058 = vector.broadcast %jit3A_2056 : f32 to vector<8x1664xf32>
    %select_n3A_2059 = arith.select %gt3A_2054, %broadcast_in_dim3A_2057, %broadcast_in_dim3A_2058 : vector<8x1664xi1>, vector<8x1664xf32>
    %add3A_2060 = arith.addf %add3A_2041, %select_n3A_2059 : vector<8x1664xf32>
    %get3A_2061 = arith.constant 0 : index
    %get3A_2062 = arith.constant 0 : index
    %get3A_2063 = arith.constant 11648 : index
    %get3A_2064 = vector.load %arg5[%get3A_2061, %get3A_2062, %get3A_2063] : memref<2x8x13312xf32, #tpu.memory_space<vmem>>, vector<1x8x1664xf32>
    %get3A_2065 = vector.shape_cast %get3A_2064 : vector<1x8x1664xf32> to vector<8x1664xf32>
    %sub3A_2066 = vector.broadcast %select_n3A_1923 : f32 to vector<8x1664xf32>
    %sub3A_2067 = arith.subf %get3A_2065, %sub3A_2066 : vector<8x1664xf32>
    %max3A_2068 = arith.constant 0.000000e+00 : f32
    %max3A_2069 = vector.broadcast %max3A_2068 : f32 to vector<8x1664xf32>
    %max3A_2070 = arith.maximumf %sub3A_2067, %max3A_2069 : vector<8x1664xf32>
    %add3A_2071 = arith.addf %add3A_2052, %max3A_2070 : vector<8x1664xf32>
    %gt3A_2072 = vector.broadcast %select_n3A_1923 : f32 to vector<8x1664xf32>
    %gt3A_2073 = arith.cmpf ogt, %get3A_2065, %gt3A_2072 : vector<8x1664xf32>
    %jit3A_2074 = arith.constant 1.000000e+00 : f32
    %jit3A_2075 = arith.constant 0.000000e+00 : f32
    %broadcast_in_dim3A_2076 = vector.broadcast %jit3A_2074 : f32 to vector<8x1664xf32>
    %broadcast_in_dim3A_2077 = vector.broadcast %jit3A_2075 : f32 to vector<8x1664xf32>
    %select_n3A_2078 = arith.select %gt3A_2073, %broadcast_in_dim3A_2076, %broadcast_in_dim3A_2077 : vector<8x1664xi1>, vector<8x1664xf32>
    %add3A_2079 = arith.addf %add3A_2060, %select_n3A_2078 : vector<8x1664xf32>
    %slice3A_2080 = vector.extract_strided_slice %add3A_2071 {offsets = [0, 0], sizes = [8, 896], strides = [1, 1]} : vector<8x1664xf32> to vector<8x896xf32>
    %slice3A_2081 = vector.extract_strided_slice %add3A_2071 {offsets = [0, 896], sizes = [8, 768], strides = [1, 1]} : vector<8x1664xf32> to vector<8x768xf32>
    %broadcast_in_dim3A_2082 = arith.constant 0.000000e+00 : f32
    %broadcast_in_dim3A_2083 = vector.broadcast %broadcast_in_dim3A_2082 : f32 to vector<8x128xf32>
    %concatenate3A_2084 = tpu.concatenate %slice3A_2081, %broadcast_in_dim3A_2083 in 1 : vector<8x768xf32>, vector<8x128xf32> -> vector<8x896xf32>
    %add3A_2085 = arith.addf %slice3A_2080, %concatenate3A_2084 : vector<8x896xf32>
    %slice3A_2086 = vector.extract_strided_slice %add3A_2085 {offsets = [0, 0], sizes = [8, 512], strides = [1, 1]} : vector<8x896xf32> to vector<8x512xf32>
    %slice3A_2087 = vector.extract_strided_slice %add3A_2085 {offsets = [0, 512], sizes = [8, 384], strides = [1, 1]} : vector<8x896xf32> to vector<8x384xf32>
    %broadcast_in_dim3A_2088 = arith.constant 0.000000e+00 : f32
    %broadcast_in_dim3A_2089 = vector.broadcast %broadcast_in_dim3A_2088 : f32 to vector<8x128xf32>
    %concatenate3A_2090 = tpu.concatenate %slice3A_2087, %broadcast_in_dim3A_2089 in 1 : vector<8x384xf32>, vector<8x128xf32> -> vector<8x512xf32>
    %add3A_2091 = arith.addf %slice3A_2086, %concatenate3A_2090 : vector<8x512xf32>
    %slice3A_2092 = vector.extract_strided_slice %add3A_2091 {offsets = [0, 0], sizes = [8, 256], strides = [1, 1]} : vector<8x512xf32> to vector<8x256xf32>
    %slice3A_2093 = vector.extract_strided_slice %add3A_2091 {offsets = [0, 256], sizes = [8, 256], strides = [1, 1]} : vector<8x512xf32> to vector<8x256xf32>
    %add3A_2094 = arith.addf %slice3A_2092, %slice3A_2093 : vector<8x256xf32>
    %slice3A_2095 = vector.extract_strided_slice %add3A_2094 {offsets = [0, 0], sizes = [8, 128], strides = [1, 1]} : vector<8x256xf32> to vector<8x128xf32>
    %slice3A_2096 = vector.extract_strided_slice %add3A_2094 {offsets = [0, 128], sizes = [8, 128], strides = [1, 1]} : vector<8x256xf32> to vector<8x128xf32>
    %add3A_2097 = arith.addf %slice3A_2095, %slice3A_2096 : vector<8x128xf32>
    %reduce_sum3A_2098 = vector.shape_cast %add3A_2097 : vector<8x128xf32> to vector<1x8x128xf32>
    %reduce_sum3A_2099 = arith.constant dense<0.000000e+00> : vector<1xf32>
    %reduce_sum3A_2100 = vector.multi_reduction <add>, %reduce_sum3A_2098, %reduce_sum3A_2099 [1, 2] : vector<1x8x128xf32> to vector<1xf32>
    %reduce_sum3A_2101 = vector.shape_cast %reduce_sum3A_2100 : vector<1xf32> to vector<1x1x1xf32>
    %reduce_sum3A_2102 = vector.extract %reduce_sum3A_2101[0, 0, 0] : f32 from vector<1x1x1xf32>
    %slice3A_2103 = vector.extract_strided_slice %add3A_2079 {offsets = [0, 0], sizes = [8, 896], strides = [1, 1]} : vector<8x1664xf32> to vector<8x896xf32>
    %slice3A_2104 = vector.extract_strided_slice %add3A_2079 {offsets = [0, 896], sizes = [8, 768], strides = [1, 1]} : vector<8x1664xf32> to vector<8x768xf32>
    %broadcast_in_dim3A_2105 = arith.constant 0.000000e+00 : f32
    %broadcast_in_dim3A_2106 = vector.broadcast %broadcast_in_dim3A_2105 : f32 to vector<8x128xf32>
    %concatenate3A_2107 = tpu.concatenate %slice3A_2104, %broadcast_in_dim3A_2106 in 1 : vector<8x768xf32>, vector<8x128xf32> -> vector<8x896xf32>
    %add3A_2108 = arith.addf %slice3A_2103, %concatenate3A_2107 : vector<8x896xf32>
    %slice3A_2109 = vector.extract_strided_slice %add3A_2108 {offsets = [0, 0], sizes = [8, 512], strides = [1, 1]} : vector<8x896xf32> to vector<8x512xf32>
    %slice3A_2110 = vector.extract_strided_slice %add3A_2108 {offsets = [0, 512], sizes = [8, 384], strides = [1, 1]} : vector<8x896xf32> to vector<8x384xf32>
    %broadcast_in_dim3A_2111 = arith.constant 0.000000e+00 : f32
    %broadcast_in_dim3A_2112 = vector.broadcast %broadcast_in_dim3A_2111 : f32 to vector<8x128xf32>
    %concatenate3A_2113 = tpu.concatenate %slice3A_2110, %broadcast_in_dim3A_2112 in 1 : vector<8x384xf32>, vector<8x128xf32> -> vector<8x512xf32>
    %add3A_2114 = arith.addf %slice3A_2109, %concatenate3A_2113 : vector<8x512xf32>
    %slice3A_2115 = vector.extract_strided_slice %add3A_2114 {offsets = [0, 0], sizes = [8, 256], strides = [1, 1]} : vector<8x512xf32> to vector<8x256xf32>
    %slice3A_2116 = vector.extract_strided_slice %add3A_2114 {offsets = [0, 256], sizes = [8, 256], strides = [1, 1]} : vector<8x512xf32> to vector<8x256xf32>
    %add3A_2117 = arith.addf %slice3A_2115, %slice3A_2116 : vector<8x256xf32>
    %slice3A_2118 = vector.extract_strided_slice %add3A_2117 {offsets = [0, 0], sizes = [8, 128], strides = [1, 1]} : vector<8x256xf32> to vector<8x128xf32>
    %slice3A_2119 = vector.extract_strided_slice %add3A_2117 {offsets = [0, 128], sizes = [8, 128], strides = [1, 1]} : vector<8x256xf32> to vector<8x128xf32>
    %add3A_2120 = arith.addf %slice3A_2118, %slice3A_2119 : vector<8x128xf32>
    %reduce_sum3A_2121 = vector.shape_cast %add3A_2120 : vector<8x128xf32> to vector<1x8x128xf32>
    %reduce_sum3A_2122 = arith.constant dense<0.000000e+00> : vector<1xf32>
    %reduce_sum3A_2123 = vector.multi_reduction <add>, %reduce_sum3A_2121, %reduce_sum3A_2122 [1, 2] : vector<1x8x128xf32> to vector<1xf32>
    %reduce_sum3A_2124 = vector.shape_cast %reduce_sum3A_2123 : vector<1xf32> to vector<1x1x1xf32>
    %reduce_sum3A_2125 = vector.extract %reduce_sum3A_2124[0, 0, 0] : f32 from vector<1x1x1xf32>
    %gt3A_2126 = arith.constant 0.000000e+00 : f32
    %gt3A_2127 = arith.cmpf ogt, %reduce_sum3A_2125, %gt3A_2126 : f32
    %sub3A_2128 = arith.constant 1.000000e+00 : f32
    %sub3A_2129 = arith.subf %reduce_sum3A_2102, %sub3A_2128 : f32
    %div3A_2130 = arith.divf %sub3A_2129, %reduce_sum3A_2125 : f32
    %add3A_2131 = arith.addf %select_n3A_1923, %div3A_2130 : f32
    %select_n3A_2132 = arith.select %gt3A_2127, %add3A_2131, %select_n3A_1923 : f32
    %broadcast_in_dim3A_2133 = arith.constant 0.000000e+00 : f32
    %broadcast_in_dim3A_2134 = vector.broadcast %broadcast_in_dim3A_2133 : f32 to vector<8x1664xf32>
    %broadcast_in_dim3A_2135 = arith.constant 0.000000e+00 : f32
    %broadcast_in_dim3A_2136 = vector.broadcast %broadcast_in_dim3A_2135 : f32 to vector<8x1664xf32>
    %get3A_2137 = arith.constant 0 : index
    %get3A_2138 = arith.constant 0 : index
    %get3A_2139 = arith.constant 0 : index
    %get3A_2140 = vector.load %arg5[%get3A_2137, %get3A_2138, %get3A_2139] : memref<2x8x13312xf32, #tpu.memory_space<vmem>>, vector<1x8x1664xf32>
    %get3A_2141 = vector.shape_cast %get3A_2140 : vector<1x8x1664xf32> to vector<8x1664xf32>
    %sub3A_2142 = vector.broadcast %select_n3A_2132 : f32 to vector<8x1664xf32>
    %sub3A_2143 = arith.subf %get3A_2141, %sub3A_2142 : vector<8x1664xf32>
    %max3A_2144 = arith.constant 0.000000e+00 : f32
    %max3A_2145 = vector.broadcast %max3A_2144 : f32 to vector<8x1664xf32>
    %max3A_2146 = arith.maximumf %sub3A_2143, %max3A_2145 : vector<8x1664xf32>
    %add3A_2147 = arith.addf %broadcast_in_dim3A_2134, %max3A_2146 : vector<8x1664xf32>
    %gt3A_2148 = vector.broadcast %select_n3A_2132 : f32 to vector<8x1664xf32>
    %gt3A_2149 = arith.cmpf ogt, %get3A_2141, %gt3A_2148 : vector<8x1664xf32>
    %jit3A_2150 = arith.constant 1.000000e+00 : f32
    %jit3A_2151 = arith.constant 0.000000e+00 : f32
    %broadcast_in_dim3A_2152 = vector.broadcast %jit3A_2150 : f32 to vector<8x1664xf32>
    %broadcast_in_dim3A_2153 = vector.broadcast %jit3A_2151 : f32 to vector<8x1664xf32>
    %select_n3A_2154 = arith.select %gt3A_2149, %broadcast_in_dim3A_2152, %broadcast_in_dim3A_2153 : vector<8x1664xi1>, vector<8x1664xf32>
    %add3A_2155 = arith.addf %broadcast_in_dim3A_2136, %select_n3A_2154 : vector<8x1664xf32>
    %get3A_2156 = arith.constant 0 : index
    %get3A_2157 = arith.constant 0 : index
    %get3A_2158 = arith.constant 1664 : index
    %get3A_2159 = vector.load %arg5[%get3A_2156, %get3A_2157, %get3A_2158] : memref<2x8x13312xf32, #tpu.memory_space<vmem>>, vector<1x8x1664xf32>
    %get3A_2160 = vector.shape_cast %get3A_2159 : vector<1x8x1664xf32> to vector<8x1664xf32>
    %sub3A_2161 = vector.broadcast %select_n3A_2132 : f32 to vector<8x1664xf32>
    %sub3A_2162 = arith.subf %get3A_2160, %sub3A_2161 : vector<8x1664xf32>
    %max3A_2163 = arith.constant 0.000000e+00 : f32
    %max3A_2164 = vector.broadcast %max3A_2163 : f32 to vector<8x1664xf32>
    %max3A_2165 = arith.maximumf %sub3A_2162, %max3A_2164 : vector<8x1664xf32>
    %add3A_2166 = arith.addf %add3A_2147, %max3A_2165 : vector<8x1664xf32>
    %gt3A_2167 = vector.broadcast %select_n3A_2132 : f32 to vector<8x1664xf32>
    %gt3A_2168 = arith.cmpf ogt, %get3A_2160, %gt3A_2167 : vector<8x1664xf32>
    %jit3A_2169 = arith.constant 1.000000e+00 : f32
    %jit3A_2170 = arith.constant 0.000000e+00 : f32
    %broadcast_in_dim3A_2171 = vector.broadcast %jit3A_2169 : f32 to vector<8x1664xf32>
    %broadcast_in_dim3A_2172 = vector.broadcast %jit3A_2170 : f32 to vector<8x1664xf32>
    %select_n3A_2173 = arith.select %gt3A_2168, %broadcast_in_dim3A_2171, %broadcast_in_dim3A_2172 : vector<8x1664xi1>, vector<8x1664xf32>
    %add3A_2174 = arith.addf %add3A_2155, %select_n3A_2173 : vector<8x1664xf32>
    %get3A_2175 = arith.constant 0 : index
    %get3A_2176 = arith.constant 0 : index
    %get3A_2177 = arith.constant 3328 : index
    %get3A_2178 = vector.load %arg5[%get3A_2175, %get3A_2176, %get3A_2177] : memref<2x8x13312xf32, #tpu.memory_space<vmem>>, vector<1x8x1664xf32>
    %get3A_2179 = vector.shape_cast %get3A_2178 : vector<1x8x1664xf32> to vector<8x1664xf32>
    %sub3A_2180 = vector.broadcast %select_n3A_2132 : f32 to vector<8x1664xf32>
    %sub3A_2181 = arith.subf %get3A_2179, %sub3A_2180 : vector<8x1664xf32>
    %max3A_2182 = arith.constant 0.000000e+00 : f32
    %max3A_2183 = vector.broadcast %max3A_2182 : f32 to vector<8x1664xf32>
    %max3A_2184 = arith.maximumf %sub3A_2181, %max3A_2183 : vector<8x1664xf32>
    %add3A_2185 = arith.addf %add3A_2166, %max3A_2184 : vector<8x1664xf32>
    %gt3A_2186 = vector.broadcast %select_n3A_2132 : f32 to vector<8x1664xf32>
    %gt3A_2187 = arith.cmpf ogt, %get3A_2179, %gt3A_2186 : vector<8x1664xf32>
    %jit3A_2188 = arith.constant 1.000000e+00 : f32
    %jit3A_2189 = arith.constant 0.000000e+00 : f32
    %broadcast_in_dim3A_2190 = vector.broadcast %jit3A_2188 : f32 to vector<8x1664xf32>
    %broadcast_in_dim3A_2191 = vector.broadcast %jit3A_2189 : f32 to vector<8x1664xf32>
    %select_n3A_2192 = arith.select %gt3A_2187, %broadcast_in_dim3A_2190, %broadcast_in_dim3A_2191 : vector<8x1664xi1>, vector<8x1664xf32>
    %add3A_2193 = arith.addf %add3A_2174, %select_n3A_2192 : vector<8x1664xf32>
    %get3A_2194 = arith.constant 0 : index
    %get3A_2195 = arith.constant 0 : index
    %get3A_2196 = arith.constant 4992 : index
    %get3A_2197 = vector.load %arg5[%get3A_2194, %get3A_2195, %get3A_2196] : memref<2x8x13312xf32, #tpu.memory_space<vmem>>, vector<1x8x1664xf32>
    %get3A_2198 = vector.shape_cast %get3A_2197 : vector<1x8x1664xf32> to vector<8x1664xf32>
    %sub3A_2199 = vector.broadcast %select_n3A_2132 : f32 to vector<8x1664xf32>
    %sub3A_2200 = arith.subf %get3A_2198, %sub3A_2199 : vector<8x1664xf32>
    %max3A_2201 = arith.constant 0.000000e+00 : f32
    %max3A_2202 = vector.broadcast %max3A_2201 : f32 to vector<8x1664xf32>
    %max3A_2203 = arith.maximumf %sub3A_2200, %max3A_2202 : vector<8x1664xf32>
    %add3A_2204 = arith.addf %add3A_2185, %max3A_2203 : vector<8x1664xf32>
    %gt3A_2205 = vector.broadcast %select_n3A_2132 : f32 to vector<8x1664xf32>
    %gt3A_2206 = arith.cmpf ogt, %get3A_2198, %gt3A_2205 : vector<8x1664xf32>
    %jit3A_2207 = arith.constant 1.000000e+00 : f32
    %jit3A_2208 = arith.constant 0.000000e+00 : f32
    %broadcast_in_dim3A_2209 = vector.broadcast %jit3A_2207 : f32 to vector<8x1664xf32>
    %broadcast_in_dim3A_2210 = vector.broadcast %jit3A_2208 : f32 to vector<8x1664xf32>
    %select_n3A_2211 = arith.select %gt3A_2206, %broadcast_in_dim3A_2209, %broadcast_in_dim3A_2210 : vector<8x1664xi1>, vector<8x1664xf32>
    %add3A_2212 = arith.addf %add3A_2193, %select_n3A_2211 : vector<8x1664xf32>
    %get3A_2213 = arith.constant 0 : index
    %get3A_2214 = arith.constant 0 : index
    %get3A_2215 = arith.constant 6656 : index
    %get3A_2216 = vector.load %arg5[%get3A_2213, %get3A_2214, %get3A_2215] : memref<2x8x13312xf32, #tpu.memory_space<vmem>>, vector<1x8x1664xf32>
    %get3A_2217 = vector.shape_cast %get3A_2216 : vector<1x8x1664xf32> to vector<8x1664xf32>
    %sub3A_2218 = vector.broadcast %select_n3A_2132 : f32 to vector<8x1664xf32>
    %sub3A_2219 = arith.subf %get3A_2217, %sub3A_2218 : vector<8x1664xf32>
    %max3A_2220 = arith.constant 0.000000e+00 : f32
    %max3A_2221 = vector.broadcast %max3A_2220 : f32 to vector<8x1664xf32>
    %max3A_2222 = arith.maximumf %sub3A_2219, %max3A_2221 : vector<8x1664xf32>
    %add3A_2223 = arith.addf %add3A_2204, %max3A_2222 : vector<8x1664xf32>
    %gt3A_2224 = vector.broadcast %select_n3A_2132 : f32 to vector<8x1664xf32>
    %gt3A_2225 = arith.cmpf ogt, %get3A_2217, %gt3A_2224 : vector<8x1664xf32>
    %jit3A_2226 = arith.constant 1.000000e+00 : f32
    %jit3A_2227 = arith.constant 0.000000e+00 : f32
    %broadcast_in_dim3A_2228 = vector.broadcast %jit3A_2226 : f32 to vector<8x1664xf32>
    %broadcast_in_dim3A_2229 = vector.broadcast %jit3A_2227 : f32 to vector<8x1664xf32>
    %select_n3A_2230 = arith.select %gt3A_2225, %broadcast_in_dim3A_2228, %broadcast_in_dim3A_2229 : vector<8x1664xi1>, vector<8x1664xf32>
    %add3A_2231 = arith.addf %add3A_2212, %select_n3A_2230 : vector<8x1664xf32>
    %get3A_2232 = arith.constant 0 : index
    %get3A_2233 = arith.constant 0 : index
    %get3A_2234 = arith.constant 8320 : index
    %get3A_2235 = vector.load %arg5[%get3A_2232, %get3A_2233, %get3A_2234] : memref<2x8x13312xf32, #tpu.memory_space<vmem>>, vector<1x8x1664xf32>
    %get3A_2236 = vector.shape_cast %get3A_2235 : vector<1x8x1664xf32> to vector<8x1664xf32>
    %sub3A_2237 = vector.broadcast %select_n3A_2132 : f32 to vector<8x1664xf32>
    %sub3A_2238 = arith.subf %get3A_2236, %sub3A_2237 : vector<8x1664xf32>
    %max3A_2239 = arith.constant 0.000000e+00 : f32
    %max3A_2240 = vector.broadcast %max3A_2239 : f32 to vector<8x1664xf32>
    %max3A_2241 = arith.maximumf %sub3A_2238, %max3A_2240 : vector<8x1664xf32>
    %add3A_2242 = arith.addf %add3A_2223, %max3A_2241 : vector<8x1664xf32>
    %gt3A_2243 = vector.broadcast %select_n3A_2132 : f32 to vector<8x1664xf32>
    %gt3A_2244 = arith.cmpf ogt, %get3A_2236, %gt3A_2243 : vector<8x1664xf32>
    %jit3A_2245 = arith.constant 1.000000e+00 : f32
    %jit3A_2246 = arith.constant 0.000000e+00 : f32
    %broadcast_in_dim3A_2247 = vector.broadcast %jit3A_2245 : f32 to vector<8x1664xf32>
    %broadcast_in_dim3A_2248 = vector.broadcast %jit3A_2246 : f32 to vector<8x1664xf32>
    %select_n3A_2249 = arith.select %gt3A_2244, %broadcast_in_dim3A_2247, %broadcast_in_dim3A_2248 : vector<8x1664xi1>, vector<8x1664xf32>
    %add3A_2250 = arith.addf %add3A_2231, %select_n3A_2249 : vector<8x1664xf32>
    %get3A_2251 = arith.constant 0 : index
    %get3A_2252 = arith.constant 0 : index
    %get3A_2253 = arith.constant 9984 : index
    %get3A_2254 = vector.load %arg5[%get3A_2251, %get3A_2252, %get3A_2253] : memref<2x8x13312xf32, #tpu.memory_space<vmem>>, vector<1x8x1664xf32>
    %get3A_2255 = vector.shape_cast %get3A_2254 : vector<1x8x1664xf32> to vector<8x1664xf32>
    %sub3A_2256 = vector.broadcast %select_n3A_2132 : f32 to vector<8x1664xf32>
    %sub3A_2257 = arith.subf %get3A_2255, %sub3A_2256 : vector<8x1664xf32>
    %max3A_2258 = arith.constant 0.000000e+00 : f32
    %max3A_2259 = vector.broadcast %max3A_2258 : f32 to vector<8x1664xf32>
    %max3A_2260 = arith.maximumf %sub3A_2257, %max3A_2259 : vector<8x1664xf32>
    %add3A_2261 = arith.addf %add3A_2242, %max3A_2260 : vector<8x1664xf32>
    %gt3A_2262 = vector.broadcast %select_n3A_2132 : f32 to vector<8x1664xf32>
    %gt3A_2263 = arith.cmpf ogt, %get3A_2255, %gt3A_2262 : vector<8x1664xf32>
    %jit3A_2264 = arith.constant 1.000000e+00 : f32
    %jit3A_2265 = arith.constant 0.000000e+00 : f32
    %broadcast_in_dim3A_2266 = vector.broadcast %jit3A_2264 : f32 to vector<8x1664xf32>
    %broadcast_in_dim3A_2267 = vector.broadcast %jit3A_2265 : f32 to vector<8x1664xf32>
    %select_n3A_2268 = arith.select %gt3A_2263, %broadcast_in_dim3A_2266, %broadcast_in_dim3A_2267 : vector<8x1664xi1>, vector<8x1664xf32>
    %add3A_2269 = arith.addf %add3A_2250, %select_n3A_2268 : vector<8x1664xf32>
    %get3A_2270 = arith.constant 0 : index
    %get3A_2271 = arith.constant 0 : index
    %get3A_2272 = arith.constant 11648 : index
    %get3A_2273 = vector.load %arg5[%get3A_2270, %get3A_2271, %get3A_2272] : memref<2x8x13312xf32, #tpu.memory_space<vmem>>, vector<1x8x1664xf32>
    %get3A_2274 = vector.shape_cast %get3A_2273 : vector<1x8x1664xf32> to vector<8x1664xf32>
    %sub3A_2275 = vector.broadcast %select_n3A_2132 : f32 to vector<8x1664xf32>
    %sub3A_2276 = arith.subf %get3A_2274, %sub3A_2275 : vector<8x1664xf32>
    %max3A_2277 = arith.constant 0.000000e+00 : f32
    %max3A_2278 = vector.broadcast %max3A_2277 : f32 to vector<8x1664xf32>
    %max3A_2279 = arith.maximumf %sub3A_2276, %max3A_2278 : vector<8x1664xf32>
    %add3A_2280 = arith.addf %add3A_2261, %max3A_2279 : vector<8x1664xf32>
    %gt3A_2281 = vector.broadcast %select_n3A_2132 : f32 to vector<8x1664xf32>
    %gt3A_2282 = arith.cmpf ogt, %get3A_2274, %gt3A_2281 : vector<8x1664xf32>
    %jit3A_2283 = arith.constant 1.000000e+00 : f32
    %jit3A_2284 = arith.constant 0.000000e+00 : f32
    %broadcast_in_dim3A_2285 = vector.broadcast %jit3A_2283 : f32 to vector<8x1664xf32>
    %broadcast_in_dim3A_2286 = vector.broadcast %jit3A_2284 : f32 to vector<8x1664xf32>
    %select_n3A_2287 = arith.select %gt3A_2282, %broadcast_in_dim3A_2285, %broadcast_in_dim3A_2286 : vector<8x1664xi1>, vector<8x1664xf32>
    %add3A_2288 = arith.addf %add3A_2269, %select_n3A_2287 : vector<8x1664xf32>
    %slice3A_2289 = vector.extract_strided_slice %add3A_2280 {offsets = [0, 0], sizes = [8, 896], strides = [1, 1]} : vector<8x1664xf32> to vector<8x896xf32>
    %slice3A_2290 = vector.extract_strided_slice %add3A_2280 {offsets = [0, 896], sizes = [8, 768], strides = [1, 1]} : vector<8x1664xf32> to vector<8x768xf32>
    %broadcast_in_dim3A_2291 = arith.constant 0.000000e+00 : f32
    %broadcast_in_dim3A_2292 = vector.broadcast %broadcast_in_dim3A_2291 : f32 to vector<8x128xf32>
    %concatenate3A_2293 = tpu.concatenate %slice3A_2290, %broadcast_in_dim3A_2292 in 1 : vector<8x768xf32>, vector<8x128xf32> -> vector<8x896xf32>
    %add3A_2294 = arith.addf %slice3A_2289, %concatenate3A_2293 : vector<8x896xf32>
    %slice3A_2295 = vector.extract_strided_slice %add3A_2294 {offsets = [0, 0], sizes = [8, 512], strides = [1, 1]} : vector<8x896xf32> to vector<8x512xf32>
    %slice3A_2296 = vector.extract_strided_slice %add3A_2294 {offsets = [0, 512], sizes = [8, 384], strides = [1, 1]} : vector<8x896xf32> to vector<8x384xf32>
    %broadcast_in_dim3A_2297 = arith.constant 0.000000e+00 : f32
    %broadcast_in_dim3A_2298 = vector.broadcast %broadcast_in_dim3A_2297 : f32 to vector<8x128xf32>
    %concatenate3A_2299 = tpu.concatenate %slice3A_2296, %broadcast_in_dim3A_2298 in 1 : vector<8x384xf32>, vector<8x128xf32> -> vector<8x512xf32>
    %add3A_2300 = arith.addf %slice3A_2295, %concatenate3A_2299 : vector<8x512xf32>
    %slice3A_2301 = vector.extract_strided_slice %add3A_2300 {offsets = [0, 0], sizes = [8, 256], strides = [1, 1]} : vector<8x512xf32> to vector<8x256xf32>
    %slice3A_2302 = vector.extract_strided_slice %add3A_2300 {offsets = [0, 256], sizes = [8, 256], strides = [1, 1]} : vector<8x512xf32> to vector<8x256xf32>
    %add3A_2303 = arith.addf %slice3A_2301, %slice3A_2302 : vector<8x256xf32>
    %slice3A_2304 = vector.extract_strided_slice %add3A_2303 {offsets = [0, 0], sizes = [8, 128], strides = [1, 1]} : vector<8x256xf32> to vector<8x128xf32>
    %slice3A_2305 = vector.extract_strided_slice %add3A_2303 {offsets = [0, 128], sizes = [8, 128], strides = [1, 1]} : vector<8x256xf32> to vector<8x128xf32>
    %add3A_2306 = arith.addf %slice3A_2304, %slice3A_2305 : vector<8x128xf32>
    %reduce_sum3A_2307 = vector.shape_cast %add3A_2306 : vector<8x128xf32> to vector<1x8x128xf32>
    %reduce_sum3A_2308 = arith.constant dense<0.000000e+00> : vector<1xf32>
    %reduce_sum3A_2309 = vector.multi_reduction <add>, %reduce_sum3A_2307, %reduce_sum3A_2308 [1, 2] : vector<1x8x128xf32> to vector<1xf32>
    %reduce_sum3A_2310 = vector.shape_cast %reduce_sum3A_2309 : vector<1xf32> to vector<1x1x1xf32>
    %reduce_sum3A_2311 = vector.extract %reduce_sum3A_2310[0, 0, 0] : f32 from vector<1x1x1xf32>
    %slice3A_2312 = vector.extract_strided_slice %add3A_2288 {offsets = [0, 0], sizes = [8, 896], strides = [1, 1]} : vector<8x1664xf32> to vector<8x896xf32>
    %slice3A_2313 = vector.extract_strided_slice %add3A_2288 {offsets = [0, 896], sizes = [8, 768], strides = [1, 1]} : vector<8x1664xf32> to vector<8x768xf32>
    %broadcast_in_dim3A_2314 = arith.constant 0.000000e+00 : f32
    %broadcast_in_dim3A_2315 = vector.broadcast %broadcast_in_dim3A_2314 : f32 to vector<8x128xf32>
    %concatenate3A_2316 = tpu.concatenate %slice3A_2313, %broadcast_in_dim3A_2315 in 1 : vector<8x768xf32>, vector<8x128xf32> -> vector<8x896xf32>
    %add3A_2317 = arith.addf %slice3A_2312, %concatenate3A_2316 : vector<8x896xf32>
    %slice3A_2318 = vector.extract_strided_slice %add3A_2317 {offsets = [0, 0], sizes = [8, 512], strides = [1, 1]} : vector<8x896xf32> to vector<8x512xf32>
    %slice3A_2319 = vector.extract_strided_slice %add3A_2317 {offsets = [0, 512], sizes = [8, 384], strides = [1, 1]} : vector<8x896xf32> to vector<8x384xf32>
    %broadcast_in_dim3A_2320 = arith.constant 0.000000e+00 : f32
    %broadcast_in_dim3A_2321 = vector.broadcast %broadcast_in_dim3A_2320 : f32 to vector<8x128xf32>
    %concatenate3A_2322 = tpu.concatenate %slice3A_2319, %broadcast_in_dim3A_2321 in 1 : vector<8x384xf32>, vector<8x128xf32> -> vector<8x512xf32>
    %add3A_2323 = arith.addf %slice3A_2318, %concatenate3A_2322 : vector<8x512xf32>
    %slice3A_2324 = vector.extract_strided_slice %add3A_2323 {offsets = [0, 0], sizes = [8, 256], strides = [1, 1]} : vector<8x512xf32> to vector<8x256xf32>
    %slice3A_2325 = vector.extract_strided_slice %add3A_2323 {offsets = [0, 256], sizes = [8, 256], strides = [1, 1]} : vector<8x512xf32> to vector<8x256xf32>
    %add3A_2326 = arith.addf %slice3A_2324, %slice3A_2325 : vector<8x256xf32>
    %slice3A_2327 = vector.extract_strided_slice %add3A_2326 {offsets = [0, 0], sizes = [8, 128], strides = [1, 1]} : vector<8x256xf32> to vector<8x128xf32>
    %slice3A_2328 = vector.extract_strided_slice %add3A_2326 {offsets = [0, 128], sizes = [8, 128], strides = [1, 1]} : vector<8x256xf32> to vector<8x128xf32>
    %add3A_2329 = arith.addf %slice3A_2327, %slice3A_2328 : vector<8x128xf32>
    %reduce_sum3A_2330 = vector.shape_cast %add3A_2329 : vector<8x128xf32> to vector<1x8x128xf32>
    %reduce_sum3A_2331 = arith.constant dense<0.000000e+00> : vector<1xf32>
    %reduce_sum3A_2332 = vector.multi_reduction <add>, %reduce_sum3A_2330, %reduce_sum3A_2331 [1, 2] : vector<1x8x128xf32> to vector<1xf32>
    %reduce_sum3A_2333 = vector.shape_cast %reduce_sum3A_2332 : vector<1xf32> to vector<1x1x1xf32>
    %reduce_sum3A_2334 = vector.extract %reduce_sum3A_2333[0, 0, 0] : f32 from vector<1x1x1xf32>
    %gt3A_2335 = arith.constant 0.000000e+00 : f32
    %gt3A_2336 = arith.cmpf ogt, %reduce_sum3A_2334, %gt3A_2335 : f32
    %sub3A_2337 = arith.constant 1.000000e+00 : f32
    %sub3A_2338 = arith.subf %reduce_sum3A_2311, %sub3A_2337 : f32
    %div3A_2339 = arith.divf %sub3A_2338, %reduce_sum3A_2334 : f32
    %add3A_2340 = arith.addf %select_n3A_2132, %div3A_2339 : f32
    %select_n3A_2341 = arith.select %gt3A_2336, %add3A_2340, %select_n3A_2132 : f32
    %get3A_2342 = arith.constant 0 : index
    %get3A_2343 = arith.constant 0 : index
    %get3A_2344 = arith.constant 0 : index
    %get3A_2345 = vector.load %arg5[%get3A_2342, %get3A_2343, %get3A_2344] : memref<2x8x13312xf32, #tpu.memory_space<vmem>>, vector<1x8x1664xf32>
    %get3A_2346 = vector.shape_cast %get3A_2345 : vector<1x8x1664xf32> to vector<8x1664xf32>
    %sub3A_2347 = vector.broadcast %select_n3A_2341 : f32 to vector<8x1664xf32>
    %sub3A_2348 = arith.subf %get3A_2346, %sub3A_2347 : vector<8x1664xf32>
    %max3A_2349 = arith.constant 0.000000e+00 : f32
    %max3A_2350 = vector.broadcast %max3A_2349 : f32 to vector<8x1664xf32>
    %max3A_2351 = arith.maximumf %sub3A_2348, %max3A_2350 : vector<8x1664xf32>
    %swap3A_2352 = arith.constant 0 : index
    %swap3A_2353 = arith.constant 0 : index
    %swap3A_2354 = arith.constant 0 : index
    %swap3A_2355 = vector.load %arg3[%swap3A_2352, %swap3A_2353, %swap3A_2354] : memref<2x8x12500xf32, #tpu.memory_space<vmem>>, vector<1x8x1664xf32>
    %swap3A_2356 = vector.shape_cast %swap3A_2355 : vector<1x8x1664xf32> to vector<8x1664xf32>
    %swap3A_2357 = vector.shape_cast %max3A_2351 : vector<8x1664xf32> to vector<1x8x1664xf32>
    tpu.vector_store %arg3[%swap3A_2352, %swap3A_2353, %swap3A_2354], %swap3A_2357 {strides = array<i32>} : memref<2x8x12500xf32, #tpu.memory_space<vmem>>, vector<1x8x1664xf32>,
    %get3A_2358 = arith.constant 0 : index
    %get3A_2359 = arith.constant 0 : index
    %get3A_2360 = arith.constant 1664 : index
    %get3A_2361 = vector.load %arg5[%get3A_2358, %get3A_2359, %get3A_2360] : memref<2x8x13312xf32, #tpu.memory_space<vmem>>, vector<1x8x1664xf32>
    %get3A_2362 = vector.shape_cast %get3A_2361 : vector<1x8x1664xf32> to vector<8x1664xf32>
    %sub3A_2363 = vector.broadcast %select_n3A_2341 : f32 to vector<8x1664xf32>
    %sub3A_2364 = arith.subf %get3A_2362, %sub3A_2363 : vector<8x1664xf32>
    %max3A_2365 = arith.constant 0.000000e+00 : f32
    %max3A_2366 = vector.broadcast %max3A_2365 : f32 to vector<8x1664xf32>
    %max3A_2367 = arith.maximumf %sub3A_2364, %max3A_2366 : vector<8x1664xf32>
    %swap3A_2368 = arith.constant 0 : index
    %swap3A_2369 = arith.constant 0 : index
    %swap3A_2370 = arith.constant 1664 : index
    %swap3A_2371 = vector.load %arg3[%swap3A_2368, %swap3A_2369, %swap3A_2370] : memref<2x8x12500xf32, #tpu.memory_space<vmem>>, vector<1x8x1664xf32>
    %swap3A_2372 = vector.shape_cast %swap3A_2371 : vector<1x8x1664xf32> to vector<8x1664xf32>
    %swap3A_2373 = vector.shape_cast %max3A_2367 : vector<8x1664xf32> to vector<1x8x1664xf32>
    tpu.vector_store %arg3[%swap3A_2368, %swap3A_2369, %swap3A_2370], %swap3A_2373 {strides = array<i32>} : memref<2x8x12500xf32, #tpu.memory_space<vmem>>, vector<1x8x1664xf32>,
    %get3A_2374 = arith.constant 0 : index
    %get3A_2375 = arith.constant 0 : index
    %get3A_2376 = arith.constant 3328 : index
    %get3A_2377 = vector.load %arg5[%get3A_2374, %get3A_2375, %get3A_2376] : memref<2x8x13312xf32, #tpu.memory_space<vmem>>, vector<1x8x1664xf32>
    %get3A_2378 = vector.shape_cast %get3A_2377 : vector<1x8x1664xf32> to vector<8x1664xf32>
    %sub3A_2379 = vector.broadcast %select_n3A_2341 : f32 to vector<8x1664xf32>
    %sub3A_2380 = arith.subf %get3A_2378, %sub3A_2379 : vector<8x1664xf32>
    %max3A_2381 = arith.constant 0.000000e+00 : f32
    %max3A_2382 = vector.broadcast %max3A_2381 : f32 to vector<8x1664xf32>
    %max3A_2383 = arith.maximumf %sub3A_2380, %max3A_2382 : vector<8x1664xf32>
    %swap3A_2384 = arith.constant 0 : index
    %swap3A_2385 = arith.constant 0 : index
    %swap3A_2386 = arith.constant 3328 : index
    %swap3A_2387 = vector.load %arg3[%swap3A_2384, %swap3A_2385, %swap3A_2386] : memref<2x8x12500xf32, #tpu.memory_space<vmem>>, vector<1x8x1664xf32>
    %swap3A_2388 = vector.shape_cast %swap3A_2387 : vector<1x8x1664xf32> to vector<8x1664xf32>
    %swap3A_2389 = vector.shape_cast %max3A_2383 : vector<8x1664xf32> to vector<1x8x1664xf32>
    tpu.vector_store %arg3[%swap3A_2384, %swap3A_2385, %swap3A_2386], %swap3A_2389 {strides = array<i32>} : memref<2x8x12500xf32, #tpu.memory_space<vmem>>, vector<1x8x1664xf32>,
    %get3A_2390 = arith.constant 0 : index
    %get3A_2391 = arith.constant 0 : index
    %get3A_2392 = arith.constant 4992 : index
    %get3A_2393 = vector.load %arg5[%get3A_2390, %get3A_2391, %get3A_2392] : memref<2x8x13312xf32, #tpu.memory_space<vmem>>, vector<1x8x1664xf32>
    %get3A_2394 = vector.shape_cast %get3A_2393 : vector<1x8x1664xf32> to vector<8x1664xf32>
    %sub3A_2395 = vector.broadcast %select_n3A_2341 : f32 to vector<8x1664xf32>
    %sub3A_2396 = arith.subf %get3A_2394, %sub3A_2395 : vector<8x1664xf32>
    %max3A_2397 = arith.constant 0.000000e+00 : f32
    %max3A_2398 = vector.broadcast %max3A_2397 : f32 to vector<8x1664xf32>
    %max3A_2399 = arith.maximumf %sub3A_2396, %max3A_2398 : vector<8x1664xf32>
    %swap3A_2400 = arith.constant 0 : index
    %swap3A_2401 = arith.constant 0 : index
    %swap3A_2402 = arith.constant 4992 : index
    %swap3A_2403 = vector.load %arg3[%swap3A_2400, %swap3A_2401, %swap3A_2402] : memref<2x8x12500xf32, #tpu.memory_space<vmem>>, vector<1x8x1664xf32>
    %swap3A_2404 = vector.shape_cast %swap3A_2403 : vector<1x8x1664xf32> to vector<8x1664xf32>
    %swap3A_2405 = vector.shape_cast %max3A_2399 : vector<8x1664xf32> to vector<1x8x1664xf32>
    tpu.vector_store %arg3[%swap3A_2400, %swap3A_2401, %swap3A_2402], %swap3A_2405 {strides = array<i32>} : memref<2x8x12500xf32, #tpu.memory_space<vmem>>, vector<1x8x1664xf32>,
    %get3A_2406 = arith.constant 0 : index
    %get3A_2407 = arith.constant 0 : index
    %get3A_2408 = arith.constant 6656 : index
    %get3A_2409 = vector.load %arg5[%get3A_2406, %get3A_2407, %get3A_2408] : memref<2x8x13312xf32, #tpu.memory_space<vmem>>, vector<1x8x1664xf32>
    %get3A_2410 = vector.shape_cast %get3A_2409 : vector<1x8x1664xf32> to vector<8x1664xf32>
    %sub3A_2411 = vector.broadcast %select_n3A_2341 : f32 to vector<8x1664xf32>
    %sub3A_2412 = arith.subf %get3A_2410, %sub3A_2411 : vector<8x1664xf32>
    %max3A_2413 = arith.constant 0.000000e+00 : f32
    %max3A_2414 = vector.broadcast %max3A_2413 : f32 to vector<8x1664xf32>
    %max3A_2415 = arith.maximumf %sub3A_2412, %max3A_2414 : vector<8x1664xf32>
    %swap3A_2416 = arith.constant 0 : index
    %swap3A_2417 = arith.constant 0 : index
    %swap3A_2418 = arith.constant 6656 : index
    %swap3A_2419 = vector.load %arg3[%swap3A_2416, %swap3A_2417, %swap3A_2418] : memref<2x8x12500xf32, #tpu.memory_space<vmem>>, vector<1x8x1664xf32>
    %swap3A_2420 = vector.shape_cast %swap3A_2419 : vector<1x8x1664xf32> to vector<8x1664xf32>
    %swap3A_2421 = vector.shape_cast %max3A_2415 : vector<8x1664xf32> to vector<1x8x1664xf32>
    tpu.vector_store %arg3[%swap3A_2416, %swap3A_2417, %swap3A_2418], %swap3A_2421 {strides = array<i32>} : memref<2x8x12500xf32, #tpu.memory_space<vmem>>, vector<1x8x1664xf32>,
    %get3A_2422 = arith.constant 0 : index
    %get3A_2423 = arith.constant 0 : index
    %get3A_2424 = arith.constant 8320 : index
    %get3A_2425 = vector.load %arg5[%get3A_2422, %get3A_2423, %get3A_2424] : memref<2x8x13312xf32, #tpu.memory_space<vmem>>, vector<1x8x1664xf32>
    %get3A_2426 = vector.shape_cast %get3A_2425 : vector<1x8x1664xf32> to vector<8x1664xf32>
    %sub3A_2427 = vector.broadcast %select_n3A_2341 : f32 to vector<8x1664xf32>
    %sub3A_2428 = arith.subf %get3A_2426, %sub3A_2427 : vector<8x1664xf32>
    %max3A_2429 = arith.constant 0.000000e+00 : f32
    %max3A_2430 = vector.broadcast %max3A_2429 : f32 to vector<8x1664xf32>
    %max3A_2431 = arith.maximumf %sub3A_2428, %max3A_2430 : vector<8x1664xf32>
    %swap3A_2432 = arith.constant 0 : index
    %swap3A_2433 = arith.constant 0 : index
    %swap3A_2434 = arith.constant 8320 : index
    %swap3A_2435 = vector.load %arg3[%swap3A_2432, %swap3A_2433, %swap3A_2434] : memref<2x8x12500xf32, #tpu.memory_space<vmem>>, vector<1x8x1664xf32>
    %swap3A_2436 = vector.shape_cast %swap3A_2435 : vector<1x8x1664xf32> to vector<8x1664xf32>
    %swap3A_2437 = vector.shape_cast %max3A_2431 : vector<8x1664xf32> to vector<1x8x1664xf32>
    tpu.vector_store %arg3[%swap3A_2432, %swap3A_2433, %swap3A_2434], %swap3A_2437 {strides = array<i32>} : memref<2x8x12500xf32, #tpu.memory_space<vmem>>, vector<1x8x1664xf32>,
    %get3A_2438 = arith.constant 0 : index
    %get3A_2439 = arith.constant 0 : index
    %get3A_2440 = arith.constant 9984 : index
    %get3A_2441 = vector.load %arg5[%get3A_2438, %get3A_2439, %get3A_2440] : memref<2x8x13312xf32, #tpu.memory_space<vmem>>, vector<1x8x1664xf32>
    %get3A_2442 = vector.shape_cast %get3A_2441 : vector<1x8x1664xf32> to vector<8x1664xf32>
    %sub3A_2443 = vector.broadcast %select_n3A_2341 : f32 to vector<8x1664xf32>
    %sub3A_2444 = arith.subf %get3A_2442, %sub3A_2443 : vector<8x1664xf32>
    %max3A_2445 = arith.constant 0.000000e+00 : f32
    %max3A_2446 = vector.broadcast %max3A_2445 : f32 to vector<8x1664xf32>
    %max3A_2447 = arith.maximumf %sub3A_2444, %max3A_2446 : vector<8x1664xf32>
    %swap3A_2448 = arith.constant 0 : index
    %swap3A_2449 = arith.constant 0 : index
    %swap3A_2450 = arith.constant 9984 : index
    %swap3A_2451 = vector.load %arg3[%swap3A_2448, %swap3A_2449, %swap3A_2450] : memref<2x8x12500xf32, #tpu.memory_space<vmem>>, vector<1x8x1664xf32>
    %swap3A_2452 = vector.shape_cast %swap3A_2451 : vector<1x8x1664xf32> to vector<8x1664xf32>
    %swap3A_2453 = vector.shape_cast %max3A_2447 : vector<8x1664xf32> to vector<1x8x1664xf32>
    tpu.vector_store %arg3[%swap3A_2448, %swap3A_2449, %swap3A_2450], %swap3A_2453 {strides = array<i32>} : memref<2x8x12500xf32, #tpu.memory_space<vmem>>, vector<1x8x1664xf32>,
    %get3A_2454 = arith.constant 0 : index
    %get3A_2455 = arith.constant 0 : index
    %get3A_2456 = arith.constant 11648 : index
    %get3A_2457 = vector.load %arg5[%get3A_2454, %get3A_2455, %get3A_2456] : memref<2x8x13312xf32, #tpu.memory_space<vmem>>, vector<1x8x852xf32>
    %get3A_2458 = vector.shape_cast %get3A_2457 : vector<1x8x852xf32> to vector<8x852xf32>
    %sub3A_2459 = vector.broadcast %select_n3A_2341 : f32 to vector<8x852xf32>
    %sub3A_2460 = arith.subf %get3A_2458, %sub3A_2459 : vector<8x852xf32>
    %max3A_2461 = arith.constant 0.000000e+00 : f32
    %max3A_2462 = vector.broadcast %max3A_2461 : f32 to vector<8x852xf32>
    %max3A_2463 = arith.maximumf %sub3A_2460, %max3A_2462 : vector<8x852xf32>
    %swap3A_2464 = arith.constant 0 : index
    %swap3A_2465 = arith.constant 0 : index
    %swap3A_2466 = arith.constant 11648 : index
    %swap3A_2467 = vector.load %arg3[%swap3A_2464, %swap3A_2465, %swap3A_2466] : memref<2x8x12500xf32, #tpu.memory_space<vmem>>, vector<1x8x852xf32>
    %swap3A_2468 = vector.shape_cast %swap3A_2467 : vector<1x8x852xf32> to vector<8x852xf32>
    %swap3A_2469 = vector.shape_cast %max3A_2463 : vector<8x852xf32> to vector<1x8x852xf32>
    tpu.vector_store %arg3[%swap3A_2464, %swap3A_2465, %swap3A_2466], %swap3A_2469 {strides = array<i32>} : memref<2x8x12500xf32, #tpu.memory_space<vmem>>, vector<1x8x852xf32>,
    %get3A_2470 = arith.constant 1 : index
    %get3A_2471 = arith.constant 0 : index
    %get3A_2472 = arith.constant 0 : index
    %get3A_2473 = vector.load %arg1[%get3A_2470, %get3A_2471, %get3A_2472] : memref<2x8x12500xf32, #tpu.memory_space<vmem>>, vector<1x8x12500xf32>
    %get3A_2474 = vector.shape_cast %get3A_2473 : vector<1x8x12500xf32> to vector<8x12500xf32>
    %get3A_2475 = arith.constant 1 : index
    %get3A_2476 = arith.constant 0 : index
    %get3A_2477 = arith.constant 0 : index
    %get3A_2478 = vector.load %arg2[%get3A_2475, %get3A_2476, %get3A_2477] : memref<2x8x12500xf32, #tpu.memory_space<vmem>>, vector<1x8x12500xf32>
    %get3A_2479 = vector.shape_cast %get3A_2478 : vector<1x8x12500xf32> to vector<8x12500xf32>
    %slice3A_2480 = vector.extract_strided_slice %get3A_2474 {offsets = [0, 0], sizes = [8, 1664], strides = [1, 1]} : vector<8x12500xf32> to vector<8x1664xf32>
    %slice3A_2481 = vector.extract_strided_slice %get3A_2479 {offsets = [0, 0], sizes = [8, 1664], strides = [1, 1]} : vector<8x12500xf32> to vector<8x1664xf32>
    %add3A_2482 = arith.addf %slice3A_2480, %slice3A_2481 : vector<8x1664xf32>
    %swap3A_2483 = arith.constant 1 : index
    %swap3A_2484 = arith.constant 0 : index
    %swap3A_2485 = arith.constant 0 : index
    %swap3A_2486 = vector.load %arg5[%swap3A_2483, %swap3A_2484, %swap3A_2485] : memref<2x8x13312xf32, #tpu.memory_space<vmem>>, vector<1x8x1664xf32>
    %swap3A_2487 = vector.shape_cast %swap3A_2486 : vector<1x8x1664xf32> to vector<8x1664xf32>
    %swap3A_2488 = vector.shape_cast %add3A_2482 : vector<8x1664xf32> to vector<1x8x1664xf32>
    tpu.vector_store %arg5[%swap3A_2483, %swap3A_2484, %swap3A_2485], %swap3A_2488 {strides = array<i32>} : memref<2x8x13312xf32, #tpu.memory_space<vmem>>, vector<1x8x1664xf32>,
    %slice3A_2489 = vector.extract_strided_slice %get3A_2474 {offsets = [0, 1664], sizes = [8, 1664], strides = [1, 1]} : vector<8x12500xf32> to vector<8x1664xf32>
    %slice3A_2490 = vector.extract_strided_slice %get3A_2479 {offsets = [0, 1664], sizes = [8, 1664], strides = [1, 1]} : vector<8x12500xf32> to vector<8x1664xf32>
    %add3A_2491 = arith.addf %slice3A_2489, %slice3A_2490 : vector<8x1664xf32>
    %swap3A_2492 = arith.constant 1 : index
    %swap3A_2493 = arith.constant 0 : index
    %swap3A_2494 = arith.constant 1664 : index
    %swap3A_2495 = vector.load %arg5[%swap3A_2492, %swap3A_2493, %swap3A_2494] : memref<2x8x13312xf32, #tpu.memory_space<vmem>>, vector<1x8x1664xf32>
    %swap3A_2496 = vector.shape_cast %swap3A_2495 : vector<1x8x1664xf32> to vector<8x1664xf32>
    %swap3A_2497 = vector.shape_cast %add3A_2491 : vector<8x1664xf32> to vector<1x8x1664xf32>
    tpu.vector_store %arg5[%swap3A_2492, %swap3A_2493, %swap3A_2494], %swap3A_2497 {strides = array<i32>} : memref<2x8x13312xf32, #tpu.memory_space<vmem>>, vector<1x8x1664xf32>,
    %max3A_2498 = arith.maximumf %slice3A_2480, %slice3A_2489 : vector<8x1664xf32>
    %max3A_2499 = arith.maximumf %add3A_2482, %add3A_2491 : vector<8x1664xf32>
    %slice3A_2500 = vector.extract_strided_slice %get3A_2474 {offsets = [0, 3328], sizes = [8, 1664], strides = [1, 1]} : vector<8x12500xf32> to vector<8x1664xf32>
    %slice3A_2501 = vector.extract_strided_slice %get3A_2479 {offsets = [0, 3328], sizes = [8, 1664], strides = [1, 1]} : vector<8x12500xf32> to vector<8x1664xf32>
    %add3A_2502 = arith.addf %slice3A_2500, %slice3A_2501 : vector<8x1664xf32>
    %swap3A_2503 = arith.constant 1 : index
    %swap3A_2504 = arith.constant 0 : index
    %swap3A_2505 = arith.constant 3328 : index
    %swap3A_2506 = vector.load %arg5[%swap3A_2503, %swap3A_2504, %swap3A_2505] : memref<2x8x13312xf32, #tpu.memory_space<vmem>>, vector<1x8x1664xf32>
    %swap3A_2507 = vector.shape_cast %swap3A_2506 : vector<1x8x1664xf32> to vector<8x1664xf32>
    %swap3A_2508 = vector.shape_cast %add3A_2502 : vector<8x1664xf32> to vector<1x8x1664xf32>
    tpu.vector_store %arg5[%swap3A_2503, %swap3A_2504, %swap3A_2505], %swap3A_2508 {strides = array<i32>} : memref<2x8x13312xf32, #tpu.memory_space<vmem>>, vector<1x8x1664xf32>,
    %max3A_2509 = arith.maximumf %max3A_2498, %slice3A_2500 : vector<8x1664xf32>
    %max3A_2510 = arith.maximumf %max3A_2499, %add3A_2502 : vector<8x1664xf32>
    %slice3A_2511 = vector.extract_strided_slice %get3A_2474 {offsets = [0, 4992], sizes = [8, 1664], strides = [1, 1]} : vector<8x12500xf32> to vector<8x1664xf32>
    %slice3A_2512 = vector.extract_strided_slice %get3A_2479 {offsets = [0, 4992], sizes = [8, 1664], strides = [1, 1]} : vector<8x12500xf32> to vector<8x1664xf32>
    %add3A_2513 = arith.addf %slice3A_2511, %slice3A_2512 : vector<8x1664xf32>
    %swap3A_2514 = arith.constant 1 : index
    %swap3A_2515 = arith.constant 0 : index
    %swap3A_2516 = arith.constant 4992 : index
    %swap3A_2517 = vector.load %arg5[%swap3A_2514, %swap3A_2515, %swap3A_2516] : memref<2x8x13312xf32, #tpu.memory_space<vmem>>, vector<1x8x1664xf32>
    %swap3A_2518 = vector.shape_cast %swap3A_2517 : vector<1x8x1664xf32> to vector<8x1664xf32>
    %swap3A_2519 = vector.shape_cast %add3A_2513 : vector<8x1664xf32> to vector<1x8x1664xf32>
    tpu.vector_store %arg5[%swap3A_2514, %swap3A_2515, %swap3A_2516], %swap3A_2519 {strides = array<i32>} : memref<2x8x13312xf32, #tpu.memory_space<vmem>>, vector<1x8x1664xf32>,
    %max3A_2520 = arith.maximumf %max3A_2509, %slice3A_2511 : vector<8x1664xf32>
    %max3A_2521 = arith.maximumf %max3A_2510, %add3A_2513 : vector<8x1664xf32>
    %slice3A_2522 = vector.extract_strided_slice %get3A_2474 {offsets = [0, 6656], sizes = [8, 1664], strides = [1, 1]} : vector<8x12500xf32> to vector<8x1664xf32>
    %slice3A_2523 = vector.extract_strided_slice %get3A_2479 {offsets = [0, 6656], sizes = [8, 1664], strides = [1, 1]} : vector<8x12500xf32> to vector<8x1664xf32>
    %add3A_2524 = arith.addf %slice3A_2522, %slice3A_2523 : vector<8x1664xf32>
    %swap3A_2525 = arith.constant 1 : index
    %swap3A_2526 = arith.constant 0 : index
    %swap3A_2527 = arith.constant 6656 : index
    %swap3A_2528 = vector.load %arg5[%swap3A_2525, %swap3A_2526, %swap3A_2527] : memref<2x8x13312xf32, #tpu.memory_space<vmem>>, vector<1x8x1664xf32>
    %swap3A_2529 = vector.shape_cast %swap3A_2528 : vector<1x8x1664xf32> to vector<8x1664xf32>
    %swap3A_2530 = vector.shape_cast %add3A_2524 : vector<8x1664xf32> to vector<1x8x1664xf32>
    tpu.vector_store %arg5[%swap3A_2525, %swap3A_2526, %swap3A_2527], %swap3A_2530 {strides = array<i32>} : memref<2x8x13312xf32, #tpu.memory_space<vmem>>, vector<1x8x1664xf32>,
    %max3A_2531 = arith.maximumf %max3A_2520, %slice3A_2522 : vector<8x1664xf32>
    %max3A_2532 = arith.maximumf %max3A_2521, %add3A_2524 : vector<8x1664xf32>
    %slice3A_2533 = vector.extract_strided_slice %get3A_2474 {offsets = [0, 8320], sizes = [8, 1664], strides = [1, 1]} : vector<8x12500xf32> to vector<8x1664xf32>
    %slice3A_2534 = vector.extract_strided_slice %get3A_2479 {offsets = [0, 8320], sizes = [8, 1664], strides = [1, 1]} : vector<8x12500xf32> to vector<8x1664xf32>
    %add3A_2535 = arith.addf %slice3A_2533, %slice3A_2534 : vector<8x1664xf32>
    %swap3A_2536 = arith.constant 1 : index
    %swap3A_2537 = arith.constant 0 : index
    %swap3A_2538 = arith.constant 8320 : index
    %swap3A_2539 = vector.load %arg5[%swap3A_2536, %swap3A_2537, %swap3A_2538] : memref<2x8x13312xf32, #tpu.memory_space<vmem>>, vector<1x8x1664xf32>
    %swap3A_2540 = vector.shape_cast %swap3A_2539 : vector<1x8x1664xf32> to vector<8x1664xf32>
    %swap3A_2541 = vector.shape_cast %add3A_2535 : vector<8x1664xf32> to vector<1x8x1664xf32>
    tpu.vector_store %arg5[%swap3A_2536, %swap3A_2537, %swap3A_2538], %swap3A_2541 {strides = array<i32>} : memref<2x8x13312xf32, #tpu.memory_space<vmem>>, vector<1x8x1664xf32>,
    %max3A_2542 = arith.maximumf %max3A_2531, %slice3A_2533 : vector<8x1664xf32>
    %max3A_2543 = arith.maximumf %max3A_2532, %add3A_2535 : vector<8x1664xf32>
    %slice3A_2544 = vector.extract_strided_slice %get3A_2474 {offsets = [0, 9984], sizes = [8, 1664], strides = [1, 1]} : vector<8x12500xf32> to vector<8x1664xf32>
    %slice3A_2545 = vector.extract_strided_slice %get3A_2479 {offsets = [0, 9984], sizes = [8, 1664], strides = [1, 1]} : vector<8x12500xf32> to vector<8x1664xf32>
    %add3A_2546 = arith.addf %slice3A_2544, %slice3A_2545 : vector<8x1664xf32>
    %swap3A_2547 = arith.constant 1 : index
    %swap3A_2548 = arith.constant 0 : index
    %swap3A_2549 = arith.constant 9984 : index
    %swap3A_2550 = vector.load %arg5[%swap3A_2547, %swap3A_2548, %swap3A_2549] : memref<2x8x13312xf32, #tpu.memory_space<vmem>>, vector<1x8x1664xf32>
    %swap3A_2551 = vector.shape_cast %swap3A_2550 : vector<1x8x1664xf32> to vector<8x1664xf32>
    %swap3A_2552 = vector.shape_cast %add3A_2546 : vector<8x1664xf32> to vector<1x8x1664xf32>
    tpu.vector_store %arg5[%swap3A_2547, %swap3A_2548, %swap3A_2549], %swap3A_2552 {strides = array<i32>} : memref<2x8x13312xf32, #tpu.memory_space<vmem>>, vector<1x8x1664xf32>,
    %max3A_2553 = arith.maximumf %max3A_2542, %slice3A_2544 : vector<8x1664xf32>
    %max3A_2554 = arith.maximumf %max3A_2543, %add3A_2546 : vector<8x1664xf32>
    %slice3A_2555 = vector.extract_strided_slice %get3A_2474 {offsets = [0, 11648], sizes = [8, 852], strides = [1, 1]} : vector<8x12500xf32> to vector<8x852xf32>
    %broadcast_in_dim3A_2556 = arith.constant -1.000000e+30 : f32
    %broadcast_in_dim3A_2557 = vector.broadcast %broadcast_in_dim3A_2556 : f32 to vector<8x812xf32>
    %concatenate3A_2558 = tpu.concatenate %slice3A_2555, %broadcast_in_dim3A_2557 in 1 : vector<8x852xf32>, vector<8x812xf32> -> vector<8x1664xf32>
    %slice3A_2559 = vector.extract_strided_slice %get3A_2479 {offsets = [0, 11648], sizes = [8, 852], strides = [1, 1]} : vector<8x12500xf32> to vector<8x852xf32>
    %broadcast_in_dim3A_2560 = arith.constant -1.000000e+30 : f32
    %broadcast_in_dim3A_2561 = vector.broadcast %broadcast_in_dim3A_2560 : f32 to vector<8x812xf32>
    %concatenate3A_2562 = tpu.concatenate %slice3A_2559, %broadcast_in_dim3A_2561 in 1 : vector<8x852xf32>, vector<8x812xf32> -> vector<8x1664xf32>
    %add3A_2563 = arith.addf %concatenate3A_2558, %concatenate3A_2562 : vector<8x1664xf32>
    %swap3A_2564 = arith.constant 1 : index
    %swap3A_2565 = arith.constant 0 : index
    %swap3A_2566 = arith.constant 11648 : index
    %swap3A_2567 = vector.load %arg5[%swap3A_2564, %swap3A_2565, %swap3A_2566] : memref<2x8x13312xf32, #tpu.memory_space<vmem>>, vector<1x8x1664xf32>
    %swap3A_2568 = vector.shape_cast %swap3A_2567 : vector<1x8x1664xf32> to vector<8x1664xf32>
    %swap3A_2569 = vector.shape_cast %add3A_2563 : vector<8x1664xf32> to vector<1x8x1664xf32>
    tpu.vector_store %arg5[%swap3A_2564, %swap3A_2565, %swap3A_2566], %swap3A_2569 {strides = array<i32>} : memref<2x8x13312xf32, #tpu.memory_space<vmem>>, vector<1x8x1664xf32>,
    %max3A_2570 = arith.maximumf %max3A_2553, %concatenate3A_2558 : vector<8x1664xf32>
    %max3A_2571 = arith.maximumf %max3A_2554, %add3A_2563 : vector<8x1664xf32>
    %slice3A_2572 = vector.extract_strided_slice %max3A_2570 {offsets = [0, 0], sizes = [8, 896], strides = [1, 1]} : vector<8x1664xf32> to vector<8x896xf32>
    %slice3A_2573 = vector.extract_strided_slice %max3A_2570 {offsets = [0, 896], sizes = [8, 768], strides = [1, 1]} : vector<8x1664xf32> to vector<8x768xf32>
    %broadcast_in_dim3A_2574 = arith.constant -1.000000e+30 : f32
    %broadcast_in_dim3A_2575 = vector.broadcast %broadcast_in_dim3A_2574 : f32 to vector<8x128xf32>
    %concatenate3A_2576 = tpu.concatenate %slice3A_2573, %broadcast_in_dim3A_2575 in 1 : vector<8x768xf32>, vector<8x128xf32> -> vector<8x896xf32>
    %max3A_2577 = arith.maximumf %slice3A_2572, %concatenate3A_2576 : vector<8x896xf32>
    %slice3A_2578 = vector.extract_strided_slice %max3A_2577 {offsets = [0, 0], sizes = [8, 512], strides = [1, 1]} : vector<8x896xf32> to vector<8x512xf32>
    %slice3A_2579 = vector.extract_strided_slice %max3A_2577 {offsets = [0, 512], sizes = [8, 384], strides = [1, 1]} : vector<8x896xf32> to vector<8x384xf32>
    %broadcast_in_dim3A_2580 = arith.constant -1.000000e+30 : f32
    %broadcast_in_dim3A_2581 = vector.broadcast %broadcast_in_dim3A_2580 : f32 to vector<8x128xf32>
    %concatenate3A_2582 = tpu.concatenate %slice3A_2579, %broadcast_in_dim3A_2581 in 1 : vector<8x384xf32>, vector<8x128xf32> -> vector<8x512xf32>
    %max3A_2583 = arith.maximumf %slice3A_2578, %concatenate3A_2582 : vector<8x512xf32>
    %slice3A_2584 = vector.extract_strided_slice %max3A_2583 {offsets = [0, 0], sizes = [8, 256], strides = [1, 1]} : vector<8x512xf32> to vector<8x256xf32>
    %slice3A_2585 = vector.extract_strided_slice %max3A_2583 {offsets = [0, 256], sizes = [8, 256], strides = [1, 1]} : vector<8x512xf32> to vector<8x256xf32>
    %max3A_2586 = arith.maximumf %slice3A_2584, %slice3A_2585 : vector<8x256xf32>
    %slice3A_2587 = vector.extract_strided_slice %max3A_2586 {offsets = [0, 0], sizes = [8, 128], strides = [1, 1]} : vector<8x256xf32> to vector<8x128xf32>
    %slice3A_2588 = vector.extract_strided_slice %max3A_2586 {offsets = [0, 128], sizes = [8, 128], strides = [1, 1]} : vector<8x256xf32> to vector<8x128xf32>
    %max3A_2589 = arith.maximumf %slice3A_2587, %slice3A_2588 : vector<8x128xf32>
    %reduce_max3A_2590 = vector.shape_cast %max3A_2589 : vector<8x128xf32> to vector<1x8x128xf32>
    %reduce_max3A_2591 = arith.constant dense<0xFF800000> : vector<1xf32>
    %reduce_max3A_2592 = vector.multi_reduction <maximumf>, %reduce_max3A_2590, %reduce_max3A_2591 [1, 2] : vector<1x8x128xf32> to vector<1xf32>
    %reduce_max3A_2593 = vector.shape_cast %reduce_max3A_2592 : vector<1xf32> to vector<1x1x1xf32>
    %reduce_max3A_2594 = vector.extract %reduce_max3A_2593[0, 0, 0] : f32 from vector<1x1x1xf32>
    %slice3A_2595 = vector.extract_strided_slice %max3A_2571 {offsets = [0, 0], sizes = [8, 896], strides = [1, 1]} : vector<8x1664xf32> to vector<8x896xf32>
    %slice3A_2596 = vector.extract_strided_slice %max3A_2571 {offsets = [0, 896], sizes = [8, 768], strides = [1, 1]} : vector<8x1664xf32> to vector<8x768xf32>
    %broadcast_in_dim3A_2597 = arith.constant -1.000000e+30 : f32
    %broadcast_in_dim3A_2598 = vector.broadcast %broadcast_in_dim3A_2597 : f32 to vector<8x128xf32>
    %concatenate3A_2599 = tpu.concatenate %slice3A_2596, %broadcast_in_dim3A_2598 in 1 : vector<8x768xf32>, vector<8x128xf32> -> vector<8x896xf32>
    %max3A_2600 = arith.maximumf %slice3A_2595, %concatenate3A_2599 : vector<8x896xf32>
    %slice3A_2601 = vector.extract_strided_slice %max3A_2600 {offsets = [0, 0], sizes = [8, 512], strides = [1, 1]} : vector<8x896xf32> to vector<8x512xf32>
    %slice3A_2602 = vector.extract_strided_slice %max3A_2600 {offsets = [0, 512], sizes = [8, 384], strides = [1, 1]} : vector<8x896xf32> to vector<8x384xf32>
    %broadcast_in_dim3A_2603 = arith.constant -1.000000e+30 : f32
    %broadcast_in_dim3A_2604 = vector.broadcast %broadcast_in_dim3A_2603 : f32 to vector<8x128xf32>
    %concatenate3A_2605 = tpu.concatenate %slice3A_2602, %broadcast_in_dim3A_2604 in 1 : vector<8x384xf32>, vector<8x128xf32> -> vector<8x512xf32>
    %max3A_2606 = arith.maximumf %slice3A_2601, %concatenate3A_2605 : vector<8x512xf32>
    %slice3A_2607 = vector.extract_strided_slice %max3A_2606 {offsets = [0, 0], sizes = [8, 256], strides = [1, 1]} : vector<8x512xf32> to vector<8x256xf32>
    %slice3A_2608 = vector.extract_strided_slice %max3A_2606 {offsets = [0, 256], sizes = [8, 256], strides = [1, 1]} : vector<8x512xf32> to vector<8x256xf32>
    %max3A_2609 = arith.maximumf %slice3A_2607, %slice3A_2608 : vector<8x256xf32>
    %slice3A_2610 = vector.extract_strided_slice %max3A_2609 {offsets = [0, 0], sizes = [8, 128], strides = [1, 1]} : vector<8x256xf32> to vector<8x128xf32>
    %slice3A_2611 = vector.extract_strided_slice %max3A_2609 {offsets = [0, 128], sizes = [8, 128], strides = [1, 1]} : vector<8x256xf32> to vector<8x128xf32>
    %max3A_2612 = arith.maximumf %slice3A_2610, %slice3A_2611 : vector<8x128xf32>
    %reduce_max3A_2613 = vector.shape_cast %max3A_2612 : vector<8x128xf32> to vector<1x8x128xf32>
    %reduce_max3A_2614 = arith.constant dense<0xFF800000> : vector<1xf32>
    %reduce_max3A_2615 = vector.multi_reduction <maximumf>, %reduce_max3A_2613, %reduce_max3A_2614 [1, 2] : vector<1x8x128xf32> to vector<1xf32>
    %reduce_max3A_2616 = vector.shape_cast %reduce_max3A_2615 : vector<1xf32> to vector<1x1x1xf32>
    %reduce_max3A_2617 = vector.extract %reduce_max3A_2616[0, 0, 0] : f32 from vector<1x1x1xf32>
    %broadcast_in_dim3A_2618 = arith.constant 0.000000e+00 : f32
    %broadcast_in_dim3A_2619 = vector.broadcast %broadcast_in_dim3A_2618 : f32 to vector<8x1664xf32>
    %broadcast_in_dim3A_2620 = arith.constant 0.000000e+00 : f32
    %broadcast_in_dim3A_2621 = vector.broadcast %broadcast_in_dim3A_2620 : f32 to vector<8x1664xf32>
    %slice3A_2622 = vector.extract_strided_slice %get3A_2474 {offsets = [0, 0], sizes = [8, 1664], strides = [1, 1]} : vector<8x12500xf32> to vector<8x1664xf32>
    %sub3A_2623 = vector.broadcast %reduce_max3A_2594 : f32 to vector<8x1664xf32>
    %sub3A_2624 = arith.subf %slice3A_2622, %sub3A_2623 : vector<8x1664xf32>
    %exp3A_2625 = math.exp %sub3A_2624 : vector<8x1664xf32>
    %add3A_2626 = arith.addf %broadcast_in_dim3A_2619, %exp3A_2625 : vector<8x1664xf32>
    %mul3A_2627 = arith.mulf %sub3A_2624, %exp3A_2625 : vector<8x1664xf32>
    %add3A_2628 = arith.addf %broadcast_in_dim3A_2621, %mul3A_2627 : vector<8x1664xf32>
    %slice3A_2629 = vector.extract_strided_slice %get3A_2474 {offsets = [0, 1664], sizes = [8, 1664], strides = [1, 1]} : vector<8x12500xf32> to vector<8x1664xf32>
    %sub3A_2630 = vector.broadcast %reduce_max3A_2594 : f32 to vector<8x1664xf32>
    %sub3A_2631 = arith.subf %slice3A_2629, %sub3A_2630 : vector<8x1664xf32>
    %exp3A_2632 = math.exp %sub3A_2631 : vector<8x1664xf32>
    %add3A_2633 = arith.addf %add3A_2626, %exp3A_2632 : vector<8x1664xf32>
    %mul3A_2634 = arith.mulf %sub3A_2631, %exp3A_2632 : vector<8x1664xf32>
    %add3A_2635 = arith.addf %add3A_2628, %mul3A_2634 : vector<8x1664xf32>
    %slice3A_2636 = vector.extract_strided_slice %get3A_2474 {offsets = [0, 3328], sizes = [8, 1664], strides = [1, 1]} : vector<8x12500xf32> to vector<8x1664xf32>
    %sub3A_2637 = vector.broadcast %reduce_max3A_2594 : f32 to vector<8x1664xf32>
    %sub3A_2638 = arith.subf %slice3A_2636, %sub3A_2637 : vector<8x1664xf32>
    %exp3A_2639 = math.exp %sub3A_2638 : vector<8x1664xf32>
    %add3A_2640 = arith.addf %add3A_2633, %exp3A_2639 : vector<8x1664xf32>
    %mul3A_2641 = arith.mulf %sub3A_2638, %exp3A_2639 : vector<8x1664xf32>
    %add3A_2642 = arith.addf %add3A_2635, %mul3A_2641 : vector<8x1664xf32>
    %slice3A_2643 = vector.extract_strided_slice %get3A_2474 {offsets = [0, 4992], sizes = [8, 1664], strides = [1, 1]} : vector<8x12500xf32> to vector<8x1664xf32>
    %sub3A_2644 = vector.broadcast %reduce_max3A_2594 : f32 to vector<8x1664xf32>
    %sub3A_2645 = arith.subf %slice3A_2643, %sub3A_2644 : vector<8x1664xf32>
    %exp3A_2646 = math.exp %sub3A_2645 : vector<8x1664xf32>
    %add3A_2647 = arith.addf %add3A_2640, %exp3A_2646 : vector<8x1664xf32>
    %mul3A_2648 = arith.mulf %sub3A_2645, %exp3A_2646 : vector<8x1664xf32>
    %add3A_2649 = arith.addf %add3A_2642, %mul3A_2648 : vector<8x1664xf32>
    %slice3A_2650 = vector.extract_strided_slice %get3A_2474 {offsets = [0, 6656], sizes = [8, 1664], strides = [1, 1]} : vector<8x12500xf32> to vector<8x1664xf32>
    %sub3A_2651 = vector.broadcast %reduce_max3A_2594 : f32 to vector<8x1664xf32>
    %sub3A_2652 = arith.subf %slice3A_2650, %sub3A_2651 : vector<8x1664xf32>
    %exp3A_2653 = math.exp %sub3A_2652 : vector<8x1664xf32>
    %add3A_2654 = arith.addf %add3A_2647, %exp3A_2653 : vector<8x1664xf32>
    %mul3A_2655 = arith.mulf %sub3A_2652, %exp3A_2653 : vector<8x1664xf32>
    %add3A_2656 = arith.addf %add3A_2649, %mul3A_2655 : vector<8x1664xf32>
    %slice3A_2657 = vector.extract_strided_slice %get3A_2474 {offsets = [0, 8320], sizes = [8, 1664], strides = [1, 1]} : vector<8x12500xf32> to vector<8x1664xf32>
    %sub3A_2658 = vector.broadcast %reduce_max3A_2594 : f32 to vector<8x1664xf32>
    %sub3A_2659 = arith.subf %slice3A_2657, %sub3A_2658 : vector<8x1664xf32>
    %exp3A_2660 = math.exp %sub3A_2659 : vector<8x1664xf32>
    %add3A_2661 = arith.addf %add3A_2654, %exp3A_2660 : vector<8x1664xf32>
    %mul3A_2662 = arith.mulf %sub3A_2659, %exp3A_2660 : vector<8x1664xf32>
    %add3A_2663 = arith.addf %add3A_2656, %mul3A_2662 : vector<8x1664xf32>
    %slice3A_2664 = vector.extract_strided_slice %get3A_2474 {offsets = [0, 9984], sizes = [8, 1664], strides = [1, 1]} : vector<8x12500xf32> to vector<8x1664xf32>
    %sub3A_2665 = vector.broadcast %reduce_max3A_2594 : f32 to vector<8x1664xf32>
    %sub3A_2666 = arith.subf %slice3A_2664, %sub3A_2665 : vector<8x1664xf32>
    %exp3A_2667 = math.exp %sub3A_2666 : vector<8x1664xf32>
    %add3A_2668 = arith.addf %add3A_2661, %exp3A_2667 : vector<8x1664xf32>
    %mul3A_2669 = arith.mulf %sub3A_2666, %exp3A_2667 : vector<8x1664xf32>
    %add3A_2670 = arith.addf %add3A_2663, %mul3A_2669 : vector<8x1664xf32>
    %slice3A_2671 = vector.extract_strided_slice %get3A_2474 {offsets = [0, 11648], sizes = [8, 852], strides = [1, 1]} : vector<8x12500xf32> to vector<8x852xf32>
    %broadcast_in_dim3A_2672 = arith.constant -1.000000e+30 : f32
    %broadcast_in_dim3A_2673 = vector.broadcast %broadcast_in_dim3A_2672 : f32 to vector<8x812xf32>
    %concatenate3A_2674 = tpu.concatenate %slice3A_2671, %broadcast_in_dim3A_2673 in 1 : vector<8x852xf32>, vector<8x812xf32> -> vector<8x1664xf32>
    %sub3A_2675 = vector.broadcast %reduce_max3A_2594 : f32 to vector<8x1664xf32>
    %sub3A_2676 = arith.subf %concatenate3A_2674, %sub3A_2675 : vector<8x1664xf32>
    %exp3A_2677 = math.exp %sub3A_2676 : vector<8x1664xf32>
    %add3A_2678 = arith.addf %add3A_2668, %exp3A_2677 : vector<8x1664xf32>
    %mul3A_2679 = arith.mulf %sub3A_2676, %exp3A_2677 : vector<8x1664xf32>
    %add3A_2680 = arith.addf %add3A_2670, %mul3A_2679 : vector<8x1664xf32>
    %slice3A_2681 = vector.extract_strided_slice %add3A_2678 {offsets = [0, 0], sizes = [8, 896], strides = [1, 1]} : vector<8x1664xf32> to vector<8x896xf32>
    %slice3A_2682 = vector.extract_strided_slice %add3A_2678 {offsets = [0, 896], sizes = [8, 768], strides = [1, 1]} : vector<8x1664xf32> to vector<8x768xf32>
    %broadcast_in_dim3A_2683 = arith.constant 0.000000e+00 : f32
    %broadcast_in_dim3A_2684 = vector.broadcast %broadcast_in_dim3A_2683 : f32 to vector<8x128xf32>
    %concatenate3A_2685 = tpu.concatenate %slice3A_2682, %broadcast_in_dim3A_2684 in 1 : vector<8x768xf32>, vector<8x128xf32> -> vector<8x896xf32>
    %add3A_2686 = arith.addf %slice3A_2681, %concatenate3A_2685 : vector<8x896xf32>
    %slice3A_2687 = vector.extract_strided_slice %add3A_2686 {offsets = [0, 0], sizes = [8, 512], strides = [1, 1]} : vector<8x896xf32> to vector<8x512xf32>
    %slice3A_2688 = vector.extract_strided_slice %add3A_2686 {offsets = [0, 512], sizes = [8, 384], strides = [1, 1]} : vector<8x896xf32> to vector<8x384xf32>
    %broadcast_in_dim3A_2689 = arith.constant 0.000000e+00 : f32
    %broadcast_in_dim3A_2690 = vector.broadcast %broadcast_in_dim3A_2689 : f32 to vector<8x128xf32>
    %concatenate3A_2691 = tpu.concatenate %slice3A_2688, %broadcast_in_dim3A_2690 in 1 : vector<8x384xf32>, vector<8x128xf32> -> vector<8x512xf32>
    %add3A_2692 = arith.addf %slice3A_2687, %concatenate3A_2691 : vector<8x512xf32>
    %slice3A_2693 = vector.extract_strided_slice %add3A_2692 {offsets = [0, 0], sizes = [8, 256], strides = [1, 1]} : vector<8x512xf32> to vector<8x256xf32>
    %slice3A_2694 = vector.extract_strided_slice %add3A_2692 {offsets = [0, 256], sizes = [8, 256], strides = [1, 1]} : vector<8x512xf32> to vector<8x256xf32>
    %add3A_2695 = arith.addf %slice3A_2693, %slice3A_2694 : vector<8x256xf32>
    %slice3A_2696 = vector.extract_strided_slice %add3A_2695 {offsets = [0, 0], sizes = [8, 128], strides = [1, 1]} : vector<8x256xf32> to vector<8x128xf32>
    %slice3A_2697 = vector.extract_strided_slice %add3A_2695 {offsets = [0, 128], sizes = [8, 128], strides = [1, 1]} : vector<8x256xf32> to vector<8x128xf32>
    %add3A_2698 = arith.addf %slice3A_2696, %slice3A_2697 : vector<8x128xf32>
    %reduce_sum3A_2699 = vector.shape_cast %add3A_2698 : vector<8x128xf32> to vector<1x8x128xf32>
    %reduce_sum3A_2700 = arith.constant dense<0.000000e+00> : vector<1xf32>
    %reduce_sum3A_2701 = vector.multi_reduction <add>, %reduce_sum3A_2699, %reduce_sum3A_2700 [1, 2] : vector<1x8x128xf32> to vector<1xf32>
    %reduce_sum3A_2702 = vector.shape_cast %reduce_sum3A_2701 : vector<1xf32> to vector<1x1x1xf32>
    %reduce_sum3A_2703 = vector.extract %reduce_sum3A_2702[0, 0, 0] : f32 from vector<1x1x1xf32>
    %slice3A_2704 = vector.extract_strided_slice %add3A_2680 {offsets = [0, 0], sizes = [8, 896], strides = [1, 1]} : vector<8x1664xf32> to vector<8x896xf32>
    %slice3A_2705 = vector.extract_strided_slice %add3A_2680 {offsets = [0, 896], sizes = [8, 768], strides = [1, 1]} : vector<8x1664xf32> to vector<8x768xf32>
    %broadcast_in_dim3A_2706 = arith.constant 0.000000e+00 : f32
    %broadcast_in_dim3A_2707 = vector.broadcast %broadcast_in_dim3A_2706 : f32 to vector<8x128xf32>
    %concatenate3A_2708 = tpu.concatenate %slice3A_2705, %broadcast_in_dim3A_2707 in 1 : vector<8x768xf32>, vector<8x128xf32> -> vector<8x896xf32>
    %add3A_2709 = arith.addf %slice3A_2704, %concatenate3A_2708 : vector<8x896xf32>
    %slice3A_2710 = vector.extract_strided_slice %add3A_2709 {offsets = [0, 0], sizes = [8, 512], strides = [1, 1]} : vector<8x896xf32> to vector<8x512xf32>
    %slice3A_2711 = vector.extract_strided_slice %add3A_2709 {offsets = [0, 512], sizes = [8, 384], strides = [1, 1]} : vector<8x896xf32> to vector<8x384xf32>
    %broadcast_in_dim3A_2712 = arith.constant 0.000000e+00 : f32
    %broadcast_in_dim3A_2713 = vector.broadcast %broadcast_in_dim3A_2712 : f32 to vector<8x128xf32>
    %concatenate3A_2714 = tpu.concatenate %slice3A_2711, %broadcast_in_dim3A_2713 in 1 : vector<8x384xf32>, vector<8x128xf32> -> vector<8x512xf32>
    %add3A_2715 = arith.addf %slice3A_2710, %concatenate3A_2714 : vector<8x512xf32>
    %slice3A_2716 = vector.extract_strided_slice %add3A_2715 {offsets = [0, 0], sizes = [8, 256], strides = [1, 1]} : vector<8x512xf32> to vector<8x256xf32>
    %slice3A_2717 = vector.extract_strided_slice %add3A_2715 {offsets = [0, 256], sizes = [8, 256], strides = [1, 1]} : vector<8x512xf32> to vector<8x256xf32>
    %add3A_2718 = arith.addf %slice3A_2716, %slice3A_2717 : vector<8x256xf32>
    %slice3A_2719 = vector.extract_strided_slice %add3A_2718 {offsets = [0, 0], sizes = [8, 128], strides = [1, 1]} : vector<8x256xf32> to vector<8x128xf32>
    %slice3A_2720 = vector.extract_strided_slice %add3A_2718 {offsets = [0, 128], sizes = [8, 128], strides = [1, 1]} : vector<8x256xf32> to vector<8x128xf32>
    %add3A_2721 = arith.addf %slice3A_2719, %slice3A_2720 : vector<8x128xf32>
    %reduce_sum3A_2722 = vector.shape_cast %add3A_2721 : vector<8x128xf32> to vector<1x8x128xf32>
    %reduce_sum3A_2723 = arith.constant dense<0.000000e+00> : vector<1xf32>
    %reduce_sum3A_2724 = vector.multi_reduction <add>, %reduce_sum3A_2722, %reduce_sum3A_2723 [1, 2] : vector<1x8x128xf32> to vector<1xf32>
    %reduce_sum3A_2725 = vector.shape_cast %reduce_sum3A_2724 : vector<1xf32> to vector<1x1x1xf32>
    %reduce_sum3A_2726 = vector.extract %reduce_sum3A_2725[0, 0, 0] : f32 from vector<1x1x1xf32>
    %log3A_2727 = math.log %reduce_sum3A_2703 : f32
    %div3A_2728 = arith.divf %reduce_sum3A_2726, %reduce_sum3A_2703 : f32
    %sub3A_2729 = arith.subf %log3A_2727, %div3A_2728 : f32
    %broadcast_in_dim3A_2730 = vector.broadcast %sub3A_2729 : f32 to vector<1x128xf32>
    %swap3A_2731 = arith.constant 1 : index
    %swap3A_2732 = arith.constant 0 : index
    %swap3A_2733 = arith.constant 0 : index
    %swap3A_2734 = vector.load %arg4[%swap3A_2731, %swap3A_2732, %swap3A_2733] : memref<2x1x128xf32, #tpu.memory_space<vmem>>, vector<1x1x128xf32>
    %swap3A_2735 = vector.shape_cast %swap3A_2734 : vector<1x1x128xf32> to vector<1x128xf32>
    %swap3A_2736 = vector.shape_cast %broadcast_in_dim3A_2730 : vector<1x128xf32> to vector<1x1x128xf32>
    tpu.vector_store %arg4[%swap3A_2731, %swap3A_2732, %swap3A_2733], %swap3A_2736 {strides = array<i32>} : memref<2x1x128xf32, #tpu.memory_space<vmem>>, vector<1x1x128xf32>,
    %sub3A_2737 = arith.constant 1.000000e+00 : f32
    %sub3A_2738 = arith.subf %reduce_max3A_2617, %sub3A_2737 : f32
    %broadcast_in_dim3A_2739 = arith.constant 0.000000e+00 : f32
    %broadcast_in_dim3A_2740 = vector.broadcast %broadcast_in_dim3A_2739 : f32 to vector<8x1664xf32>
    %broadcast_in_dim3A_2741 = arith.constant 0.000000e+00 : f32
    %broadcast_in_dim3A_2742 = vector.broadcast %broadcast_in_dim3A_2741 : f32 to vector<8x1664xf32>
    %get3A_2743 = arith.constant 1 : index
    %get3A_2744 = arith.constant 0 : index
    %get3A_2745 = arith.constant 0 : index
    %get3A_2746 = vector.load %arg5[%get3A_2743, %get3A_2744, %get3A_2745] : memref<2x8x13312xf32, #tpu.memory_space<vmem>>, vector<1x8x1664xf32>
    %get3A_2747 = vector.shape_cast %get3A_2746 : vector<1x8x1664xf32> to vector<8x1664xf32>
    %sub3A_2748 = vector.broadcast %sub3A_2738 : f32 to vector<8x1664xf32>
    %sub3A_2749 = arith.subf %get3A_2747, %sub3A_2748 : vector<8x1664xf32>
    %max3A_2750 = arith.constant 0.000000e+00 : f32
    %max3A_2751 = vector.broadcast %max3A_2750 : f32 to vector<8x1664xf32>
    %max3A_2752 = arith.maximumf %sub3A_2749, %max3A_2751 : vector<8x1664xf32>
    %add3A_2753 = arith.addf %broadcast_in_dim3A_2740, %max3A_2752 : vector<8x1664xf32>
    %gt3A_2754 = vector.broadcast %sub3A_2738 : f32 to vector<8x1664xf32>
    %gt3A_2755 = arith.cmpf ogt, %get3A_2747, %gt3A_2754 : vector<8x1664xf32>
    %jit3A_2756 = arith.constant 1.000000e+00 : f32
    %jit3A_2757 = arith.constant 0.000000e+00 : f32
    %broadcast_in_dim3A_2758 = vector.broadcast %jit3A_2756 : f32 to vector<8x1664xf32>
    %broadcast_in_dim3A_2759 = vector.broadcast %jit3A_2757 : f32 to vector<8x1664xf32>
    %select_n3A_2760 = arith.select %gt3A_2755, %broadcast_in_dim3A_2758, %broadcast_in_dim3A_2759 : vector<8x1664xi1>, vector<8x1664xf32>
    %add3A_2761 = arith.addf %broadcast_in_dim3A_2742, %select_n3A_2760 : vector<8x1664xf32>
    %get3A_2762 = arith.constant 1 : index
    %get3A_2763 = arith.constant 0 : index
    %get3A_2764 = arith.constant 1664 : index
    %get3A_2765 = vector.load %arg5[%get3A_2762, %get3A_2763, %get3A_2764] : memref<2x8x13312xf32, #tpu.memory_space<vmem>>, vector<1x8x1664xf32>
    %get3A_2766 = vector.shape_cast %get3A_2765 : vector<1x8x1664xf32> to vector<8x1664xf32>
    %sub3A_2767 = vector.broadcast %sub3A_2738 : f32 to vector<8x1664xf32>
    %sub3A_2768 = arith.subf %get3A_2766, %sub3A_2767 : vector<8x1664xf32>
    %max3A_2769 = arith.constant 0.000000e+00 : f32
    %max3A_2770 = vector.broadcast %max3A_2769 : f32 to vector<8x1664xf32>
    %max3A_2771 = arith.maximumf %sub3A_2768, %max3A_2770 : vector<8x1664xf32>
    %add3A_2772 = arith.addf %add3A_2753, %max3A_2771 : vector<8x1664xf32>
    %gt3A_2773 = vector.broadcast %sub3A_2738 : f32 to vector<8x1664xf32>
    %gt3A_2774 = arith.cmpf ogt, %get3A_2766, %gt3A_2773 : vector<8x1664xf32>
    %jit3A_2775 = arith.constant 1.000000e+00 : f32
    %jit3A_2776 = arith.constant 0.000000e+00 : f32
    %broadcast_in_dim3A_2777 = vector.broadcast %jit3A_2775 : f32 to vector<8x1664xf32>
    %broadcast_in_dim3A_2778 = vector.broadcast %jit3A_2776 : f32 to vector<8x1664xf32>
    %select_n3A_2779 = arith.select %gt3A_2774, %broadcast_in_dim3A_2777, %broadcast_in_dim3A_2778 : vector<8x1664xi1>, vector<8x1664xf32>
    %add3A_2780 = arith.addf %add3A_2761, %select_n3A_2779 : vector<8x1664xf32>
    %get3A_2781 = arith.constant 1 : index
    %get3A_2782 = arith.constant 0 : index
    %get3A_2783 = arith.constant 3328 : index
    %get3A_2784 = vector.load %arg5[%get3A_2781, %get3A_2782, %get3A_2783] : memref<2x8x13312xf32, #tpu.memory_space<vmem>>, vector<1x8x1664xf32>
    %get3A_2785 = vector.shape_cast %get3A_2784 : vector<1x8x1664xf32> to vector<8x1664xf32>
    %sub3A_2786 = vector.broadcast %sub3A_2738 : f32 to vector<8x1664xf32>
    %sub3A_2787 = arith.subf %get3A_2785, %sub3A_2786 : vector<8x1664xf32>
    %max3A_2788 = arith.constant 0.000000e+00 : f32
    %max3A_2789 = vector.broadcast %max3A_2788 : f32 to vector<8x1664xf32>
    %max3A_2790 = arith.maximumf %sub3A_2787, %max3A_2789 : vector<8x1664xf32>
    %add3A_2791 = arith.addf %add3A_2772, %max3A_2790 : vector<8x1664xf32>
    %gt3A_2792 = vector.broadcast %sub3A_2738 : f32 to vector<8x1664xf32>
    %gt3A_2793 = arith.cmpf ogt, %get3A_2785, %gt3A_2792 : vector<8x1664xf32>
    %jit3A_2794 = arith.constant 1.000000e+00 : f32
    %jit3A_2795 = arith.constant 0.000000e+00 : f32
    %broadcast_in_dim3A_2796 = vector.broadcast %jit3A_2794 : f32 to vector<8x1664xf32>
    %broadcast_in_dim3A_2797 = vector.broadcast %jit3A_2795 : f32 to vector<8x1664xf32>
    %select_n3A_2798 = arith.select %gt3A_2793, %broadcast_in_dim3A_2796, %broadcast_in_dim3A_2797 : vector<8x1664xi1>, vector<8x1664xf32>
    %add3A_2799 = arith.addf %add3A_2780, %select_n3A_2798 : vector<8x1664xf32>
    %get3A_2800 = arith.constant 1 : index
    %get3A_2801 = arith.constant 0 : index
    %get3A_2802 = arith.constant 4992 : index
    %get3A_2803 = vector.load %arg5[%get3A_2800, %get3A_2801, %get3A_2802] : memref<2x8x13312xf32, #tpu.memory_space<vmem>>, vector<1x8x1664xf32>
    %get3A_2804 = vector.shape_cast %get3A_2803 : vector<1x8x1664xf32> to vector<8x1664xf32>
    %sub3A_2805 = vector.broadcast %sub3A_2738 : f32 to vector<8x1664xf32>
    %sub3A_2806 = arith.subf %get3A_2804, %sub3A_2805 : vector<8x1664xf32>
    %max3A_2807 = arith.constant 0.000000e+00 : f32
    %max3A_2808 = vector.broadcast %max3A_2807 : f32 to vector<8x1664xf32>
    %max3A_2809 = arith.maximumf %sub3A_2806, %max3A_2808 : vector<8x1664xf32>
    %add3A_2810 = arith.addf %add3A_2791, %max3A_2809 : vector<8x1664xf32>
    %gt3A_2811 = vector.broadcast %sub3A_2738 : f32 to vector<8x1664xf32>
    %gt3A_2812 = arith.cmpf ogt, %get3A_2804, %gt3A_2811 : vector<8x1664xf32>
    %jit3A_2813 = arith.constant 1.000000e+00 : f32
    %jit3A_2814 = arith.constant 0.000000e+00 : f32
    %broadcast_in_dim3A_2815 = vector.broadcast %jit3A_2813 : f32 to vector<8x1664xf32>
    %broadcast_in_dim3A_2816 = vector.broadcast %jit3A_2814 : f32 to vector<8x1664xf32>
    %select_n3A_2817 = arith.select %gt3A_2812, %broadcast_in_dim3A_2815, %broadcast_in_dim3A_2816 : vector<8x1664xi1>, vector<8x1664xf32>
    %add3A_2818 = arith.addf %add3A_2799, %select_n3A_2817 : vector<8x1664xf32>
    %get3A_2819 = arith.constant 1 : index
    %get3A_2820 = arith.constant 0 : index
    %get3A_2821 = arith.constant 6656 : index
    %get3A_2822 = vector.load %arg5[%get3A_2819, %get3A_2820, %get3A_2821] : memref<2x8x13312xf32, #tpu.memory_space<vmem>>, vector<1x8x1664xf32>
    %get3A_2823 = vector.shape_cast %get3A_2822 : vector<1x8x1664xf32> to vector<8x1664xf32>
    %sub3A_2824 = vector.broadcast %sub3A_2738 : f32 to vector<8x1664xf32>
    %sub3A_2825 = arith.subf %get3A_2823, %sub3A_2824 : vector<8x1664xf32>
    %max3A_2826 = arith.constant 0.000000e+00 : f32
    %max3A_2827 = vector.broadcast %max3A_2826 : f32 to vector<8x1664xf32>
    %max3A_2828 = arith.maximumf %sub3A_2825, %max3A_2827 : vector<8x1664xf32>
    %add3A_2829 = arith.addf %add3A_2810, %max3A_2828 : vector<8x1664xf32>
    %gt3A_2830 = vector.broadcast %sub3A_2738 : f32 to vector<8x1664xf32>
    %gt3A_2831 = arith.cmpf ogt, %get3A_2823, %gt3A_2830 : vector<8x1664xf32>
    %jit3A_2832 = arith.constant 1.000000e+00 : f32
    %jit3A_2833 = arith.constant 0.000000e+00 : f32
    %broadcast_in_dim3A_2834 = vector.broadcast %jit3A_2832 : f32 to vector<8x1664xf32>
    %broadcast_in_dim3A_2835 = vector.broadcast %jit3A_2833 : f32 to vector<8x1664xf32>
    %select_n3A_2836 = arith.select %gt3A_2831, %broadcast_in_dim3A_2834, %broadcast_in_dim3A_2835 : vector<8x1664xi1>, vector<8x1664xf32>
    %add3A_2837 = arith.addf %add3A_2818, %select_n3A_2836 : vector<8x1664xf32>
    %get3A_2838 = arith.constant 1 : index
    %get3A_2839 = arith.constant 0 : index
    %get3A_2840 = arith.constant 8320 : index
    %get3A_2841 = vector.load %arg5[%get3A_2838, %get3A_2839, %get3A_2840] : memref<2x8x13312xf32, #tpu.memory_space<vmem>>, vector<1x8x1664xf32>
    %get3A_2842 = vector.shape_cast %get3A_2841 : vector<1x8x1664xf32> to vector<8x1664xf32>
    %sub3A_2843 = vector.broadcast %sub3A_2738 : f32 to vector<8x1664xf32>
    %sub3A_2844 = arith.subf %get3A_2842, %sub3A_2843 : vector<8x1664xf32>
    %max3A_2845 = arith.constant 0.000000e+00 : f32
    %max3A_2846 = vector.broadcast %max3A_2845 : f32 to vector<8x1664xf32>
    %max3A_2847 = arith.maximumf %sub3A_2844, %max3A_2846 : vector<8x1664xf32>
    %add3A_2848 = arith.addf %add3A_2829, %max3A_2847 : vector<8x1664xf32>
    %gt3A_2849 = vector.broadcast %sub3A_2738 : f32 to vector<8x1664xf32>
    %gt3A_2850 = arith.cmpf ogt, %get3A_2842, %gt3A_2849 : vector<8x1664xf32>
    %jit3A_2851 = arith.constant 1.000000e+00 : f32
    %jit3A_2852 = arith.constant 0.000000e+00 : f32
    %broadcast_in_dim3A_2853 = vector.broadcast %jit3A_2851 : f32 to vector<8x1664xf32>
    %broadcast_in_dim3A_2854 = vector.broadcast %jit3A_2852 : f32 to vector<8x1664xf32>
    %select_n3A_2855 = arith.select %gt3A_2850, %broadcast_in_dim3A_2853, %broadcast_in_dim3A_2854 : vector<8x1664xi1>, vector<8x1664xf32>
    %add3A_2856 = arith.addf %add3A_2837, %select_n3A_2855 : vector<8x1664xf32>
    %get3A_2857 = arith.constant 1 : index
    %get3A_2858 = arith.constant 0 : index
    %get3A_2859 = arith.constant 9984 : index
    %get3A_2860 = vector.load %arg5[%get3A_2857, %get3A_2858, %get3A_2859] : memref<2x8x13312xf32, #tpu.memory_space<vmem>>, vector<1x8x1664xf32>
    %get3A_2861 = vector.shape_cast %get3A_2860 : vector<1x8x1664xf32> to vector<8x1664xf32>
    %sub3A_2862 = vector.broadcast %sub3A_2738 : f32 to vector<8x1664xf32>
    %sub3A_2863 = arith.subf %get3A_2861, %sub3A_2862 : vector<8x1664xf32>
    %max3A_2864 = arith.constant 0.000000e+00 : f32
    %max3A_2865 = vector.broadcast %max3A_2864 : f32 to vector<8x1664xf32>
    %max3A_2866 = arith.maximumf %sub3A_2863, %max3A_2865 : vector<8x1664xf32>
    %add3A_2867 = arith.addf %add3A_2848, %max3A_2866 : vector<8x1664xf32>
    %gt3A_2868 = vector.broadcast %sub3A_2738 : f32 to vector<8x1664xf32>
    %gt3A_2869 = arith.cmpf ogt, %get3A_2861, %gt3A_2868 : vector<8x1664xf32>
    %jit3A_2870 = arith.constant 1.000000e+00 : f32
    %jit3A_2871 = arith.constant 0.000000e+00 : f32
    %broadcast_in_dim3A_2872 = vector.broadcast %jit3A_2870 : f32 to vector<8x1664xf32>
    %broadcast_in_dim3A_2873 = vector.broadcast %jit3A_2871 : f32 to vector<8x1664xf32>
    %select_n3A_2874 = arith.select %gt3A_2869, %broadcast_in_dim3A_2872, %broadcast_in_dim3A_2873 : vector<8x1664xi1>, vector<8x1664xf32>
    %add3A_2875 = arith.addf %add3A_2856, %select_n3A_2874 : vector<8x1664xf32>
    %get3A_2876 = arith.constant 1 : index
    %get3A_2877 = arith.constant 0 : index
    %get3A_2878 = arith.constant 11648 : index
    %get3A_2879 = vector.load %arg5[%get3A_2876, %get3A_2877, %get3A_2878] : memref<2x8x13312xf32, #tpu.memory_space<vmem>>, vector<1x8x1664xf32>
    %get3A_2880 = vector.shape_cast %get3A_2879 : vector<1x8x1664xf32> to vector<8x1664xf32>
    %sub3A_2881 = vector.broadcast %sub3A_2738 : f32 to vector<8x1664xf32>
    %sub3A_2882 = arith.subf %get3A_2880, %sub3A_2881 : vector<8x1664xf32>
    %max3A_2883 = arith.constant 0.000000e+00 : f32
    %max3A_2884 = vector.broadcast %max3A_2883 : f32 to vector<8x1664xf32>
    %max3A_2885 = arith.maximumf %sub3A_2882, %max3A_2884 : vector<8x1664xf32>
    %add3A_2886 = arith.addf %add3A_2867, %max3A_2885 : vector<8x1664xf32>
    %gt3A_2887 = vector.broadcast %sub3A_2738 : f32 to vector<8x1664xf32>
    %gt3A_2888 = arith.cmpf ogt, %get3A_2880, %gt3A_2887 : vector<8x1664xf32>
    %jit3A_2889 = arith.constant 1.000000e+00 : f32
    %jit3A_2890 = arith.constant 0.000000e+00 : f32
    %broadcast_in_dim3A_2891 = vector.broadcast %jit3A_2889 : f32 to vector<8x1664xf32>
    %broadcast_in_dim3A_2892 = vector.broadcast %jit3A_2890 : f32 to vector<8x1664xf32>
    %select_n3A_2893 = arith.select %gt3A_2888, %broadcast_in_dim3A_2891, %broadcast_in_dim3A_2892 : vector<8x1664xi1>, vector<8x1664xf32>
    %add3A_2894 = arith.addf %add3A_2875, %select_n3A_2893 : vector<8x1664xf32>
    %slice3A_2895 = vector.extract_strided_slice %add3A_2886 {offsets = [0, 0], sizes = [8, 896], strides = [1, 1]} : vector<8x1664xf32> to vector<8x896xf32>
    %slice3A_2896 = vector.extract_strided_slice %add3A_2886 {offsets = [0, 896], sizes = [8, 768], strides = [1, 1]} : vector<8x1664xf32> to vector<8x768xf32>
    %broadcast_in_dim3A_2897 = arith.constant 0.000000e+00 : f32
    %broadcast_in_dim3A_2898 = vector.broadcast %broadcast_in_dim3A_2897 : f32 to vector<8x128xf32>
    %concatenate3A_2899 = tpu.concatenate %slice3A_2896, %broadcast_in_dim3A_2898 in 1 : vector<8x768xf32>, vector<8x128xf32> -> vector<8x896xf32>
    %add3A_2900 = arith.addf %slice3A_2895, %concatenate3A_2899 : vector<8x896xf32>
    %slice3A_2901 = vector.extract_strided_slice %add3A_2900 {offsets = [0, 0], sizes = [8, 512], strides = [1, 1]} : vector<8x896xf32> to vector<8x512xf32>
    %slice3A_2902 = vector.extract_strided_slice %add3A_2900 {offsets = [0, 512], sizes = [8, 384], strides = [1, 1]} : vector<8x896xf32> to vector<8x384xf32>
    %broadcast_in_dim3A_2903 = arith.constant 0.000000e+00 : f32
    %broadcast_in_dim3A_2904 = vector.broadcast %broadcast_in_dim3A_2903 : f32 to vector<8x128xf32>
    %concatenate3A_2905 = tpu.concatenate %slice3A_2902, %broadcast_in_dim3A_2904 in 1 : vector<8x384xf32>, vector<8x128xf32> -> vector<8x512xf32>
    %add3A_2906 = arith.addf %slice3A_2901, %concatenate3A_2905 : vector<8x512xf32>
    %slice3A_2907 = vector.extract_strided_slice %add3A_2906 {offsets = [0, 0], sizes = [8, 256], strides = [1, 1]} : vector<8x512xf32> to vector<8x256xf32>
    %slice3A_2908 = vector.extract_strided_slice %add3A_2906 {offsets = [0, 256], sizes = [8, 256], strides = [1, 1]} : vector<8x512xf32> to vector<8x256xf32>
    %add3A_2909 = arith.addf %slice3A_2907, %slice3A_2908 : vector<8x256xf32>
    %slice3A_2910 = vector.extract_strided_slice %add3A_2909 {offsets = [0, 0], sizes = [8, 128], strides = [1, 1]} : vector<8x256xf32> to vector<8x128xf32>
    %slice3A_2911 = vector.extract_strided_slice %add3A_2909 {offsets = [0, 128], sizes = [8, 128], strides = [1, 1]} : vector<8x256xf32> to vector<8x128xf32>
    %add3A_2912 = arith.addf %slice3A_2910, %slice3A_2911 : vector<8x128xf32>
    %reduce_sum3A_2913 = vector.shape_cast %add3A_2912 : vector<8x128xf32> to vector<1x8x128xf32>
    %reduce_sum3A_2914 = arith.constant dense<0.000000e+00> : vector<1xf32>
    %reduce_sum3A_2915 = vector.multi_reduction <add>, %reduce_sum3A_2913, %reduce_sum3A_2914 [1, 2] : vector<1x8x128xf32> to vector<1xf32>
    %reduce_sum3A_2916 = vector.shape_cast %reduce_sum3A_2915 : vector<1xf32> to vector<1x1x1xf32>
    %reduce_sum3A_2917 = vector.extract %reduce_sum3A_2916[0, 0, 0] : f32 from vector<1x1x1xf32>
    %slice3A_2918 = vector.extract_strided_slice %add3A_2894 {offsets = [0, 0], sizes = [8, 896], strides = [1, 1]} : vector<8x1664xf32> to vector<8x896xf32>
    %slice3A_2919 = vector.extract_strided_slice %add3A_2894 {offsets = [0, 896], sizes = [8, 768], strides = [1, 1]} : vector<8x1664xf32> to vector<8x768xf32>
    %broadcast_in_dim3A_2920 = arith.constant 0.000000e+00 : f32
    %broadcast_in_dim3A_2921 = vector.broadcast %broadcast_in_dim3A_2920 : f32 to vector<8x128xf32>
    %concatenate3A_2922 = tpu.concatenate %slice3A_2919, %broadcast_in_dim3A_2921 in 1 : vector<8x768xf32>, vector<8x128xf32> -> vector<8x896xf32>
    %add3A_2923 = arith.addf %slice3A_2918, %concatenate3A_2922 : vector<8x896xf32>
    %slice3A_2924 = vector.extract_strided_slice %add3A_2923 {offsets = [0, 0], sizes = [8, 512], strides = [1, 1]} : vector<8x896xf32> to vector<8x512xf32>
    %slice3A_2925 = vector.extract_strided_slice %add3A_2923 {offsets = [0, 512], sizes = [8, 384], strides = [1, 1]} : vector<8x896xf32> to vector<8x384xf32>
    %broadcast_in_dim3A_2926 = arith.constant 0.000000e+00 : f32
    %broadcast_in_dim3A_2927 = vector.broadcast %broadcast_in_dim3A_2926 : f32 to vector<8x128xf32>
    %concatenate3A_2928 = tpu.concatenate %slice3A_2925, %broadcast_in_dim3A_2927 in 1 : vector<8x384xf32>, vector<8x128xf32> -> vector<8x512xf32>
    %add3A_2929 = arith.addf %slice3A_2924, %concatenate3A_2928 : vector<8x512xf32>
    %slice3A_2930 = vector.extract_strided_slice %add3A_2929 {offsets = [0, 0], sizes = [8, 256], strides = [1, 1]} : vector<8x512xf32> to vector<8x256xf32>
    %slice3A_2931 = vector.extract_strided_slice %add3A_2929 {offsets = [0, 256], sizes = [8, 256], strides = [1, 1]} : vector<8x512xf32> to vector<8x256xf32>
    %add3A_2932 = arith.addf %slice3A_2930, %slice3A_2931 : vector<8x256xf32>
    %slice3A_2933 = vector.extract_strided_slice %add3A_2932 {offsets = [0, 0], sizes = [8, 128], strides = [1, 1]} : vector<8x256xf32> to vector<8x128xf32>
    %slice3A_2934 = vector.extract_strided_slice %add3A_2932 {offsets = [0, 128], sizes = [8, 128], strides = [1, 1]} : vector<8x256xf32> to vector<8x128xf32>
    %add3A_2935 = arith.addf %slice3A_2933, %slice3A_2934 : vector<8x128xf32>
    %reduce_sum3A_2936 = vector.shape_cast %add3A_2935 : vector<8x128xf32> to vector<1x8x128xf32>
    %reduce_sum3A_2937 = arith.constant dense<0.000000e+00> : vector<1xf32>
    %reduce_sum3A_2938 = vector.multi_reduction <add>, %reduce_sum3A_2936, %reduce_sum3A_2937 [1, 2] : vector<1x8x128xf32> to vector<1xf32>
    %reduce_sum3A_2939 = vector.shape_cast %reduce_sum3A_2938 : vector<1xf32> to vector<1x1x1xf32>
    %reduce_sum3A_2940 = vector.extract %reduce_sum3A_2939[0, 0, 0] : f32 from vector<1x1x1xf32>
    %gt3A_2941 = arith.constant 0.000000e+00 : f32
    %gt3A_2942 = arith.cmpf ogt, %reduce_sum3A_2940, %gt3A_2941 : f32
    %sub3A_2943 = arith.constant 1.000000e+00 : f32
    %sub3A_2944 = arith.subf %reduce_sum3A_2917, %sub3A_2943 : f32
    %div3A_2945 = arith.divf %sub3A_2944, %reduce_sum3A_2940 : f32
    %add3A_2946 = arith.addf %sub3A_2738, %div3A_2945 : f32
    %select_n3A_2947 = arith.select %gt3A_2942, %add3A_2946, %sub3A_2738 : f32
    %broadcast_in_dim3A_2948 = arith.constant 0.000000e+00 : f32
    %broadcast_in_dim3A_2949 = vector.broadcast %broadcast_in_dim3A_2948 : f32 to vector<8x1664xf32>
    %broadcast_in_dim3A_2950 = arith.constant 0.000000e+00 : f32
    %broadcast_in_dim3A_2951 = vector.broadcast %broadcast_in_dim3A_2950 : f32 to vector<8x1664xf32>
    %get3A_2952 = arith.constant 1 : index
    %get3A_2953 = arith.constant 0 : index
    %get3A_2954 = arith.constant 0 : index
    %get3A_2955 = vector.load %arg5[%get3A_2952, %get3A_2953, %get3A_2954] : memref<2x8x13312xf32, #tpu.memory_space<vmem>>, vector<1x8x1664xf32>
    %get3A_2956 = vector.shape_cast %get3A_2955 : vector<1x8x1664xf32> to vector<8x1664xf32>
    %sub3A_2957 = vector.broadcast %select_n3A_2947 : f32 to vector<8x1664xf32>
    %sub3A_2958 = arith.subf %get3A_2956, %sub3A_2957 : vector<8x1664xf32>
    %max3A_2959 = arith.constant 0.000000e+00 : f32
    %max3A_2960 = vector.broadcast %max3A_2959 : f32 to vector<8x1664xf32>
    %max3A_2961 = arith.maximumf %sub3A_2958, %max3A_2960 : vector<8x1664xf32>
    %add3A_2962 = arith.addf %broadcast_in_dim3A_2949, %max3A_2961 : vector<8x1664xf32>
    %gt3A_2963 = vector.broadcast %select_n3A_2947 : f32 to vector<8x1664xf32>
    %gt3A_2964 = arith.cmpf ogt, %get3A_2956, %gt3A_2963 : vector<8x1664xf32>
    %jit3A_2965 = arith.constant 1.000000e+00 : f32
    %jit3A_2966 = arith.constant 0.000000e+00 : f32
    %broadcast_in_dim3A_2967 = vector.broadcast %jit3A_2965 : f32 to vector<8x1664xf32>
    %broadcast_in_dim3A_2968 = vector.broadcast %jit3A_2966 : f32 to vector<8x1664xf32>
    %select_n3A_2969 = arith.select %gt3A_2964, %broadcast_in_dim3A_2967, %broadcast_in_dim3A_2968 : vector<8x1664xi1>, vector<8x1664xf32>
    %add3A_2970 = arith.addf %broadcast_in_dim3A_2951, %select_n3A_2969 : vector<8x1664xf32>
    %get3A_2971 = arith.constant 1 : index
    %get3A_2972 = arith.constant 0 : index
    %get3A_2973 = arith.constant 1664 : index
    %get3A_2974 = vector.load %arg5[%get3A_2971, %get3A_2972, %get3A_2973] : memref<2x8x13312xf32, #tpu.memory_space<vmem>>, vector<1x8x1664xf32>
    %get3A_2975 = vector.shape_cast %get3A_2974 : vector<1x8x1664xf32> to vector<8x1664xf32>
    %sub3A_2976 = vector.broadcast %select_n3A_2947 : f32 to vector<8x1664xf32>
    %sub3A_2977 = arith.subf %get3A_2975, %sub3A_2976 : vector<8x1664xf32>
    %max3A_2978 = arith.constant 0.000000e+00 : f32
    %max3A_2979 = vector.broadcast %max3A_2978 : f32 to vector<8x1664xf32>
    %max3A_2980 = arith.maximumf %sub3A_2977, %max3A_2979 : vector<8x1664xf32>
    %add3A_2981 = arith.addf %add3A_2962, %max3A_2980 : vector<8x1664xf32>
    %gt3A_2982 = vector.broadcast %select_n3A_2947 : f32 to vector<8x1664xf32>
    %gt3A_2983 = arith.cmpf ogt, %get3A_2975, %gt3A_2982 : vector<8x1664xf32>
    %jit3A_2984 = arith.constant 1.000000e+00 : f32
    %jit3A_2985 = arith.constant 0.000000e+00 : f32
    %broadcast_in_dim3A_2986 = vector.broadcast %jit3A_2984 : f32 to vector<8x1664xf32>
    %broadcast_in_dim3A_2987 = vector.broadcast %jit3A_2985 : f32 to vector<8x1664xf32>
    %select_n3A_2988 = arith.select %gt3A_2983, %broadcast_in_dim3A_2986, %broadcast_in_dim3A_2987 : vector<8x1664xi1>, vector<8x1664xf32>
    %add3A_2989 = arith.addf %add3A_2970, %select_n3A_2988 : vector<8x1664xf32>
    %get3A_2990 = arith.constant 1 : index
    %get3A_2991 = arith.constant 0 : index
    %get3A_2992 = arith.constant 3328 : index
    %get3A_2993 = vector.load %arg5[%get3A_2990, %get3A_2991, %get3A_2992] : memref<2x8x13312xf32, #tpu.memory_space<vmem>>, vector<1x8x1664xf32>
    %get3A_2994 = vector.shape_cast %get3A_2993 : vector<1x8x1664xf32> to vector<8x1664xf32>
    %sub3A_2995 = vector.broadcast %select_n3A_2947 : f32 to vector<8x1664xf32>
    %sub3A_2996 = arith.subf %get3A_2994, %sub3A_2995 : vector<8x1664xf32>
    %max3A_2997 = arith.constant 0.000000e+00 : f32
    %max3A_2998 = vector.broadcast %max3A_2997 : f32 to vector<8x1664xf32>
    %max3A_2999 = arith.maximumf %sub3A_2996, %max3A_2998 : vector<8x1664xf32>
    %add3A_3000 = arith.addf %add3A_2981, %max3A_2999 : vector<8x1664xf32>
    %gt3A_3001 = vector.broadcast %select_n3A_2947 : f32 to vector<8x1664xf32>
    %gt3A_3002 = arith.cmpf ogt, %get3A_2994, %gt3A_3001 : vector<8x1664xf32>
    %jit3A_3003 = arith.constant 1.000000e+00 : f32
    %jit3A_3004 = arith.constant 0.000000e+00 : f32
    %broadcast_in_dim3A_3005 = vector.broadcast %jit3A_3003 : f32 to vector<8x1664xf32>
    %broadcast_in_dim3A_3006 = vector.broadcast %jit3A_3004 : f32 to vector<8x1664xf32>
    %select_n3A_3007 = arith.select %gt3A_3002, %broadcast_in_dim3A_3005, %broadcast_in_dim3A_3006 : vector<8x1664xi1>, vector<8x1664xf32>
    %add3A_3008 = arith.addf %add3A_2989, %select_n3A_3007 : vector<8x1664xf32>
    %get3A_3009 = arith.constant 1 : index
    %get3A_3010 = arith.constant 0 : index
    %get3A_3011 = arith.constant 4992 : index
    %get3A_3012 = vector.load %arg5[%get3A_3009, %get3A_3010, %get3A_3011] : memref<2x8x13312xf32, #tpu.memory_space<vmem>>, vector<1x8x1664xf32>
    %get3A_3013 = vector.shape_cast %get3A_3012 : vector<1x8x1664xf32> to vector<8x1664xf32>
    %sub3A_3014 = vector.broadcast %select_n3A_2947 : f32 to vector<8x1664xf32>
    %sub3A_3015 = arith.subf %get3A_3013, %sub3A_3014 : vector<8x1664xf32>
    %max3A_3016 = arith.constant 0.000000e+00 : f32
    %max3A_3017 = vector.broadcast %max3A_3016 : f32 to vector<8x1664xf32>
    %max3A_3018 = arith.maximumf %sub3A_3015, %max3A_3017 : vector<8x1664xf32>
    %add3A_3019 = arith.addf %add3A_3000, %max3A_3018 : vector<8x1664xf32>
    %gt3A_3020 = vector.broadcast %select_n3A_2947 : f32 to vector<8x1664xf32>
    %gt3A_3021 = arith.cmpf ogt, %get3A_3013, %gt3A_3020 : vector<8x1664xf32>
    %jit3A_3022 = arith.constant 1.000000e+00 : f32
    %jit3A_3023 = arith.constant 0.000000e+00 : f32
    %broadcast_in_dim3A_3024 = vector.broadcast %jit3A_3022 : f32 to vector<8x1664xf32>
    %broadcast_in_dim3A_3025 = vector.broadcast %jit3A_3023 : f32 to vector<8x1664xf32>
    %select_n3A_3026 = arith.select %gt3A_3021, %broadcast_in_dim3A_3024, %broadcast_in_dim3A_3025 : vector<8x1664xi1>, vector<8x1664xf32>
    %add3A_3027 = arith.addf %add3A_3008, %select_n3A_3026 : vector<8x1664xf32>
    %get3A_3028 = arith.constant 1 : index
    %get3A_3029 = arith.constant 0 : index
    %get3A_3030 = arith.constant 6656 : index
    %get3A_3031 = vector.load %arg5[%get3A_3028, %get3A_3029, %get3A_3030] : memref<2x8x13312xf32, #tpu.memory_space<vmem>>, vector<1x8x1664xf32>
    %get3A_3032 = vector.shape_cast %get3A_3031 : vector<1x8x1664xf32> to vector<8x1664xf32>
    %sub3A_3033 = vector.broadcast %select_n3A_2947 : f32 to vector<8x1664xf32>
    %sub3A_3034 = arith.subf %get3A_3032, %sub3A_3033 : vector<8x1664xf32>
    %max3A_3035 = arith.constant 0.000000e+00 : f32
    %max3A_3036 = vector.broadcast %max3A_3035 : f32 to vector<8x1664xf32>
    %max3A_3037 = arith.maximumf %sub3A_3034, %max3A_3036 : vector<8x1664xf32>
    %add3A_3038 = arith.addf %add3A_3019, %max3A_3037 : vector<8x1664xf32>
    %gt3A_3039 = vector.broadcast %select_n3A_2947 : f32 to vector<8x1664xf32>
    %gt3A_3040 = arith.cmpf ogt, %get3A_3032, %gt3A_3039 : vector<8x1664xf32>
    %jit3A_3041 = arith.constant 1.000000e+00 : f32
    %jit3A_3042 = arith.constant 0.000000e+00 : f32
    %broadcast_in_dim3A_3043 = vector.broadcast %jit3A_3041 : f32 to vector<8x1664xf32>
    %broadcast_in_dim3A_3044 = vector.broadcast %jit3A_3042 : f32 to vector<8x1664xf32>
    %select_n3A_3045 = arith.select %gt3A_3040, %broadcast_in_dim3A_3043, %broadcast_in_dim3A_3044 : vector<8x1664xi1>, vector<8x1664xf32>
    %add3A_3046 = arith.addf %add3A_3027, %select_n3A_3045 : vector<8x1664xf32>
    %get3A_3047 = arith.constant 1 : index
    %get3A_3048 = arith.constant 0 : index
    %get3A_3049 = arith.constant 8320 : index
    %get3A_3050 = vector.load %arg5[%get3A_3047, %get3A_3048, %get3A_3049] : memref<2x8x13312xf32, #tpu.memory_space<vmem>>, vector<1x8x1664xf32>
    %get3A_3051 = vector.shape_cast %get3A_3050 : vector<1x8x1664xf32> to vector<8x1664xf32>
    %sub3A_3052 = vector.broadcast %select_n3A_2947 : f32 to vector<8x1664xf32>
    %sub3A_3053 = arith.subf %get3A_3051, %sub3A_3052 : vector<8x1664xf32>
    %max3A_3054 = arith.constant 0.000000e+00 : f32
    %max3A_3055 = vector.broadcast %max3A_3054 : f32 to vector<8x1664xf32>
    %max3A_3056 = arith.maximumf %sub3A_3053, %max3A_3055 : vector<8x1664xf32>
    %add3A_3057 = arith.addf %add3A_3038, %max3A_3056 : vector<8x1664xf32>
    %gt3A_3058 = vector.broadcast %select_n3A_2947 : f32 to vector<8x1664xf32>
    %gt3A_3059 = arith.cmpf ogt, %get3A_3051, %gt3A_3058 : vector<8x1664xf32>
    %jit3A_3060 = arith.constant 1.000000e+00 : f32
    %jit3A_3061 = arith.constant 0.000000e+00 : f32
    %broadcast_in_dim3A_3062 = vector.broadcast %jit3A_3060 : f32 to vector<8x1664xf32>
    %broadcast_in_dim3A_3063 = vector.broadcast %jit3A_3061 : f32 to vector<8x1664xf32>
    %select_n3A_3064 = arith.select %gt3A_3059, %broadcast_in_dim3A_3062, %broadcast_in_dim3A_3063 : vector<8x1664xi1>, vector<8x1664xf32>
    %add3A_3065 = arith.addf %add3A_3046, %select_n3A_3064 : vector<8x1664xf32>
    %get3A_3066 = arith.constant 1 : index
    %get3A_3067 = arith.constant 0 : index
    %get3A_3068 = arith.constant 9984 : index
    %get3A_3069 = vector.load %arg5[%get3A_3066, %get3A_3067, %get3A_3068] : memref<2x8x13312xf32, #tpu.memory_space<vmem>>, vector<1x8x1664xf32>
    %get3A_3070 = vector.shape_cast %get3A_3069 : vector<1x8x1664xf32> to vector<8x1664xf32>
    %sub3A_3071 = vector.broadcast %select_n3A_2947 : f32 to vector<8x1664xf32>
    %sub3A_3072 = arith.subf %get3A_3070, %sub3A_3071 : vector<8x1664xf32>
    %max3A_3073 = arith.constant 0.000000e+00 : f32
    %max3A_3074 = vector.broadcast %max3A_3073 : f32 to vector<8x1664xf32>
    %max3A_3075 = arith.maximumf %sub3A_3072, %max3A_3074 : vector<8x1664xf32>
    %add3A_3076 = arith.addf %add3A_3057, %max3A_3075 : vector<8x1664xf32>
    %gt3A_3077 = vector.broadcast %select_n3A_2947 : f32 to vector<8x1664xf32>
    %gt3A_3078 = arith.cmpf ogt, %get3A_3070, %gt3A_3077 : vector<8x1664xf32>
    %jit3A_3079 = arith.constant 1.000000e+00 : f32
    %jit3A_3080 = arith.constant 0.000000e+00 : f32
    %broadcast_in_dim3A_3081 = vector.broadcast %jit3A_3079 : f32 to vector<8x1664xf32>
    %broadcast_in_dim3A_3082 = vector.broadcast %jit3A_3080 : f32 to vector<8x1664xf32>
    %select_n3A_3083 = arith.select %gt3A_3078, %broadcast_in_dim3A_3081, %broadcast_in_dim3A_3082 : vector<8x1664xi1>, vector<8x1664xf32>
    %add3A_3084 = arith.addf %add3A_3065, %select_n3A_3083 : vector<8x1664xf32>
    %get3A_3085 = arith.constant 1 : index
    %get3A_3086 = arith.constant 0 : index
    %get3A_3087 = arith.constant 11648 : index
    %get3A_3088 = vector.load %arg5[%get3A_3085, %get3A_3086, %get3A_3087] : memref<2x8x13312xf32, #tpu.memory_space<vmem>>, vector<1x8x1664xf32>
    %get3A_3089 = vector.shape_cast %get3A_3088 : vector<1x8x1664xf32> to vector<8x1664xf32>
    %sub3A_3090 = vector.broadcast %select_n3A_2947 : f32 to vector<8x1664xf32>
    %sub3A_3091 = arith.subf %get3A_3089, %sub3A_3090 : vector<8x1664xf32>
    %max3A_3092 = arith.constant 0.000000e+00 : f32
    %max3A_3093 = vector.broadcast %max3A_3092 : f32 to vector<8x1664xf32>
    %max3A_3094 = arith.maximumf %sub3A_3091, %max3A_3093 : vector<8x1664xf32>
    %add3A_3095 = arith.addf %add3A_3076, %max3A_3094 : vector<8x1664xf32>
    %gt3A_3096 = vector.broadcast %select_n3A_2947 : f32 to vector<8x1664xf32>
    %gt3A_3097 = arith.cmpf ogt, %get3A_3089, %gt3A_3096 : vector<8x1664xf32>
    %jit3A_3098 = arith.constant 1.000000e+00 : f32
    %jit3A_3099 = arith.constant 0.000000e+00 : f32
    %broadcast_in_dim3A_3100 = vector.broadcast %jit3A_3098 : f32 to vector<8x1664xf32>
    %broadcast_in_dim3A_3101 = vector.broadcast %jit3A_3099 : f32 to vector<8x1664xf32>
    %select_n3A_3102 = arith.select %gt3A_3097, %broadcast_in_dim3A_3100, %broadcast_in_dim3A_3101 : vector<8x1664xi1>, vector<8x1664xf32>
    %add3A_3103 = arith.addf %add3A_3084, %select_n3A_3102 : vector<8x1664xf32>
    %slice3A_3104 = vector.extract_strided_slice %add3A_3095 {offsets = [0, 0], sizes = [8, 896], strides = [1, 1]} : vector<8x1664xf32> to vector<8x896xf32>
    %slice3A_3105 = vector.extract_strided_slice %add3A_3095 {offsets = [0, 896], sizes = [8, 768], strides = [1, 1]} : vector<8x1664xf32> to vector<8x768xf32>
    %broadcast_in_dim3A_3106 = arith.constant 0.000000e+00 : f32
    %broadcast_in_dim3A_3107 = vector.broadcast %broadcast_in_dim3A_3106 : f32 to vector<8x128xf32>
    %concatenate3A_3108 = tpu.concatenate %slice3A_3105, %broadcast_in_dim3A_3107 in 1 : vector<8x768xf32>, vector<8x128xf32> -> vector<8x896xf32>
    %add3A_3109 = arith.addf %slice3A_3104, %concatenate3A_3108 : vector<8x896xf32>
    %slice3A_3110 = vector.extract_strided_slice %add3A_3109 {offsets = [0, 0], sizes = [8, 512], strides = [1, 1]} : vector<8x896xf32> to vector<8x512xf32>
    %slice3A_3111 = vector.extract_strided_slice %add3A_3109 {offsets = [0, 512], sizes = [8, 384], strides = [1, 1]} : vector<8x896xf32> to vector<8x384xf32>
    %broadcast_in_dim3A_3112 = arith.constant 0.000000e+00 : f32
    %broadcast_in_dim3A_3113 = vector.broadcast %broadcast_in_dim3A_3112 : f32 to vector<8x128xf32>
    %concatenate3A_3114 = tpu.concatenate %slice3A_3111, %broadcast_in_dim3A_3113 in 1 : vector<8x384xf32>, vector<8x128xf32> -> vector<8x512xf32>
    %add3A_3115 = arith.addf %slice3A_3110, %concatenate3A_3114 : vector<8x512xf32>
    %slice3A_3116 = vector.extract_strided_slice %add3A_3115 {offsets = [0, 0], sizes = [8, 256], strides = [1, 1]} : vector<8x512xf32> to vector<8x256xf32>
    %slice3A_3117 = vector.extract_strided_slice %add3A_3115 {offsets = [0, 256], sizes = [8, 256], strides = [1, 1]} : vector<8x512xf32> to vector<8x256xf32>
    %add3A_3118 = arith.addf %slice3A_3116, %slice3A_3117 : vector<8x256xf32>
    %slice3A_3119 = vector.extract_strided_slice %add3A_3118 {offsets = [0, 0], sizes = [8, 128], strides = [1, 1]} : vector<8x256xf32> to vector<8x128xf32>
    %slice3A_3120 = vector.extract_strided_slice %add3A_3118 {offsets = [0, 128], sizes = [8, 128], strides = [1, 1]} : vector<8x256xf32> to vector<8x128xf32>
    %add3A_3121 = arith.addf %slice3A_3119, %slice3A_3120 : vector<8x128xf32>
    %reduce_sum3A_3122 = vector.shape_cast %add3A_3121 : vector<8x128xf32> to vector<1x8x128xf32>
    %reduce_sum3A_3123 = arith.constant dense<0.000000e+00> : vector<1xf32>
    %reduce_sum3A_3124 = vector.multi_reduction <add>, %reduce_sum3A_3122, %reduce_sum3A_3123 [1, 2] : vector<1x8x128xf32> to vector<1xf32>
    %reduce_sum3A_3125 = vector.shape_cast %reduce_sum3A_3124 : vector<1xf32> to vector<1x1x1xf32>
    %reduce_sum3A_3126 = vector.extract %reduce_sum3A_3125[0, 0, 0] : f32 from vector<1x1x1xf32>
    %slice3A_3127 = vector.extract_strided_slice %add3A_3103 {offsets = [0, 0], sizes = [8, 896], strides = [1, 1]} : vector<8x1664xf32> to vector<8x896xf32>
    %slice3A_3128 = vector.extract_strided_slice %add3A_3103 {offsets = [0, 896], sizes = [8, 768], strides = [1, 1]} : vector<8x1664xf32> to vector<8x768xf32>
    %broadcast_in_dim3A_3129 = arith.constant 0.000000e+00 : f32
    %broadcast_in_dim3A_3130 = vector.broadcast %broadcast_in_dim3A_3129 : f32 to vector<8x128xf32>
    %concatenate3A_3131 = tpu.concatenate %slice3A_3128, %broadcast_in_dim3A_3130 in 1 : vector<8x768xf32>, vector<8x128xf32> -> vector<8x896xf32>
    %add3A_3132 = arith.addf %slice3A_3127, %concatenate3A_3131 : vector<8x896xf32>
    %slice3A_3133 = vector.extract_strided_slice %add3A_3132 {offsets = [0, 0], sizes = [8, 512], strides = [1, 1]} : vector<8x896xf32> to vector<8x512xf32>
    %slice3A_3134 = vector.extract_strided_slice %add3A_3132 {offsets = [0, 512], sizes = [8, 384], strides = [1, 1]} : vector<8x896xf32> to vector<8x384xf32>
    %broadcast_in_dim3A_3135 = arith.constant 0.000000e+00 : f32
    %broadcast_in_dim3A_3136 = vector.broadcast %broadcast_in_dim3A_3135 : f32 to vector<8x128xf32>
    %concatenate3A_3137 = tpu.concatenate %slice3A_3134, %broadcast_in_dim3A_3136 in 1 : vector<8x384xf32>, vector<8x128xf32> -> vector<8x512xf32>
    %add3A_3138 = arith.addf %slice3A_3133, %concatenate3A_3137 : vector<8x512xf32>
    %slice3A_3139 = vector.extract_strided_slice %add3A_3138 {offsets = [0, 0], sizes = [8, 256], strides = [1, 1]} : vector<8x512xf32> to vector<8x256xf32>
    %slice3A_3140 = vector.extract_strided_slice %add3A_3138 {offsets = [0, 256], sizes = [8, 256], strides = [1, 1]} : vector<8x512xf32> to vector<8x256xf32>
    %add3A_3141 = arith.addf %slice3A_3139, %slice3A_3140 : vector<8x256xf32>
    %slice3A_3142 = vector.extract_strided_slice %add3A_3141 {offsets = [0, 0], sizes = [8, 128], strides = [1, 1]} : vector<8x256xf32> to vector<8x128xf32>
    %slice3A_3143 = vector.extract_strided_slice %add3A_3141 {offsets = [0, 128], sizes = [8, 128], strides = [1, 1]} : vector<8x256xf32> to vector<8x128xf32>
    %add3A_3144 = arith.addf %slice3A_3142, %slice3A_3143 : vector<8x128xf32>
    %reduce_sum3A_3145 = vector.shape_cast %add3A_3144 : vector<8x128xf32> to vector<1x8x128xf32>
    %reduce_sum3A_3146 = arith.constant dense<0.000000e+00> : vector<1xf32>
    %reduce_sum3A_3147 = vector.multi_reduction <add>, %reduce_sum3A_3145, %reduce_sum3A_3146 [1, 2] : vector<1x8x128xf32> to vector<1xf32>
    %reduce_sum3A_3148 = vector.shape_cast %reduce_sum3A_3147 : vector<1xf32> to vector<1x1x1xf32>
    %reduce_sum3A_3149 = vector.extract %reduce_sum3A_3148[0, 0, 0] : f32 from vector<1x1x1xf32>
    %gt3A_3150 = arith.constant 0.000000e+00 : f32
    %gt3A_3151 = arith.cmpf ogt, %reduce_sum3A_3149, %gt3A_3150 : f32
    %sub3A_3152 = arith.constant 1.000000e+00 : f32
    %sub3A_3153 = arith.subf %reduce_sum3A_3126, %sub3A_3152 : f32
    %div3A_3154 = arith.divf %sub3A_3153, %reduce_sum3A_3149 : f32
    %add3A_3155 = arith.addf %select_n3A_2947, %div3A_3154 : f32
    %select_n3A_3156 = arith.select %gt3A_3151, %add3A_3155, %select_n3A_2947 : f32
    %broadcast_in_dim3A_3157 = arith.constant 0.000000e+00 : f32
    %broadcast_in_dim3A_3158 = vector.broadcast %broadcast_in_dim3A_3157 : f32 to vector<8x1664xf32>
    %broadcast_in_dim3A_3159 = arith.constant 0.000000e+00 : f32
    %broadcast_in_dim3A_3160 = vector.broadcast %broadcast_in_dim3A_3159 : f32 to vector<8x1664xf32>
    %get3A_3161 = arith.constant 1 : index
    %get3A_3162 = arith.constant 0 : index
    %get3A_3163 = arith.constant 0 : index
    %get3A_3164 = vector.load %arg5[%get3A_3161, %get3A_3162, %get3A_3163] : memref<2x8x13312xf32, #tpu.memory_space<vmem>>, vector<1x8x1664xf32>
    %get3A_3165 = vector.shape_cast %get3A_3164 : vector<1x8x1664xf32> to vector<8x1664xf32>
    %sub3A_3166 = vector.broadcast %select_n3A_3156 : f32 to vector<8x1664xf32>
    %sub3A_3167 = arith.subf %get3A_3165, %sub3A_3166 : vector<8x1664xf32>
    %max3A_3168 = arith.constant 0.000000e+00 : f32
    %max3A_3169 = vector.broadcast %max3A_3168 : f32 to vector<8x1664xf32>
    %max3A_3170 = arith.maximumf %sub3A_3167, %max3A_3169 : vector<8x1664xf32>
    %add3A_3171 = arith.addf %broadcast_in_dim3A_3158, %max3A_3170 : vector<8x1664xf32>
    %gt3A_3172 = vector.broadcast %select_n3A_3156 : f32 to vector<8x1664xf32>
    %gt3A_3173 = arith.cmpf ogt, %get3A_3165, %gt3A_3172 : vector<8x1664xf32>
    %jit3A_3174 = arith.constant 1.000000e+00 : f32
    %jit3A_3175 = arith.constant 0.000000e+00 : f32
    %broadcast_in_dim3A_3176 = vector.broadcast %jit3A_3174 : f32 to vector<8x1664xf32>
    %broadcast_in_dim3A_3177 = vector.broadcast %jit3A_3175 : f32 to vector<8x1664xf32>
    %select_n3A_3178 = arith.select %gt3A_3173, %broadcast_in_dim3A_3176, %broadcast_in_dim3A_3177 : vector<8x1664xi1>, vector<8x1664xf32>
    %add3A_3179 = arith.addf %broadcast_in_dim3A_3160, %select_n3A_3178 : vector<8x1664xf32>
    %get3A_3180 = arith.constant 1 : index
    %get3A_3181 = arith.constant 0 : index
    %get3A_3182 = arith.constant 1664 : index
    %get3A_3183 = vector.load %arg5[%get3A_3180, %get3A_3181, %get3A_3182] : memref<2x8x13312xf32, #tpu.memory_space<vmem>>, vector<1x8x1664xf32>
    %get3A_3184 = vector.shape_cast %get3A_3183 : vector<1x8x1664xf32> to vector<8x1664xf32>
    %sub3A_3185 = vector.broadcast %select_n3A_3156 : f32 to vector<8x1664xf32>
    %sub3A_3186 = arith.subf %get3A_3184, %sub3A_3185 : vector<8x1664xf32>
    %max3A_3187 = arith.constant 0.000000e+00 : f32
    %max3A_3188 = vector.broadcast %max3A_3187 : f32 to vector<8x1664xf32>
    %max3A_3189 = arith.maximumf %sub3A_3186, %max3A_3188 : vector<8x1664xf32>
    %add3A_3190 = arith.addf %add3A_3171, %max3A_3189 : vector<8x1664xf32>
    %gt3A_3191 = vector.broadcast %select_n3A_3156 : f32 to vector<8x1664xf32>
    %gt3A_3192 = arith.cmpf ogt, %get3A_3184, %gt3A_3191 : vector<8x1664xf32>
    %jit3A_3193 = arith.constant 1.000000e+00 : f32
    %jit3A_3194 = arith.constant 0.000000e+00 : f32
    %broadcast_in_dim3A_3195 = vector.broadcast %jit3A_3193 : f32 to vector<8x1664xf32>
    %broadcast_in_dim3A_3196 = vector.broadcast %jit3A_3194 : f32 to vector<8x1664xf32>
    %select_n3A_3197 = arith.select %gt3A_3192, %broadcast_in_dim3A_3195, %broadcast_in_dim3A_3196 : vector<8x1664xi1>, vector<8x1664xf32>
    %add3A_3198 = arith.addf %add3A_3179, %select_n3A_3197 : vector<8x1664xf32>
    %get3A_3199 = arith.constant 1 : index
    %get3A_3200 = arith.constant 0 : index
    %get3A_3201 = arith.constant 3328 : index
    %get3A_3202 = vector.load %arg5[%get3A_3199, %get3A_3200, %get3A_3201] : memref<2x8x13312xf32, #tpu.memory_space<vmem>>, vector<1x8x1664xf32>
    %get3A_3203 = vector.shape_cast %get3A_3202 : vector<1x8x1664xf32> to vector<8x1664xf32>
    %sub3A_3204 = vector.broadcast %select_n3A_3156 : f32 to vector<8x1664xf32>
    %sub3A_3205 = arith.subf %get3A_3203, %sub3A_3204 : vector<8x1664xf32>
    %max3A_3206 = arith.constant 0.000000e+00 : f32
    %max3A_3207 = vector.broadcast %max3A_3206 : f32 to vector<8x1664xf32>
    %max3A_3208 = arith.maximumf %sub3A_3205, %max3A_3207 : vector<8x1664xf32>
    %add3A_3209 = arith.addf %add3A_3190, %max3A_3208 : vector<8x1664xf32>
    %gt3A_3210 = vector.broadcast %select_n3A_3156 : f32 to vector<8x1664xf32>
    %gt3A_3211 = arith.cmpf ogt, %get3A_3203, %gt3A_3210 : vector<8x1664xf32>
    %jit3A_3212 = arith.constant 1.000000e+00 : f32
    %jit3A_3213 = arith.constant 0.000000e+00 : f32
    %broadcast_in_dim3A_3214 = vector.broadcast %jit3A_3212 : f32 to vector<8x1664xf32>
    %broadcast_in_dim3A_3215 = vector.broadcast %jit3A_3213 : f32 to vector<8x1664xf32>
    %select_n3A_3216 = arith.select %gt3A_3211, %broadcast_in_dim3A_3214, %broadcast_in_dim3A_3215 : vector<8x1664xi1>, vector<8x1664xf32>
    %add3A_3217 = arith.addf %add3A_3198, %select_n3A_3216 : vector<8x1664xf32>
    %get3A_3218 = arith.constant 1 : index
    %get3A_3219 = arith.constant 0 : index
    %get3A_3220 = arith.constant 4992 : index
    %get3A_3221 = vector.load %arg5[%get3A_3218, %get3A_3219, %get3A_3220] : memref<2x8x13312xf32, #tpu.memory_space<vmem>>, vector<1x8x1664xf32>
    %get3A_3222 = vector.shape_cast %get3A_3221 : vector<1x8x1664xf32> to vector<8x1664xf32>
    %sub3A_3223 = vector.broadcast %select_n3A_3156 : f32 to vector<8x1664xf32>
    %sub3A_3224 = arith.subf %get3A_3222, %sub3A_3223 : vector<8x1664xf32>
    %max3A_3225 = arith.constant 0.000000e+00 : f32
    %max3A_3226 = vector.broadcast %max3A_3225 : f32 to vector<8x1664xf32>
    %max3A_3227 = arith.maximumf %sub3A_3224, %max3A_3226 : vector<8x1664xf32>
    %add3A_3228 = arith.addf %add3A_3209, %max3A_3227 : vector<8x1664xf32>
    %gt3A_3229 = vector.broadcast %select_n3A_3156 : f32 to vector<8x1664xf32>
    %gt3A_3230 = arith.cmpf ogt, %get3A_3222, %gt3A_3229 : vector<8x1664xf32>
    %jit3A_3231 = arith.constant 1.000000e+00 : f32
    %jit3A_3232 = arith.constant 0.000000e+00 : f32
    %broadcast_in_dim3A_3233 = vector.broadcast %jit3A_3231 : f32 to vector<8x1664xf32>
    %broadcast_in_dim3A_3234 = vector.broadcast %jit3A_3232 : f32 to vector<8x1664xf32>
    %select_n3A_3235 = arith.select %gt3A_3230, %broadcast_in_dim3A_3233, %broadcast_in_dim3A_3234 : vector<8x1664xi1>, vector<8x1664xf32>
    %add3A_3236 = arith.addf %add3A_3217, %select_n3A_3235 : vector<8x1664xf32>
    %get3A_3237 = arith.constant 1 : index
    %get3A_3238 = arith.constant 0 : index
    %get3A_3239 = arith.constant 6656 : index
    %get3A_3240 = vector.load %arg5[%get3A_3237, %get3A_3238, %get3A_3239] : memref<2x8x13312xf32, #tpu.memory_space<vmem>>, vector<1x8x1664xf32>
    %get3A_3241 = vector.shape_cast %get3A_3240 : vector<1x8x1664xf32> to vector<8x1664xf32>
    %sub3A_3242 = vector.broadcast %select_n3A_3156 : f32 to vector<8x1664xf32>
    %sub3A_3243 = arith.subf %get3A_3241, %sub3A_3242 : vector<8x1664xf32>
    %max3A_3244 = arith.constant 0.000000e+00 : f32
    %max3A_3245 = vector.broadcast %max3A_3244 : f32 to vector<8x1664xf32>
    %max3A_3246 = arith.maximumf %sub3A_3243, %max3A_3245 : vector<8x1664xf32>
    %add3A_3247 = arith.addf %add3A_3228, %max3A_3246 : vector<8x1664xf32>
    %gt3A_3248 = vector.broadcast %select_n3A_3156 : f32 to vector<8x1664xf32>
    %gt3A_3249 = arith.cmpf ogt, %get3A_3241, %gt3A_3248 : vector<8x1664xf32>
    %jit3A_3250 = arith.constant 1.000000e+00 : f32
    %jit3A_3251 = arith.constant 0.000000e+00 : f32
    %broadcast_in_dim3A_3252 = vector.broadcast %jit3A_3250 : f32 to vector<8x1664xf32>
    %broadcast_in_dim3A_3253 = vector.broadcast %jit3A_3251 : f32 to vector<8x1664xf32>
    %select_n3A_3254 = arith.select %gt3A_3249, %broadcast_in_dim3A_3252, %broadcast_in_dim3A_3253 : vector<8x1664xi1>, vector<8x1664xf32>
    %add3A_3255 = arith.addf %add3A_3236, %select_n3A_3254 : vector<8x1664xf32>
    %get3A_3256 = arith.constant 1 : index
    %get3A_3257 = arith.constant 0 : index
    %get3A_3258 = arith.constant 8320 : index
    %get3A_3259 = vector.load %arg5[%get3A_3256, %get3A_3257, %get3A_3258] : memref<2x8x13312xf32, #tpu.memory_space<vmem>>, vector<1x8x1664xf32>
    %get3A_3260 = vector.shape_cast %get3A_3259 : vector<1x8x1664xf32> to vector<8x1664xf32>
    %sub3A_3261 = vector.broadcast %select_n3A_3156 : f32 to vector<8x1664xf32>
    %sub3A_3262 = arith.subf %get3A_3260, %sub3A_3261 : vector<8x1664xf32>
    %max3A_3263 = arith.constant 0.000000e+00 : f32
    %max3A_3264 = vector.broadcast %max3A_3263 : f32 to vector<8x1664xf32>
    %max3A_3265 = arith.maximumf %sub3A_3262, %max3A_3264 : vector<8x1664xf32>
    %add3A_3266 = arith.addf %add3A_3247, %max3A_3265 : vector<8x1664xf32>
    %gt3A_3267 = vector.broadcast %select_n3A_3156 : f32 to vector<8x1664xf32>
    %gt3A_3268 = arith.cmpf ogt, %get3A_3260, %gt3A_3267 : vector<8x1664xf32>
    %jit3A_3269 = arith.constant 1.000000e+00 : f32
    %jit3A_3270 = arith.constant 0.000000e+00 : f32
    %broadcast_in_dim3A_3271 = vector.broadcast %jit3A_3269 : f32 to vector<8x1664xf32>
    %broadcast_in_dim3A_3272 = vector.broadcast %jit3A_3270 : f32 to vector<8x1664xf32>
    %select_n3A_3273 = arith.select %gt3A_3268, %broadcast_in_dim3A_3271, %broadcast_in_dim3A_3272 : vector<8x1664xi1>, vector<8x1664xf32>
    %add3A_3274 = arith.addf %add3A_3255, %select_n3A_3273 : vector<8x1664xf32>
    %get3A_3275 = arith.constant 1 : index
    %get3A_3276 = arith.constant 0 : index
    %get3A_3277 = arith.constant 9984 : index
    %get3A_3278 = vector.load %arg5[%get3A_3275, %get3A_3276, %get3A_3277] : memref<2x8x13312xf32, #tpu.memory_space<vmem>>, vector<1x8x1664xf32>
    %get3A_3279 = vector.shape_cast %get3A_3278 : vector<1x8x1664xf32> to vector<8x1664xf32>
    %sub3A_3280 = vector.broadcast %select_n3A_3156 : f32 to vector<8x1664xf32>
    %sub3A_3281 = arith.subf %get3A_3279, %sub3A_3280 : vector<8x1664xf32>
    %max3A_3282 = arith.constant 0.000000e+00 : f32
    %max3A_3283 = vector.broadcast %max3A_3282 : f32 to vector<8x1664xf32>
    %max3A_3284 = arith.maximumf %sub3A_3281, %max3A_3283 : vector<8x1664xf32>
    %add3A_3285 = arith.addf %add3A_3266, %max3A_3284 : vector<8x1664xf32>
    %gt3A_3286 = vector.broadcast %select_n3A_3156 : f32 to vector<8x1664xf32>
    %gt3A_3287 = arith.cmpf ogt, %get3A_3279, %gt3A_3286 : vector<8x1664xf32>
    %jit3A_3288 = arith.constant 1.000000e+00 : f32
    %jit3A_3289 = arith.constant 0.000000e+00 : f32
    %broadcast_in_dim3A_3290 = vector.broadcast %jit3A_3288 : f32 to vector<8x1664xf32>
    %broadcast_in_dim3A_3291 = vector.broadcast %jit3A_3289 : f32 to vector<8x1664xf32>
    %select_n3A_3292 = arith.select %gt3A_3287, %broadcast_in_dim3A_3290, %broadcast_in_dim3A_3291 : vector<8x1664xi1>, vector<8x1664xf32>
    %add3A_3293 = arith.addf %add3A_3274, %select_n3A_3292 : vector<8x1664xf32>
    %get3A_3294 = arith.constant 1 : index
    %get3A_3295 = arith.constant 0 : index
    %get3A_3296 = arith.constant 11648 : index
    %get3A_3297 = vector.load %arg5[%get3A_3294, %get3A_3295, %get3A_3296] : memref<2x8x13312xf32, #tpu.memory_space<vmem>>, vector<1x8x1664xf32>
    %get3A_3298 = vector.shape_cast %get3A_3297 : vector<1x8x1664xf32> to vector<8x1664xf32>
    %sub3A_3299 = vector.broadcast %select_n3A_3156 : f32 to vector<8x1664xf32>
    %sub3A_3300 = arith.subf %get3A_3298, %sub3A_3299 : vector<8x1664xf32>
    %max3A_3301 = arith.constant 0.000000e+00 : f32
    %max3A_3302 = vector.broadcast %max3A_3301 : f32 to vector<8x1664xf32>
    %max3A_3303 = arith.maximumf %sub3A_3300, %max3A_3302 : vector<8x1664xf32>
    %add3A_3304 = arith.addf %add3A_3285, %max3A_3303 : vector<8x1664xf32>
    %gt3A_3305 = vector.broadcast %select_n3A_3156 : f32 to vector<8x1664xf32>
    %gt3A_3306 = arith.cmpf ogt, %get3A_3298, %gt3A_3305 : vector<8x1664xf32>
    %jit3A_3307 = arith.constant 1.000000e+00 : f32
    %jit3A_3308 = arith.constant 0.000000e+00 : f32
    %broadcast_in_dim3A_3309 = vector.broadcast %jit3A_3307 : f32 to vector<8x1664xf32>
    %broadcast_in_dim3A_3310 = vector.broadcast %jit3A_3308 : f32 to vector<8x1664xf32>
    %select_n3A_3311 = arith.select %gt3A_3306, %broadcast_in_dim3A_3309, %broadcast_in_dim3A_3310 : vector<8x1664xi1>, vector<8x1664xf32>
    %add3A_3312 = arith.addf %add3A_3293, %select_n3A_3311 : vector<8x1664xf32>
    %slice3A_3313 = vector.extract_strided_slice %add3A_3304 {offsets = [0, 0], sizes = [8, 896], strides = [1, 1]} : vector<8x1664xf32> to vector<8x896xf32>
    %slice3A_3314 = vector.extract_strided_slice %add3A_3304 {offsets = [0, 896], sizes = [8, 768], strides = [1, 1]} : vector<8x1664xf32> to vector<8x768xf32>
    %broadcast_in_dim3A_3315 = arith.constant 0.000000e+00 : f32
    %broadcast_in_dim3A_3316 = vector.broadcast %broadcast_in_dim3A_3315 : f32 to vector<8x128xf32>
    %concatenate3A_3317 = tpu.concatenate %slice3A_3314, %broadcast_in_dim3A_3316 in 1 : vector<8x768xf32>, vector<8x128xf32> -> vector<8x896xf32>
    %add3A_3318 = arith.addf %slice3A_3313, %concatenate3A_3317 : vector<8x896xf32>
    %slice3A_3319 = vector.extract_strided_slice %add3A_3318 {offsets = [0, 0], sizes = [8, 512], strides = [1, 1]} : vector<8x896xf32> to vector<8x512xf32>
    %slice3A_3320 = vector.extract_strided_slice %add3A_3318 {offsets = [0, 512], sizes = [8, 384], strides = [1, 1]} : vector<8x896xf32> to vector<8x384xf32>
    %broadcast_in_dim3A_3321 = arith.constant 0.000000e+00 : f32
    %broadcast_in_dim3A_3322 = vector.broadcast %broadcast_in_dim3A_3321 : f32 to vector<8x128xf32>
    %concatenate3A_3323 = tpu.concatenate %slice3A_3320, %broadcast_in_dim3A_3322 in 1 : vector<8x384xf32>, vector<8x128xf32> -> vector<8x512xf32>
    %add3A_3324 = arith.addf %slice3A_3319, %concatenate3A_3323 : vector<8x512xf32>
    %slice3A_3325 = vector.extract_strided_slice %add3A_3324 {offsets = [0, 0], sizes = [8, 256], strides = [1, 1]} : vector<8x512xf32> to vector<8x256xf32>
    %slice3A_3326 = vector.extract_strided_slice %add3A_3324 {offsets = [0, 256], sizes = [8, 256], strides = [1, 1]} : vector<8x512xf32> to vector<8x256xf32>
    %add3A_3327 = arith.addf %slice3A_3325, %slice3A_3326 : vector<8x256xf32>
    %slice3A_3328 = vector.extract_strided_slice %add3A_3327 {offsets = [0, 0], sizes = [8, 128], strides = [1, 1]} : vector<8x256xf32> to vector<8x128xf32>
    %slice3A_3329 = vector.extract_strided_slice %add3A_3327 {offsets = [0, 128], sizes = [8, 128], strides = [1, 1]} : vector<8x256xf32> to vector<8x128xf32>
    %add3A_3330 = arith.addf %slice3A_3328, %slice3A_3329 : vector<8x128xf32>
    %reduce_sum3A_3331 = vector.shape_cast %add3A_3330 : vector<8x128xf32> to vector<1x8x128xf32>
    %reduce_sum3A_3332 = arith.constant dense<0.000000e+00> : vector<1xf32>
    %reduce_sum3A_3333 = vector.multi_reduction <add>, %reduce_sum3A_3331, %reduce_sum3A_3332 [1, 2] : vector<1x8x128xf32> to vector<1xf32>
    %reduce_sum3A_3334 = vector.shape_cast %reduce_sum3A_3333 : vector<1xf32> to vector<1x1x1xf32>
    %reduce_sum3A_3335 = vector.extract %reduce_sum3A_3334[0, 0, 0] : f32 from vector<1x1x1xf32>
    %slice3A_3336 = vector.extract_strided_slice %add3A_3312 {offsets = [0, 0], sizes = [8, 896], strides = [1, 1]} : vector<8x1664xf32> to vector<8x896xf32>
    %slice3A_3337 = vector.extract_strided_slice %add3A_3312 {offsets = [0, 896], sizes = [8, 768], strides = [1, 1]} : vector<8x1664xf32> to vector<8x768xf32>
    %broadcast_in_dim3A_3338 = arith.constant 0.000000e+00 : f32
    %broadcast_in_dim3A_3339 = vector.broadcast %broadcast_in_dim3A_3338 : f32 to vector<8x128xf32>
    %concatenate3A_3340 = tpu.concatenate %slice3A_3337, %broadcast_in_dim3A_3339 in 1 : vector<8x768xf32>, vector<8x128xf32> -> vector<8x896xf32>
    %add3A_3341 = arith.addf %slice3A_3336, %concatenate3A_3340 : vector<8x896xf32>
    %slice3A_3342 = vector.extract_strided_slice %add3A_3341 {offsets = [0, 0], sizes = [8, 512], strides = [1, 1]} : vector<8x896xf32> to vector<8x512xf32>
    %slice3A_3343 = vector.extract_strided_slice %add3A_3341 {offsets = [0, 512], sizes = [8, 384], strides = [1, 1]} : vector<8x896xf32> to vector<8x384xf32>
    %broadcast_in_dim3A_3344 = arith.constant 0.000000e+00 : f32
    %broadcast_in_dim3A_3345 = vector.broadcast %broadcast_in_dim3A_3344 : f32 to vector<8x128xf32>
    %concatenate3A_3346 = tpu.concatenate %slice3A_3343, %broadcast_in_dim3A_3345 in 1 : vector<8x384xf32>, vector<8x128xf32> -> vector<8x512xf32>
    %add3A_3347 = arith.addf %slice3A_3342, %concatenate3A_3346 : vector<8x512xf32>
    %slice3A_3348 = vector.extract_strided_slice %add3A_3347 {offsets = [0, 0], sizes = [8, 256], strides = [1, 1]} : vector<8x512xf32> to vector<8x256xf32>
    %slice3A_3349 = vector.extract_strided_slice %add3A_3347 {offsets = [0, 256], sizes = [8, 256], strides = [1, 1]} : vector<8x512xf32> to vector<8x256xf32>
    %add3A_3350 = arith.addf %slice3A_3348, %slice3A_3349 : vector<8x256xf32>
    %slice3A_3351 = vector.extract_strided_slice %add3A_3350 {offsets = [0, 0], sizes = [8, 128], strides = [1, 1]} : vector<8x256xf32> to vector<8x128xf32>
    %slice3A_3352 = vector.extract_strided_slice %add3A_3350 {offsets = [0, 128], sizes = [8, 128], strides = [1, 1]} : vector<8x256xf32> to vector<8x128xf32>
    %add3A_3353 = arith.addf %slice3A_3351, %slice3A_3352 : vector<8x128xf32>
    %reduce_sum3A_3354 = vector.shape_cast %add3A_3353 : vector<8x128xf32> to vector<1x8x128xf32>
    %reduce_sum3A_3355 = arith.constant dense<0.000000e+00> : vector<1xf32>
    %reduce_sum3A_3356 = vector.multi_reduction <add>, %reduce_sum3A_3354, %reduce_sum3A_3355 [1, 2] : vector<1x8x128xf32> to vector<1xf32>
    %reduce_sum3A_3357 = vector.shape_cast %reduce_sum3A_3356 : vector<1xf32> to vector<1x1x1xf32>
    %reduce_sum3A_3358 = vector.extract %reduce_sum3A_3357[0, 0, 0] : f32 from vector<1x1x1xf32>
    %gt3A_3359 = arith.constant 0.000000e+00 : f32
    %gt3A_3360 = arith.cmpf ogt, %reduce_sum3A_3358, %gt3A_3359 : f32
    %sub3A_3361 = arith.constant 1.000000e+00 : f32
    %sub3A_3362 = arith.subf %reduce_sum3A_3335, %sub3A_3361 : f32
    %div3A_3363 = arith.divf %sub3A_3362, %reduce_sum3A_3358 : f32
    %add3A_3364 = arith.addf %select_n3A_3156, %div3A_3363 : f32
    %select_n3A_3365 = arith.select %gt3A_3360, %add3A_3364, %select_n3A_3156 : f32
    %broadcast_in_dim3A_3366 = arith.constant 0.000000e+00 : f32
    %broadcast_in_dim3A_3367 = vector.broadcast %broadcast_in_dim3A_3366 : f32 to vector<8x1664xf32>
    %broadcast_in_dim3A_3368 = arith.constant 0.000000e+00 : f32
    %broadcast_in_dim3A_3369 = vector.broadcast %broadcast_in_dim3A_3368 : f32 to vector<8x1664xf32>
    %get3A_3370 = arith.constant 1 : index
    %get3A_3371 = arith.constant 0 : index
    %get3A_3372 = arith.constant 0 : index
    %get3A_3373 = vector.load %arg5[%get3A_3370, %get3A_3371, %get3A_3372] : memref<2x8x13312xf32, #tpu.memory_space<vmem>>, vector<1x8x1664xf32>
    %get3A_3374 = vector.shape_cast %get3A_3373 : vector<1x8x1664xf32> to vector<8x1664xf32>
    %sub3A_3375 = vector.broadcast %select_n3A_3365 : f32 to vector<8x1664xf32>
    %sub3A_3376 = arith.subf %get3A_3374, %sub3A_3375 : vector<8x1664xf32>
    %max3A_3377 = arith.constant 0.000000e+00 : f32
    %max3A_3378 = vector.broadcast %max3A_3377 : f32 to vector<8x1664xf32>
    %max3A_3379 = arith.maximumf %sub3A_3376, %max3A_3378 : vector<8x1664xf32>
    %add3A_3380 = arith.addf %broadcast_in_dim3A_3367, %max3A_3379 : vector<8x1664xf32>
    %gt3A_3381 = vector.broadcast %select_n3A_3365 : f32 to vector<8x1664xf32>
    %gt3A_3382 = arith.cmpf ogt, %get3A_3374, %gt3A_3381 : vector<8x1664xf32>
    %jit3A_3383 = arith.constant 1.000000e+00 : f32
    %jit3A_3384 = arith.constant 0.000000e+00 : f32
    %broadcast_in_dim3A_3385 = vector.broadcast %jit3A_3383 : f32 to vector<8x1664xf32>
    %broadcast_in_dim3A_3386 = vector.broadcast %jit3A_3384 : f32 to vector<8x1664xf32>
    %select_n3A_3387 = arith.select %gt3A_3382, %broadcast_in_dim3A_3385, %broadcast_in_dim3A_3386 : vector<8x1664xi1>, vector<8x1664xf32>
    %add3A_3388 = arith.addf %broadcast_in_dim3A_3369, %select_n3A_3387 : vector<8x1664xf32>
    %get3A_3389 = arith.constant 1 : index
    %get3A_3390 = arith.constant 0 : index
    %get3A_3391 = arith.constant 1664 : index
    %get3A_3392 = vector.load %arg5[%get3A_3389, %get3A_3390, %get3A_3391] : memref<2x8x13312xf32, #tpu.memory_space<vmem>>, vector<1x8x1664xf32>
    %get3A_3393 = vector.shape_cast %get3A_3392 : vector<1x8x1664xf32> to vector<8x1664xf32>
    %sub3A_3394 = vector.broadcast %select_n3A_3365 : f32 to vector<8x1664xf32>
    %sub3A_3395 = arith.subf %get3A_3393, %sub3A_3394 : vector<8x1664xf32>
    %max3A_3396 = arith.constant 0.000000e+00 : f32
    %max3A_3397 = vector.broadcast %max3A_3396 : f32 to vector<8x1664xf32>
    %max3A_3398 = arith.maximumf %sub3A_3395, %max3A_3397 : vector<8x1664xf32>
    %add3A_3399 = arith.addf %add3A_3380, %max3A_3398 : vector<8x1664xf32>
    %gt3A_3400 = vector.broadcast %select_n3A_3365 : f32 to vector<8x1664xf32>
    %gt3A_3401 = arith.cmpf ogt, %get3A_3393, %gt3A_3400 : vector<8x1664xf32>
    %jit3A_3402 = arith.constant 1.000000e+00 : f32
    %jit3A_3403 = arith.constant 0.000000e+00 : f32
    %broadcast_in_dim3A_3404 = vector.broadcast %jit3A_3402 : f32 to vector<8x1664xf32>
    %broadcast_in_dim3A_3405 = vector.broadcast %jit3A_3403 : f32 to vector<8x1664xf32>
    %select_n3A_3406 = arith.select %gt3A_3401, %broadcast_in_dim3A_3404, %broadcast_in_dim3A_3405 : vector<8x1664xi1>, vector<8x1664xf32>
    %add3A_3407 = arith.addf %add3A_3388, %select_n3A_3406 : vector<8x1664xf32>
    %get3A_3408 = arith.constant 1 : index
    %get3A_3409 = arith.constant 0 : index
    %get3A_3410 = arith.constant 3328 : index
    %get3A_3411 = vector.load %arg5[%get3A_3408, %get3A_3409, %get3A_3410] : memref<2x8x13312xf32, #tpu.memory_space<vmem>>, vector<1x8x1664xf32>
    %get3A_3412 = vector.shape_cast %get3A_3411 : vector<1x8x1664xf32> to vector<8x1664xf32>
    %sub3A_3413 = vector.broadcast %select_n3A_3365 : f32 to vector<8x1664xf32>
    %sub3A_3414 = arith.subf %get3A_3412, %sub3A_3413 : vector<8x1664xf32>
    %max3A_3415 = arith.constant 0.000000e+00 : f32
    %max3A_3416 = vector.broadcast %max3A_3415 : f32 to vector<8x1664xf32>
    %max3A_3417 = arith.maximumf %sub3A_3414, %max3A_3416 : vector<8x1664xf32>
    %add3A_3418 = arith.addf %add3A_3399, %max3A_3417 : vector<8x1664xf32>
    %gt3A_3419 = vector.broadcast %select_n3A_3365 : f32 to vector<8x1664xf32>
    %gt3A_3420 = arith.cmpf ogt, %get3A_3412, %gt3A_3419 : vector<8x1664xf32>
    %jit3A_3421 = arith.constant 1.000000e+00 : f32
    %jit3A_3422 = arith.constant 0.000000e+00 : f32
    %broadcast_in_dim3A_3423 = vector.broadcast %jit3A_3421 : f32 to vector<8x1664xf32>
    %broadcast_in_dim3A_3424 = vector.broadcast %jit3A_3422 : f32 to vector<8x1664xf32>
    %select_n3A_3425 = arith.select %gt3A_3420, %broadcast_in_dim3A_3423, %broadcast_in_dim3A_3424 : vector<8x1664xi1>, vector<8x1664xf32>
    %add3A_3426 = arith.addf %add3A_3407, %select_n3A_3425 : vector<8x1664xf32>
    %get3A_3427 = arith.constant 1 : index
    %get3A_3428 = arith.constant 0 : index
    %get3A_3429 = arith.constant 4992 : index
    %get3A_3430 = vector.load %arg5[%get3A_3427, %get3A_3428, %get3A_3429] : memref<2x8x13312xf32, #tpu.memory_space<vmem>>, vector<1x8x1664xf32>
    %get3A_3431 = vector.shape_cast %get3A_3430 : vector<1x8x1664xf32> to vector<8x1664xf32>
    %sub3A_3432 = vector.broadcast %select_n3A_3365 : f32 to vector<8x1664xf32>
    %sub3A_3433 = arith.subf %get3A_3431, %sub3A_3432 : vector<8x1664xf32>
    %max3A_3434 = arith.constant 0.000000e+00 : f32
    %max3A_3435 = vector.broadcast %max3A_3434 : f32 to vector<8x1664xf32>
    %max3A_3436 = arith.maximumf %sub3A_3433, %max3A_3435 : vector<8x1664xf32>
    %add3A_3437 = arith.addf %add3A_3418, %max3A_3436 : vector<8x1664xf32>
    %gt3A_3438 = vector.broadcast %select_n3A_3365 : f32 to vector<8x1664xf32>
    %gt3A_3439 = arith.cmpf ogt, %get3A_3431, %gt3A_3438 : vector<8x1664xf32>
    %jit3A_3440 = arith.constant 1.000000e+00 : f32
    %jit3A_3441 = arith.constant 0.000000e+00 : f32
    %broadcast_in_dim3A_3442 = vector.broadcast %jit3A_3440 : f32 to vector<8x1664xf32>
    %broadcast_in_dim3A_3443 = vector.broadcast %jit3A_3441 : f32 to vector<8x1664xf32>
    %select_n3A_3444 = arith.select %gt3A_3439, %broadcast_in_dim3A_3442, %broadcast_in_dim3A_3443 : vector<8x1664xi1>, vector<8x1664xf32>
    %add3A_3445 = arith.addf %add3A_3426, %select_n3A_3444 : vector<8x1664xf32>
    %get3A_3446 = arith.constant 1 : index
    %get3A_3447 = arith.constant 0 : index
    %get3A_3448 = arith.constant 6656 : index
    %get3A_3449 = vector.load %arg5[%get3A_3446, %get3A_3447, %get3A_3448] : memref<2x8x13312xf32, #tpu.memory_space<vmem>>, vector<1x8x1664xf32>
    %get3A_3450 = vector.shape_cast %get3A_3449 : vector<1x8x1664xf32> to vector<8x1664xf32>
    %sub3A_3451 = vector.broadcast %select_n3A_3365 : f32 to vector<8x1664xf32>
    %sub3A_3452 = arith.subf %get3A_3450, %sub3A_3451 : vector<8x1664xf32>
    %max3A_3453 = arith.constant 0.000000e+00 : f32
    %max3A_3454 = vector.broadcast %max3A_3453 : f32 to vector<8x1664xf32>
    %max3A_3455 = arith.maximumf %sub3A_3452, %max3A_3454 : vector<8x1664xf32>
    %add3A_3456 = arith.addf %add3A_3437, %max3A_3455 : vector<8x1664xf32>
    %gt3A_3457 = vector.broadcast %select_n3A_3365 : f32 to vector<8x1664xf32>
    %gt3A_3458 = arith.cmpf ogt, %get3A_3450, %gt3A_3457 : vector<8x1664xf32>
    %jit3A_3459 = arith.constant 1.000000e+00 : f32
    %jit3A_3460 = arith.constant 0.000000e+00 : f32
    %broadcast_in_dim3A_3461 = vector.broadcast %jit3A_3459 : f32 to vector<8x1664xf32>
    %broadcast_in_dim3A_3462 = vector.broadcast %jit3A_3460 : f32 to vector<8x1664xf32>
    %select_n3A_3463 = arith.select %gt3A_3458, %broadcast_in_dim3A_3461, %broadcast_in_dim3A_3462 : vector<8x1664xi1>, vector<8x1664xf32>
    %add3A_3464 = arith.addf %add3A_3445, %select_n3A_3463 : vector<8x1664xf32>
    %get3A_3465 = arith.constant 1 : index
    %get3A_3466 = arith.constant 0 : index
    %get3A_3467 = arith.constant 8320 : index
    %get3A_3468 = vector.load %arg5[%get3A_3465, %get3A_3466, %get3A_3467] : memref<2x8x13312xf32, #tpu.memory_space<vmem>>, vector<1x8x1664xf32>
    %get3A_3469 = vector.shape_cast %get3A_3468 : vector<1x8x1664xf32> to vector<8x1664xf32>
    %sub3A_3470 = vector.broadcast %select_n3A_3365 : f32 to vector<8x1664xf32>
    %sub3A_3471 = arith.subf %get3A_3469, %sub3A_3470 : vector<8x1664xf32>
    %max3A_3472 = arith.constant 0.000000e+00 : f32
    %max3A_3473 = vector.broadcast %max3A_3472 : f32 to vector<8x1664xf32>
    %max3A_3474 = arith.maximumf %sub3A_3471, %max3A_3473 : vector<8x1664xf32>
    %add3A_3475 = arith.addf %add3A_3456, %max3A_3474 : vector<8x1664xf32>
    %gt3A_3476 = vector.broadcast %select_n3A_3365 : f32 to vector<8x1664xf32>
    %gt3A_3477 = arith.cmpf ogt, %get3A_3469, %gt3A_3476 : vector<8x1664xf32>
    %jit3A_3478 = arith.constant 1.000000e+00 : f32
    %jit3A_3479 = arith.constant 0.000000e+00 : f32
    %broadcast_in_dim3A_3480 = vector.broadcast %jit3A_3478 : f32 to vector<8x1664xf32>
    %broadcast_in_dim3A_3481 = vector.broadcast %jit3A_3479 : f32 to vector<8x1664xf32>
    %select_n3A_3482 = arith.select %gt3A_3477, %broadcast_in_dim3A_3480, %broadcast_in_dim3A_3481 : vector<8x1664xi1>, vector<8x1664xf32>
    %add3A_3483 = arith.addf %add3A_3464, %select_n3A_3482 : vector<8x1664xf32>
    %get3A_3484 = arith.constant 1 : index
    %get3A_3485 = arith.constant 0 : index
    %get3A_3486 = arith.constant 9984 : index
    %get3A_3487 = vector.load %arg5[%get3A_3484, %get3A_3485, %get3A_3486] : memref<2x8x13312xf32, #tpu.memory_space<vmem>>, vector<1x8x1664xf32>
    %get3A_3488 = vector.shape_cast %get3A_3487 : vector<1x8x1664xf32> to vector<8x1664xf32>
    %sub3A_3489 = vector.broadcast %select_n3A_3365 : f32 to vector<8x1664xf32>
    %sub3A_3490 = arith.subf %get3A_3488, %sub3A_3489 : vector<8x1664xf32>
    %max3A_3491 = arith.constant 0.000000e+00 : f32
    %max3A_3492 = vector.broadcast %max3A_3491 : f32 to vector<8x1664xf32>
    %max3A_3493 = arith.maximumf %sub3A_3490, %max3A_3492 : vector<8x1664xf32>
    %add3A_3494 = arith.addf %add3A_3475, %max3A_3493 : vector<8x1664xf32>
    %gt3A_3495 = vector.broadcast %select_n3A_3365 : f32 to vector<8x1664xf32>
    %gt3A_3496 = arith.cmpf ogt, %get3A_3488, %gt3A_3495 : vector<8x1664xf32>
    %jit3A_3497 = arith.constant 1.000000e+00 : f32
    %jit3A_3498 = arith.constant 0.000000e+00 : f32
    %broadcast_in_dim3A_3499 = vector.broadcast %jit3A_3497 : f32 to vector<8x1664xf32>
    %broadcast_in_dim3A_3500 = vector.broadcast %jit3A_3498 : f32 to vector<8x1664xf32>
    %select_n3A_3501 = arith.select %gt3A_3496, %broadcast_in_dim3A_3499, %broadcast_in_dim3A_3500 : vector<8x1664xi1>, vector<8x1664xf32>
    %add3A_3502 = arith.addf %add3A_3483, %select_n3A_3501 : vector<8x1664xf32>
    %get3A_3503 = arith.constant 1 : index
    %get3A_3504 = arith.constant 0 : index
    %get3A_3505 = arith.constant 11648 : index
    %get3A_3506 = vector.load %arg5[%get3A_3503, %get3A_3504, %get3A_3505] : memref<2x8x13312xf32, #tpu.memory_space<vmem>>, vector<1x8x1664xf32>
    %get3A_3507 = vector.shape_cast %get3A_3506 : vector<1x8x1664xf32> to vector<8x1664xf32>
    %sub3A_3508 = vector.broadcast %select_n3A_3365 : f32 to vector<8x1664xf32>
    %sub3A_3509 = arith.subf %get3A_3507, %sub3A_3508 : vector<8x1664xf32>
    %max3A_3510 = arith.constant 0.000000e+00 : f32
    %max3A_3511 = vector.broadcast %max3A_3510 : f32 to vector<8x1664xf32>
    %max3A_3512 = arith.maximumf %sub3A_3509, %max3A_3511 : vector<8x1664xf32>
    %add3A_3513 = arith.addf %add3A_3494, %max3A_3512 : vector<8x1664xf32>
    %gt3A_3514 = vector.broadcast %select_n3A_3365 : f32 to vector<8x1664xf32>
    %gt3A_3515 = arith.cmpf ogt, %get3A_3507, %gt3A_3514 : vector<8x1664xf32>
    %jit3A_3516 = arith.constant 1.000000e+00 : f32
    %jit3A_3517 = arith.constant 0.000000e+00 : f32
    %broadcast_in_dim3A_3518 = vector.broadcast %jit3A_3516 : f32 to vector<8x1664xf32>
    %broadcast_in_dim3A_3519 = vector.broadcast %jit3A_3517 : f32 to vector<8x1664xf32>
    %select_n3A_3520 = arith.select %gt3A_3515, %broadcast_in_dim3A_3518, %broadcast_in_dim3A_3519 : vector<8x1664xi1>, vector<8x1664xf32>
    %add3A_3521 = arith.addf %add3A_3502, %select_n3A_3520 : vector<8x1664xf32>
    %slice3A_3522 = vector.extract_strided_slice %add3A_3513 {offsets = [0, 0], sizes = [8, 896], strides = [1, 1]} : vector<8x1664xf32> to vector<8x896xf32>
    %slice3A_3523 = vector.extract_strided_slice %add3A_3513 {offsets = [0, 896], sizes = [8, 768], strides = [1, 1]} : vector<8x1664xf32> to vector<8x768xf32>
    %broadcast_in_dim3A_3524 = arith.constant 0.000000e+00 : f32
    %broadcast_in_dim3A_3525 = vector.broadcast %broadcast_in_dim3A_3524 : f32 to vector<8x128xf32>
    %concatenate3A_3526 = tpu.concatenate %slice3A_3523, %broadcast_in_dim3A_3525 in 1 : vector<8x768xf32>, vector<8x128xf32> -> vector<8x896xf32>
    %add3A_3527 = arith.addf %slice3A_3522, %concatenate3A_3526 : vector<8x896xf32>
    %slice3A_3528 = vector.extract_strided_slice %add3A_3527 {offsets = [0, 0], sizes = [8, 512], strides = [1, 1]} : vector<8x896xf32> to vector<8x512xf32>
    %slice3A_3529 = vector.extract_strided_slice %add3A_3527 {offsets = [0, 512], sizes = [8, 384], strides = [1, 1]} : vector<8x896xf32> to vector<8x384xf32>
    %broadcast_in_dim3A_3530 = arith.constant 0.000000e+00 : f32
    %broadcast_in_dim3A_3531 = vector.broadcast %broadcast_in_dim3A_3530 : f32 to vector<8x128xf32>
    %concatenate3A_3532 = tpu.concatenate %slice3A_3529, %broadcast_in_dim3A_3531 in 1 : vector<8x384xf32>, vector<8x128xf32> -> vector<8x512xf32>
    %add3A_3533 = arith.addf %slice3A_3528, %concatenate3A_3532 : vector<8x512xf32>
    %slice3A_3534 = vector.extract_strided_slice %add3A_3533 {offsets = [0, 0], sizes = [8, 256], strides = [1, 1]} : vector<8x512xf32> to vector<8x256xf32>
    %slice3A_3535 = vector.extract_strided_slice %add3A_3533 {offsets = [0, 256], sizes = [8, 256], strides = [1, 1]} : vector<8x512xf32> to vector<8x256xf32>
    %add3A_3536 = arith.addf %slice3A_3534, %slice3A_3535 : vector<8x256xf32>
    %slice3A_3537 = vector.extract_strided_slice %add3A_3536 {offsets = [0, 0], sizes = [8, 128], strides = [1, 1]} : vector<8x256xf32> to vector<8x128xf32>
    %slice3A_3538 = vector.extract_strided_slice %add3A_3536 {offsets = [0, 128], sizes = [8, 128], strides = [1, 1]} : vector<8x256xf32> to vector<8x128xf32>
    %add3A_3539 = arith.addf %slice3A_3537, %slice3A_3538 : vector<8x128xf32>
    %reduce_sum3A_3540 = vector.shape_cast %add3A_3539 : vector<8x128xf32> to vector<1x8x128xf32>
    %reduce_sum3A_3541 = arith.constant dense<0.000000e+00> : vector<1xf32>
    %reduce_sum3A_3542 = vector.multi_reduction <add>, %reduce_sum3A_3540, %reduce_sum3A_3541 [1, 2] : vector<1x8x128xf32> to vector<1xf32>
    %reduce_sum3A_3543 = vector.shape_cast %reduce_sum3A_3542 : vector<1xf32> to vector<1x1x1xf32>
    %reduce_sum3A_3544 = vector.extract %reduce_sum3A_3543[0, 0, 0] : f32 from vector<1x1x1xf32>
    %slice3A_3545 = vector.extract_strided_slice %add3A_3521 {offsets = [0, 0], sizes = [8, 896], strides = [1, 1]} : vector<8x1664xf32> to vector<8x896xf32>
    %slice3A_3546 = vector.extract_strided_slice %add3A_3521 {offsets = [0, 896], sizes = [8, 768], strides = [1, 1]} : vector<8x1664xf32> to vector<8x768xf32>
    %broadcast_in_dim3A_3547 = arith.constant 0.000000e+00 : f32
    %broadcast_in_dim3A_3548 = vector.broadcast %broadcast_in_dim3A_3547 : f32 to vector<8x128xf32>
    %concatenate3A_3549 = tpu.concatenate %slice3A_3546, %broadcast_in_dim3A_3548 in 1 : vector<8x768xf32>, vector<8x128xf32> -> vector<8x896xf32>
    %add3A_3550 = arith.addf %slice3A_3545, %concatenate3A_3549 : vector<8x896xf32>
    %slice3A_3551 = vector.extract_strided_slice %add3A_3550 {offsets = [0, 0], sizes = [8, 512], strides = [1, 1]} : vector<8x896xf32> to vector<8x512xf32>
    %slice3A_3552 = vector.extract_strided_slice %add3A_3550 {offsets = [0, 512], sizes = [8, 384], strides = [1, 1]} : vector<8x896xf32> to vector<8x384xf32>
    %broadcast_in_dim3A_3553 = arith.constant 0.000000e+00 : f32
    %broadcast_in_dim3A_3554 = vector.broadcast %broadcast_in_dim3A_3553 : f32 to vector<8x128xf32>
    %concatenate3A_3555 = tpu.concatenate %slice3A_3552, %broadcast_in_dim3A_3554 in 1 : vector<8x384xf32>, vector<8x128xf32> -> vector<8x512xf32>
    %add3A_3556 = arith.addf %slice3A_3551, %concatenate3A_3555 : vector<8x512xf32>
    %slice3A_3557 = vector.extract_strided_slice %add3A_3556 {offsets = [0, 0], sizes = [8, 256], strides = [1, 1]} : vector<8x512xf32> to vector<8x256xf32>
    %slice3A_3558 = vector.extract_strided_slice %add3A_3556 {offsets = [0, 256], sizes = [8, 256], strides = [1, 1]} : vector<8x512xf32> to vector<8x256xf32>
    %add3A_3559 = arith.addf %slice3A_3557, %slice3A_3558 : vector<8x256xf32>
    %slice3A_3560 = vector.extract_strided_slice %add3A_3559 {offsets = [0, 0], sizes = [8, 128], strides = [1, 1]} : vector<8x256xf32> to vector<8x128xf32>
    %slice3A_3561 = vector.extract_strided_slice %add3A_3559 {offsets = [0, 128], sizes = [8, 128], strides = [1, 1]} : vector<8x256xf32> to vector<8x128xf32>
    %add3A_3562 = arith.addf %slice3A_3560, %slice3A_3561 : vector<8x128xf32>
    %reduce_sum3A_3563 = vector.shape_cast %add3A_3562 : vector<8x128xf32> to vector<1x8x128xf32>
    %reduce_sum3A_3564 = arith.constant dense<0.000000e+00> : vector<1xf32>
    %reduce_sum3A_3565 = vector.multi_reduction <add>, %reduce_sum3A_3563, %reduce_sum3A_3564 [1, 2] : vector<1x8x128xf32> to vector<1xf32>
    %reduce_sum3A_3566 = vector.shape_cast %reduce_sum3A_3565 : vector<1xf32> to vector<1x1x1xf32>
    %reduce_sum3A_3567 = vector.extract %reduce_sum3A_3566[0, 0, 0] : f32 from vector<1x1x1xf32>
    %gt3A_3568 = arith.constant 0.000000e+00 : f32
    %gt3A_3569 = arith.cmpf ogt, %reduce_sum3A_3567, %gt3A_3568 : f32
    %sub3A_3570 = arith.constant 1.000000e+00 : f32
    %sub3A_3571 = arith.subf %reduce_sum3A_3544, %sub3A_3570 : f32
    %div3A_3572 = arith.divf %sub3A_3571, %reduce_sum3A_3567 : f32
    %add3A_3573 = arith.addf %select_n3A_3365, %div3A_3572 : f32
    %select_n3A_3574 = arith.select %gt3A_3569, %add3A_3573, %select_n3A_3365 : f32
    %broadcast_in_dim3A_3575 = arith.constant 0.000000e+00 : f32
    %broadcast_in_dim3A_3576 = vector.broadcast %broadcast_in_dim3A_3575 : f32 to vector<8x1664xf32>
    %broadcast_in_dim3A_3577 = arith.constant 0.000000e+00 : f32
    %broadcast_in_dim3A_3578 = vector.broadcast %broadcast_in_dim3A_3577 : f32 to vector<8x1664xf32>
    %get3A_3579 = arith.constant 1 : index
    %get3A_3580 = arith.constant 0 : index
    %get3A_3581 = arith.constant 0 : index
    %get3A_3582 = vector.load %arg5[%get3A_3579, %get3A_3580, %get3A_3581] : memref<2x8x13312xf32, #tpu.memory_space<vmem>>, vector<1x8x1664xf32>
    %get3A_3583 = vector.shape_cast %get3A_3582 : vector<1x8x1664xf32> to vector<8x1664xf32>
    %sub3A_3584 = vector.broadcast %select_n3A_3574 : f32 to vector<8x1664xf32>
    %sub3A_3585 = arith.subf %get3A_3583, %sub3A_3584 : vector<8x1664xf32>
    %max3A_3586 = arith.constant 0.000000e+00 : f32
    %max3A_3587 = vector.broadcast %max3A_3586 : f32 to vector<8x1664xf32>
    %max3A_3588 = arith.maximumf %sub3A_3585, %max3A_3587 : vector<8x1664xf32>
    %add3A_3589 = arith.addf %broadcast_in_dim3A_3576, %max3A_3588 : vector<8x1664xf32>
    %gt3A_3590 = vector.broadcast %select_n3A_3574 : f32 to vector<8x1664xf32>
    %gt3A_3591 = arith.cmpf ogt, %get3A_3583, %gt3A_3590 : vector<8x1664xf32>
    %jit3A_3592 = arith.constant 1.000000e+00 : f32
    %jit3A_3593 = arith.constant 0.000000e+00 : f32
    %broadcast_in_dim3A_3594 = vector.broadcast %jit3A_3592 : f32 to vector<8x1664xf32>
    %broadcast_in_dim3A_3595 = vector.broadcast %jit3A_3593 : f32 to vector<8x1664xf32>
    %select_n3A_3596 = arith.select %gt3A_3591, %broadcast_in_dim3A_3594, %broadcast_in_dim3A_3595 : vector<8x1664xi1>, vector<8x1664xf32>
    %add3A_3597 = arith.addf %broadcast_in_dim3A_3578, %select_n3A_3596 : vector<8x1664xf32>
    %get3A_3598 = arith.constant 1 : index
    %get3A_3599 = arith.constant 0 : index
    %get3A_3600 = arith.constant 1664 : index
    %get3A_3601 = vector.load %arg5[%get3A_3598, %get3A_3599, %get3A_3600] : memref<2x8x13312xf32, #tpu.memory_space<vmem>>, vector<1x8x1664xf32>
    %get3A_3602 = vector.shape_cast %get3A_3601 : vector<1x8x1664xf32> to vector<8x1664xf32>
    %sub3A_3603 = vector.broadcast %select_n3A_3574 : f32 to vector<8x1664xf32>
    %sub3A_3604 = arith.subf %get3A_3602, %sub3A_3603 : vector<8x1664xf32>
    %max3A_3605 = arith.constant 0.000000e+00 : f32
    %max3A_3606 = vector.broadcast %max3A_3605 : f32 to vector<8x1664xf32>
    %max3A_3607 = arith.maximumf %sub3A_3604, %max3A_3606 : vector<8x1664xf32>
    %add3A_3608 = arith.addf %add3A_3589, %max3A_3607 : vector<8x1664xf32>
    %gt3A_3609 = vector.broadcast %select_n3A_3574 : f32 to vector<8x1664xf32>
    %gt3A_3610 = arith.cmpf ogt, %get3A_3602, %gt3A_3609 : vector<8x1664xf32>
    %jit3A_3611 = arith.constant 1.000000e+00 : f32
    %jit3A_3612 = arith.constant 0.000000e+00 : f32
    %broadcast_in_dim3A_3613 = vector.broadcast %jit3A_3611 : f32 to vector<8x1664xf32>
    %broadcast_in_dim3A_3614 = vector.broadcast %jit3A_3612 : f32 to vector<8x1664xf32>
    %select_n3A_3615 = arith.select %gt3A_3610, %broadcast_in_dim3A_3613, %broadcast_in_dim3A_3614 : vector<8x1664xi1>, vector<8x1664xf32>
    %add3A_3616 = arith.addf %add3A_3597, %select_n3A_3615 : vector<8x1664xf32>
    %get3A_3617 = arith.constant 1 : index
    %get3A_3618 = arith.constant 0 : index
    %get3A_3619 = arith.constant 3328 : index
    %get3A_3620 = vector.load %arg5[%get3A_3617, %get3A_3618, %get3A_3619] : memref<2x8x13312xf32, #tpu.memory_space<vmem>>, vector<1x8x1664xf32>
    %get3A_3621 = vector.shape_cast %get3A_3620 : vector<1x8x1664xf32> to vector<8x1664xf32>
    %sub3A_3622 = vector.broadcast %select_n3A_3574 : f32 to vector<8x1664xf32>
    %sub3A_3623 = arith.subf %get3A_3621, %sub3A_3622 : vector<8x1664xf32>
    %max3A_3624 = arith.constant 0.000000e+00 : f32
    %max3A_3625 = vector.broadcast %max3A_3624 : f32 to vector<8x1664xf32>
    %max3A_3626 = arith.maximumf %sub3A_3623, %max3A_3625 : vector<8x1664xf32>
    %add3A_3627 = arith.addf %add3A_3608, %max3A_3626 : vector<8x1664xf32>
    %gt3A_3628 = vector.broadcast %select_n3A_3574 : f32 to vector<8x1664xf32>
    %gt3A_3629 = arith.cmpf ogt, %get3A_3621, %gt3A_3628 : vector<8x1664xf32>
    %jit3A_3630 = arith.constant 1.000000e+00 : f32
    %jit3A_3631 = arith.constant 0.000000e+00 : f32
    %broadcast_in_dim3A_3632 = vector.broadcast %jit3A_3630 : f32 to vector<8x1664xf32>
    %broadcast_in_dim3A_3633 = vector.broadcast %jit3A_3631 : f32 to vector<8x1664xf32>
    %select_n3A_3634 = arith.select %gt3A_3629, %broadcast_in_dim3A_3632, %broadcast_in_dim3A_3633 : vector<8x1664xi1>, vector<8x1664xf32>
    %add3A_3635 = arith.addf %add3A_3616, %select_n3A_3634 : vector<8x1664xf32>
    %get3A_3636 = arith.constant 1 : index
    %get3A_3637 = arith.constant 0 : index
    %get3A_3638 = arith.constant 4992 : index
    %get3A_3639 = vector.load %arg5[%get3A_3636, %get3A_3637, %get3A_3638] : memref<2x8x13312xf32, #tpu.memory_space<vmem>>, vector<1x8x1664xf32>
    %get3A_3640 = vector.shape_cast %get3A_3639 : vector<1x8x1664xf32> to vector<8x1664xf32>
    %sub3A_3641 = vector.broadcast %select_n3A_3574 : f32 to vector<8x1664xf32>
    %sub3A_3642 = arith.subf %get3A_3640, %sub3A_3641 : vector<8x1664xf32>
    %max3A_3643 = arith.constant 0.000000e+00 : f32
    %max3A_3644 = vector.broadcast %max3A_3643 : f32 to vector<8x1664xf32>
    %max3A_3645 = arith.maximumf %sub3A_3642, %max3A_3644 : vector<8x1664xf32>
    %add3A_3646 = arith.addf %add3A_3627, %max3A_3645 : vector<8x1664xf32>
    %gt3A_3647 = vector.broadcast %select_n3A_3574 : f32 to vector<8x1664xf32>
    %gt3A_3648 = arith.cmpf ogt, %get3A_3640, %gt3A_3647 : vector<8x1664xf32>
    %jit3A_3649 = arith.constant 1.000000e+00 : f32
    %jit3A_3650 = arith.constant 0.000000e+00 : f32
    %broadcast_in_dim3A_3651 = vector.broadcast %jit3A_3649 : f32 to vector<8x1664xf32>
    %broadcast_in_dim3A_3652 = vector.broadcast %jit3A_3650 : f32 to vector<8x1664xf32>
    %select_n3A_3653 = arith.select %gt3A_3648, %broadcast_in_dim3A_3651, %broadcast_in_dim3A_3652 : vector<8x1664xi1>, vector<8x1664xf32>
    %add3A_3654 = arith.addf %add3A_3635, %select_n3A_3653 : vector<8x1664xf32>
    %get3A_3655 = arith.constant 1 : index
    %get3A_3656 = arith.constant 0 : index
    %get3A_3657 = arith.constant 6656 : index
    %get3A_3658 = vector.load %arg5[%get3A_3655, %get3A_3656, %get3A_3657] : memref<2x8x13312xf32, #tpu.memory_space<vmem>>, vector<1x8x1664xf32>
    %get3A_3659 = vector.shape_cast %get3A_3658 : vector<1x8x1664xf32> to vector<8x1664xf32>
    %sub3A_3660 = vector.broadcast %select_n3A_3574 : f32 to vector<8x1664xf32>
    %sub3A_3661 = arith.subf %get3A_3659, %sub3A_3660 : vector<8x1664xf32>
    %max3A_3662 = arith.constant 0.000000e+00 : f32
    %max3A_3663 = vector.broadcast %max3A_3662 : f32 to vector<8x1664xf32>
    %max3A_3664 = arith.maximumf %sub3A_3661, %max3A_3663 : vector<8x1664xf32>
    %add3A_3665 = arith.addf %add3A_3646, %max3A_3664 : vector<8x1664xf32>
    %gt3A_3666 = vector.broadcast %select_n3A_3574 : f32 to vector<8x1664xf32>
    %gt3A_3667 = arith.cmpf ogt, %get3A_3659, %gt3A_3666 : vector<8x1664xf32>
    %jit3A_3668 = arith.constant 1.000000e+00 : f32
    %jit3A_3669 = arith.constant 0.000000e+00 : f32
    %broadcast_in_dim3A_3670 = vector.broadcast %jit3A_3668 : f32 to vector<8x1664xf32>
    %broadcast_in_dim3A_3671 = vector.broadcast %jit3A_3669 : f32 to vector<8x1664xf32>
    %select_n3A_3672 = arith.select %gt3A_3667, %broadcast_in_dim3A_3670, %broadcast_in_dim3A_3671 : vector<8x1664xi1>, vector<8x1664xf32>
    %add3A_3673 = arith.addf %add3A_3654, %select_n3A_3672 : vector<8x1664xf32>
    %get3A_3674 = arith.constant 1 : index
    %get3A_3675 = arith.constant 0 : index
    %get3A_3676 = arith.constant 8320 : index
    %get3A_3677 = vector.load %arg5[%get3A_3674, %get3A_3675, %get3A_3676] : memref<2x8x13312xf32, #tpu.memory_space<vmem>>, vector<1x8x1664xf32>
    %get3A_3678 = vector.shape_cast %get3A_3677 : vector<1x8x1664xf32> to vector<8x1664xf32>
    %sub3A_3679 = vector.broadcast %select_n3A_3574 : f32 to vector<8x1664xf32>
    %sub3A_3680 = arith.subf %get3A_3678, %sub3A_3679 : vector<8x1664xf32>
    %max3A_3681 = arith.constant 0.000000e+00 : f32
    %max3A_3682 = vector.broadcast %max3A_3681 : f32 to vector<8x1664xf32>
    %max3A_3683 = arith.maximumf %sub3A_3680, %max3A_3682 : vector<8x1664xf32>
    %add3A_3684 = arith.addf %add3A_3665, %max3A_3683 : vector<8x1664xf32>
    %gt3A_3685 = vector.broadcast %select_n3A_3574 : f32 to vector<8x1664xf32>
    %gt3A_3686 = arith.cmpf ogt, %get3A_3678, %gt3A_3685 : vector<8x1664xf32>
    %jit3A_3687 = arith.constant 1.000000e+00 : f32
    %jit3A_3688 = arith.constant 0.000000e+00 : f32
    %broadcast_in_dim3A_3689 = vector.broadcast %jit3A_3687 : f32 to vector<8x1664xf32>
    %broadcast_in_dim3A_3690 = vector.broadcast %jit3A_3688 : f32 to vector<8x1664xf32>
    %select_n3A_3691 = arith.select %gt3A_3686, %broadcast_in_dim3A_3689, %broadcast_in_dim3A_3690 : vector<8x1664xi1>, vector<8x1664xf32>
    %add3A_3692 = arith.addf %add3A_3673, %select_n3A_3691 : vector<8x1664xf32>
    %get3A_3693 = arith.constant 1 : index
    %get3A_3694 = arith.constant 0 : index
    %get3A_3695 = arith.constant 9984 : index
    %get3A_3696 = vector.load %arg5[%get3A_3693, %get3A_3694, %get3A_3695] : memref<2x8x13312xf32, #tpu.memory_space<vmem>>, vector<1x8x1664xf32>
    %get3A_3697 = vector.shape_cast %get3A_3696 : vector<1x8x1664xf32> to vector<8x1664xf32>
    %sub3A_3698 = vector.broadcast %select_n3A_3574 : f32 to vector<8x1664xf32>
    %sub3A_3699 = arith.subf %get3A_3697, %sub3A_3698 : vector<8x1664xf32>
    %max3A_3700 = arith.constant 0.000000e+00 : f32
    %max3A_3701 = vector.broadcast %max3A_3700 : f32 to vector<8x1664xf32>
    %max3A_3702 = arith.maximumf %sub3A_3699, %max3A_3701 : vector<8x1664xf32>
    %add3A_3703 = arith.addf %add3A_3684, %max3A_3702 : vector<8x1664xf32>
    %gt3A_3704 = vector.broadcast %select_n3A_3574 : f32 to vector<8x1664xf32>
    %gt3A_3705 = arith.cmpf ogt, %get3A_3697, %gt3A_3704 : vector<8x1664xf32>
    %jit3A_3706 = arith.constant 1.000000e+00 : f32
    %jit3A_3707 = arith.constant 0.000000e+00 : f32
    %broadcast_in_dim3A_3708 = vector.broadcast %jit3A_3706 : f32 to vector<8x1664xf32>
    %broadcast_in_dim3A_3709 = vector.broadcast %jit3A_3707 : f32 to vector<8x1664xf32>
    %select_n3A_3710 = arith.select %gt3A_3705, %broadcast_in_dim3A_3708, %broadcast_in_dim3A_3709 : vector<8x1664xi1>, vector<8x1664xf32>
    %add3A_3711 = arith.addf %add3A_3692, %select_n3A_3710 : vector<8x1664xf32>
    %get3A_3712 = arith.constant 1 : index
    %get3A_3713 = arith.constant 0 : index
    %get3A_3714 = arith.constant 11648 : index
    %get3A_3715 = vector.load %arg5[%get3A_3712, %get3A_3713, %get3A_3714] : memref<2x8x13312xf32, #tpu.memory_space<vmem>>, vector<1x8x1664xf32>
    %get3A_3716 = vector.shape_cast %get3A_3715 : vector<1x8x1664xf32> to vector<8x1664xf32>
    %sub3A_3717 = vector.broadcast %select_n3A_3574 : f32 to vector<8x1664xf32>
    %sub3A_3718 = arith.subf %get3A_3716, %sub3A_3717 : vector<8x1664xf32>
    %max3A_3719 = arith.constant 0.000000e+00 : f32
    %max3A_3720 = vector.broadcast %max3A_3719 : f32 to vector<8x1664xf32>
    %max3A_3721 = arith.maximumf %sub3A_3718, %max3A_3720 : vector<8x1664xf32>
    %add3A_3722 = arith.addf %add3A_3703, %max3A_3721 : vector<8x1664xf32>
    %gt3A_3723 = vector.broadcast %select_n3A_3574 : f32 to vector<8x1664xf32>
    %gt3A_3724 = arith.cmpf ogt, %get3A_3716, %gt3A_3723 : vector<8x1664xf32>
    %jit3A_3725 = arith.constant 1.000000e+00 : f32
    %jit3A_3726 = arith.constant 0.000000e+00 : f32
    %broadcast_in_dim3A_3727 = vector.broadcast %jit3A_3725 : f32 to vector<8x1664xf32>
    %broadcast_in_dim3A_3728 = vector.broadcast %jit3A_3726 : f32 to vector<8x1664xf32>
    %select_n3A_3729 = arith.select %gt3A_3724, %broadcast_in_dim3A_3727, %broadcast_in_dim3A_3728 : vector<8x1664xi1>, vector<8x1664xf32>
    %add3A_3730 = arith.addf %add3A_3711, %select_n3A_3729 : vector<8x1664xf32>
    %slice3A_3731 = vector.extract_strided_slice %add3A_3722 {offsets = [0, 0], sizes = [8, 896], strides = [1, 1]} : vector<8x1664xf32> to vector<8x896xf32>
    %slice3A_3732 = vector.extract_strided_slice %add3A_3722 {offsets = [0, 896], sizes = [8, 768], strides = [1, 1]} : vector<8x1664xf32> to vector<8x768xf32>
    %broadcast_in_dim3A_3733 = arith.constant 0.000000e+00 : f32
    %broadcast_in_dim3A_3734 = vector.broadcast %broadcast_in_dim3A_3733 : f32 to vector<8x128xf32>
    %concatenate3A_3735 = tpu.concatenate %slice3A_3732, %broadcast_in_dim3A_3734 in 1 : vector<8x768xf32>, vector<8x128xf32> -> vector<8x896xf32>
    %add3A_3736 = arith.addf %slice3A_3731, %concatenate3A_3735 : vector<8x896xf32>
    %slice3A_3737 = vector.extract_strided_slice %add3A_3736 {offsets = [0, 0], sizes = [8, 512], strides = [1, 1]} : vector<8x896xf32> to vector<8x512xf32>
    %slice3A_3738 = vector.extract_strided_slice %add3A_3736 {offsets = [0, 512], sizes = [8, 384], strides = [1, 1]} : vector<8x896xf32> to vector<8x384xf32>
    %broadcast_in_dim3A_3739 = arith.constant 0.000000e+00 : f32
    %broadcast_in_dim3A_3740 = vector.broadcast %broadcast_in_dim3A_3739 : f32 to vector<8x128xf32>
    %concatenate3A_3741 = tpu.concatenate %slice3A_3738, %broadcast_in_dim3A_3740 in 1 : vector<8x384xf32>, vector<8x128xf32> -> vector<8x512xf32>
    %add3A_3742 = arith.addf %slice3A_3737, %concatenate3A_3741 : vector<8x512xf32>
    %slice3A_3743 = vector.extract_strided_slice %add3A_3742 {offsets = [0, 0], sizes = [8, 256], strides = [1, 1]} : vector<8x512xf32> to vector<8x256xf32>
    %slice3A_3744 = vector.extract_strided_slice %add3A_3742 {offsets = [0, 256], sizes = [8, 256], strides = [1, 1]} : vector<8x512xf32> to vector<8x256xf32>
    %add3A_3745 = arith.addf %slice3A_3743, %slice3A_3744 : vector<8x256xf32>
    %slice3A_3746 = vector.extract_strided_slice %add3A_3745 {offsets = [0, 0], sizes = [8, 128], strides = [1, 1]} : vector<8x256xf32> to vector<8x128xf32>
    %slice3A_3747 = vector.extract_strided_slice %add3A_3745 {offsets = [0, 128], sizes = [8, 128], strides = [1, 1]} : vector<8x256xf32> to vector<8x128xf32>
    %add3A_3748 = arith.addf %slice3A_3746, %slice3A_3747 : vector<8x128xf32>
    %reduce_sum3A_3749 = vector.shape_cast %add3A_3748 : vector<8x128xf32> to vector<1x8x128xf32>
    %reduce_sum3A_3750 = arith.constant dense<0.000000e+00> : vector<1xf32>
    %reduce_sum3A_3751 = vector.multi_reduction <add>, %reduce_sum3A_3749, %reduce_sum3A_3750 [1, 2] : vector<1x8x128xf32> to vector<1xf32>
    %reduce_sum3A_3752 = vector.shape_cast %reduce_sum3A_3751 : vector<1xf32> to vector<1x1x1xf32>
    %reduce_sum3A_3753 = vector.extract %reduce_sum3A_3752[0, 0, 0] : f32 from vector<1x1x1xf32>
    %slice3A_3754 = vector.extract_strided_slice %add3A_3730 {offsets = [0, 0], sizes = [8, 896], strides = [1, 1]} : vector<8x1664xf32> to vector<8x896xf32>
    %slice3A_3755 = vector.extract_strided_slice %add3A_3730 {offsets = [0, 896], sizes = [8, 768], strides = [1, 1]} : vector<8x1664xf32> to vector<8x768xf32>
    %broadcast_in_dim3A_3756 = arith.constant 0.000000e+00 : f32
    %broadcast_in_dim3A_3757 = vector.broadcast %broadcast_in_dim3A_3756 : f32 to vector<8x128xf32>
    %concatenate3A_3758 = tpu.concatenate %slice3A_3755, %broadcast_in_dim3A_3757 in 1 : vector<8x768xf32>, vector<8x128xf32> -> vector<8x896xf32>
    %add3A_3759 = arith.addf %slice3A_3754, %concatenate3A_3758 : vector<8x896xf32>
    %slice3A_3760 = vector.extract_strided_slice %add3A_3759 {offsets = [0, 0], sizes = [8, 512], strides = [1, 1]} : vector<8x896xf32> to vector<8x512xf32>
    %slice3A_3761 = vector.extract_strided_slice %add3A_3759 {offsets = [0, 512], sizes = [8, 384], strides = [1, 1]} : vector<8x896xf32> to vector<8x384xf32>
    %broadcast_in_dim3A_3762 = arith.constant 0.000000e+00 : f32
    %broadcast_in_dim3A_3763 = vector.broadcast %broadcast_in_dim3A_3762 : f32 to vector<8x128xf32>
    %concatenate3A_3764 = tpu.concatenate %slice3A_3761, %broadcast_in_dim3A_3763 in 1 : vector<8x384xf32>, vector<8x128xf32> -> vector<8x512xf32>
    %add3A_3765 = arith.addf %slice3A_3760, %concatenate3A_3764 : vector<8x512xf32>
    %slice3A_3766 = vector.extract_strided_slice %add3A_3765 {offsets = [0, 0], sizes = [8, 256], strides = [1, 1]} : vector<8x512xf32> to vector<8x256xf32>
    %slice3A_3767 = vector.extract_strided_slice %add3A_3765 {offsets = [0, 256], sizes = [8, 256], strides = [1, 1]} : vector<8x512xf32> to vector<8x256xf32>
    %add3A_3768 = arith.addf %slice3A_3766, %slice3A_3767 : vector<8x256xf32>
    %slice3A_3769 = vector.extract_strided_slice %add3A_3768 {offsets = [0, 0], sizes = [8, 128], strides = [1, 1]} : vector<8x256xf32> to vector<8x128xf32>
    %slice3A_3770 = vector.extract_strided_slice %add3A_3768 {offsets = [0, 128], sizes = [8, 128], strides = [1, 1]} : vector<8x256xf32> to vector<8x128xf32>
    %add3A_3771 = arith.addf %slice3A_3769, %slice3A_3770 : vector<8x128xf32>
    %reduce_sum3A_3772 = vector.shape_cast %add3A_3771 : vector<8x128xf32> to vector<1x8x128xf32>
    %reduce_sum3A_3773 = arith.constant dense<0.000000e+00> : vector<1xf32>
    %reduce_sum3A_3774 = vector.multi_reduction <add>, %reduce_sum3A_3772, %reduce_sum3A_3773 [1, 2] : vector<1x8x128xf32> to vector<1xf32>
    %reduce_sum3A_3775 = vector.shape_cast %reduce_sum3A_3774 : vector<1xf32> to vector<1x1x1xf32>
    %reduce_sum3A_3776 = vector.extract %reduce_sum3A_3775[0, 0, 0] : f32 from vector<1x1x1xf32>
    %gt3A_3777 = arith.constant 0.000000e+00 : f32
    %gt3A_3778 = arith.cmpf ogt, %reduce_sum3A_3776, %gt3A_3777 : f32
    %sub3A_3779 = arith.constant 1.000000e+00 : f32
    %sub3A_3780 = arith.subf %reduce_sum3A_3753, %sub3A_3779 : f32
    %div3A_3781 = arith.divf %sub3A_3780, %reduce_sum3A_3776 : f32
    %add3A_3782 = arith.addf %select_n3A_3574, %div3A_3781 : f32
    %select_n3A_3783 = arith.select %gt3A_3778, %add3A_3782, %select_n3A_3574 : f32
    %broadcast_in_dim3A_3784 = arith.constant 0.000000e+00 : f32
    %broadcast_in_dim3A_3785 = vector.broadcast %broadcast_in_dim3A_3784 : f32 to vector<8x1664xf32>
    %broadcast_in_dim3A_3786 = arith.constant 0.000000e+00 : f32
    %broadcast_in_dim3A_3787 = vector.broadcast %broadcast_in_dim3A_3786 : f32 to vector<8x1664xf32>
    %get3A_3788 = arith.constant 1 : index
    %get3A_3789 = arith.constant 0 : index
    %get3A_3790 = arith.constant 0 : index
    %get3A_3791 = vector.load %arg5[%get3A_3788, %get3A_3789, %get3A_3790] : memref<2x8x13312xf32, #tpu.memory_space<vmem>>, vector<1x8x1664xf32>
    %get3A_3792 = vector.shape_cast %get3A_3791 : vector<1x8x1664xf32> to vector<8x1664xf32>
    %sub3A_3793 = vector.broadcast %select_n3A_3783 : f32 to vector<8x1664xf32>
    %sub3A_3794 = arith.subf %get3A_3792, %sub3A_3793 : vector<8x1664xf32>
    %max3A_3795 = arith.constant 0.000000e+00 : f32
    %max3A_3796 = vector.broadcast %max3A_3795 : f32 to vector<8x1664xf32>
    %max3A_3797 = arith.maximumf %sub3A_3794, %max3A_3796 : vector<8x1664xf32>
    %add3A_3798 = arith.addf %broadcast_in_dim3A_3785, %max3A_3797 : vector<8x1664xf32>
    %gt3A_3799 = vector.broadcast %select_n3A_3783 : f32 to vector<8x1664xf32>
    %gt3A_3800 = arith.cmpf ogt, %get3A_3792, %gt3A_3799 : vector<8x1664xf32>
    %jit3A_3801 = arith.constant 1.000000e+00 : f32
    %jit3A_3802 = arith.constant 0.000000e+00 : f32
    %broadcast_in_dim3A_3803 = vector.broadcast %jit3A_3801 : f32 to vector<8x1664xf32>
    %broadcast_in_dim3A_3804 = vector.broadcast %jit3A_3802 : f32 to vector<8x1664xf32>
    %select_n3A_3805 = arith.select %gt3A_3800, %broadcast_in_dim3A_3803, %broadcast_in_dim3A_3804 : vector<8x1664xi1>, vector<8x1664xf32>
    %add3A_3806 = arith.addf %broadcast_in_dim3A_3787, %select_n3A_3805 : vector<8x1664xf32>
    %get3A_3807 = arith.constant 1 : index
    %get3A_3808 = arith.constant 0 : index
    %get3A_3809 = arith.constant 1664 : index
    %get3A_3810 = vector.load %arg5[%get3A_3807, %get3A_3808, %get3A_3809] : memref<2x8x13312xf32, #tpu.memory_space<vmem>>, vector<1x8x1664xf32>
    %get3A_3811 = vector.shape_cast %get3A_3810 : vector<1x8x1664xf32> to vector<8x1664xf32>
    %sub3A_3812 = vector.broadcast %select_n3A_3783 : f32 to vector<8x1664xf32>
    %sub3A_3813 = arith.subf %get3A_3811, %sub3A_3812 : vector<8x1664xf32>
    %max3A_3814 = arith.constant 0.000000e+00 : f32
    %max3A_3815 = vector.broadcast %max3A_3814 : f32 to vector<8x1664xf32>
    %max3A_3816 = arith.maximumf %sub3A_3813, %max3A_3815 : vector<8x1664xf32>
    %add3A_3817 = arith.addf %add3A_3798, %max3A_3816 : vector<8x1664xf32>
    %gt3A_3818 = vector.broadcast %select_n3A_3783 : f32 to vector<8x1664xf32>
    %gt3A_3819 = arith.cmpf ogt, %get3A_3811, %gt3A_3818 : vector<8x1664xf32>
    %jit3A_3820 = arith.constant 1.000000e+00 : f32
    %jit3A_3821 = arith.constant 0.000000e+00 : f32
    %broadcast_in_dim3A_3822 = vector.broadcast %jit3A_3820 : f32 to vector<8x1664xf32>
    %broadcast_in_dim3A_3823 = vector.broadcast %jit3A_3821 : f32 to vector<8x1664xf32>
    %select_n3A_3824 = arith.select %gt3A_3819, %broadcast_in_dim3A_3822, %broadcast_in_dim3A_3823 : vector<8x1664xi1>, vector<8x1664xf32>
    %add3A_3825 = arith.addf %add3A_3806, %select_n3A_3824 : vector<8x1664xf32>
    %get3A_3826 = arith.constant 1 : index
    %get3A_3827 = arith.constant 0 : index
    %get3A_3828 = arith.constant 3328 : index
    %get3A_3829 = vector.load %arg5[%get3A_3826, %get3A_3827, %get3A_3828] : memref<2x8x13312xf32, #tpu.memory_space<vmem>>, vector<1x8x1664xf32>
    %get3A_3830 = vector.shape_cast %get3A_3829 : vector<1x8x1664xf32> to vector<8x1664xf32>
    %sub3A_3831 = vector.broadcast %select_n3A_3783 : f32 to vector<8x1664xf32>
    %sub3A_3832 = arith.subf %get3A_3830, %sub3A_3831 : vector<8x1664xf32>
    %max3A_3833 = arith.constant 0.000000e+00 : f32
    %max3A_3834 = vector.broadcast %max3A_3833 : f32 to vector<8x1664xf32>
    %max3A_3835 = arith.maximumf %sub3A_3832, %max3A_3834 : vector<8x1664xf32>
    %add3A_3836 = arith.addf %add3A_3817, %max3A_3835 : vector<8x1664xf32>
    %gt3A_3837 = vector.broadcast %select_n3A_3783 : f32 to vector<8x1664xf32>
    %gt3A_3838 = arith.cmpf ogt, %get3A_3830, %gt3A_3837 : vector<8x1664xf32>
    %jit3A_3839 = arith.constant 1.000000e+00 : f32
    %jit3A_3840 = arith.constant 0.000000e+00 : f32
    %broadcast_in_dim3A_3841 = vector.broadcast %jit3A_3839 : f32 to vector<8x1664xf32>
    %broadcast_in_dim3A_3842 = vector.broadcast %jit3A_3840 : f32 to vector<8x1664xf32>
    %select_n3A_3843 = arith.select %gt3A_3838, %broadcast_in_dim3A_3841, %broadcast_in_dim3A_3842 : vector<8x1664xi1>, vector<8x1664xf32>
    %add3A_3844 = arith.addf %add3A_3825, %select_n3A_3843 : vector<8x1664xf32>
    %get3A_3845 = arith.constant 1 : index
    %get3A_3846 = arith.constant 0 : index
    %get3A_3847 = arith.constant 4992 : index
    %get3A_3848 = vector.load %arg5[%get3A_3845, %get3A_3846, %get3A_3847] : memref<2x8x13312xf32, #tpu.memory_space<vmem>>, vector<1x8x1664xf32>
    %get3A_3849 = vector.shape_cast %get3A_3848 : vector<1x8x1664xf32> to vector<8x1664xf32>
    %sub3A_3850 = vector.broadcast %select_n3A_3783 : f32 to vector<8x1664xf32>
    %sub3A_3851 = arith.subf %get3A_3849, %sub3A_3850 : vector<8x1664xf32>
    %max3A_3852 = arith.constant 0.000000e+00 : f32
    %max3A_3853 = vector.broadcast %max3A_3852 : f32 to vector<8x1664xf32>
    %max3A_3854 = arith.maximumf %sub3A_3851, %max3A_3853 : vector<8x1664xf32>
    %add3A_3855 = arith.addf %add3A_3836, %max3A_3854 : vector<8x1664xf32>
    %gt3A_3856 = vector.broadcast %select_n3A_3783 : f32 to vector<8x1664xf32>
    %gt3A_3857 = arith.cmpf ogt, %get3A_3849, %gt3A_3856 : vector<8x1664xf32>
    %jit3A_3858 = arith.constant 1.000000e+00 : f32
    %jit3A_3859 = arith.constant 0.000000e+00 : f32
    %broadcast_in_dim3A_3860 = vector.broadcast %jit3A_3858 : f32 to vector<8x1664xf32>
    %broadcast_in_dim3A_3861 = vector.broadcast %jit3A_3859 : f32 to vector<8x1664xf32>
    %select_n3A_3862 = arith.select %gt3A_3857, %broadcast_in_dim3A_3860, %broadcast_in_dim3A_3861 : vector<8x1664xi1>, vector<8x1664xf32>
    %add3A_3863 = arith.addf %add3A_3844, %select_n3A_3862 : vector<8x1664xf32>
    %get3A_3864 = arith.constant 1 : index
    %get3A_3865 = arith.constant 0 : index
    %get3A_3866 = arith.constant 6656 : index
    %get3A_3867 = vector.load %arg5[%get3A_3864, %get3A_3865, %get3A_3866] : memref<2x8x13312xf32, #tpu.memory_space<vmem>>, vector<1x8x1664xf32>
    %get3A_3868 = vector.shape_cast %get3A_3867 : vector<1x8x1664xf32> to vector<8x1664xf32>
    %sub3A_3869 = vector.broadcast %select_n3A_3783 : f32 to vector<8x1664xf32>
    %sub3A_3870 = arith.subf %get3A_3868, %sub3A_3869 : vector<8x1664xf32>
    %max3A_3871 = arith.constant 0.000000e+00 : f32
    %max3A_3872 = vector.broadcast %max3A_3871 : f32 to vector<8x1664xf32>
    %max3A_3873 = arith.maximumf %sub3A_3870, %max3A_3872 : vector<8x1664xf32>
    %add3A_3874 = arith.addf %add3A_3855, %max3A_3873 : vector<8x1664xf32>
    %gt3A_3875 = vector.broadcast %select_n3A_3783 : f32 to vector<8x1664xf32>
    %gt3A_3876 = arith.cmpf ogt, %get3A_3868, %gt3A_3875 : vector<8x1664xf32>
    %jit3A_3877 = arith.constant 1.000000e+00 : f32
    %jit3A_3878 = arith.constant 0.000000e+00 : f32
    %broadcast_in_dim3A_3879 = vector.broadcast %jit3A_3877 : f32 to vector<8x1664xf32>
    %broadcast_in_dim3A_3880 = vector.broadcast %jit3A_3878 : f32 to vector<8x1664xf32>
    %select_n3A_3881 = arith.select %gt3A_3876, %broadcast_in_dim3A_3879, %broadcast_in_dim3A_3880 : vector<8x1664xi1>, vector<8x1664xf32>
    %add3A_3882 = arith.addf %add3A_3863, %select_n3A_3881 : vector<8x1664xf32>
    %get3A_3883 = arith.constant 1 : index
    %get3A_3884 = arith.constant 0 : index
    %get3A_3885 = arith.constant 8320 : index
    %get3A_3886 = vector.load %arg5[%get3A_3883, %get3A_3884, %get3A_3885] : memref<2x8x13312xf32, #tpu.memory_space<vmem>>, vector<1x8x1664xf32>
    %get3A_3887 = vector.shape_cast %get3A_3886 : vector<1x8x1664xf32> to vector<8x1664xf32>
    %sub3A_3888 = vector.broadcast %select_n3A_3783 : f32 to vector<8x1664xf32>
    %sub3A_3889 = arith.subf %get3A_3887, %sub3A_3888 : vector<8x1664xf32>
    %max3A_3890 = arith.constant 0.000000e+00 : f32
    %max3A_3891 = vector.broadcast %max3A_3890 : f32 to vector<8x1664xf32>
    %max3A_3892 = arith.maximumf %sub3A_3889, %max3A_3891 : vector<8x1664xf32>
    %add3A_3893 = arith.addf %add3A_3874, %max3A_3892 : vector<8x1664xf32>
    %gt3A_3894 = vector.broadcast %select_n3A_3783 : f32 to vector<8x1664xf32>
    %gt3A_3895 = arith.cmpf ogt, %get3A_3887, %gt3A_3894 : vector<8x1664xf32>
    %jit3A_3896 = arith.constant 1.000000e+00 : f32
    %jit3A_3897 = arith.constant 0.000000e+00 : f32
    %broadcast_in_dim3A_3898 = vector.broadcast %jit3A_3896 : f32 to vector<8x1664xf32>
    %broadcast_in_dim3A_3899 = vector.broadcast %jit3A_3897 : f32 to vector<8x1664xf32>
    %select_n3A_3900 = arith.select %gt3A_3895, %broadcast_in_dim3A_3898, %broadcast_in_dim3A_3899 : vector<8x1664xi1>, vector<8x1664xf32>
    %add3A_3901 = arith.addf %add3A_3882, %select_n3A_3900 : vector<8x1664xf32>
    %get3A_3902 = arith.constant 1 : index
    %get3A_3903 = arith.constant 0 : index
    %get3A_3904 = arith.constant 9984 : index
    %get3A_3905 = vector.load %arg5[%get3A_3902, %get3A_3903, %get3A_3904] : memref<2x8x13312xf32, #tpu.memory_space<vmem>>, vector<1x8x1664xf32>
    %get3A_3906 = vector.shape_cast %get3A_3905 : vector<1x8x1664xf32> to vector<8x1664xf32>
    %sub3A_3907 = vector.broadcast %select_n3A_3783 : f32 to vector<8x1664xf32>
    %sub3A_3908 = arith.subf %get3A_3906, %sub3A_3907 : vector<8x1664xf32>
    %max3A_3909 = arith.constant 0.000000e+00 : f32
    %max3A_3910 = vector.broadcast %max3A_3909 : f32 to vector<8x1664xf32>
    %max3A_3911 = arith.maximumf %sub3A_3908, %max3A_3910 : vector<8x1664xf32>
    %add3A_3912 = arith.addf %add3A_3893, %max3A_3911 : vector<8x1664xf32>
    %gt3A_3913 = vector.broadcast %select_n3A_3783 : f32 to vector<8x1664xf32>
    %gt3A_3914 = arith.cmpf ogt, %get3A_3906, %gt3A_3913 : vector<8x1664xf32>
    %jit3A_3915 = arith.constant 1.000000e+00 : f32
    %jit3A_3916 = arith.constant 0.000000e+00 : f32
    %broadcast_in_dim3A_3917 = vector.broadcast %jit3A_3915 : f32 to vector<8x1664xf32>
    %broadcast_in_dim3A_3918 = vector.broadcast %jit3A_3916 : f32 to vector<8x1664xf32>
    %select_n3A_3919 = arith.select %gt3A_3914, %broadcast_in_dim3A_3917, %broadcast_in_dim3A_3918 : vector<8x1664xi1>, vector<8x1664xf32>
    %add3A_3920 = arith.addf %add3A_3901, %select_n3A_3919 : vector<8x1664xf32>
    %get3A_3921 = arith.constant 1 : index
    %get3A_3922 = arith.constant 0 : index
    %get3A_3923 = arith.constant 11648 : index
    %get3A_3924 = vector.load %arg5[%get3A_3921, %get3A_3922, %get3A_3923] : memref<2x8x13312xf32, #tpu.memory_space<vmem>>, vector<1x8x1664xf32>
    %get3A_3925 = vector.shape_cast %get3A_3924 : vector<1x8x1664xf32> to vector<8x1664xf32>
    %sub3A_3926 = vector.broadcast %select_n3A_3783 : f32 to vector<8x1664xf32>
    %sub3A_3927 = arith.subf %get3A_3925, %sub3A_3926 : vector<8x1664xf32>
    %max3A_3928 = arith.constant 0.000000e+00 : f32
    %max3A_3929 = vector.broadcast %max3A_3928 : f32 to vector<8x1664xf32>
    %max3A_3930 = arith.maximumf %sub3A_3927, %max3A_3929 : vector<8x1664xf32>
    %add3A_3931 = arith.addf %add3A_3912, %max3A_3930 : vector<8x1664xf32>
    %gt3A_3932 = vector.broadcast %select_n3A_3783 : f32 to vector<8x1664xf32>
    %gt3A_3933 = arith.cmpf ogt, %get3A_3925, %gt3A_3932 : vector<8x1664xf32>
    %jit3A_3934 = arith.constant 1.000000e+00 : f32
    %jit3A_3935 = arith.constant 0.000000e+00 : f32
    %broadcast_in_dim3A_3936 = vector.broadcast %jit3A_3934 : f32 to vector<8x1664xf32>
    %broadcast_in_dim3A_3937 = vector.broadcast %jit3A_3935 : f32 to vector<8x1664xf32>
    %select_n3A_3938 = arith.select %gt3A_3933, %broadcast_in_dim3A_3936, %broadcast_in_dim3A_3937 : vector<8x1664xi1>, vector<8x1664xf32>
    %add3A_3939 = arith.addf %add3A_3920, %select_n3A_3938 : vector<8x1664xf32>
    %slice3A_3940 = vector.extract_strided_slice %add3A_3931 {offsets = [0, 0], sizes = [8, 896], strides = [1, 1]} : vector<8x1664xf32> to vector<8x896xf32>
    %slice3A_3941 = vector.extract_strided_slice %add3A_3931 {offsets = [0, 896], sizes = [8, 768], strides = [1, 1]} : vector<8x1664xf32> to vector<8x768xf32>
    %broadcast_in_dim3A_3942 = arith.constant 0.000000e+00 : f32
    %broadcast_in_dim3A_3943 = vector.broadcast %broadcast_in_dim3A_3942 : f32 to vector<8x128xf32>
    %concatenate3A_3944 = tpu.concatenate %slice3A_3941, %broadcast_in_dim3A_3943 in 1 : vector<8x768xf32>, vector<8x128xf32> -> vector<8x896xf32>
    %add3A_3945 = arith.addf %slice3A_3940, %concatenate3A_3944 : vector<8x896xf32>
    %slice3A_3946 = vector.extract_strided_slice %add3A_3945 {offsets = [0, 0], sizes = [8, 512], strides = [1, 1]} : vector<8x896xf32> to vector<8x512xf32>
    %slice3A_3947 = vector.extract_strided_slice %add3A_3945 {offsets = [0, 512], sizes = [8, 384], strides = [1, 1]} : vector<8x896xf32> to vector<8x384xf32>
    %broadcast_in_dim3A_3948 = arith.constant 0.000000e+00 : f32
    %broadcast_in_dim3A_3949 = vector.broadcast %broadcast_in_dim3A_3948 : f32 to vector<8x128xf32>
    %concatenate3A_3950 = tpu.concatenate %slice3A_3947, %broadcast_in_dim3A_3949 in 1 : vector<8x384xf32>, vector<8x128xf32> -> vector<8x512xf32>
    %add3A_3951 = arith.addf %slice3A_3946, %concatenate3A_3950 : vector<8x512xf32>
    %slice3A_3952 = vector.extract_strided_slice %add3A_3951 {offsets = [0, 0], sizes = [8, 256], strides = [1, 1]} : vector<8x512xf32> to vector<8x256xf32>
    %slice3A_3953 = vector.extract_strided_slice %add3A_3951 {offsets = [0, 256], sizes = [8, 256], strides = [1, 1]} : vector<8x512xf32> to vector<8x256xf32>
    %add3A_3954 = arith.addf %slice3A_3952, %slice3A_3953 : vector<8x256xf32>
    %slice3A_3955 = vector.extract_strided_slice %add3A_3954 {offsets = [0, 0], sizes = [8, 128], strides = [1, 1]} : vector<8x256xf32> to vector<8x128xf32>
    %slice3A_3956 = vector.extract_strided_slice %add3A_3954 {offsets = [0, 128], sizes = [8, 128], strides = [1, 1]} : vector<8x256xf32> to vector<8x128xf32>
    %add3A_3957 = arith.addf %slice3A_3955, %slice3A_3956 : vector<8x128xf32>
    %reduce_sum3A_3958 = vector.shape_cast %add3A_3957 : vector<8x128xf32> to vector<1x8x128xf32>
    %reduce_sum3A_3959 = arith.constant dense<0.000000e+00> : vector<1xf32>
    %reduce_sum3A_3960 = vector.multi_reduction <add>, %reduce_sum3A_3958, %reduce_sum3A_3959 [1, 2] : vector<1x8x128xf32> to vector<1xf32>
    %reduce_sum3A_3961 = vector.shape_cast %reduce_sum3A_3960 : vector<1xf32> to vector<1x1x1xf32>
    %reduce_sum3A_3962 = vector.extract %reduce_sum3A_3961[0, 0, 0] : f32 from vector<1x1x1xf32>
    %slice3A_3963 = vector.extract_strided_slice %add3A_3939 {offsets = [0, 0], sizes = [8, 896], strides = [1, 1]} : vector<8x1664xf32> to vector<8x896xf32>
    %slice3A_3964 = vector.extract_strided_slice %add3A_3939 {offsets = [0, 896], sizes = [8, 768], strides = [1, 1]} : vector<8x1664xf32> to vector<8x768xf32>
    %broadcast_in_dim3A_3965 = arith.constant 0.000000e+00 : f32
    %broadcast_in_dim3A_3966 = vector.broadcast %broadcast_in_dim3A_3965 : f32 to vector<8x128xf32>
    %concatenate3A_3967 = tpu.concatenate %slice3A_3964, %broadcast_in_dim3A_3966 in 1 : vector<8x768xf32>, vector<8x128xf32> -> vector<8x896xf32>
    %add3A_3968 = arith.addf %slice3A_3963, %concatenate3A_3967 : vector<8x896xf32>
    %slice3A_3969 = vector.extract_strided_slice %add3A_3968 {offsets = [0, 0], sizes = [8, 512], strides = [1, 1]} : vector<8x896xf32> to vector<8x512xf32>
    %slice3A_3970 = vector.extract_strided_slice %add3A_3968 {offsets = [0, 512], sizes = [8, 384], strides = [1, 1]} : vector<8x896xf32> to vector<8x384xf32>
    %broadcast_in_dim3A_3971 = arith.constant 0.000000e+00 : f32
    %broadcast_in_dim3A_3972 = vector.broadcast %broadcast_in_dim3A_3971 : f32 to vector<8x128xf32>
    %concatenate3A_3973 = tpu.concatenate %slice3A_3970, %broadcast_in_dim3A_3972 in 1 : vector<8x384xf32>, vector<8x128xf32> -> vector<8x512xf32>
    %add3A_3974 = arith.addf %slice3A_3969, %concatenate3A_3973 : vector<8x512xf32>
    %slice3A_3975 = vector.extract_strided_slice %add3A_3974 {offsets = [0, 0], sizes = [8, 256], strides = [1, 1]} : vector<8x512xf32> to vector<8x256xf32>
    %slice3A_3976 = vector.extract_strided_slice %add3A_3974 {offsets = [0, 256], sizes = [8, 256], strides = [1, 1]} : vector<8x512xf32> to vector<8x256xf32>
    %add3A_3977 = arith.addf %slice3A_3975, %slice3A_3976 : vector<8x256xf32>
    %slice3A_3978 = vector.extract_strided_slice %add3A_3977 {offsets = [0, 0], sizes = [8, 128], strides = [1, 1]} : vector<8x256xf32> to vector<8x128xf32>
    %slice3A_3979 = vector.extract_strided_slice %add3A_3977 {offsets = [0, 128], sizes = [8, 128], strides = [1, 1]} : vector<8x256xf32> to vector<8x128xf32>
    %add3A_3980 = arith.addf %slice3A_3978, %slice3A_3979 : vector<8x128xf32>
    %reduce_sum3A_3981 = vector.shape_cast %add3A_3980 : vector<8x128xf32> to vector<1x8x128xf32>
    %reduce_sum3A_3982 = arith.constant dense<0.000000e+00> : vector<1xf32>
    %reduce_sum3A_3983 = vector.multi_reduction <add>, %reduce_sum3A_3981, %reduce_sum3A_3982 [1, 2] : vector<1x8x128xf32> to vector<1xf32>
    %reduce_sum3A_3984 = vector.shape_cast %reduce_sum3A_3983 : vector<1xf32> to vector<1x1x1xf32>
    %reduce_sum3A_3985 = vector.extract %reduce_sum3A_3984[0, 0, 0] : f32 from vector<1x1x1xf32>
    %gt3A_3986 = arith.constant 0.000000e+00 : f32
    %gt3A_3987 = arith.cmpf ogt, %reduce_sum3A_3985, %gt3A_3986 : f32
    %sub3A_3988 = arith.constant 1.000000e+00 : f32
    %sub3A_3989 = arith.subf %reduce_sum3A_3962, %sub3A_3988 : f32
    %div3A_3990 = arith.divf %sub3A_3989, %reduce_sum3A_3985 : f32
    %add3A_3991 = arith.addf %select_n3A_3783, %div3A_3990 : f32
    %select_n3A_3992 = arith.select %gt3A_3987, %add3A_3991, %select_n3A_3783 : f32
    %broadcast_in_dim3A_3993 = arith.constant 0.000000e+00 : f32
    %broadcast_in_dim3A_3994 = vector.broadcast %broadcast_in_dim3A_3993 : f32 to vector<8x1664xf32>
    %broadcast_in_dim3A_3995 = arith.constant 0.000000e+00 : f32
    %broadcast_in_dim3A_3996 = vector.broadcast %broadcast_in_dim3A_3995 : f32 to vector<8x1664xf32>
    %get3A_3997 = arith.constant 1 : index
    %get3A_3998 = arith.constant 0 : index
    %get3A_3999 = arith.constant 0 : index
    %get3A_4000 = vector.load %arg5[%get3A_3997, %get3A_3998, %get3A_3999] : memref<2x8x13312xf32, #tpu.memory_space<vmem>>, vector<1x8x1664xf32>
    %get3A_4001 = vector.shape_cast %get3A_4000 : vector<1x8x1664xf32> to vector<8x1664xf32>
    %sub3A_4002 = vector.broadcast %select_n3A_3992 : f32 to vector<8x1664xf32>
    %sub3A_4003 = arith.subf %get3A_4001, %sub3A_4002 : vector<8x1664xf32>
    %max3A_4004 = arith.constant 0.000000e+00 : f32
    %max3A_4005 = vector.broadcast %max3A_4004 : f32 to vector<8x1664xf32>
    %max3A_4006 = arith.maximumf %sub3A_4003, %max3A_4005 : vector<8x1664xf32>
    %add3A_4007 = arith.addf %broadcast_in_dim3A_3994, %max3A_4006 : vector<8x1664xf32>
    %gt3A_4008 = vector.broadcast %select_n3A_3992 : f32 to vector<8x1664xf32>
    %gt3A_4009 = arith.cmpf ogt, %get3A_4001, %gt3A_4008 : vector<8x1664xf32>
    %jit3A_4010 = arith.constant 1.000000e+00 : f32
    %jit3A_4011 = arith.constant 0.000000e+00 : f32
    %broadcast_in_dim3A_4012 = vector.broadcast %jit3A_4010 : f32 to vector<8x1664xf32>
    %broadcast_in_dim3A_4013 = vector.broadcast %jit3A_4011 : f32 to vector<8x1664xf32>
    %select_n3A_4014 = arith.select %gt3A_4009, %broadcast_in_dim3A_4012, %broadcast_in_dim3A_4013 : vector<8x1664xi1>, vector<8x1664xf32>
    %add3A_4015 = arith.addf %broadcast_in_dim3A_3996, %select_n3A_4014 : vector<8x1664xf32>
    %get3A_4016 = arith.constant 1 : index
    %get3A_4017 = arith.constant 0 : index
    %get3A_4018 = arith.constant 1664 : index
    %get3A_4019 = vector.load %arg5[%get3A_4016, %get3A_4017, %get3A_4018] : memref<2x8x13312xf32, #tpu.memory_space<vmem>>, vector<1x8x1664xf32>
    %get3A_4020 = vector.shape_cast %get3A_4019 : vector<1x8x1664xf32> to vector<8x1664xf32>
    %sub3A_4021 = vector.broadcast %select_n3A_3992 : f32 to vector<8x1664xf32>
    %sub3A_4022 = arith.subf %get3A_4020, %sub3A_4021 : vector<8x1664xf32>
    %max3A_4023 = arith.constant 0.000000e+00 : f32
    %max3A_4024 = vector.broadcast %max3A_4023 : f32 to vector<8x1664xf32>
    %max3A_4025 = arith.maximumf %sub3A_4022, %max3A_4024 : vector<8x1664xf32>
    %add3A_4026 = arith.addf %add3A_4007, %max3A_4025 : vector<8x1664xf32>
    %gt3A_4027 = vector.broadcast %select_n3A_3992 : f32 to vector<8x1664xf32>
    %gt3A_4028 = arith.cmpf ogt, %get3A_4020, %gt3A_4027 : vector<8x1664xf32>
    %jit3A_4029 = arith.constant 1.000000e+00 : f32
    %jit3A_4030 = arith.constant 0.000000e+00 : f32
    %broadcast_in_dim3A_4031 = vector.broadcast %jit3A_4029 : f32 to vector<8x1664xf32>
    %broadcast_in_dim3A_4032 = vector.broadcast %jit3A_4030 : f32 to vector<8x1664xf32>
    %select_n3A_4033 = arith.select %gt3A_4028, %broadcast_in_dim3A_4031, %broadcast_in_dim3A_4032 : vector<8x1664xi1>, vector<8x1664xf32>
    %add3A_4034 = arith.addf %add3A_4015, %select_n3A_4033 : vector<8x1664xf32>
    %get3A_4035 = arith.constant 1 : index
    %get3A_4036 = arith.constant 0 : index
    %get3A_4037 = arith.constant 3328 : index
    %get3A_4038 = vector.load %arg5[%get3A_4035, %get3A_4036, %get3A_4037] : memref<2x8x13312xf32, #tpu.memory_space<vmem>>, vector<1x8x1664xf32>
    %get3A_4039 = vector.shape_cast %get3A_4038 : vector<1x8x1664xf32> to vector<8x1664xf32>
    %sub3A_4040 = vector.broadcast %select_n3A_3992 : f32 to vector<8x1664xf32>
    %sub3A_4041 = arith.subf %get3A_4039, %sub3A_4040 : vector<8x1664xf32>
    %max3A_4042 = arith.constant 0.000000e+00 : f32
    %max3A_4043 = vector.broadcast %max3A_4042 : f32 to vector<8x1664xf32>
    %max3A_4044 = arith.maximumf %sub3A_4041, %max3A_4043 : vector<8x1664xf32>
    %add3A_4045 = arith.addf %add3A_4026, %max3A_4044 : vector<8x1664xf32>
    %gt3A_4046 = vector.broadcast %select_n3A_3992 : f32 to vector<8x1664xf32>
    %gt3A_4047 = arith.cmpf ogt, %get3A_4039, %gt3A_4046 : vector<8x1664xf32>
    %jit3A_4048 = arith.constant 1.000000e+00 : f32
    %jit3A_4049 = arith.constant 0.000000e+00 : f32
    %broadcast_in_dim3A_4050 = vector.broadcast %jit3A_4048 : f32 to vector<8x1664xf32>
    %broadcast_in_dim3A_4051 = vector.broadcast %jit3A_4049 : f32 to vector<8x1664xf32>
    %select_n3A_4052 = arith.select %gt3A_4047, %broadcast_in_dim3A_4050, %broadcast_in_dim3A_4051 : vector<8x1664xi1>, vector<8x1664xf32>
    %add3A_4053 = arith.addf %add3A_4034, %select_n3A_4052 : vector<8x1664xf32>
    %get3A_4054 = arith.constant 1 : index
    %get3A_4055 = arith.constant 0 : index
    %get3A_4056 = arith.constant 4992 : index
    %get3A_4057 = vector.load %arg5[%get3A_4054, %get3A_4055, %get3A_4056] : memref<2x8x13312xf32, #tpu.memory_space<vmem>>, vector<1x8x1664xf32>
    %get3A_4058 = vector.shape_cast %get3A_4057 : vector<1x8x1664xf32> to vector<8x1664xf32>
    %sub3A_4059 = vector.broadcast %select_n3A_3992 : f32 to vector<8x1664xf32>
    %sub3A_4060 = arith.subf %get3A_4058, %sub3A_4059 : vector<8x1664xf32>
    %max3A_4061 = arith.constant 0.000000e+00 : f32
    %max3A_4062 = vector.broadcast %max3A_4061 : f32 to vector<8x1664xf32>
    %max3A_4063 = arith.maximumf %sub3A_4060, %max3A_4062 : vector<8x1664xf32>
    %add3A_4064 = arith.addf %add3A_4045, %max3A_4063 : vector<8x1664xf32>
    %gt3A_4065 = vector.broadcast %select_n3A_3992 : f32 to vector<8x1664xf32>
    %gt3A_4066 = arith.cmpf ogt, %get3A_4058, %gt3A_4065 : vector<8x1664xf32>
    %jit3A_4067 = arith.constant 1.000000e+00 : f32
    %jit3A_4068 = arith.constant 0.000000e+00 : f32
    %broadcast_in_dim3A_4069 = vector.broadcast %jit3A_4067 : f32 to vector<8x1664xf32>
    %broadcast_in_dim3A_4070 = vector.broadcast %jit3A_4068 : f32 to vector<8x1664xf32>
    %select_n3A_4071 = arith.select %gt3A_4066, %broadcast_in_dim3A_4069, %broadcast_in_dim3A_4070 : vector<8x1664xi1>, vector<8x1664xf32>
    %add3A_4072 = arith.addf %add3A_4053, %select_n3A_4071 : vector<8x1664xf32>
    %get3A_4073 = arith.constant 1 : index
    %get3A_4074 = arith.constant 0 : index
    %get3A_4075 = arith.constant 6656 : index
    %get3A_4076 = vector.load %arg5[%get3A_4073, %get3A_4074, %get3A_4075] : memref<2x8x13312xf32, #tpu.memory_space<vmem>>, vector<1x8x1664xf32>
    %get3A_4077 = vector.shape_cast %get3A_4076 : vector<1x8x1664xf32> to vector<8x1664xf32>
    %sub3A_4078 = vector.broadcast %select_n3A_3992 : f32 to vector<8x1664xf32>
    %sub3A_4079 = arith.subf %get3A_4077, %sub3A_4078 : vector<8x1664xf32>
    %max3A_4080 = arith.constant 0.000000e+00 : f32
    %max3A_4081 = vector.broadcast %max3A_4080 : f32 to vector<8x1664xf32>
    %max3A_4082 = arith.maximumf %sub3A_4079, %max3A_4081 : vector<8x1664xf32>
    %add3A_4083 = arith.addf %add3A_4064, %max3A_4082 : vector<8x1664xf32>
    %gt3A_4084 = vector.broadcast %select_n3A_3992 : f32 to vector<8x1664xf32>
    %gt3A_4085 = arith.cmpf ogt, %get3A_4077, %gt3A_4084 : vector<8x1664xf32>
    %jit3A_4086 = arith.constant 1.000000e+00 : f32
    %jit3A_4087 = arith.constant 0.000000e+00 : f32
    %broadcast_in_dim3A_4088 = vector.broadcast %jit3A_4086 : f32 to vector<8x1664xf32>
    %broadcast_in_dim3A_4089 = vector.broadcast %jit3A_4087 : f32 to vector<8x1664xf32>
    %select_n3A_4090 = arith.select %gt3A_4085, %broadcast_in_dim3A_4088, %broadcast_in_dim3A_4089 : vector<8x1664xi1>, vector<8x1664xf32>
    %add3A_4091 = arith.addf %add3A_4072, %select_n3A_4090 : vector<8x1664xf32>
    %get3A_4092 = arith.constant 1 : index
    %get3A_4093 = arith.constant 0 : index
    %get3A_4094 = arith.constant 8320 : index
    %get3A_4095 = vector.load %arg5[%get3A_4092, %get3A_4093, %get3A_4094] : memref<2x8x13312xf32, #tpu.memory_space<vmem>>, vector<1x8x1664xf32>
    %get3A_4096 = vector.shape_cast %get3A_4095 : vector<1x8x1664xf32> to vector<8x1664xf32>
    %sub3A_4097 = vector.broadcast %select_n3A_3992 : f32 to vector<8x1664xf32>
    %sub3A_4098 = arith.subf %get3A_4096, %sub3A_4097 : vector<8x1664xf32>
    %max3A_4099 = arith.constant 0.000000e+00 : f32
    %max3A_4100 = vector.broadcast %max3A_4099 : f32 to vector<8x1664xf32>
    %max3A_4101 = arith.maximumf %sub3A_4098, %max3A_4100 : vector<8x1664xf32>
    %add3A_4102 = arith.addf %add3A_4083, %max3A_4101 : vector<8x1664xf32>
    %gt3A_4103 = vector.broadcast %select_n3A_3992 : f32 to vector<8x1664xf32>
    %gt3A_4104 = arith.cmpf ogt, %get3A_4096, %gt3A_4103 : vector<8x1664xf32>
    %jit3A_4105 = arith.constant 1.000000e+00 : f32
    %jit3A_4106 = arith.constant 0.000000e+00 : f32
    %broadcast_in_dim3A_4107 = vector.broadcast %jit3A_4105 : f32 to vector<8x1664xf32>
    %broadcast_in_dim3A_4108 = vector.broadcast %jit3A_4106 : f32 to vector<8x1664xf32>
    %select_n3A_4109 = arith.select %gt3A_4104, %broadcast_in_dim3A_4107, %broadcast_in_dim3A_4108 : vector<8x1664xi1>, vector<8x1664xf32>
    %add3A_4110 = arith.addf %add3A_4091, %select_n3A_4109 : vector<8x1664xf32>
    %get3A_4111 = arith.constant 1 : index
    %get3A_4112 = arith.constant 0 : index
    %get3A_4113 = arith.constant 9984 : index
    %get3A_4114 = vector.load %arg5[%get3A_4111, %get3A_4112, %get3A_4113] : memref<2x8x13312xf32, #tpu.memory_space<vmem>>, vector<1x8x1664xf32>
    %get3A_4115 = vector.shape_cast %get3A_4114 : vector<1x8x1664xf32> to vector<8x1664xf32>
    %sub3A_4116 = vector.broadcast %select_n3A_3992 : f32 to vector<8x1664xf32>
    %sub3A_4117 = arith.subf %get3A_4115, %sub3A_4116 : vector<8x1664xf32>
    %max3A_4118 = arith.constant 0.000000e+00 : f32
    %max3A_4119 = vector.broadcast %max3A_4118 : f32 to vector<8x1664xf32>
    %max3A_4120 = arith.maximumf %sub3A_4117, %max3A_4119 : vector<8x1664xf32>
    %add3A_4121 = arith.addf %add3A_4102, %max3A_4120 : vector<8x1664xf32>
    %gt3A_4122 = vector.broadcast %select_n3A_3992 : f32 to vector<8x1664xf32>
    %gt3A_4123 = arith.cmpf ogt, %get3A_4115, %gt3A_4122 : vector<8x1664xf32>
    %jit3A_4124 = arith.constant 1.000000e+00 : f32
    %jit3A_4125 = arith.constant 0.000000e+00 : f32
    %broadcast_in_dim3A_4126 = vector.broadcast %jit3A_4124 : f32 to vector<8x1664xf32>
    %broadcast_in_dim3A_4127 = vector.broadcast %jit3A_4125 : f32 to vector<8x1664xf32>
    %select_n3A_4128 = arith.select %gt3A_4123, %broadcast_in_dim3A_4126, %broadcast_in_dim3A_4127 : vector<8x1664xi1>, vector<8x1664xf32>
    %add3A_4129 = arith.addf %add3A_4110, %select_n3A_4128 : vector<8x1664xf32>
    %get3A_4130 = arith.constant 1 : index
    %get3A_4131 = arith.constant 0 : index
    %get3A_4132 = arith.constant 11648 : index
    %get3A_4133 = vector.load %arg5[%get3A_4130, %get3A_4131, %get3A_4132] : memref<2x8x13312xf32, #tpu.memory_space<vmem>>, vector<1x8x1664xf32>
    %get3A_4134 = vector.shape_cast %get3A_4133 : vector<1x8x1664xf32> to vector<8x1664xf32>
    %sub3A_4135 = vector.broadcast %select_n3A_3992 : f32 to vector<8x1664xf32>
    %sub3A_4136 = arith.subf %get3A_4134, %sub3A_4135 : vector<8x1664xf32>
    %max3A_4137 = arith.constant 0.000000e+00 : f32
    %max3A_4138 = vector.broadcast %max3A_4137 : f32 to vector<8x1664xf32>
    %max3A_4139 = arith.maximumf %sub3A_4136, %max3A_4138 : vector<8x1664xf32>
    %add3A_4140 = arith.addf %add3A_4121, %max3A_4139 : vector<8x1664xf32>
    %gt3A_4141 = vector.broadcast %select_n3A_3992 : f32 to vector<8x1664xf32>
    %gt3A_4142 = arith.cmpf ogt, %get3A_4134, %gt3A_4141 : vector<8x1664xf32>
    %jit3A_4143 = arith.constant 1.000000e+00 : f32
    %jit3A_4144 = arith.constant 0.000000e+00 : f32
    %broadcast_in_dim3A_4145 = vector.broadcast %jit3A_4143 : f32 to vector<8x1664xf32>
    %broadcast_in_dim3A_4146 = vector.broadcast %jit3A_4144 : f32 to vector<8x1664xf32>
    %select_n3A_4147 = arith.select %gt3A_4142, %broadcast_in_dim3A_4145, %broadcast_in_dim3A_4146 : vector<8x1664xi1>, vector<8x1664xf32>
    %add3A_4148 = arith.addf %add3A_4129, %select_n3A_4147 : vector<8x1664xf32>
    %slice3A_4149 = vector.extract_strided_slice %add3A_4140 {offsets = [0, 0], sizes = [8, 896], strides = [1, 1]} : vector<8x1664xf32> to vector<8x896xf32>
    %slice3A_4150 = vector.extract_strided_slice %add3A_4140 {offsets = [0, 896], sizes = [8, 768], strides = [1, 1]} : vector<8x1664xf32> to vector<8x768xf32>
    %broadcast_in_dim3A_4151 = arith.constant 0.000000e+00 : f32
    %broadcast_in_dim3A_4152 = vector.broadcast %broadcast_in_dim3A_4151 : f32 to vector<8x128xf32>
    %concatenate3A_4153 = tpu.concatenate %slice3A_4150, %broadcast_in_dim3A_4152 in 1 : vector<8x768xf32>, vector<8x128xf32> -> vector<8x896xf32>
    %add3A_4154 = arith.addf %slice3A_4149, %concatenate3A_4153 : vector<8x896xf32>
    %slice3A_4155 = vector.extract_strided_slice %add3A_4154 {offsets = [0, 0], sizes = [8, 512], strides = [1, 1]} : vector<8x896xf32> to vector<8x512xf32>
    %slice3A_4156 = vector.extract_strided_slice %add3A_4154 {offsets = [0, 512], sizes = [8, 384], strides = [1, 1]} : vector<8x896xf32> to vector<8x384xf32>
    %broadcast_in_dim3A_4157 = arith.constant 0.000000e+00 : f32
    %broadcast_in_dim3A_4158 = vector.broadcast %broadcast_in_dim3A_4157 : f32 to vector<8x128xf32>
    %concatenate3A_4159 = tpu.concatenate %slice3A_4156, %broadcast_in_dim3A_4158 in 1 : vector<8x384xf32>, vector<8x128xf32> -> vector<8x512xf32>
    %add3A_4160 = arith.addf %slice3A_4155, %concatenate3A_4159 : vector<8x512xf32>
    %slice3A_4161 = vector.extract_strided_slice %add3A_4160 {offsets = [0, 0], sizes = [8, 256], strides = [1, 1]} : vector<8x512xf32> to vector<8x256xf32>
    %slice3A_4162 = vector.extract_strided_slice %add3A_4160 {offsets = [0, 256], sizes = [8, 256], strides = [1, 1]} : vector<8x512xf32> to vector<8x256xf32>
    %add3A_4163 = arith.addf %slice3A_4161, %slice3A_4162 : vector<8x256xf32>
    %slice3A_4164 = vector.extract_strided_slice %add3A_4163 {offsets = [0, 0], sizes = [8, 128], strides = [1, 1]} : vector<8x256xf32> to vector<8x128xf32>
    %slice3A_4165 = vector.extract_strided_slice %add3A_4163 {offsets = [0, 128], sizes = [8, 128], strides = [1, 1]} : vector<8x256xf32> to vector<8x128xf32>
    %add3A_4166 = arith.addf %slice3A_4164, %slice3A_4165 : vector<8x128xf32>
    %reduce_sum3A_4167 = vector.shape_cast %add3A_4166 : vector<8x128xf32> to vector<1x8x128xf32>
    %reduce_sum3A_4168 = arith.constant dense<0.000000e+00> : vector<1xf32>
    %reduce_sum3A_4169 = vector.multi_reduction <add>, %reduce_sum3A_4167, %reduce_sum3A_4168 [1, 2] : vector<1x8x128xf32> to vector<1xf32>
    %reduce_sum3A_4170 = vector.shape_cast %reduce_sum3A_4169 : vector<1xf32> to vector<1x1x1xf32>
    %reduce_sum3A_4171 = vector.extract %reduce_sum3A_4170[0, 0, 0] : f32 from vector<1x1x1xf32>
    %slice3A_4172 = vector.extract_strided_slice %add3A_4148 {offsets = [0, 0], sizes = [8, 896], strides = [1, 1]} : vector<8x1664xf32> to vector<8x896xf32>
    %slice3A_4173 = vector.extract_strided_slice %add3A_4148 {offsets = [0, 896], sizes = [8, 768], strides = [1, 1]} : vector<8x1664xf32> to vector<8x768xf32>
    %broadcast_in_dim3A_4174 = arith.constant 0.000000e+00 : f32
    %broadcast_in_dim3A_4175 = vector.broadcast %broadcast_in_dim3A_4174 : f32 to vector<8x128xf32>
    %concatenate3A_4176 = tpu.concatenate %slice3A_4173, %broadcast_in_dim3A_4175 in 1 : vector<8x768xf32>, vector<8x128xf32> -> vector<8x896xf32>
    %add3A_4177 = arith.addf %slice3A_4172, %concatenate3A_4176 : vector<8x896xf32>
    %slice3A_4178 = vector.extract_strided_slice %add3A_4177 {offsets = [0, 0], sizes = [8, 512], strides = [1, 1]} : vector<8x896xf32> to vector<8x512xf32>
    %slice3A_4179 = vector.extract_strided_slice %add3A_4177 {offsets = [0, 512], sizes = [8, 384], strides = [1, 1]} : vector<8x896xf32> to vector<8x384xf32>
    %broadcast_in_dim3A_4180 = arith.constant 0.000000e+00 : f32
    %broadcast_in_dim3A_4181 = vector.broadcast %broadcast_in_dim3A_4180 : f32 to vector<8x128xf32>
    %concatenate3A_4182 = tpu.concatenate %slice3A_4179, %broadcast_in_dim3A_4181 in 1 : vector<8x384xf32>, vector<8x128xf32> -> vector<8x512xf32>
    %add3A_4183 = arith.addf %slice3A_4178, %concatenate3A_4182 : vector<8x512xf32>
    %slice3A_4184 = vector.extract_strided_slice %add3A_4183 {offsets = [0, 0], sizes = [8, 256], strides = [1, 1]} : vector<8x512xf32> to vector<8x256xf32>
    %slice3A_4185 = vector.extract_strided_slice %add3A_4183 {offsets = [0, 256], sizes = [8, 256], strides = [1, 1]} : vector<8x512xf32> to vector<8x256xf32>
    %add3A_4186 = arith.addf %slice3A_4184, %slice3A_4185 : vector<8x256xf32>
    %slice3A_4187 = vector.extract_strided_slice %add3A_4186 {offsets = [0, 0], sizes = [8, 128], strides = [1, 1]} : vector<8x256xf32> to vector<8x128xf32>
    %slice3A_4188 = vector.extract_strided_slice %add3A_4186 {offsets = [0, 128], sizes = [8, 128], strides = [1, 1]} : vector<8x256xf32> to vector<8x128xf32>
    %add3A_4189 = arith.addf %slice3A_4187, %slice3A_4188 : vector<8x128xf32>
    %reduce_sum3A_4190 = vector.shape_cast %add3A_4189 : vector<8x128xf32> to vector<1x8x128xf32>
    %reduce_sum3A_4191 = arith.constant dense<0.000000e+00> : vector<1xf32>
    %reduce_sum3A_4192 = vector.multi_reduction <add>, %reduce_sum3A_4190, %reduce_sum3A_4191 [1, 2] : vector<1x8x128xf32> to vector<1xf32>
    %reduce_sum3A_4193 = vector.shape_cast %reduce_sum3A_4192 : vector<1xf32> to vector<1x1x1xf32>
    %reduce_sum3A_4194 = vector.extract %reduce_sum3A_4193[0, 0, 0] : f32 from vector<1x1x1xf32>
    %gt3A_4195 = arith.constant 0.000000e+00 : f32
    %gt3A_4196 = arith.cmpf ogt, %reduce_sum3A_4194, %gt3A_4195 : f32
    %sub3A_4197 = arith.constant 1.000000e+00 : f32
    %sub3A_4198 = arith.subf %reduce_sum3A_4171, %sub3A_4197 : f32
    %div3A_4199 = arith.divf %sub3A_4198, %reduce_sum3A_4194 : f32
    %add3A_4200 = arith.addf %select_n3A_3992, %div3A_4199 : f32
    %select_n3A_4201 = arith.select %gt3A_4196, %add3A_4200, %select_n3A_3992 : f32
    %broadcast_in_dim3A_4202 = arith.constant 0.000000e+00 : f32
    %broadcast_in_dim3A_4203 = vector.broadcast %broadcast_in_dim3A_4202 : f32 to vector<8x1664xf32>
    %broadcast_in_dim3A_4204 = arith.constant 0.000000e+00 : f32
    %broadcast_in_dim3A_4205 = vector.broadcast %broadcast_in_dim3A_4204 : f32 to vector<8x1664xf32>
    %get3A_4206 = arith.constant 1 : index
    %get3A_4207 = arith.constant 0 : index
    %get3A_4208 = arith.constant 0 : index
    %get3A_4209 = vector.load %arg5[%get3A_4206, %get3A_4207, %get3A_4208] : memref<2x8x13312xf32, #tpu.memory_space<vmem>>, vector<1x8x1664xf32>
    %get3A_4210 = vector.shape_cast %get3A_4209 : vector<1x8x1664xf32> to vector<8x1664xf32>
    %sub3A_4211 = vector.broadcast %select_n3A_4201 : f32 to vector<8x1664xf32>
    %sub3A_4212 = arith.subf %get3A_4210, %sub3A_4211 : vector<8x1664xf32>
    %max3A_4213 = arith.constant 0.000000e+00 : f32
    %max3A_4214 = vector.broadcast %max3A_4213 : f32 to vector<8x1664xf32>
    %max3A_4215 = arith.maximumf %sub3A_4212, %max3A_4214 : vector<8x1664xf32>
    %add3A_4216 = arith.addf %broadcast_in_dim3A_4203, %max3A_4215 : vector<8x1664xf32>
    %gt3A_4217 = vector.broadcast %select_n3A_4201 : f32 to vector<8x1664xf32>
    %gt3A_4218 = arith.cmpf ogt, %get3A_4210, %gt3A_4217 : vector<8x1664xf32>
    %jit3A_4219 = arith.constant 1.000000e+00 : f32
    %jit3A_4220 = arith.constant 0.000000e+00 : f32
    %broadcast_in_dim3A_4221 = vector.broadcast %jit3A_4219 : f32 to vector<8x1664xf32>
    %broadcast_in_dim3A_4222 = vector.broadcast %jit3A_4220 : f32 to vector<8x1664xf32>
    %select_n3A_4223 = arith.select %gt3A_4218, %broadcast_in_dim3A_4221, %broadcast_in_dim3A_4222 : vector<8x1664xi1>, vector<8x1664xf32>
    %add3A_4224 = arith.addf %broadcast_in_dim3A_4205, %select_n3A_4223 : vector<8x1664xf32>
    %get3A_4225 = arith.constant 1 : index
    %get3A_4226 = arith.constant 0 : index
    %get3A_4227 = arith.constant 1664 : index
    %get3A_4228 = vector.load %arg5[%get3A_4225, %get3A_4226, %get3A_4227] : memref<2x8x13312xf32, #tpu.memory_space<vmem>>, vector<1x8x1664xf32>
    %get3A_4229 = vector.shape_cast %get3A_4228 : vector<1x8x1664xf32> to vector<8x1664xf32>
    %sub3A_4230 = vector.broadcast %select_n3A_4201 : f32 to vector<8x1664xf32>
    %sub3A_4231 = arith.subf %get3A_4229, %sub3A_4230 : vector<8x1664xf32>
    %max3A_4232 = arith.constant 0.000000e+00 : f32
    %max3A_4233 = vector.broadcast %max3A_4232 : f32 to vector<8x1664xf32>
    %max3A_4234 = arith.maximumf %sub3A_4231, %max3A_4233 : vector<8x1664xf32>
    %add3A_4235 = arith.addf %add3A_4216, %max3A_4234 : vector<8x1664xf32>
    %gt3A_4236 = vector.broadcast %select_n3A_4201 : f32 to vector<8x1664xf32>
    %gt3A_4237 = arith.cmpf ogt, %get3A_4229, %gt3A_4236 : vector<8x1664xf32>
    %jit3A_4238 = arith.constant 1.000000e+00 : f32
    %jit3A_4239 = arith.constant 0.000000e+00 : f32
    %broadcast_in_dim3A_4240 = vector.broadcast %jit3A_4238 : f32 to vector<8x1664xf32>
    %broadcast_in_dim3A_4241 = vector.broadcast %jit3A_4239 : f32 to vector<8x1664xf32>
    %select_n3A_4242 = arith.select %gt3A_4237, %broadcast_in_dim3A_4240, %broadcast_in_dim3A_4241 : vector<8x1664xi1>, vector<8x1664xf32>
    %add3A_4243 = arith.addf %add3A_4224, %select_n3A_4242 : vector<8x1664xf32>
    %get3A_4244 = arith.constant 1 : index
    %get3A_4245 = arith.constant 0 : index
    %get3A_4246 = arith.constant 3328 : index
    %get3A_4247 = vector.load %arg5[%get3A_4244, %get3A_4245, %get3A_4246] : memref<2x8x13312xf32, #tpu.memory_space<vmem>>, vector<1x8x1664xf32>
    %get3A_4248 = vector.shape_cast %get3A_4247 : vector<1x8x1664xf32> to vector<8x1664xf32>
    %sub3A_4249 = vector.broadcast %select_n3A_4201 : f32 to vector<8x1664xf32>
    %sub3A_4250 = arith.subf %get3A_4248, %sub3A_4249 : vector<8x1664xf32>
    %max3A_4251 = arith.constant 0.000000e+00 : f32
    %max3A_4252 = vector.broadcast %max3A_4251 : f32 to vector<8x1664xf32>
    %max3A_4253 = arith.maximumf %sub3A_4250, %max3A_4252 : vector<8x1664xf32>
    %add3A_4254 = arith.addf %add3A_4235, %max3A_4253 : vector<8x1664xf32>
    %gt3A_4255 = vector.broadcast %select_n3A_4201 : f32 to vector<8x1664xf32>
    %gt3A_4256 = arith.cmpf ogt, %get3A_4248, %gt3A_4255 : vector<8x1664xf32>
    %jit3A_4257 = arith.constant 1.000000e+00 : f32
    %jit3A_4258 = arith.constant 0.000000e+00 : f32
    %broadcast_in_dim3A_4259 = vector.broadcast %jit3A_4257 : f32 to vector<8x1664xf32>
    %broadcast_in_dim3A_4260 = vector.broadcast %jit3A_4258 : f32 to vector<8x1664xf32>
    %select_n3A_4261 = arith.select %gt3A_4256, %broadcast_in_dim3A_4259, %broadcast_in_dim3A_4260 : vector<8x1664xi1>, vector<8x1664xf32>
    %add3A_4262 = arith.addf %add3A_4243, %select_n3A_4261 : vector<8x1664xf32>
    %get3A_4263 = arith.constant 1 : index
    %get3A_4264 = arith.constant 0 : index
    %get3A_4265 = arith.constant 4992 : index
    %get3A_4266 = vector.load %arg5[%get3A_4263, %get3A_4264, %get3A_4265] : memref<2x8x13312xf32, #tpu.memory_space<vmem>>, vector<1x8x1664xf32>
    %get3A_4267 = vector.shape_cast %get3A_4266 : vector<1x8x1664xf32> to vector<8x1664xf32>
    %sub3A_4268 = vector.broadcast %select_n3A_4201 : f32 to vector<8x1664xf32>
    %sub3A_4269 = arith.subf %get3A_4267, %sub3A_4268 : vector<8x1664xf32>
    %max3A_4270 = arith.constant 0.000000e+00 : f32
    %max3A_4271 = vector.broadcast %max3A_4270 : f32 to vector<8x1664xf32>
    %max3A_4272 = arith.maximumf %sub3A_4269, %max3A_4271 : vector<8x1664xf32>
    %add3A_4273 = arith.addf %add3A_4254, %max3A_4272 : vector<8x1664xf32>
    %gt3A_4274 = vector.broadcast %select_n3A_4201 : f32 to vector<8x1664xf32>
    %gt3A_4275 = arith.cmpf ogt, %get3A_4267, %gt3A_4274 : vector<8x1664xf32>
    %jit3A_4276 = arith.constant 1.000000e+00 : f32
    %jit3A_4277 = arith.constant 0.000000e+00 : f32
    %broadcast_in_dim3A_4278 = vector.broadcast %jit3A_4276 : f32 to vector<8x1664xf32>
    %broadcast_in_dim3A_4279 = vector.broadcast %jit3A_4277 : f32 to vector<8x1664xf32>
    %select_n3A_4280 = arith.select %gt3A_4275, %broadcast_in_dim3A_4278, %broadcast_in_dim3A_4279 : vector<8x1664xi1>, vector<8x1664xf32>
    %add3A_4281 = arith.addf %add3A_4262, %select_n3A_4280 : vector<8x1664xf32>
    %get3A_4282 = arith.constant 1 : index
    %get3A_4283 = arith.constant 0 : index
    %get3A_4284 = arith.constant 6656 : index
    %get3A_4285 = vector.load %arg5[%get3A_4282, %get3A_4283, %get3A_4284] : memref<2x8x13312xf32, #tpu.memory_space<vmem>>, vector<1x8x1664xf32>
    %get3A_4286 = vector.shape_cast %get3A_4285 : vector<1x8x1664xf32> to vector<8x1664xf32>
    %sub3A_4287 = vector.broadcast %select_n3A_4201 : f32 to vector<8x1664xf32>
    %sub3A_4288 = arith.subf %get3A_4286, %sub3A_4287 : vector<8x1664xf32>
    %max3A_4289 = arith.constant 0.000000e+00 : f32
    %max3A_4290 = vector.broadcast %max3A_4289 : f32 to vector<8x1664xf32>
    %max3A_4291 = arith.maximumf %sub3A_4288, %max3A_4290 : vector<8x1664xf32>
    %add3A_4292 = arith.addf %add3A_4273, %max3A_4291 : vector<8x1664xf32>
    %gt3A_4293 = vector.broadcast %select_n3A_4201 : f32 to vector<8x1664xf32>
    %gt3A_4294 = arith.cmpf ogt, %get3A_4286, %gt3A_4293 : vector<8x1664xf32>
    %jit3A_4295 = arith.constant 1.000000e+00 : f32
    %jit3A_4296 = arith.constant 0.000000e+00 : f32
    %broadcast_in_dim3A_4297 = vector.broadcast %jit3A_4295 : f32 to vector<8x1664xf32>
    %broadcast_in_dim3A_4298 = vector.broadcast %jit3A_4296 : f32 to vector<8x1664xf32>
    %select_n3A_4299 = arith.select %gt3A_4294, %broadcast_in_dim3A_4297, %broadcast_in_dim3A_4298 : vector<8x1664xi1>, vector<8x1664xf32>
    %add3A_4300 = arith.addf %add3A_4281, %select_n3A_4299 : vector<8x1664xf32>
    %get3A_4301 = arith.constant 1 : index
    %get3A_4302 = arith.constant 0 : index
    %get3A_4303 = arith.constant 8320 : index
    %get3A_4304 = vector.load %arg5[%get3A_4301, %get3A_4302, %get3A_4303] : memref<2x8x13312xf32, #tpu.memory_space<vmem>>, vector<1x8x1664xf32>
    %get3A_4305 = vector.shape_cast %get3A_4304 : vector<1x8x1664xf32> to vector<8x1664xf32>
    %sub3A_4306 = vector.broadcast %select_n3A_4201 : f32 to vector<8x1664xf32>
    %sub3A_4307 = arith.subf %get3A_4305, %sub3A_4306 : vector<8x1664xf32>
    %max3A_4308 = arith.constant 0.000000e+00 : f32
    %max3A_4309 = vector.broadcast %max3A_4308 : f32 to vector<8x1664xf32>
    %max3A_4310 = arith.maximumf %sub3A_4307, %max3A_4309 : vector<8x1664xf32>
    %add3A_4311 = arith.addf %add3A_4292, %max3A_4310 : vector<8x1664xf32>
    %gt3A_4312 = vector.broadcast %select_n3A_4201 : f32 to vector<8x1664xf32>
    %gt3A_4313 = arith.cmpf ogt, %get3A_4305, %gt3A_4312 : vector<8x1664xf32>
    %jit3A_4314 = arith.constant 1.000000e+00 : f32
    %jit3A_4315 = arith.constant 0.000000e+00 : f32
    %broadcast_in_dim3A_4316 = vector.broadcast %jit3A_4314 : f32 to vector<8x1664xf32>
    %broadcast_in_dim3A_4317 = vector.broadcast %jit3A_4315 : f32 to vector<8x1664xf32>
    %select_n3A_4318 = arith.select %gt3A_4313, %broadcast_in_dim3A_4316, %broadcast_in_dim3A_4317 : vector<8x1664xi1>, vector<8x1664xf32>
    %add3A_4319 = arith.addf %add3A_4300, %select_n3A_4318 : vector<8x1664xf32>
    %get3A_4320 = arith.constant 1 : index
    %get3A_4321 = arith.constant 0 : index
    %get3A_4322 = arith.constant 9984 : index
    %get3A_4323 = vector.load %arg5[%get3A_4320, %get3A_4321, %get3A_4322] : memref<2x8x13312xf32, #tpu.memory_space<vmem>>, vector<1x8x1664xf32>
    %get3A_4324 = vector.shape_cast %get3A_4323 : vector<1x8x1664xf32> to vector<8x1664xf32>
    %sub3A_4325 = vector.broadcast %select_n3A_4201 : f32 to vector<8x1664xf32>
    %sub3A_4326 = arith.subf %get3A_4324, %sub3A_4325 : vector<8x1664xf32>
    %max3A_4327 = arith.constant 0.000000e+00 : f32
    %max3A_4328 = vector.broadcast %max3A_4327 : f32 to vector<8x1664xf32>
    %max3A_4329 = arith.maximumf %sub3A_4326, %max3A_4328 : vector<8x1664xf32>
    %add3A_4330 = arith.addf %add3A_4311, %max3A_4329 : vector<8x1664xf32>
    %gt3A_4331 = vector.broadcast %select_n3A_4201 : f32 to vector<8x1664xf32>
    %gt3A_4332 = arith.cmpf ogt, %get3A_4324, %gt3A_4331 : vector<8x1664xf32>
    %jit3A_4333 = arith.constant 1.000000e+00 : f32
    %jit3A_4334 = arith.constant 0.000000e+00 : f32
    %broadcast_in_dim3A_4335 = vector.broadcast %jit3A_4333 : f32 to vector<8x1664xf32>
    %broadcast_in_dim3A_4336 = vector.broadcast %jit3A_4334 : f32 to vector<8x1664xf32>
    %select_n3A_4337 = arith.select %gt3A_4332, %broadcast_in_dim3A_4335, %broadcast_in_dim3A_4336 : vector<8x1664xi1>, vector<8x1664xf32>
    %add3A_4338 = arith.addf %add3A_4319, %select_n3A_4337 : vector<8x1664xf32>
    %get3A_4339 = arith.constant 1 : index
    %get3A_4340 = arith.constant 0 : index
    %get3A_4341 = arith.constant 11648 : index
    %get3A_4342 = vector.load %arg5[%get3A_4339, %get3A_4340, %get3A_4341] : memref<2x8x13312xf32, #tpu.memory_space<vmem>>, vector<1x8x1664xf32>
    %get3A_4343 = vector.shape_cast %get3A_4342 : vector<1x8x1664xf32> to vector<8x1664xf32>
    %sub3A_4344 = vector.broadcast %select_n3A_4201 : f32 to vector<8x1664xf32>
    %sub3A_4345 = arith.subf %get3A_4343, %sub3A_4344 : vector<8x1664xf32>
    %max3A_4346 = arith.constant 0.000000e+00 : f32
    %max3A_4347 = vector.broadcast %max3A_4346 : f32 to vector<8x1664xf32>
    %max3A_4348 = arith.maximumf %sub3A_4345, %max3A_4347 : vector<8x1664xf32>
    %add3A_4349 = arith.addf %add3A_4330, %max3A_4348 : vector<8x1664xf32>
    %gt3A_4350 = vector.broadcast %select_n3A_4201 : f32 to vector<8x1664xf32>
    %gt3A_4351 = arith.cmpf ogt, %get3A_4343, %gt3A_4350 : vector<8x1664xf32>
    %jit3A_4352 = arith.constant 1.000000e+00 : f32
    %jit3A_4353 = arith.constant 0.000000e+00 : f32
    %broadcast_in_dim3A_4354 = vector.broadcast %jit3A_4352 : f32 to vector<8x1664xf32>
    %broadcast_in_dim3A_4355 = vector.broadcast %jit3A_4353 : f32 to vector<8x1664xf32>
    %select_n3A_4356 = arith.select %gt3A_4351, %broadcast_in_dim3A_4354, %broadcast_in_dim3A_4355 : vector<8x1664xi1>, vector<8x1664xf32>
    %add3A_4357 = arith.addf %add3A_4338, %select_n3A_4356 : vector<8x1664xf32>
    %slice3A_4358 = vector.extract_strided_slice %add3A_4349 {offsets = [0, 0], sizes = [8, 896], strides = [1, 1]} : vector<8x1664xf32> to vector<8x896xf32>
    %slice3A_4359 = vector.extract_strided_slice %add3A_4349 {offsets = [0, 896], sizes = [8, 768], strides = [1, 1]} : vector<8x1664xf32> to vector<8x768xf32>
    %broadcast_in_dim3A_4360 = arith.constant 0.000000e+00 : f32
    %broadcast_in_dim3A_4361 = vector.broadcast %broadcast_in_dim3A_4360 : f32 to vector<8x128xf32>
    %concatenate3A_4362 = tpu.concatenate %slice3A_4359, %broadcast_in_dim3A_4361 in 1 : vector<8x768xf32>, vector<8x128xf32> -> vector<8x896xf32>
    %add3A_4363 = arith.addf %slice3A_4358, %concatenate3A_4362 : vector<8x896xf32>
    %slice3A_4364 = vector.extract_strided_slice %add3A_4363 {offsets = [0, 0], sizes = [8, 512], strides = [1, 1]} : vector<8x896xf32> to vector<8x512xf32>
    %slice3A_4365 = vector.extract_strided_slice %add3A_4363 {offsets = [0, 512], sizes = [8, 384], strides = [1, 1]} : vector<8x896xf32> to vector<8x384xf32>
    %broadcast_in_dim3A_4366 = arith.constant 0.000000e+00 : f32
    %broadcast_in_dim3A_4367 = vector.broadcast %broadcast_in_dim3A_4366 : f32 to vector<8x128xf32>
    %concatenate3A_4368 = tpu.concatenate %slice3A_4365, %broadcast_in_dim3A_4367 in 1 : vector<8x384xf32>, vector<8x128xf32> -> vector<8x512xf32>
    %add3A_4369 = arith.addf %slice3A_4364, %concatenate3A_4368 : vector<8x512xf32>
    %slice3A_4370 = vector.extract_strided_slice %add3A_4369 {offsets = [0, 0], sizes = [8, 256], strides = [1, 1]} : vector<8x512xf32> to vector<8x256xf32>
    %slice3A_4371 = vector.extract_strided_slice %add3A_4369 {offsets = [0, 256], sizes = [8, 256], strides = [1, 1]} : vector<8x512xf32> to vector<8x256xf32>
    %add3A_4372 = arith.addf %slice3A_4370, %slice3A_4371 : vector<8x256xf32>
    %slice3A_4373 = vector.extract_strided_slice %add3A_4372 {offsets = [0, 0], sizes = [8, 128], strides = [1, 1]} : vector<8x256xf32> to vector<8x128xf32>
    %slice3A_4374 = vector.extract_strided_slice %add3A_4372 {offsets = [0, 128], sizes = [8, 128], strides = [1, 1]} : vector<8x256xf32> to vector<8x128xf32>
    %add3A_4375 = arith.addf %slice3A_4373, %slice3A_4374 : vector<8x128xf32>
    %reduce_sum3A_4376 = vector.shape_cast %add3A_4375 : vector<8x128xf32> to vector<1x8x128xf32>
    %reduce_sum3A_4377 = arith.constant dense<0.000000e+00> : vector<1xf32>
    %reduce_sum3A_4378 = vector.multi_reduction <add>, %reduce_sum3A_4376, %reduce_sum3A_4377 [1, 2] : vector<1x8x128xf32> to vector<1xf32>
    %reduce_sum3A_4379 = vector.shape_cast %reduce_sum3A_4378 : vector<1xf32> to vector<1x1x1xf32>
    %reduce_sum3A_4380 = vector.extract %reduce_sum3A_4379[0, 0, 0] : f32 from vector<1x1x1xf32>
    %slice3A_4381 = vector.extract_strided_slice %add3A_4357 {offsets = [0, 0], sizes = [8, 896], strides = [1, 1]} : vector<8x1664xf32> to vector<8x896xf32>
    %slice3A_4382 = vector.extract_strided_slice %add3A_4357 {offsets = [0, 896], sizes = [8, 768], strides = [1, 1]} : vector<8x1664xf32> to vector<8x768xf32>
    %broadcast_in_dim3A_4383 = arith.constant 0.000000e+00 : f32
    %broadcast_in_dim3A_4384 = vector.broadcast %broadcast_in_dim3A_4383 : f32 to vector<8x128xf32>
    %concatenate3A_4385 = tpu.concatenate %slice3A_4382, %broadcast_in_dim3A_4384 in 1 : vector<8x768xf32>, vector<8x128xf32> -> vector<8x896xf32>
    %add3A_4386 = arith.addf %slice3A_4381, %concatenate3A_4385 : vector<8x896xf32>
    %slice3A_4387 = vector.extract_strided_slice %add3A_4386 {offsets = [0, 0], sizes = [8, 512], strides = [1, 1]} : vector<8x896xf32> to vector<8x512xf32>
    %slice3A_4388 = vector.extract_strided_slice %add3A_4386 {offsets = [0, 512], sizes = [8, 384], strides = [1, 1]} : vector<8x896xf32> to vector<8x384xf32>
    %broadcast_in_dim3A_4389 = arith.constant 0.000000e+00 : f32
    %broadcast_in_dim3A_4390 = vector.broadcast %broadcast_in_dim3A_4389 : f32 to vector<8x128xf32>
    %concatenate3A_4391 = tpu.concatenate %slice3A_4388, %broadcast_in_dim3A_4390 in 1 : vector<8x384xf32>, vector<8x128xf32> -> vector<8x512xf32>
    %add3A_4392 = arith.addf %slice3A_4387, %concatenate3A_4391 : vector<8x512xf32>
    %slice3A_4393 = vector.extract_strided_slice %add3A_4392 {offsets = [0, 0], sizes = [8, 256], strides = [1, 1]} : vector<8x512xf32> to vector<8x256xf32>
    %slice3A_4394 = vector.extract_strided_slice %add3A_4392 {offsets = [0, 256], sizes = [8, 256], strides = [1, 1]} : vector<8x512xf32> to vector<8x256xf32>
    %add3A_4395 = arith.addf %slice3A_4393, %slice3A_4394 : vector<8x256xf32>
    %slice3A_4396 = vector.extract_strided_slice %add3A_4395 {offsets = [0, 0], sizes = [8, 128], strides = [1, 1]} : vector<8x256xf32> to vector<8x128xf32>
    %slice3A_4397 = vector.extract_strided_slice %add3A_4395 {offsets = [0, 128], sizes = [8, 128], strides = [1, 1]} : vector<8x256xf32> to vector<8x128xf32>
    %add3A_4398 = arith.addf %slice3A_4396, %slice3A_4397 : vector<8x128xf32>
    %reduce_sum3A_4399 = vector.shape_cast %add3A_4398 : vector<8x128xf32> to vector<1x8x128xf32>
    %reduce_sum3A_4400 = arith.constant dense<0.000000e+00> : vector<1xf32>
    %reduce_sum3A_4401 = vector.multi_reduction <add>, %reduce_sum3A_4399, %reduce_sum3A_4400 [1, 2] : vector<1x8x128xf32> to vector<1xf32>
    %reduce_sum3A_4402 = vector.shape_cast %reduce_sum3A_4401 : vector<1xf32> to vector<1x1x1xf32>
    %reduce_sum3A_4403 = vector.extract %reduce_sum3A_4402[0, 0, 0] : f32 from vector<1x1x1xf32>
    %gt3A_4404 = arith.constant 0.000000e+00 : f32
    %gt3A_4405 = arith.cmpf ogt, %reduce_sum3A_4403, %gt3A_4404 : f32
    %sub3A_4406 = arith.constant 1.000000e+00 : f32
    %sub3A_4407 = arith.subf %reduce_sum3A_4380, %sub3A_4406 : f32
    %div3A_4408 = arith.divf %sub3A_4407, %reduce_sum3A_4403 : f32
    %add3A_4409 = arith.addf %select_n3A_4201, %div3A_4408 : f32
    %select_n3A_4410 = arith.select %gt3A_4405, %add3A_4409, %select_n3A_4201 : f32
    %broadcast_in_dim3A_4411 = arith.constant 0.000000e+00 : f32
    %broadcast_in_dim3A_4412 = vector.broadcast %broadcast_in_dim3A_4411 : f32 to vector<8x1664xf32>
    %broadcast_in_dim3A_4413 = arith.constant 0.000000e+00 : f32
    %broadcast_in_dim3A_4414 = vector.broadcast %broadcast_in_dim3A_4413 : f32 to vector<8x1664xf32>
    %get3A_4415 = arith.constant 1 : index
    %get3A_4416 = arith.constant 0 : index
    %get3A_4417 = arith.constant 0 : index
    %get3A_4418 = vector.load %arg5[%get3A_4415, %get3A_4416, %get3A_4417] : memref<2x8x13312xf32, #tpu.memory_space<vmem>>, vector<1x8x1664xf32>
    %get3A_4419 = vector.shape_cast %get3A_4418 : vector<1x8x1664xf32> to vector<8x1664xf32>
    %sub3A_4420 = vector.broadcast %select_n3A_4410 : f32 to vector<8x1664xf32>
    %sub3A_4421 = arith.subf %get3A_4419, %sub3A_4420 : vector<8x1664xf32>
    %max3A_4422 = arith.constant 0.000000e+00 : f32
    %max3A_4423 = vector.broadcast %max3A_4422 : f32 to vector<8x1664xf32>
    %max3A_4424 = arith.maximumf %sub3A_4421, %max3A_4423 : vector<8x1664xf32>
    %add3A_4425 = arith.addf %broadcast_in_dim3A_4412, %max3A_4424 : vector<8x1664xf32>
    %gt3A_4426 = vector.broadcast %select_n3A_4410 : f32 to vector<8x1664xf32>
    %gt3A_4427 = arith.cmpf ogt, %get3A_4419, %gt3A_4426 : vector<8x1664xf32>
    %jit3A_4428 = arith.constant 1.000000e+00 : f32
    %jit3A_4429 = arith.constant 0.000000e+00 : f32
    %broadcast_in_dim3A_4430 = vector.broadcast %jit3A_4428 : f32 to vector<8x1664xf32>
    %broadcast_in_dim3A_4431 = vector.broadcast %jit3A_4429 : f32 to vector<8x1664xf32>
    %select_n3A_4432 = arith.select %gt3A_4427, %broadcast_in_dim3A_4430, %broadcast_in_dim3A_4431 : vector<8x1664xi1>, vector<8x1664xf32>
    %add3A_4433 = arith.addf %broadcast_in_dim3A_4414, %select_n3A_4432 : vector<8x1664xf32>
    %get3A_4434 = arith.constant 1 : index
    %get3A_4435 = arith.constant 0 : index
    %get3A_4436 = arith.constant 1664 : index
    %get3A_4437 = vector.load %arg5[%get3A_4434, %get3A_4435, %get3A_4436] : memref<2x8x13312xf32, #tpu.memory_space<vmem>>, vector<1x8x1664xf32>
    %get3A_4438 = vector.shape_cast %get3A_4437 : vector<1x8x1664xf32> to vector<8x1664xf32>
    %sub3A_4439 = vector.broadcast %select_n3A_4410 : f32 to vector<8x1664xf32>
    %sub3A_4440 = arith.subf %get3A_4438, %sub3A_4439 : vector<8x1664xf32>
    %max3A_4441 = arith.constant 0.000000e+00 : f32
    %max3A_4442 = vector.broadcast %max3A_4441 : f32 to vector<8x1664xf32>
    %max3A_4443 = arith.maximumf %sub3A_4440, %max3A_4442 : vector<8x1664xf32>
    %add3A_4444 = arith.addf %add3A_4425, %max3A_4443 : vector<8x1664xf32>
    %gt3A_4445 = vector.broadcast %select_n3A_4410 : f32 to vector<8x1664xf32>
    %gt3A_4446 = arith.cmpf ogt, %get3A_4438, %gt3A_4445 : vector<8x1664xf32>
    %jit3A_4447 = arith.constant 1.000000e+00 : f32
    %jit3A_4448 = arith.constant 0.000000e+00 : f32
    %broadcast_in_dim3A_4449 = vector.broadcast %jit3A_4447 : f32 to vector<8x1664xf32>
    %broadcast_in_dim3A_4450 = vector.broadcast %jit3A_4448 : f32 to vector<8x1664xf32>
    %select_n3A_4451 = arith.select %gt3A_4446, %broadcast_in_dim3A_4449, %broadcast_in_dim3A_4450 : vector<8x1664xi1>, vector<8x1664xf32>
    %add3A_4452 = arith.addf %add3A_4433, %select_n3A_4451 : vector<8x1664xf32>
    %get3A_4453 = arith.constant 1 : index
    %get3A_4454 = arith.constant 0 : index
    %get3A_4455 = arith.constant 3328 : index
    %get3A_4456 = vector.load %arg5[%get3A_4453, %get3A_4454, %get3A_4455] : memref<2x8x13312xf32, #tpu.memory_space<vmem>>, vector<1x8x1664xf32>
    %get3A_4457 = vector.shape_cast %get3A_4456 : vector<1x8x1664xf32> to vector<8x1664xf32>
    %sub3A_4458 = vector.broadcast %select_n3A_4410 : f32 to vector<8x1664xf32>
    %sub3A_4459 = arith.subf %get3A_4457, %sub3A_4458 : vector<8x1664xf32>
    %max3A_4460 = arith.constant 0.000000e+00 : f32
    %max3A_4461 = vector.broadcast %max3A_4460 : f32 to vector<8x1664xf32>
    %max3A_4462 = arith.maximumf %sub3A_4459, %max3A_4461 : vector<8x1664xf32>
    %add3A_4463 = arith.addf %add3A_4444, %max3A_4462 : vector<8x1664xf32>
    %gt3A_4464 = vector.broadcast %select_n3A_4410 : f32 to vector<8x1664xf32>
    %gt3A_4465 = arith.cmpf ogt, %get3A_4457, %gt3A_4464 : vector<8x1664xf32>
    %jit3A_4466 = arith.constant 1.000000e+00 : f32
    %jit3A_4467 = arith.constant 0.000000e+00 : f32
    %broadcast_in_dim3A_4468 = vector.broadcast %jit3A_4466 : f32 to vector<8x1664xf32>
    %broadcast_in_dim3A_4469 = vector.broadcast %jit3A_4467 : f32 to vector<8x1664xf32>
    %select_n3A_4470 = arith.select %gt3A_4465, %broadcast_in_dim3A_4468, %broadcast_in_dim3A_4469 : vector<8x1664xi1>, vector<8x1664xf32>
    %add3A_4471 = arith.addf %add3A_4452, %select_n3A_4470 : vector<8x1664xf32>
    %get3A_4472 = arith.constant 1 : index
    %get3A_4473 = arith.constant 0 : index
    %get3A_4474 = arith.constant 4992 : index
    %get3A_4475 = vector.load %arg5[%get3A_4472, %get3A_4473, %get3A_4474] : memref<2x8x13312xf32, #tpu.memory_space<vmem>>, vector<1x8x1664xf32>
    %get3A_4476 = vector.shape_cast %get3A_4475 : vector<1x8x1664xf32> to vector<8x1664xf32>
    %sub3A_4477 = vector.broadcast %select_n3A_4410 : f32 to vector<8x1664xf32>
    %sub3A_4478 = arith.subf %get3A_4476, %sub3A_4477 : vector<8x1664xf32>
    %max3A_4479 = arith.constant 0.000000e+00 : f32
    %max3A_4480 = vector.broadcast %max3A_4479 : f32 to vector<8x1664xf32>
    %max3A_4481 = arith.maximumf %sub3A_4478, %max3A_4480 : vector<8x1664xf32>
    %add3A_4482 = arith.addf %add3A_4463, %max3A_4481 : vector<8x1664xf32>
    %gt3A_4483 = vector.broadcast %select_n3A_4410 : f32 to vector<8x1664xf32>
    %gt3A_4484 = arith.cmpf ogt, %get3A_4476, %gt3A_4483 : vector<8x1664xf32>
    %jit3A_4485 = arith.constant 1.000000e+00 : f32
    %jit3A_4486 = arith.constant 0.000000e+00 : f32
    %broadcast_in_dim3A_4487 = vector.broadcast %jit3A_4485 : f32 to vector<8x1664xf32>
    %broadcast_in_dim3A_4488 = vector.broadcast %jit3A_4486 : f32 to vector<8x1664xf32>
    %select_n3A_4489 = arith.select %gt3A_4484, %broadcast_in_dim3A_4487, %broadcast_in_dim3A_4488 : vector<8x1664xi1>, vector<8x1664xf32>
    %add3A_4490 = arith.addf %add3A_4471, %select_n3A_4489 : vector<8x1664xf32>
    %get3A_4491 = arith.constant 1 : index
    %get3A_4492 = arith.constant 0 : index
    %get3A_4493 = arith.constant 6656 : index
    %get3A_4494 = vector.load %arg5[%get3A_4491, %get3A_4492, %get3A_4493] : memref<2x8x13312xf32, #tpu.memory_space<vmem>>, vector<1x8x1664xf32>
    %get3A_4495 = vector.shape_cast %get3A_4494 : vector<1x8x1664xf32> to vector<8x1664xf32>
    %sub3A_4496 = vector.broadcast %select_n3A_4410 : f32 to vector<8x1664xf32>
    %sub3A_4497 = arith.subf %get3A_4495, %sub3A_4496 : vector<8x1664xf32>
    %max3A_4498 = arith.constant 0.000000e+00 : f32
    %max3A_4499 = vector.broadcast %max3A_4498 : f32 to vector<8x1664xf32>
    %max3A_4500 = arith.maximumf %sub3A_4497, %max3A_4499 : vector<8x1664xf32>
    %add3A_4501 = arith.addf %add3A_4482, %max3A_4500 : vector<8x1664xf32>
    %gt3A_4502 = vector.broadcast %select_n3A_4410 : f32 to vector<8x1664xf32>
    %gt3A_4503 = arith.cmpf ogt, %get3A_4495, %gt3A_4502 : vector<8x1664xf32>
    %jit3A_4504 = arith.constant 1.000000e+00 : f32
    %jit3A_4505 = arith.constant 0.000000e+00 : f32
    %broadcast_in_dim3A_4506 = vector.broadcast %jit3A_4504 : f32 to vector<8x1664xf32>
    %broadcast_in_dim3A_4507 = vector.broadcast %jit3A_4505 : f32 to vector<8x1664xf32>
    %select_n3A_4508 = arith.select %gt3A_4503, %broadcast_in_dim3A_4506, %broadcast_in_dim3A_4507 : vector<8x1664xi1>, vector<8x1664xf32>
    %add3A_4509 = arith.addf %add3A_4490, %select_n3A_4508 : vector<8x1664xf32>
    %get3A_4510 = arith.constant 1 : index
    %get3A_4511 = arith.constant 0 : index
    %get3A_4512 = arith.constant 8320 : index
    %get3A_4513 = vector.load %arg5[%get3A_4510, %get3A_4511, %get3A_4512] : memref<2x8x13312xf32, #tpu.memory_space<vmem>>, vector<1x8x1664xf32>
    %get3A_4514 = vector.shape_cast %get3A_4513 : vector<1x8x1664xf32> to vector<8x1664xf32>
    %sub3A_4515 = vector.broadcast %select_n3A_4410 : f32 to vector<8x1664xf32>
    %sub3A_4516 = arith.subf %get3A_4514, %sub3A_4515 : vector<8x1664xf32>
    %max3A_4517 = arith.constant 0.000000e+00 : f32
    %max3A_4518 = vector.broadcast %max3A_4517 : f32 to vector<8x1664xf32>
    %max3A_4519 = arith.maximumf %sub3A_4516, %max3A_4518 : vector<8x1664xf32>
    %add3A_4520 = arith.addf %add3A_4501, %max3A_4519 : vector<8x1664xf32>
    %gt3A_4521 = vector.broadcast %select_n3A_4410 : f32 to vector<8x1664xf32>
    %gt3A_4522 = arith.cmpf ogt, %get3A_4514, %gt3A_4521 : vector<8x1664xf32>
    %jit3A_4523 = arith.constant 1.000000e+00 : f32
    %jit3A_4524 = arith.constant 0.000000e+00 : f32
    %broadcast_in_dim3A_4525 = vector.broadcast %jit3A_4523 : f32 to vector<8x1664xf32>
    %broadcast_in_dim3A_4526 = vector.broadcast %jit3A_4524 : f32 to vector<8x1664xf32>
    %select_n3A_4527 = arith.select %gt3A_4522, %broadcast_in_dim3A_4525, %broadcast_in_dim3A_4526 : vector<8x1664xi1>, vector<8x1664xf32>
    %add3A_4528 = arith.addf %add3A_4509, %select_n3A_4527 : vector<8x1664xf32>
    %get3A_4529 = arith.constant 1 : index
    %get3A_4530 = arith.constant 0 : index
    %get3A_4531 = arith.constant 9984 : index
    %get3A_4532 = vector.load %arg5[%get3A_4529, %get3A_4530, %get3A_4531] : memref<2x8x13312xf32, #tpu.memory_space<vmem>>, vector<1x8x1664xf32>
    %get3A_4533 = vector.shape_cast %get3A_4532 : vector<1x8x1664xf32> to vector<8x1664xf32>
    %sub3A_4534 = vector.broadcast %select_n3A_4410 : f32 to vector<8x1664xf32>
    %sub3A_4535 = arith.subf %get3A_4533, %sub3A_4534 : vector<8x1664xf32>
    %max3A_4536 = arith.constant 0.000000e+00 : f32
    %max3A_4537 = vector.broadcast %max3A_4536 : f32 to vector<8x1664xf32>
    %max3A_4538 = arith.maximumf %sub3A_4535, %max3A_4537 : vector<8x1664xf32>
    %add3A_4539 = arith.addf %add3A_4520, %max3A_4538 : vector<8x1664xf32>
    %gt3A_4540 = vector.broadcast %select_n3A_4410 : f32 to vector<8x1664xf32>
    %gt3A_4541 = arith.cmpf ogt, %get3A_4533, %gt3A_4540 : vector<8x1664xf32>
    %jit3A_4542 = arith.constant 1.000000e+00 : f32
    %jit3A_4543 = arith.constant 0.000000e+00 : f32
    %broadcast_in_dim3A_4544 = vector.broadcast %jit3A_4542 : f32 to vector<8x1664xf32>
    %broadcast_in_dim3A_4545 = vector.broadcast %jit3A_4543 : f32 to vector<8x1664xf32>
    %select_n3A_4546 = arith.select %gt3A_4541, %broadcast_in_dim3A_4544, %broadcast_in_dim3A_4545 : vector<8x1664xi1>, vector<8x1664xf32>
    %add3A_4547 = arith.addf %add3A_4528, %select_n3A_4546 : vector<8x1664xf32>
    %get3A_4548 = arith.constant 1 : index
    %get3A_4549 = arith.constant 0 : index
    %get3A_4550 = arith.constant 11648 : index
    %get3A_4551 = vector.load %arg5[%get3A_4548, %get3A_4549, %get3A_4550] : memref<2x8x13312xf32, #tpu.memory_space<vmem>>, vector<1x8x1664xf32>
    %get3A_4552 = vector.shape_cast %get3A_4551 : vector<1x8x1664xf32> to vector<8x1664xf32>
    %sub3A_4553 = vector.broadcast %select_n3A_4410 : f32 to vector<8x1664xf32>
    %sub3A_4554 = arith.subf %get3A_4552, %sub3A_4553 : vector<8x1664xf32>
    %max3A_4555 = arith.constant 0.000000e+00 : f32
    %max3A_4556 = vector.broadcast %max3A_4555 : f32 to vector<8x1664xf32>
    %max3A_4557 = arith.maximumf %sub3A_4554, %max3A_4556 : vector<8x1664xf32>
    %add3A_4558 = arith.addf %add3A_4539, %max3A_4557 : vector<8x1664xf32>
    %gt3A_4559 = vector.broadcast %select_n3A_4410 : f32 to vector<8x1664xf32>
    %gt3A_4560 = arith.cmpf ogt, %get3A_4552, %gt3A_4559 : vector<8x1664xf32>
    %jit3A_4561 = arith.constant 1.000000e+00 : f32
    %jit3A_4562 = arith.constant 0.000000e+00 : f32
    %broadcast_in_dim3A_4563 = vector.broadcast %jit3A_4561 : f32 to vector<8x1664xf32>
    %broadcast_in_dim3A_4564 = vector.broadcast %jit3A_4562 : f32 to vector<8x1664xf32>
    %select_n3A_4565 = arith.select %gt3A_4560, %broadcast_in_dim3A_4563, %broadcast_in_dim3A_4564 : vector<8x1664xi1>, vector<8x1664xf32>
    %add3A_4566 = arith.addf %add3A_4547, %select_n3A_4565 : vector<8x1664xf32>
    %slice3A_4567 = vector.extract_strided_slice %add3A_4558 {offsets = [0, 0], sizes = [8, 896], strides = [1, 1]} : vector<8x1664xf32> to vector<8x896xf32>
    %slice3A_4568 = vector.extract_strided_slice %add3A_4558 {offsets = [0, 896], sizes = [8, 768], strides = [1, 1]} : vector<8x1664xf32> to vector<8x768xf32>
    %broadcast_in_dim3A_4569 = arith.constant 0.000000e+00 : f32
    %broadcast_in_dim3A_4570 = vector.broadcast %broadcast_in_dim3A_4569 : f32 to vector<8x128xf32>
    %concatenate3A_4571 = tpu.concatenate %slice3A_4568, %broadcast_in_dim3A_4570 in 1 : vector<8x768xf32>, vector<8x128xf32> -> vector<8x896xf32>
    %add3A_4572 = arith.addf %slice3A_4567, %concatenate3A_4571 : vector<8x896xf32>
    %slice3A_4573 = vector.extract_strided_slice %add3A_4572 {offsets = [0, 0], sizes = [8, 512], strides = [1, 1]} : vector<8x896xf32> to vector<8x512xf32>
    %slice3A_4574 = vector.extract_strided_slice %add3A_4572 {offsets = [0, 512], sizes = [8, 384], strides = [1, 1]} : vector<8x896xf32> to vector<8x384xf32>
    %broadcast_in_dim3A_4575 = arith.constant 0.000000e+00 : f32
    %broadcast_in_dim3A_4576 = vector.broadcast %broadcast_in_dim3A_4575 : f32 to vector<8x128xf32>
    %concatenate3A_4577 = tpu.concatenate %slice3A_4574, %broadcast_in_dim3A_4576 in 1 : vector<8x384xf32>, vector<8x128xf32> -> vector<8x512xf32>
    %add3A_4578 = arith.addf %slice3A_4573, %concatenate3A_4577 : vector<8x512xf32>
    %slice3A_4579 = vector.extract_strided_slice %add3A_4578 {offsets = [0, 0], sizes = [8, 256], strides = [1, 1]} : vector<8x512xf32> to vector<8x256xf32>
    %slice3A_4580 = vector.extract_strided_slice %add3A_4578 {offsets = [0, 256], sizes = [8, 256], strides = [1, 1]} : vector<8x512xf32> to vector<8x256xf32>
    %add3A_4581 = arith.addf %slice3A_4579, %slice3A_4580 : vector<8x256xf32>
    %slice3A_4582 = vector.extract_strided_slice %add3A_4581 {offsets = [0, 0], sizes = [8, 128], strides = [1, 1]} : vector<8x256xf32> to vector<8x128xf32>
    %slice3A_4583 = vector.extract_strided_slice %add3A_4581 {offsets = [0, 128], sizes = [8, 128], strides = [1, 1]} : vector<8x256xf32> to vector<8x128xf32>
    %add3A_4584 = arith.addf %slice3A_4582, %slice3A_4583 : vector<8x128xf32>
    %reduce_sum3A_4585 = vector.shape_cast %add3A_4584 : vector<8x128xf32> to vector<1x8x128xf32>
    %reduce_sum3A_4586 = arith.constant dense<0.000000e+00> : vector<1xf32>
    %reduce_sum3A_4587 = vector.multi_reduction <add>, %reduce_sum3A_4585, %reduce_sum3A_4586 [1, 2] : vector<1x8x128xf32> to vector<1xf32>
    %reduce_sum3A_4588 = vector.shape_cast %reduce_sum3A_4587 : vector<1xf32> to vector<1x1x1xf32>
    %reduce_sum3A_4589 = vector.extract %reduce_sum3A_4588[0, 0, 0] : f32 from vector<1x1x1xf32>
    %slice3A_4590 = vector.extract_strided_slice %add3A_4566 {offsets = [0, 0], sizes = [8, 896], strides = [1, 1]} : vector<8x1664xf32> to vector<8x896xf32>
    %slice3A_4591 = vector.extract_strided_slice %add3A_4566 {offsets = [0, 896], sizes = [8, 768], strides = [1, 1]} : vector<8x1664xf32> to vector<8x768xf32>
    %broadcast_in_dim3A_4592 = arith.constant 0.000000e+00 : f32
    %broadcast_in_dim3A_4593 = vector.broadcast %broadcast_in_dim3A_4592 : f32 to vector<8x128xf32>
    %concatenate3A_4594 = tpu.concatenate %slice3A_4591, %broadcast_in_dim3A_4593 in 1 : vector<8x768xf32>, vector<8x128xf32> -> vector<8x896xf32>
    %add3A_4595 = arith.addf %slice3A_4590, %concatenate3A_4594 : vector<8x896xf32>
    %slice3A_4596 = vector.extract_strided_slice %add3A_4595 {offsets = [0, 0], sizes = [8, 512], strides = [1, 1]} : vector<8x896xf32> to vector<8x512xf32>
    %slice3A_4597 = vector.extract_strided_slice %add3A_4595 {offsets = [0, 512], sizes = [8, 384], strides = [1, 1]} : vector<8x896xf32> to vector<8x384xf32>
    %broadcast_in_dim3A_4598 = arith.constant 0.000000e+00 : f32
    %broadcast_in_dim3A_4599 = vector.broadcast %broadcast_in_dim3A_4598 : f32 to vector<8x128xf32>
    %concatenate3A_4600 = tpu.concatenate %slice3A_4597, %broadcast_in_dim3A_4599 in 1 : vector<8x384xf32>, vector<8x128xf32> -> vector<8x512xf32>
    %add3A_4601 = arith.addf %slice3A_4596, %concatenate3A_4600 : vector<8x512xf32>
    %slice3A_4602 = vector.extract_strided_slice %add3A_4601 {offsets = [0, 0], sizes = [8, 256], strides = [1, 1]} : vector<8x512xf32> to vector<8x256xf32>
    %slice3A_4603 = vector.extract_strided_slice %add3A_4601 {offsets = [0, 256], sizes = [8, 256], strides = [1, 1]} : vector<8x512xf32> to vector<8x256xf32>
    %add3A_4604 = arith.addf %slice3A_4602, %slice3A_4603 : vector<8x256xf32>
    %slice3A_4605 = vector.extract_strided_slice %add3A_4604 {offsets = [0, 0], sizes = [8, 128], strides = [1, 1]} : vector<8x256xf32> to vector<8x128xf32>
    %slice3A_4606 = vector.extract_strided_slice %add3A_4604 {offsets = [0, 128], sizes = [8, 128], strides = [1, 1]} : vector<8x256xf32> to vector<8x128xf32>
    %add3A_4607 = arith.addf %slice3A_4605, %slice3A_4606 : vector<8x128xf32>
    %reduce_sum3A_4608 = vector.shape_cast %add3A_4607 : vector<8x128xf32> to vector<1x8x128xf32>
    %reduce_sum3A_4609 = arith.constant dense<0.000000e+00> : vector<1xf32>
    %reduce_sum3A_4610 = vector.multi_reduction <add>, %reduce_sum3A_4608, %reduce_sum3A_4609 [1, 2] : vector<1x8x128xf32> to vector<1xf32>
    %reduce_sum3A_4611 = vector.shape_cast %reduce_sum3A_4610 : vector<1xf32> to vector<1x1x1xf32>
    %reduce_sum3A_4612 = vector.extract %reduce_sum3A_4611[0, 0, 0] : f32 from vector<1x1x1xf32>
    %gt3A_4613 = arith.constant 0.000000e+00 : f32
    %gt3A_4614 = arith.cmpf ogt, %reduce_sum3A_4612, %gt3A_4613 : f32
    %sub3A_4615 = arith.constant 1.000000e+00 : f32
    %sub3A_4616 = arith.subf %reduce_sum3A_4589, %sub3A_4615 : f32
    %div3A_4617 = arith.divf %sub3A_4616, %reduce_sum3A_4612 : f32
    %add3A_4618 = arith.addf %select_n3A_4410, %div3A_4617 : f32
    %select_n3A_4619 = arith.select %gt3A_4614, %add3A_4618, %select_n3A_4410 : f32
    %broadcast_in_dim3A_4620 = arith.constant 0.000000e+00 : f32
    %broadcast_in_dim3A_4621 = vector.broadcast %broadcast_in_dim3A_4620 : f32 to vector<8x1664xf32>
    %broadcast_in_dim3A_4622 = arith.constant 0.000000e+00 : f32
    %broadcast_in_dim3A_4623 = vector.broadcast %broadcast_in_dim3A_4622 : f32 to vector<8x1664xf32>
    %get3A_4624 = arith.constant 1 : index
    %get3A_4625 = arith.constant 0 : index
    %get3A_4626 = arith.constant 0 : index
    %get3A_4627 = vector.load %arg5[%get3A_4624, %get3A_4625, %get3A_4626] : memref<2x8x13312xf32, #tpu.memory_space<vmem>>, vector<1x8x1664xf32>
    %get3A_4628 = vector.shape_cast %get3A_4627 : vector<1x8x1664xf32> to vector<8x1664xf32>
    %sub3A_4629 = vector.broadcast %select_n3A_4619 : f32 to vector<8x1664xf32>
    %sub3A_4630 = arith.subf %get3A_4628, %sub3A_4629 : vector<8x1664xf32>
    %max3A_4631 = arith.constant 0.000000e+00 : f32
    %max3A_4632 = vector.broadcast %max3A_4631 : f32 to vector<8x1664xf32>
    %max3A_4633 = arith.maximumf %sub3A_4630, %max3A_4632 : vector<8x1664xf32>
    %add3A_4634 = arith.addf %broadcast_in_dim3A_4621, %max3A_4633 : vector<8x1664xf32>
    %gt3A_4635 = vector.broadcast %select_n3A_4619 : f32 to vector<8x1664xf32>
    %gt3A_4636 = arith.cmpf ogt, %get3A_4628, %gt3A_4635 : vector<8x1664xf32>
    %jit3A_4637 = arith.constant 1.000000e+00 : f32
    %jit3A_4638 = arith.constant 0.000000e+00 : f32
    %broadcast_in_dim3A_4639 = vector.broadcast %jit3A_4637 : f32 to vector<8x1664xf32>
    %broadcast_in_dim3A_4640 = vector.broadcast %jit3A_4638 : f32 to vector<8x1664xf32>
    %select_n3A_4641 = arith.select %gt3A_4636, %broadcast_in_dim3A_4639, %broadcast_in_dim3A_4640 : vector<8x1664xi1>, vector<8x1664xf32>
    %add3A_4642 = arith.addf %broadcast_in_dim3A_4623, %select_n3A_4641 : vector<8x1664xf32>
    %get3A_4643 = arith.constant 1 : index
    %get3A_4644 = arith.constant 0 : index
    %get3A_4645 = arith.constant 1664 : index
    %get3A_4646 = vector.load %arg5[%get3A_4643, %get3A_4644, %get3A_4645] : memref<2x8x13312xf32, #tpu.memory_space<vmem>>, vector<1x8x1664xf32>
    %get3A_4647 = vector.shape_cast %get3A_4646 : vector<1x8x1664xf32> to vector<8x1664xf32>
    %sub3A_4648 = vector.broadcast %select_n3A_4619 : f32 to vector<8x1664xf32>
    %sub3A_4649 = arith.subf %get3A_4647, %sub3A_4648 : vector<8x1664xf32>
    %max3A_4650 = arith.constant 0.000000e+00 : f32
    %max3A_4651 = vector.broadcast %max3A_4650 : f32 to vector<8x1664xf32>
    %max3A_4652 = arith.maximumf %sub3A_4649, %max3A_4651 : vector<8x1664xf32>
    %add3A_4653 = arith.addf %add3A_4634, %max3A_4652 : vector<8x1664xf32>
    %gt3A_4654 = vector.broadcast %select_n3A_4619 : f32 to vector<8x1664xf32>
    %gt3A_4655 = arith.cmpf ogt, %get3A_4647, %gt3A_4654 : vector<8x1664xf32>
    %jit3A_4656 = arith.constant 1.000000e+00 : f32
    %jit3A_4657 = arith.constant 0.000000e+00 : f32
    %broadcast_in_dim3A_4658 = vector.broadcast %jit3A_4656 : f32 to vector<8x1664xf32>
    %broadcast_in_dim3A_4659 = vector.broadcast %jit3A_4657 : f32 to vector<8x1664xf32>
    %select_n3A_4660 = arith.select %gt3A_4655, %broadcast_in_dim3A_4658, %broadcast_in_dim3A_4659 : vector<8x1664xi1>, vector<8x1664xf32>
    %add3A_4661 = arith.addf %add3A_4642, %select_n3A_4660 : vector<8x1664xf32>
    %get3A_4662 = arith.constant 1 : index
    %get3A_4663 = arith.constant 0 : index
    %get3A_4664 = arith.constant 3328 : index
    %get3A_4665 = vector.load %arg5[%get3A_4662, %get3A_4663, %get3A_4664] : memref<2x8x13312xf32, #tpu.memory_space<vmem>>, vector<1x8x1664xf32>
    %get3A_4666 = vector.shape_cast %get3A_4665 : vector<1x8x1664xf32> to vector<8x1664xf32>
    %sub3A_4667 = vector.broadcast %select_n3A_4619 : f32 to vector<8x1664xf32>
    %sub3A_4668 = arith.subf %get3A_4666, %sub3A_4667 : vector<8x1664xf32>
    %max3A_4669 = arith.constant 0.000000e+00 : f32
    %max3A_4670 = vector.broadcast %max3A_4669 : f32 to vector<8x1664xf32>
    %max3A_4671 = arith.maximumf %sub3A_4668, %max3A_4670 : vector<8x1664xf32>
    %add3A_4672 = arith.addf %add3A_4653, %max3A_4671 : vector<8x1664xf32>
    %gt3A_4673 = vector.broadcast %select_n3A_4619 : f32 to vector<8x1664xf32>
    %gt3A_4674 = arith.cmpf ogt, %get3A_4666, %gt3A_4673 : vector<8x1664xf32>
    %jit3A_4675 = arith.constant 1.000000e+00 : f32
    %jit3A_4676 = arith.constant 0.000000e+00 : f32
    %broadcast_in_dim3A_4677 = vector.broadcast %jit3A_4675 : f32 to vector<8x1664xf32>
    %broadcast_in_dim3A_4678 = vector.broadcast %jit3A_4676 : f32 to vector<8x1664xf32>
    %select_n3A_4679 = arith.select %gt3A_4674, %broadcast_in_dim3A_4677, %broadcast_in_dim3A_4678 : vector<8x1664xi1>, vector<8x1664xf32>
    %add3A_4680 = arith.addf %add3A_4661, %select_n3A_4679 : vector<8x1664xf32>
    %get3A_4681 = arith.constant 1 : index
    %get3A_4682 = arith.constant 0 : index
    %get3A_4683 = arith.constant 4992 : index
    %get3A_4684 = vector.load %arg5[%get3A_4681, %get3A_4682, %get3A_4683] : memref<2x8x13312xf32, #tpu.memory_space<vmem>>, vector<1x8x1664xf32>
    %get3A_4685 = vector.shape_cast %get3A_4684 : vector<1x8x1664xf32> to vector<8x1664xf32>
    %sub3A_4686 = vector.broadcast %select_n3A_4619 : f32 to vector<8x1664xf32>
    %sub3A_4687 = arith.subf %get3A_4685, %sub3A_4686 : vector<8x1664xf32>
    %max3A_4688 = arith.constant 0.000000e+00 : f32
    %max3A_4689 = vector.broadcast %max3A_4688 : f32 to vector<8x1664xf32>
    %max3A_4690 = arith.maximumf %sub3A_4687, %max3A_4689 : vector<8x1664xf32>
    %add3A_4691 = arith.addf %add3A_4672, %max3A_4690 : vector<8x1664xf32>
    %gt3A_4692 = vector.broadcast %select_n3A_4619 : f32 to vector<8x1664xf32>
    %gt3A_4693 = arith.cmpf ogt, %get3A_4685, %gt3A_4692 : vector<8x1664xf32>
    %jit3A_4694 = arith.constant 1.000000e+00 : f32
    %jit3A_4695 = arith.constant 0.000000e+00 : f32
    %broadcast_in_dim3A_4696 = vector.broadcast %jit3A_4694 : f32 to vector<8x1664xf32>
    %broadcast_in_dim3A_4697 = vector.broadcast %jit3A_4695 : f32 to vector<8x1664xf32>
    %select_n3A_4698 = arith.select %gt3A_4693, %broadcast_in_dim3A_4696, %broadcast_in_dim3A_4697 : vector<8x1664xi1>, vector<8x1664xf32>
    %add3A_4699 = arith.addf %add3A_4680, %select_n3A_4698 : vector<8x1664xf32>
    %get3A_4700 = arith.constant 1 : index
    %get3A_4701 = arith.constant 0 : index
    %get3A_4702 = arith.constant 6656 : index
    %get3A_4703 = vector.load %arg5[%get3A_4700, %get3A_4701, %get3A_4702] : memref<2x8x13312xf32, #tpu.memory_space<vmem>>, vector<1x8x1664xf32>
    %get3A_4704 = vector.shape_cast %get3A_4703 : vector<1x8x1664xf32> to vector<8x1664xf32>
    %sub3A_4705 = vector.broadcast %select_n3A_4619 : f32 to vector<8x1664xf32>
    %sub3A_4706 = arith.subf %get3A_4704, %sub3A_4705 : vector<8x1664xf32>
    %max3A_4707 = arith.constant 0.000000e+00 : f32
    %max3A_4708 = vector.broadcast %max3A_4707 : f32 to vector<8x1664xf32>
    %max3A_4709 = arith.maximumf %sub3A_4706, %max3A_4708 : vector<8x1664xf32>
    %add3A_4710 = arith.addf %add3A_4691, %max3A_4709 : vector<8x1664xf32>
    %gt3A_4711 = vector.broadcast %select_n3A_4619 : f32 to vector<8x1664xf32>
    %gt3A_4712 = arith.cmpf ogt, %get3A_4704, %gt3A_4711 : vector<8x1664xf32>
    %jit3A_4713 = arith.constant 1.000000e+00 : f32
    %jit3A_4714 = arith.constant 0.000000e+00 : f32
    %broadcast_in_dim3A_4715 = vector.broadcast %jit3A_4713 : f32 to vector<8x1664xf32>
    %broadcast_in_dim3A_4716 = vector.broadcast %jit3A_4714 : f32 to vector<8x1664xf32>
    %select_n3A_4717 = arith.select %gt3A_4712, %broadcast_in_dim3A_4715, %broadcast_in_dim3A_4716 : vector<8x1664xi1>, vector<8x1664xf32>
    %add3A_4718 = arith.addf %add3A_4699, %select_n3A_4717 : vector<8x1664xf32>
    %get3A_4719 = arith.constant 1 : index
    %get3A_4720 = arith.constant 0 : index
    %get3A_4721 = arith.constant 8320 : index
    %get3A_4722 = vector.load %arg5[%get3A_4719, %get3A_4720, %get3A_4721] : memref<2x8x13312xf32, #tpu.memory_space<vmem>>, vector<1x8x1664xf32>
    %get3A_4723 = vector.shape_cast %get3A_4722 : vector<1x8x1664xf32> to vector<8x1664xf32>
    %sub3A_4724 = vector.broadcast %select_n3A_4619 : f32 to vector<8x1664xf32>
    %sub3A_4725 = arith.subf %get3A_4723, %sub3A_4724 : vector<8x1664xf32>
    %max3A_4726 = arith.constant 0.000000e+00 : f32
    %max3A_4727 = vector.broadcast %max3A_4726 : f32 to vector<8x1664xf32>
    %max3A_4728 = arith.maximumf %sub3A_4725, %max3A_4727 : vector<8x1664xf32>
    %add3A_4729 = arith.addf %add3A_4710, %max3A_4728 : vector<8x1664xf32>
    %gt3A_4730 = vector.broadcast %select_n3A_4619 : f32 to vector<8x1664xf32>
    %gt3A_4731 = arith.cmpf ogt, %get3A_4723, %gt3A_4730 : vector<8x1664xf32>
    %jit3A_4732 = arith.constant 1.000000e+00 : f32
    %jit3A_4733 = arith.constant 0.000000e+00 : f32
    %broadcast_in_dim3A_4734 = vector.broadcast %jit3A_4732 : f32 to vector<8x1664xf32>
    %broadcast_in_dim3A_4735 = vector.broadcast %jit3A_4733 : f32 to vector<8x1664xf32>
    %select_n3A_4736 = arith.select %gt3A_4731, %broadcast_in_dim3A_4734, %broadcast_in_dim3A_4735 : vector<8x1664xi1>, vector<8x1664xf32>
    %add3A_4737 = arith.addf %add3A_4718, %select_n3A_4736 : vector<8x1664xf32>
    %get3A_4738 = arith.constant 1 : index
    %get3A_4739 = arith.constant 0 : index
    %get3A_4740 = arith.constant 9984 : index
    %get3A_4741 = vector.load %arg5[%get3A_4738, %get3A_4739, %get3A_4740] : memref<2x8x13312xf32, #tpu.memory_space<vmem>>, vector<1x8x1664xf32>
    %get3A_4742 = vector.shape_cast %get3A_4741 : vector<1x8x1664xf32> to vector<8x1664xf32>
    %sub3A_4743 = vector.broadcast %select_n3A_4619 : f32 to vector<8x1664xf32>
    %sub3A_4744 = arith.subf %get3A_4742, %sub3A_4743 : vector<8x1664xf32>
    %max3A_4745 = arith.constant 0.000000e+00 : f32
    %max3A_4746 = vector.broadcast %max3A_4745 : f32 to vector<8x1664xf32>
    %max3A_4747 = arith.maximumf %sub3A_4744, %max3A_4746 : vector<8x1664xf32>
    %add3A_4748 = arith.addf %add3A_4729, %max3A_4747 : vector<8x1664xf32>
    %gt3A_4749 = vector.broadcast %select_n3A_4619 : f32 to vector<8x1664xf32>
    %gt3A_4750 = arith.cmpf ogt, %get3A_4742, %gt3A_4749 : vector<8x1664xf32>
    %jit3A_4751 = arith.constant 1.000000e+00 : f32
    %jit3A_4752 = arith.constant 0.000000e+00 : f32
    %broadcast_in_dim3A_4753 = vector.broadcast %jit3A_4751 : f32 to vector<8x1664xf32>
    %broadcast_in_dim3A_4754 = vector.broadcast %jit3A_4752 : f32 to vector<8x1664xf32>
    %select_n3A_4755 = arith.select %gt3A_4750, %broadcast_in_dim3A_4753, %broadcast_in_dim3A_4754 : vector<8x1664xi1>, vector<8x1664xf32>
    %add3A_4756 = arith.addf %add3A_4737, %select_n3A_4755 : vector<8x1664xf32>
    %get3A_4757 = arith.constant 1 : index
    %get3A_4758 = arith.constant 0 : index
    %get3A_4759 = arith.constant 11648 : index
    %get3A_4760 = vector.load %arg5[%get3A_4757, %get3A_4758, %get3A_4759] : memref<2x8x13312xf32, #tpu.memory_space<vmem>>, vector<1x8x1664xf32>
    %get3A_4761 = vector.shape_cast %get3A_4760 : vector<1x8x1664xf32> to vector<8x1664xf32>
    %sub3A_4762 = vector.broadcast %select_n3A_4619 : f32 to vector<8x1664xf32>
    %sub3A_4763 = arith.subf %get3A_4761, %sub3A_4762 : vector<8x1664xf32>
    %max3A_4764 = arith.constant 0.000000e+00 : f32
    %max3A_4765 = vector.broadcast %max3A_4764 : f32 to vector<8x1664xf32>
    %max3A_4766 = arith.maximumf %sub3A_4763, %max3A_4765 : vector<8x1664xf32>
    %add3A_4767 = arith.addf %add3A_4748, %max3A_4766 : vector<8x1664xf32>
    %gt3A_4768 = vector.broadcast %select_n3A_4619 : f32 to vector<8x1664xf32>
    %gt3A_4769 = arith.cmpf ogt, %get3A_4761, %gt3A_4768 : vector<8x1664xf32>
    %jit3A_4770 = arith.constant 1.000000e+00 : f32
    %jit3A_4771 = arith.constant 0.000000e+00 : f32
    %broadcast_in_dim3A_4772 = vector.broadcast %jit3A_4770 : f32 to vector<8x1664xf32>
    %broadcast_in_dim3A_4773 = vector.broadcast %jit3A_4771 : f32 to vector<8x1664xf32>
    %select_n3A_4774 = arith.select %gt3A_4769, %broadcast_in_dim3A_4772, %broadcast_in_dim3A_4773 : vector<8x1664xi1>, vector<8x1664xf32>
    %add3A_4775 = arith.addf %add3A_4756, %select_n3A_4774 : vector<8x1664xf32>
    %slice3A_4776 = vector.extract_strided_slice %add3A_4767 {offsets = [0, 0], sizes = [8, 896], strides = [1, 1]} : vector<8x1664xf32> to vector<8x896xf32>
    %slice3A_4777 = vector.extract_strided_slice %add3A_4767 {offsets = [0, 896], sizes = [8, 768], strides = [1, 1]} : vector<8x1664xf32> to vector<8x768xf32>
    %broadcast_in_dim3A_4778 = arith.constant 0.000000e+00 : f32
    %broadcast_in_dim3A_4779 = vector.broadcast %broadcast_in_dim3A_4778 : f32 to vector<8x128xf32>
    %concatenate3A_4780 = tpu.concatenate %slice3A_4777, %broadcast_in_dim3A_4779 in 1 : vector<8x768xf32>, vector<8x128xf32> -> vector<8x896xf32>
    %add3A_4781 = arith.addf %slice3A_4776, %concatenate3A_4780 : vector<8x896xf32>
    %slice3A_4782 = vector.extract_strided_slice %add3A_4781 {offsets = [0, 0], sizes = [8, 512], strides = [1, 1]} : vector<8x896xf32> to vector<8x512xf32>
    %slice3A_4783 = vector.extract_strided_slice %add3A_4781 {offsets = [0, 512], sizes = [8, 384], strides = [1, 1]} : vector<8x896xf32> to vector<8x384xf32>
    %broadcast_in_dim3A_4784 = arith.constant 0.000000e+00 : f32
    %broadcast_in_dim3A_4785 = vector.broadcast %broadcast_in_dim3A_4784 : f32 to vector<8x128xf32>
    %concatenate3A_4786 = tpu.concatenate %slice3A_4783, %broadcast_in_dim3A_4785 in 1 : vector<8x384xf32>, vector<8x128xf32> -> vector<8x512xf32>
    %add3A_4787 = arith.addf %slice3A_4782, %concatenate3A_4786 : vector<8x512xf32>
    %slice3A_4788 = vector.extract_strided_slice %add3A_4787 {offsets = [0, 0], sizes = [8, 256], strides = [1, 1]} : vector<8x512xf32> to vector<8x256xf32>
    %slice3A_4789 = vector.extract_strided_slice %add3A_4787 {offsets = [0, 256], sizes = [8, 256], strides = [1, 1]} : vector<8x512xf32> to vector<8x256xf32>
    %add3A_4790 = arith.addf %slice3A_4788, %slice3A_4789 : vector<8x256xf32>
    %slice3A_4791 = vector.extract_strided_slice %add3A_4790 {offsets = [0, 0], sizes = [8, 128], strides = [1, 1]} : vector<8x256xf32> to vector<8x128xf32>
    %slice3A_4792 = vector.extract_strided_slice %add3A_4790 {offsets = [0, 128], sizes = [8, 128], strides = [1, 1]} : vector<8x256xf32> to vector<8x128xf32>
    %add3A_4793 = arith.addf %slice3A_4791, %slice3A_4792 : vector<8x128xf32>
    %reduce_sum3A_4794 = vector.shape_cast %add3A_4793 : vector<8x128xf32> to vector<1x8x128xf32>
    %reduce_sum3A_4795 = arith.constant dense<0.000000e+00> : vector<1xf32>
    %reduce_sum3A_4796 = vector.multi_reduction <add>, %reduce_sum3A_4794, %reduce_sum3A_4795 [1, 2] : vector<1x8x128xf32> to vector<1xf32>
    %reduce_sum3A_4797 = vector.shape_cast %reduce_sum3A_4796 : vector<1xf32> to vector<1x1x1xf32>
    %reduce_sum3A_4798 = vector.extract %reduce_sum3A_4797[0, 0, 0] : f32 from vector<1x1x1xf32>
    %slice3A_4799 = vector.extract_strided_slice %add3A_4775 {offsets = [0, 0], sizes = [8, 896], strides = [1, 1]} : vector<8x1664xf32> to vector<8x896xf32>
    %slice3A_4800 = vector.extract_strided_slice %add3A_4775 {offsets = [0, 896], sizes = [8, 768], strides = [1, 1]} : vector<8x1664xf32> to vector<8x768xf32>
    %broadcast_in_dim3A_4801 = arith.constant 0.000000e+00 : f32
    %broadcast_in_dim3A_4802 = vector.broadcast %broadcast_in_dim3A_4801 : f32 to vector<8x128xf32>
    %concatenate3A_4803 = tpu.concatenate %slice3A_4800, %broadcast_in_dim3A_4802 in 1 : vector<8x768xf32>, vector<8x128xf32> -> vector<8x896xf32>
    %add3A_4804 = arith.addf %slice3A_4799, %concatenate3A_4803 : vector<8x896xf32>
    %slice3A_4805 = vector.extract_strided_slice %add3A_4804 {offsets = [0, 0], sizes = [8, 512], strides = [1, 1]} : vector<8x896xf32> to vector<8x512xf32>
    %slice3A_4806 = vector.extract_strided_slice %add3A_4804 {offsets = [0, 512], sizes = [8, 384], strides = [1, 1]} : vector<8x896xf32> to vector<8x384xf32>
    %broadcast_in_dim3A_4807 = arith.constant 0.000000e+00 : f32
    %broadcast_in_dim3A_4808 = vector.broadcast %broadcast_in_dim3A_4807 : f32 to vector<8x128xf32>
    %concatenate3A_4809 = tpu.concatenate %slice3A_4806, %broadcast_in_dim3A_4808 in 1 : vector<8x384xf32>, vector<8x128xf32> -> vector<8x512xf32>
    %add3A_4810 = arith.addf %slice3A_4805, %concatenate3A_4809 : vector<8x512xf32>
    %slice3A_4811 = vector.extract_strided_slice %add3A_4810 {offsets = [0, 0], sizes = [8, 256], strides = [1, 1]} : vector<8x512xf32> to vector<8x256xf32>
    %slice3A_4812 = vector.extract_strided_slice %add3A_4810 {offsets = [0, 256], sizes = [8, 256], strides = [1, 1]} : vector<8x512xf32> to vector<8x256xf32>
    %add3A_4813 = arith.addf %slice3A_4811, %slice3A_4812 : vector<8x256xf32>
    %slice3A_4814 = vector.extract_strided_slice %add3A_4813 {offsets = [0, 0], sizes = [8, 128], strides = [1, 1]} : vector<8x256xf32> to vector<8x128xf32>
    %slice3A_4815 = vector.extract_strided_slice %add3A_4813 {offsets = [0, 128], sizes = [8, 128], strides = [1, 1]} : vector<8x256xf32> to vector<8x128xf32>
    %add3A_4816 = arith.addf %slice3A_4814, %slice3A_4815 : vector<8x128xf32>
    %reduce_sum3A_4817 = vector.shape_cast %add3A_4816 : vector<8x128xf32> to vector<1x8x128xf32>
    %reduce_sum3A_4818 = arith.constant dense<0.000000e+00> : vector<1xf32>
    %reduce_sum3A_4819 = vector.multi_reduction <add>, %reduce_sum3A_4817, %reduce_sum3A_4818 [1, 2] : vector<1x8x128xf32> to vector<1xf32>
    %reduce_sum3A_4820 = vector.shape_cast %reduce_sum3A_4819 : vector<1xf32> to vector<1x1x1xf32>
    %reduce_sum3A_4821 = vector.extract %reduce_sum3A_4820[0, 0, 0] : f32 from vector<1x1x1xf32>
    %gt3A_4822 = arith.constant 0.000000e+00 : f32
    %gt3A_4823 = arith.cmpf ogt, %reduce_sum3A_4821, %gt3A_4822 : f32
    %sub3A_4824 = arith.constant 1.000000e+00 : f32
    %sub3A_4825 = arith.subf %reduce_sum3A_4798, %sub3A_4824 : f32
    %div3A_4826 = arith.divf %sub3A_4825, %reduce_sum3A_4821 : f32
    %add3A_4827 = arith.addf %select_n3A_4619, %div3A_4826 : f32
    %select_n3A_4828 = arith.select %gt3A_4823, %add3A_4827, %select_n3A_4619 : f32
    %get3A_4829 = arith.constant 1 : index
    %get3A_4830 = arith.constant 0 : index
    %get3A_4831 = arith.constant 0 : index
    %get3A_4832 = vector.load %arg5[%get3A_4829, %get3A_4830, %get3A_4831] : memref<2x8x13312xf32, #tpu.memory_space<vmem>>, vector<1x8x1664xf32>
    %get3A_4833 = vector.shape_cast %get3A_4832 : vector<1x8x1664xf32> to vector<8x1664xf32>
    %sub3A_4834 = vector.broadcast %select_n3A_4828 : f32 to vector<8x1664xf32>
    %sub3A_4835 = arith.subf %get3A_4833, %sub3A_4834 : vector<8x1664xf32>
    %max3A_4836 = arith.constant 0.000000e+00 : f32
    %max3A_4837 = vector.broadcast %max3A_4836 : f32 to vector<8x1664xf32>
    %max3A_4838 = arith.maximumf %sub3A_4835, %max3A_4837 : vector<8x1664xf32>
    %swap3A_4839 = arith.constant 1 : index
    %swap3A_4840 = arith.constant 0 : index
    %swap3A_4841 = arith.constant 0 : index
    %swap3A_4842 = vector.load %arg3[%swap3A_4839, %swap3A_4840, %swap3A_4841] : memref<2x8x12500xf32, #tpu.memory_space<vmem>>, vector<1x8x1664xf32>
    %swap3A_4843 = vector.shape_cast %swap3A_4842 : vector<1x8x1664xf32> to vector<8x1664xf32>
    %swap3A_4844 = vector.shape_cast %max3A_4838 : vector<8x1664xf32> to vector<1x8x1664xf32>
    tpu.vector_store %arg3[%swap3A_4839, %swap3A_4840, %swap3A_4841], %swap3A_4844 {strides = array<i32>} : memref<2x8x12500xf32, #tpu.memory_space<vmem>>, vector<1x8x1664xf32>,
    %get3A_4845 = arith.constant 1 : index
    %get3A_4846 = arith.constant 0 : index
    %get3A_4847 = arith.constant 1664 : index
    %get3A_4848 = vector.load %arg5[%get3A_4845, %get3A_4846, %get3A_4847] : memref<2x8x13312xf32, #tpu.memory_space<vmem>>, vector<1x8x1664xf32>
    %get3A_4849 = vector.shape_cast %get3A_4848 : vector<1x8x1664xf32> to vector<8x1664xf32>
    %sub3A_4850 = vector.broadcast %select_n3A_4828 : f32 to vector<8x1664xf32>
    %sub3A_4851 = arith.subf %get3A_4849, %sub3A_4850 : vector<8x1664xf32>
    %max3A_4852 = arith.constant 0.000000e+00 : f32
    %max3A_4853 = vector.broadcast %max3A_4852 : f32 to vector<8x1664xf32>
    %max3A_4854 = arith.maximumf %sub3A_4851, %max3A_4853 : vector<8x1664xf32>
    %swap3A_4855 = arith.constant 1 : index
    %swap3A_4856 = arith.constant 0 : index
    %swap3A_4857 = arith.constant 1664 : index
    %swap3A_4858 = vector.load %arg3[%swap3A_4855, %swap3A_4856, %swap3A_4857] : memref<2x8x12500xf32, #tpu.memory_space<vmem>>, vector<1x8x1664xf32>
    %swap3A_4859 = vector.shape_cast %swap3A_4858 : vector<1x8x1664xf32> to vector<8x1664xf32>
    %swap3A_4860 = vector.shape_cast %max3A_4854 : vector<8x1664xf32> to vector<1x8x1664xf32>
    tpu.vector_store %arg3[%swap3A_4855, %swap3A_4856, %swap3A_4857], %swap3A_4860 {strides = array<i32>} : memref<2x8x12500xf32, #tpu.memory_space<vmem>>, vector<1x8x1664xf32>,
    %get3A_4861 = arith.constant 1 : index
    %get3A_4862 = arith.constant 0 : index
    %get3A_4863 = arith.constant 3328 : index
    %get3A_4864 = vector.load %arg5[%get3A_4861, %get3A_4862, %get3A_4863] : memref<2x8x13312xf32, #tpu.memory_space<vmem>>, vector<1x8x1664xf32>
    %get3A_4865 = vector.shape_cast %get3A_4864 : vector<1x8x1664xf32> to vector<8x1664xf32>
    %sub3A_4866 = vector.broadcast %select_n3A_4828 : f32 to vector<8x1664xf32>
    %sub3A_4867 = arith.subf %get3A_4865, %sub3A_4866 : vector<8x1664xf32>
    %max3A_4868 = arith.constant 0.000000e+00 : f32
    %max3A_4869 = vector.broadcast %max3A_4868 : f32 to vector<8x1664xf32>
    %max3A_4870 = arith.maximumf %sub3A_4867, %max3A_4869 : vector<8x1664xf32>
    %swap3A_4871 = arith.constant 1 : index
    %swap3A_4872 = arith.constant 0 : index
    %swap3A_4873 = arith.constant 3328 : index
    %swap3A_4874 = vector.load %arg3[%swap3A_4871, %swap3A_4872, %swap3A_4873] : memref<2x8x12500xf32, #tpu.memory_space<vmem>>, vector<1x8x1664xf32>
    %swap3A_4875 = vector.shape_cast %swap3A_4874 : vector<1x8x1664xf32> to vector<8x1664xf32>
    %swap3A_4876 = vector.shape_cast %max3A_4870 : vector<8x1664xf32> to vector<1x8x1664xf32>
    tpu.vector_store %arg3[%swap3A_4871, %swap3A_4872, %swap3A_4873], %swap3A_4876 {strides = array<i32>} : memref<2x8x12500xf32, #tpu.memory_space<vmem>>, vector<1x8x1664xf32>,
    %get3A_4877 = arith.constant 1 : index
    %get3A_4878 = arith.constant 0 : index
    %get3A_4879 = arith.constant 4992 : index
    %get3A_4880 = vector.load %arg5[%get3A_4877, %get3A_4878, %get3A_4879] : memref<2x8x13312xf32, #tpu.memory_space<vmem>>, vector<1x8x1664xf32>
    %get3A_4881 = vector.shape_cast %get3A_4880 : vector<1x8x1664xf32> to vector<8x1664xf32>
    %sub3A_4882 = vector.broadcast %select_n3A_4828 : f32 to vector<8x1664xf32>
    %sub3A_4883 = arith.subf %get3A_4881, %sub3A_4882 : vector<8x1664xf32>
    %max3A_4884 = arith.constant 0.000000e+00 : f32
    %max3A_4885 = vector.broadcast %max3A_4884 : f32 to vector<8x1664xf32>
    %max3A_4886 = arith.maximumf %sub3A_4883, %max3A_4885 : vector<8x1664xf32>
    %swap3A_4887 = arith.constant 1 : index
    %swap3A_4888 = arith.constant 0 : index
    %swap3A_4889 = arith.constant 4992 : index
    %swap3A_4890 = vector.load %arg3[%swap3A_4887, %swap3A_4888, %swap3A_4889] : memref<2x8x12500xf32, #tpu.memory_space<vmem>>, vector<1x8x1664xf32>
    %swap3A_4891 = vector.shape_cast %swap3A_4890 : vector<1x8x1664xf32> to vector<8x1664xf32>
    %swap3A_4892 = vector.shape_cast %max3A_4886 : vector<8x1664xf32> to vector<1x8x1664xf32>
    tpu.vector_store %arg3[%swap3A_4887, %swap3A_4888, %swap3A_4889], %swap3A_4892 {strides = array<i32>} : memref<2x8x12500xf32, #tpu.memory_space<vmem>>, vector<1x8x1664xf32>,
    %get3A_4893 = arith.constant 1 : index
    %get3A_4894 = arith.constant 0 : index
    %get3A_4895 = arith.constant 6656 : index
    %get3A_4896 = vector.load %arg5[%get3A_4893, %get3A_4894, %get3A_4895] : memref<2x8x13312xf32, #tpu.memory_space<vmem>>, vector<1x8x1664xf32>
    %get3A_4897 = vector.shape_cast %get3A_4896 : vector<1x8x1664xf32> to vector<8x1664xf32>
    %sub3A_4898 = vector.broadcast %select_n3A_4828 : f32 to vector<8x1664xf32>
    %sub3A_4899 = arith.subf %get3A_4897, %sub3A_4898 : vector<8x1664xf32>
    %max3A_4900 = arith.constant 0.000000e+00 : f32
    %max3A_4901 = vector.broadcast %max3A_4900 : f32 to vector<8x1664xf32>
    %max3A_4902 = arith.maximumf %sub3A_4899, %max3A_4901 : vector<8x1664xf32>
    %swap3A_4903 = arith.constant 1 : index
    %swap3A_4904 = arith.constant 0 : index
    %swap3A_4905 = arith.constant 6656 : index
    %swap3A_4906 = vector.load %arg3[%swap3A_4903, %swap3A_4904, %swap3A_4905] : memref<2x8x12500xf32, #tpu.memory_space<vmem>>, vector<1x8x1664xf32>
    %swap3A_4907 = vector.shape_cast %swap3A_4906 : vector<1x8x1664xf32> to vector<8x1664xf32>
    %swap3A_4908 = vector.shape_cast %max3A_4902 : vector<8x1664xf32> to vector<1x8x1664xf32>
    tpu.vector_store %arg3[%swap3A_4903, %swap3A_4904, %swap3A_4905], %swap3A_4908 {strides = array<i32>} : memref<2x8x12500xf32, #tpu.memory_space<vmem>>, vector<1x8x1664xf32>,
    %get3A_4909 = arith.constant 1 : index
    %get3A_4910 = arith.constant 0 : index
    %get3A_4911 = arith.constant 8320 : index
    %get3A_4912 = vector.load %arg5[%get3A_4909, %get3A_4910, %get3A_4911] : memref<2x8x13312xf32, #tpu.memory_space<vmem>>, vector<1x8x1664xf32>
    %get3A_4913 = vector.shape_cast %get3A_4912 : vector<1x8x1664xf32> to vector<8x1664xf32>
    %sub3A_4914 = vector.broadcast %select_n3A_4828 : f32 to vector<8x1664xf32>
    %sub3A_4915 = arith.subf %get3A_4913, %sub3A_4914 : vector<8x1664xf32>
    %max3A_4916 = arith.constant 0.000000e+00 : f32
    %max3A_4917 = vector.broadcast %max3A_4916 : f32 to vector<8x1664xf32>
    %max3A_4918 = arith.maximumf %sub3A_4915, %max3A_4917 : vector<8x1664xf32>
    %swap3A_4919 = arith.constant 1 : index
    %swap3A_4920 = arith.constant 0 : index
    %swap3A_4921 = arith.constant 8320 : index
    %swap3A_4922 = vector.load %arg3[%swap3A_4919, %swap3A_4920, %swap3A_4921] : memref<2x8x12500xf32, #tpu.memory_space<vmem>>, vector<1x8x1664xf32>
    %swap3A_4923 = vector.shape_cast %swap3A_4922 : vector<1x8x1664xf32> to vector<8x1664xf32>
    %swap3A_4924 = vector.shape_cast %max3A_4918 : vector<8x1664xf32> to vector<1x8x1664xf32>
    tpu.vector_store %arg3[%swap3A_4919, %swap3A_4920, %swap3A_4921], %swap3A_4924 {strides = array<i32>} : memref<2x8x12500xf32, #tpu.memory_space<vmem>>, vector<1x8x1664xf32>,
    %get3A_4925 = arith.constant 1 : index
    %get3A_4926 = arith.constant 0 : index
    %get3A_4927 = arith.constant 9984 : index
    %get3A_4928 = vector.load %arg5[%get3A_4925, %get3A_4926, %get3A_4927] : memref<2x8x13312xf32, #tpu.memory_space<vmem>>, vector<1x8x1664xf32>
    %get3A_4929 = vector.shape_cast %get3A_4928 : vector<1x8x1664xf32> to vector<8x1664xf32>
    %sub3A_4930 = vector.broadcast %select_n3A_4828 : f32 to vector<8x1664xf32>
    %sub3A_4931 = arith.subf %get3A_4929, %sub3A_4930 : vector<8x1664xf32>
    %max3A_4932 = arith.constant 0.000000e+00 : f32
    %max3A_4933 = vector.broadcast %max3A_4932 : f32 to vector<8x1664xf32>
    %max3A_4934 = arith.maximumf %sub3A_4931, %max3A_4933 : vector<8x1664xf32>
    %swap3A_4935 = arith.constant 1 : index
    %swap3A_4936 = arith.constant 0 : index
    %swap3A_4937 = arith.constant 9984 : index
    %swap3A_4938 = vector.load %arg3[%swap3A_4935, %swap3A_4936, %swap3A_4937] : memref<2x8x12500xf32, #tpu.memory_space<vmem>>, vector<1x8x1664xf32>
    %swap3A_4939 = vector.shape_cast %swap3A_4938 : vector<1x8x1664xf32> to vector<8x1664xf32>
    %swap3A_4940 = vector.shape_cast %max3A_4934 : vector<8x1664xf32> to vector<1x8x1664xf32>
    tpu.vector_store %arg3[%swap3A_4935, %swap3A_4936, %swap3A_4937], %swap3A_4940 {strides = array<i32>} : memref<2x8x12500xf32, #tpu.memory_space<vmem>>, vector<1x8x1664xf32>,
    %get3A_4941 = arith.constant 1 : index
    %get3A_4942 = arith.constant 0 : index
    %get3A_4943 = arith.constant 11648 : index
    %get3A_4944 = vector.load %arg5[%get3A_4941, %get3A_4942, %get3A_4943] : memref<2x8x13312xf32, #tpu.memory_space<vmem>>, vector<1x8x852xf32>
    %get3A_4945 = vector.shape_cast %get3A_4944 : vector<1x8x852xf32> to vector<8x852xf32>
    %sub3A_4946 = vector.broadcast %select_n3A_4828 : f32 to vector<8x852xf32>
    %sub3A_4947 = arith.subf %get3A_4945, %sub3A_4946 : vector<8x852xf32>
    %max3A_4948 = arith.constant 0.000000e+00 : f32
    %max3A_4949 = vector.broadcast %max3A_4948 : f32 to vector<8x852xf32>
    %max3A_4950 = arith.maximumf %sub3A_4947, %max3A_4949 : vector<8x852xf32>
    %swap3A_4951 = arith.constant 1 : index
    %swap3A_4952 = arith.constant 0 : index
    %swap3A_4953 = arith.constant 11648 : index
    %swap3A_4954 = vector.load %arg3[%swap3A_4951, %swap3A_4952, %swap3A_4953] : memref<2x8x12500xf32, #tpu.memory_space<vmem>>, vector<1x8x852xf32>
    %swap3A_4955 = vector.shape_cast %swap3A_4954 : vector<1x8x852xf32> to vector<8x852xf32>
    %swap3A_4956 = vector.shape_cast %max3A_4950 : vector<8x852xf32> to vector<1x8x852xf32>
    tpu.vector_store %arg3[%swap3A_4951, %swap3A_4952, %swap3A_4953], %swap3A_4956 {strides = array<i32>} : memref<2x8x12500xf32, #tpu.memory_space<vmem>>, vector<1x8x852xf32>,
    return
  }
  func.func @transform_0(%arg0: i32) -> (i32, i32, i32) {
    %c0_i32 = arith.constant 0 : i32
    %c0_i32_0 = arith.constant 0 : i32
    %c0_i32_1 = arith.constant 0 : i32
    return %arg0, %c0_i32, %c0_i32_0 : i32, i32, i32
  }
  func.func @transform_1(%arg0: i32) -> (i32, i32, i32) {
    %c0_i32 = arith.constant 0 : i32
    %c0_i32_0 = arith.constant 0 : i32
    %c0_i32_1 = arith.constant 0 : i32
    return %arg0, %c0_i32, %c0_i32_0 : i32, i32, i32
  }
  func.func @transform_2(%arg0: i32) -> (i32, i32, i32) {
    %c0_i32 = arith.constant 0 : i32
    %c0_i32_0 = arith.constant 0 : i32
    %c0_i32_1 = arith.constant 0 : i32
    return %arg0, %c0_i32, %c0_i32_0 : i32, i32, i32
  }
  func.func @transform_3(%arg0: i32) -> (i32, i32, i32) {
    %c0_i32 = arith.constant 0 : i32
    %c0_i32_0 = arith.constant 0 : i32
    %c0_i32_1 = arith.constant 0 : i32
    return %arg0, %c0_i32, %c0_i32_0 : i32, i32, i32
  }
}

</mosaic_0001>

<sc_bundles>
// kernel: sparse-core-data-format-call.cloned.1.call-start
scs
called_computation_lowered:
.L_overlay_start_0:
0x0: {  	s2 =	sld [smem:$0x3FD9]  }
0x1: {  	s3 =	sld [smem:$0x3FFE];
	_ =	sdelay $0x1  }
0x2: {  	s1 =	srdreg.scid  }
0x3: {  	s0 =	sand.u32 $0x1, s1  }
0x4: {  	s15 =	sshll.u32 s0, $0xA;
	s2 =	sadd.s32 s3, s2  }
0x5: {  	s2 =	sadd.s32 s2, s15  }
0x6: {  	[smem:$0x3FC7] =	sst s2  }
0x7: {  	_ = 	snop  }
0x8: {  	s2 =	sld [smem:$0x3FD0];
	_ =	sdelay $0x2  }
0x9: {  	s16 =	simm.s32 $0xA;
	s4 =	simm.s32 $0x10  }
0xa: {  	[smem:s4], [sflag:s16] =	dma.local [hbm:s2], $0x1  }
0xb: {  	_ =	swait.eq [sflag:s16], $0x1  }
0xc: {  	[sflag:s16] =	ssyncset.done $0x0  }
0xd: {  	[sflag:s16] =	ssyncadd.s32 $0xFFFFFFFF  }
0xe: {  	s17 =	sld [smem:$0x10];
	(tm) =	ssettm $0x1  }
0xf: {  	s18 =	sld [smem:$0x3FFB];
	_ =	sdelay $0x3  }
0x10: {  	_ =	strace s18  }
0x11: {  	s3 =	sld [smem:$0x3FFC];
	_ =	sdelay $0x3  }
0x12: {  	_ =	strace s3  }
0x13: {  	s3 =	sld [smem:$0x3FFD];
	_ =	sdelay $0x3  }
0x14: {  	_ =	strace s3  }
0x15: {  	_ =	strace $0x8FFFFFFF  }
0x16: {  	s19 =	sld [smem:$0x3FDB];
	_ =	sdelay $0x1  }
0x17: {  	s20 =	simm.s32 $_scs_section_size  }
0x18: {  	s5 =	simm.s32 $_size__tile_overlayer_lowered;
	s6 =	simm.s32 $_tile_overlayer_lowered  }
0x19: {  	s23 =	simm.s32 $0x1BFF;
	s22 =	sshll.u32 s6, $0x1;
	s3 =	sadd.s32 s20, s19  }
0x1a: {  	s7 =	simm.s32 $0x0;
	s21 =	sshll.u32 s5, $0x1;
	s5 =	sadd.s32 s22, s3  }
0x1b: {  	[timem:s7], [sflag:s23] =	dma.local [hbm:s5], s21  }
0x1c: {  	_ =	swait.ge [sflag:s23], s21  }
0x1d: {  	s4 =	ssub.s32 $0x0, s21;
	[sflag:s23] =	ssyncset.done $0x0  }
0x1e: {  	[sflag:s23] =	ssyncadd.s32 s4;
	_ =	sdelay $0x1  }
0x1f: {  	s24 =	simm.s32 $0x1B8B  }
0x20: {  	_ =	swait.ge [sflag:s24], $0x1  }
0x21: {  	[sflag:s24] =	ssyncset.done $0x0  }
0x22: {  	s26 =	simm.s32 $0x1B8E;
	s25 =	sld [smem:$0x3FFE];
	[sflag:s24] =	ssyncadd.s32 $0xFFFFFFFF  }
0x23: {  	s27 =	simm.s32 $execute0_lowered;
	[smem:$0x3FD2] =	sst s26  }
0x24: {  	s5 =	sshll.u32 s27, $0x1;
	_ =	strace $0x80000046;
	[dreg:$0x1] =	wrdreg $0xFFFFFFFF  }
0x25: {  	s28 =	simm.s32 $_size_execute0_lowered;
	s3 =	sadd.s32 s3, s5;
	[dreg:$0x0] =	wrdreg $0x0  }
0x26: {  	s5 =	sshll.u32 s28, $0x1;
	[dreg:$0x2] =	wrdreg s3  }
0x27: {  	[dreg:$0x3] =	wrdreg s5  }
0x28: {  	[dreg:$0x4] =	wrdreg $0xC0  }
0x29: {  	_ =	task [dreg:s7], $0x5FFFF  }
0x2a: {  	[dreg:$0x1] =	wrdreg $0xFFFFFFFF  }
0x2b: {  	[dreg:$0x0] =	wrdreg $0x60  }
0x2c: {  	[dreg:$0x2] =	wrdreg s25  }
0x2d: {  	[dreg:$0x3] =	wrdreg s17  }
0x2e: {  	[dreg:$0x4] =	wrdreg $0x9  }
0x2f: {  	_ =	task.clear_ibuf [dreg:s7], $0x5FFFF;
	_ =	strace $0x90000046  }
0x30: {  	s29 =	simm.s32 $0x9;
	_ =	strace $0x80000048  }
0x31: {  	_ =	swait.ge [sflag:s29], $0x1  }
0x32: {  	[sflag:s29] =	ssyncadd.s32 $0xFFFFFFFF  }
0x33: {  	_ =	strace $0x90000048  }
0x34: {  	_ =	sfence  }
0x35: {  	s30 =	sld [smem:$0x0];
	_ =	sdelay $0x2  }
0x36: {  	s31 =	sshll.u32 s1, $0xD;
	s1 =	sshrl.u32 s1, $0x2  }
0x37: {  	s3 =	sand.u32 $0x4000, s31;
	s1 =	sadd.s32 s1, s30  }
0x38: {  	s0 =	sor.u32 s3, s0;
	s1 =	sshll.u32 s1, $0x11  }
0x39: {  	s0 =	sor.u32 s1, s0  }
0x3a: {  	s0 =	sadd.s32 $0x8F2B, s0  }
0x3b: {  	[sflag:s0] =	ssyncadd.remote.s32 $0x1  }
0x3c: {  	_ =	sfence.sel $0xFFFF  }
0x3d: {  	[dreg:$0x0] =	wrdreg $0xFFFFFFFF;
	(pc) =	sbr.abs _section_cstart, $3  }
0x3e: {  	[dreg:$0x1] =	wrdreg $0xFFFFFFFF  }
0x3f: {  	_ =	task.clear_ibuf [dreg:s7], $0x2FFFF;
	_ =	strace $0x9FFFFFFF  }
0x40: {  	(tm) =	ssettm $0x7FFFFFFF  }
0x41: {  	_ =	shalt  }
tec
execute0_lowered:
.L_overlay_start_1:
0x0: {  	(tag) =	ssettag $0x1  }
0x1: {  	s4 =	rddreg [dreg:$0x0]  }
0x2: {  	s0 =	srdreg.scid;
	s2 =	rddreg [dreg:$0x1]  }
0x3: {  	s1 =	stileid.u32;
	s5 =	simm.s32 $0x1;
	s7 =	simm.s32 $0x2  }
0x4: {  	s14 =	simm.s32 $0x0;
	p0 =	por $0x0, $0x0;
	s0 =	sshll.u32 s0, $0x4  }
0x5: {  	s13 =	simm.s32 $0x0;
	s8 =	simm.s32 $0x0;
	s3 =	sand.u32 $0x10, s0  }
.Ltmp0:
0x6: {  	s9 =	simm.s32 $0x0;
	s3 =	sor.u32 s1, s3;
	(pc) =	sbr.rel .LBB1_1-.Ltmp0, $4  }
0x7: {  	s11 =	simm.s32 $0x0;
	s12 =	simm.s32 $0x0;
	s3 =	sshll.u32 s3, $0x7  }
0x8: {  	s0 =	rddreg [dreg:$0x2];
	_ =	strace $0x80000047;
	s6 =	ssub.s32 $0x18680, s3  }
0x9: {  	s4 =	sadd.s32 $0x200, s4;
	[sflag:s5] =	ssyncpa.u1 $0x0;
	s6 =	sshrl.u32 s6, $0xC  }
0xa: {  	[sflag:s7] =	ssyncpa.u1 $0x0;
	s10 =	smov.u32 s3;
	s7 =	sadd.s32 $0x2, s6  }
.LBB1_5:
0xb: {  	p1 =	slt.u32 s12, $0x2  }
0xc: {  	p2 =	sgt.s32 @!p1 s14, $0x18620  }
0xd: {  	s15 =	smov.u32 s14;
	s16 =	sshra.s32 @!p1 s14, $0x1F;
	p2 =	por !p2, p1  }
0xe: {  	s14 =	sand.u32 @!p1 s16, s14;
	s15 =	simm.s32 @p2 $0x18620  }
0xf: {  	s14 =	ssub.s32 @!p1 s15, s14;
	s15 =	ssub.s32 @!p1 $0x0, s13  }
0x10: {  	s17 =	smov.u32 s11;
	s16 =	sadd.s32 @!p1 $0xFFFE79E0, s14;
	s13 =	smin.u32 @!p1 s13, s15  }
0x11: {  	s14 =	ssub.s32 @!p1 $0x186A0, s14;
	p2 =	sgt.s32 @!p1 s16, $0x7F;
	p3 =	sgt.s32 @!p1 s13, $0x7F  }
0x12: {  	s13 =	ssub.s32 @!p1 $0x80, s13;
	p2 =	por !p2, p1;
	p3 =	por !p3, p1  }
0x13: {  	s15 =	sadd.s32 $0x1000, s10;
	s14 =	simm.s32 @!p2 $0x0;
	s13 =	simm.s32 @!p3 $0x0  }
0x14: {  	p2 =	sgt.s32 s15, $0x1869F;
	s13 =	smul.u32 @!p1 s13, s14;
	s14 =	sadd.s32 $0x80, s11  }
0x15: {  	s17 =	smov.u32 @p2 s14  }
0x16: {  	s15 =	smov.u32 @p2 s3;
	p2 =	sgt.s32 s17, $0x7F  }
0x17: {  	s17 =	simm.s32 @p2 $0x0;
	p2 =	sne.s32 s12, s7  }
.Ltmp1:
0x18: {  	p0 =	por !p0, !p0;
	s16 =	simm.s32 @!p1 $0x2;
	(pc) =	sbr.rel @!p2 .LBB1_6-.Ltmp1, $4  }
0x19: {  	s14 =	smov.u32 s8;
	s8 =	smov.u32 s10;
	s13 =	sand.u32 @!p1 $0x3FFFFFFF, s13  }
0x1a: {  	s10 =	smov.u32 s15;
	_ =	swait.ge @!p1 [sflag:s16], s13;
	s18 =	ssub.s32 @!p1 $0x0, s13  }
0x1b: {  	s13 =	smov.u32 s9;
	s12 =	sadd.s32 $0x1, s12;
	[sflag:s16] =	ssyncset.done @!p1 $0x0  }
0x1c: {  	s9 =	smov.u32 s11;
	s11 =	smov.u32 s17;
	[sflag:s16] =	ssyncadd.s32 @!p1 s18  }
.LBB1_1:
0x1d: {  	p1 =	sgt.u32 s12, s6  }
0x1e: {  	s15 =	sshrl.u32 @!p1 s11, $0x3  }
0x1f: {  	s16 =	sshll.u32 @!p1 s10, $0x3;
	s15 =	smul.u32 @!p1 $0xC3800, s15  }
0x20: {  	s17 =	sshll.u32 @!p1 s11, $0x7;
	s16 =	sand.u32 @!p1 $0xFFFFFC00, s16  }
0x21: {  	s15 =	sadd.s32 @!p1 s15, s16;
	s16 =	sand.u32 @!p1 $0x380, s17  }
0x22: {  	s17 =	sand.u32 @!p1 $0x7F, s10;
	s15 =	sor.u32 @!p1 s16, s15  }
0x23: {  	s16 =	sor.u32 @!p1 s17, s15  }
0x24: {  	s17 =	smulhi.u32 @!p1 $0xA79C7B17, s16;
	_ =	sdelay $0x1  }
0x25: {  	s15 =	smulhi.u32 @!p1 $0xA79C7B17, s15;
	s17 =	sshrl.u32 @!p1 s17, $0x10  }
0x26: {  	s17 =	smul.u32 @!p1 $0x18700, s17  }
0x27: {  	s18 =	sxor.u32 @!p1 $0xFFFFFFFF, s12;
	s15 =	sshrl.u32 @!p1 s15, $0x10  }
0x28: {  	s18 =	sshll.u32 @!p1 s18, $0xE;
	s15 =	sand.u32 @!p1 $0x7F, s15;
	s16 =	ssub.s32 @!p1 s16, s17  }
0x29: {  	s15 =	smul.u32 @!p1 $0x30E0, s15;
	s17 =	sshrl.u32 @!p1 s16, $0x3;
	s16 =	sand.u32 @!p1 $0x7, s16  }
0x2a: {  	s18 =	sand.u32 @!p1 $0x4000, s18;
	s17 =	sadd.s32 @!p1 s4, s17;
	s16 =	sshll.u32 @!p1 s16, $0x12  }
0x2b: {  	s15 =	sadd.s32 @!p1 s15, s17;
	s16 =	sor.u32 @!p1 $0x400, s16;
	s17 =	simm.s32 @!p1 $0xC3800  }
0x2c: {  	[tilespmem:s18], [sflag:$0x1] =	stream.strided.gather @!p1 [hbm4b:s15+s16], $0x4000, s17, s16, $0x38;
	[tilespmem:$0x10100] =	vst v63  }
0x2d: {  	p1 =	seq.s32 s12, $0x0  }
0x2e: {  	p2 =	sge.u32 @!p1 s12, s7  }
0x2f: {  	p1 =	por p1, p2  }
.Ltmp2:
0x30: {  	_ = 	snop;
	(pc) =	sbr.rel @p1 .LBB1_5-.Ltmp2, $1  }
0x31: {  	_ =	sdelay $0x3  }
0x32: {  	s15 =	simm.s32 $0x1  }
0x33: {  	_ =	swait.ge [sflag:s5], $0x4000;
	s15 =	simm.s32 @!p0 $0x0  }
0x34: {  	[sflag:s5] =	ssyncset.done $0x0;
	s16 =	sshll.u32 s15, $0xE  }
0x35: {  	[sflag:s5] =	ssyncadd.s32 $0xFFFFC000;
	s16 =	sor.u32 $0x40, s16  }
0x36: {  	s15 =	smul.u32 $0x10200, s15;
	v0 =	vld [tilespmem:s16+$0x30]  }
0x37: {  	v1 =	vld [tilespmem:s16+$0xFFFFFFD0]  }
0x38: {  	s15 =	sshrl.u32 s15, $0x2;
	v5 =	vld [tilespmem:s16+$0xFFFFFFE0]  }
0x39: {  	v6 =	vld [tilespmem:s16+$0xFFFFFFF0];
	s18 =	sor.u32 $0x8000, s15  }
0x3a: {  	s31 =	sand.u32 $0x1, s12;
	v4 =	vld [tilespmem:s16+$0x0];
	s17 =	sadd.s32 $0x0, s18  }
0x3b: {  	v3 =	vld [tilespmem:s16+$0x10];
	s15 =	smul.u32 $0x10200, s31;
	[tilespmem:s17+$0x3870 ss:$0x81] =	vst.msk $0xffff, v0  }
0x3c: {  	v2 =	vld [tilespmem:s16+$0x20];
	[tilespmem:s17+$0x810 ss:$0x81] =	vst.msk $0xffff, v1  }
0x3d: {  	s15 =	sshrl.u32 s15, $0x2;
	v0 =	vld [tilespmem:s16+$0xFFFFFFC0];
	[tilespmem:s17+$0x1020 ss:$0x81] =	vst.msk $0xffff, v5;
	s16 =	sadd.s32 $0x80, s16  }
0x3e: {  	s19 =	simm.s32 $0x4;
	s20 =	simm.s32 $0x8;
	s15 =	sor.u32 $0x8000, s15;
	[tilespmem:s17+$0x1830 ss:$0x81] =	vst.msk $0xffff, v6;
	v1 =	vld [tilespmem:s16+$0x30]  }
.LBB1_3:
0x3f: {  	p1 =	sne.s32 s20, $0x1FC;
	v5 =	vld [tilespmem:s16+$0xFFFFFFD0];
	[tilespmem:s17+$0x2040 ss:$0x81] =	vst.msk $0xffff, v4  }
0x40: {  	v6 =	vld [tilespmem:s16+$0xFFFFFFE0];
	[tilespmem:s17+$0x2850 ss:$0x81] =	vst.msk $0xffff, v3  }
0x41: {  	s21 =	sshra.s32 s19, $0x2;
	s19 =	smov.u32 s20;
	v7 =	vld [tilespmem:s16+$0xFFFFFFF0];
	[tilespmem:s17+$0x3060 ss:$0x81] =	vst.msk $0xffff, v2  }
.Ltmp3:
0x42: {  	v4 =	vld [tilespmem:s16+$0x0];
	[tilespmem:s17+$0x0 ss:$0x81] =	vst.msk $0xffff, v0;
	s17 =	sadd.s32 s21, s18;
	(pc) =	sbr.rel @p1 .LBB1_3-.Ltmp3, $4  }
0x43: {  	v3 =	vld [tilespmem:s16+$0x10];
	[tilespmem:s17+$0x3870 ss:$0x81] =	vst.msk $0xffff, v1  }
0x44: {  	[tilespmem:s17+$0x810 ss:$0x81] =	vst.msk $0xffff, v5;
	v2 =	vld [tilespmem:s16+$0x20]  }
0x45: {  	v0 =	vld [tilespmem:s16+$0xFFFFFFC0];
	[tilespmem:s17+$0x1020 ss:$0x81] =	vst.msk $0xffff, v6;
	s16 =	sadd.s32 $0x80, s16  }
0x46: {  	s20 =	sadd.s32 $0x4, s20;
	v1 =	vld [tilespmem:s16+$0x30];
	[tilespmem:s17+$0x1830 ss:$0x81] =	vst.msk $0xffff, v7  }
0x47: {  	s20 =	sshll.u32 s8, $0x7;
	s21 =	sshll.u32 s9, $0x3;
	s19 =	sshra.s32 s19, $0x2  }
0x48: {  	v5 =	vld [tilespmem:s16+$0xFFFFFFD0];
	[tilespmem:s17+$0x2040 ss:$0x81] =	vst.msk $0xffff, v4;
	p1 =	sgt.s32 s8, $0x18620;
	s22 =	sand.u32 $0xFFFFFC00, s20;
	s21 =	sand.u32 $0xFFFFFC00, s21  }
0x49: {  	v58 =	vld [tilespmem:s16+$0xFFFFFFE0];
	s24 =	sshra.s32 s8, $0x1F;
	s20 =	sand.u32 $0x380, s20;
	[tilespmem:s17+$0x2850 ss:$0x81] =	vst.msk $0xffff, v3;
	s21 =	sadd.s32 s21, s22  }
0x4a: {  	v59 =	vld [tilespmem:s16+$0xFFFFFFF0];
	s26 =	ssub.s32 $0x0, s9;
	s18 =	sadd.s32 s19, s18;
	[tilespmem:s17+$0x3060 ss:$0x81] =	vst.msk $0xffff, v2;
	s23 =	sor.u32 s20, s21  }
0x4b: {  	v60 =	vld [tilespmem:s16+$0x0];
	s28 =	smin.u32 s9, s26;
	s20 =	smov.u32 s8;
	[tilespmem:s17+$0x0 ss:$0x81] =	vst.msk $0xffff, v0;
	s19 =	sshrl.u32 s23, $0x7  }
0x4c: {  	v61 =	vld [tilespmem:s16+$0x10];
	s21 =	sand.u32 s24, s8;
	s20 =	simm.s32 @!p1 $0x18620;
	[tilespmem:s18+$0x3870 ss:$0x81] =	vst.msk $0xffff, v1;
	s25 =	smulhi.u32 $0x14F8B59, s19  }
0x4d: {  	v62 =	vld [tilespmem:s16+$0x20];
	s29 =	sshrl.u32 s9, $0x3;
	p2 =	sgt.s32 s28, $0x7F;
	s20 =	ssub.s32 s20, s21;
	[tilespmem:s18+$0x810 ss:$0x81] =	vst.msk $0xffff, v5  }
0x4e: {  	v63 =	vld [tilespmem:s16+$0xFFFFFFC0];
	[tilespmem:s18+$0x1020 ss:$0x81] =	vst.msk $0xffff, v58;
	s21 =	sadd.s32 $0xFFFE79E0, s20;
	s20 =	ssub.s32 $0x186A0, s20;
	s17 =	sshrl.u32 s25, $0x9  }
0x4f: {  	[tilespmem:s18+$0x1830 ss:$0x81] =	vst.msk $0xffff, v59;
	p1 =	sgt.s32 s21, $0x7F;
	s27 =	smul.u32 $0x186A0, s17;
	s17 =	ssub.s32 $0x80, s28  }
.Ltmp4:
0x50: {  	[tilespmem:s18+$0x2040 ss:$0x81] =	vst.msk $0xffff, v60;
	s20 =	simm.s32 @p1 $0x0;
	s17 =	simm.s32 @p2 $0x0;
	(pc) =	sbr.rel .LBB1_5-.Ltmp4, $4  }
0x51: {  	s30 =	sand.u32 $0xF, s29;
	[tilespmem:s18+$0x2850 ss:$0x81] =	vst.msk $0xffff, v61;
	s16 =	ssub.s32 s19, s27;
	s17 =	smul.u32 s17, s20  }
0x52: {  	[tilespmem:s18+$0x3060 ss:$0x81] =	vst.msk $0xffff, v62;
	s19 =	sadd.s32 s2, s30;
	s16 =	sshll.u32 s16, $0x4  }
0x53: {  	s31 =	sand.u32 $0x7, s9;
	[tilespmem:s18+$0x0 ss:$0x81] =	vst.msk $0xffff, v63;
	s17 =	sand.u32 $0x3FFFFFFF, s17;
	s16 =	sadd.s32 s16, s19  }
0x54: {  	[hbm4b:s16+s31] =	stream.linear.scatter [tilespmem:s15], [sflag:$0x2], s17, $0x20;
	[tilespmem:$0x10100] =	vst v63  }
.LBB1_6:
0x55: {  	_ =	sfence.sel $0x180000  }
0x56: {  	s2 =	simm.s32 $0x1;
	[bflag:$0x0] =	sbarrier.arrive $0xFFFF  }
0x57: {  	s31 =	simm.s32 $0x2;
	[sflag:s2] =	ssyncpa.u1 $0x1  }
0x58: {  	[sflag:s31] =	ssyncpa.u1 $0x1  }
0x59: {  	p0 =	sne.s32 s1, $0x0;
	_ =	strace $0x90000047  }
0x5a: {  	s0 =	sadd.s32 @!p0 $0x100000, s0;
	[bflag:$0x2] =	sbarrier.arrive $0xFFFF  }
0x5b: {  	[sflag:s0] =	ssyncadd.tile.s32 @!p0 $0x1;
	_ =	shalt  }
.Lfunc_end1:
_tile_overlayer_lowered:
.L_overlay_start_2:
0x5c: {  	(tag) =	ssettag $0x2  }
0x5d: {  	s0 =	rddreg [dreg:$0x0];
	s2 =	stileid.u32  }
0x5e: {  	s1 =	rddreg [dreg:$0x1];
	p0 =	sne.s32 s2, $0x0  }
0x5f: {  	s3 =	rddreg [dreg:$0x2];
	[bflag:$0x3] =	sbarrier.arrive $0xFFFF;
	s2 =	simm.s32 @!p0 $0x1C01  }
0x60: {  	[timem:s3], [sflag:s2] =	dma.local @!p0 [hbm:s0], s1  }
0x61: {  	s0 =	simm.s32 @!p0 $0x1  }
0x62: {  	_ =	swait.ge @!p0 [sflag:s0], s1  }
0x63: {  	s1 =	ssub.s32 @!p0 $0x0, s1;
	[sflag:s0] =	ssyncset.done @!p0 $0x0  }
0x64: {  	[sflag:s0] =	ssyncadd.s32 @!p0 s1  }
0x65: {  	[bflag:$0x3] =	sbarrier.arrive $0xFFFF  }
0x66: {  	_ =	shalt  }

</sc_bundles>
